<compile_context>
chip_gen: v7x
topology: tpu7x:2x2x1
jax: 0.10.2.dev20260603
libtpu: 0.0.44.dev20260713+nightly
codegen_flags: <defaults>
</compile_context>

<pallas_src>
import functools

import jax
import jax.numpy as jnp
from jax import lax
from jax.experimental import pallas as pl
from jax.experimental.pallas import tpu as pltpu
from jax.experimental.pallas import tpu_sc as plsc

_VOCAB = 100000
_D = 128
_ATT = 128
_G, _N, _A = 4, 2048, 64
_NC, _NS = 2, 16
_NW = _NC * _NS

_VB = 10000


def _score_body(w_ref, wa_ref, b_ref, v_ref, o_ref):
    x = w_ref[...]
    h = jnp.tanh(
        jnp.dot(x, wa_ref[...], preferred_element_type=jnp.float32)
        + b_ref[...][None, :]
    )
    o_ref[...] = jnp.dot(h, v_ref[...],
                         preferred_element_type=jnp.float32)[None]


def _scores(W_emb, W_att, b_att, v_att):
    nb = _VOCAB // _VB
    v8 = jnp.tile(v_att[:, None], (1, 8))
    out = pl.pallas_call(
        _score_body,
        grid=(nb,),
        in_specs=[
            pl.BlockSpec((_VB, _D), lambda i: (i, 0)),
            pl.BlockSpec((_D, _ATT), lambda i: (0, 0)),
            pl.BlockSpec((_ATT,), lambda i: (0,)),
            pl.BlockSpec((_ATT, 8), lambda i: (0, 0)),
        ],
        out_specs=pl.BlockSpec((1, _VB, 8), lambda i: (i, 0, 0)),
        out_shape=jax.ShapeDtypeStruct((nb, _VB, 8), jnp.float32),
    )(W_emb, W_att, b_att, v8)
    return out[:, :, 0].reshape(_VOCAB)


_BCH = 4096
_PER_W = (_G * _N * _D) // _NW


def _gather_scores(idx_all, s):
    mesh = plsc.VectorSubcoreMesh(core_axis_name="c", subcore_axis_name="s")

    @functools.partial(
        pl.kernel, mesh=mesh,
        compiler_params=pltpu.CompilerParams(needs_layout_passes=False),
        out_type=jax.ShapeDtypeStruct((_G * _N * _D,), jnp.float32),
        scratch_types=[
            pltpu.VMEM((_VOCAB,), jnp.float32),
            pltpu.VMEM((2, _BCH), jnp.int32),
            pltpu.VMEM((2, _BCH), jnp.float32),
            pltpu.SemaphoreType.DMA,
            pltpu.SemaphoreType.DMA,
            pltpu.SemaphoreType.DMA,
        ],
    )
    def k(idx_hbm, s_hbm, out_hbm, s_v, idx_v, out_v, sem_s, sem_i, sem_o):
        wid = lax.axis_index("s") * _NC + lax.axis_index("c")
        base = wid * _PER_W
        nch = _PER_W // _BCH
        pltpu.make_async_copy(s_hbm, s_v, sem_s).start()
        pltpu.make_async_copy(
            idx_hbm.at[pl.ds(base, _BCH)], idx_v.at[0], sem_i).start()
        pltpu.make_async_copy(s_hbm, s_v, sem_s).wait()

        for ch in range(nch):
            b = ch % 2
            off = base + ch * _BCH
            if ch + 1 < nch:
                pltpu.make_async_copy(
                    idx_hbm.at[pl.ds(off + _BCH, _BCH)], idx_v.at[1 - b],
                    sem_i).start()
            pltpu.make_async_copy(
                idx_hbm.at[pl.ds(off, _BCH)], idx_v.at[b], sem_i).wait()
            if ch >= 2:
                pltpu.make_async_copy(
                    out_v.at[b], out_hbm.at[pl.ds(off - 2 * _BCH, _BCH)],
                    sem_o).wait()

            def body(i, carry):
                for u in range(4):
                    o = i * 64 + u * 16
                    iv = idx_v[b, pl.ds(o, 16)]
                    out_v[b, pl.ds(o, 16)] = plsc.load_gather(s_v, [iv])
                return carry

            lax.fori_loop(0, _BCH // 64, body, 0, unroll=4)
            pltpu.make_async_copy(
                out_v.at[b], out_hbm.at[pl.ds(off, _BCH)], sem_o).start()
        for ch in range(nch - 2, nch):
            b = ch % 2
            pltpu.make_async_copy(
                out_v.at[b], out_hbm.at[pl.ds(base + ch * _BCH, _BCH)],
                sem_o).wait()

    return k(idx_all, s)


def _softmax_body(x_ref, o_ref):
    x = x_ref[...]
    m = jnp.max(x, axis=1, keepdims=True)
    e = jnp.exp(x - m)
    o_ref[...] = e / jnp.sum(e, axis=1, keepdims=True)


def _softmax_n(pre):
    return pl.pallas_call(
        _softmax_body,
        grid=(_G,),
        in_specs=[pl.BlockSpec((1, _N, _D), lambda g: (g, 0, 0))],
        out_specs=pl.BlockSpec((1, _N, _D), lambda g: (g, 0, 0)),
        out_shape=jax.ShapeDtypeStruct((_G, _N, _D), jnp.float32),
    )(pre)


_CN = 4
_NCHUNKS = 128 // _CN


def _weighted_sum(W_emb, anc_r, att):
    mesh = plsc.VectorSubcoreMesh(core_axis_name="c", subcore_axis_name="s")

    @functools.partial(
        pl.kernel, mesh=mesh,
        compiler_params=pltpu.CompilerParams(needs_layout_passes=False),
        out_type=jax.ShapeDtypeStruct((_NC, _NS, 2, _A, _D), jnp.float32),
        scratch_types=[
            pltpu.VMEM((64, 128), jnp.int32),
            pltpu.VMEM((2, 2, 128, _D), jnp.float32),
            pltpu.VMEM((128, _D), jnp.float32),
            pltpu.VMEM((_A, _D), jnp.float32),
            pltpu.SemaphoreType.DMA,
            pltpu.SemaphoreType.DMA,
        ],
    )
    def k(emb_hbm, anc_hbm, att_hbm, out_hbm,
          idx_v, rows_v, att_v, acc_v, sem0, sem1):
        c = lax.axis_index("c")
        s = lax.axis_index("s")
        sems = (sem0, sem1)
        zeros = jnp.zeros((16,), jnp.float32)

        def zero_acc():
            @plsc.parallel_loop(0, _A, unroll=8)
            def zbody(a):
                for ec in range(8):
                    acc_v[a, pl.ds(ec * 16, 16)] = zeros

        def start_chunk(j, b):
            pltpu.make_async_copy(
                emb_hbm.at[idx_v.at[2 * j]], rows_v.at[b, 0], sems[b]).start()
            pltpu.make_async_copy(
                emb_hbm.at[idx_v.at[2 * j + 1]], rows_v.at[b, 1],
                sems[b]).start()

        def wait_chunk(j, b):
            pltpu.make_async_copy(
                emb_hbm.at[idx_v.at[2 * j]], rows_v.at[b, 0], sems[b]).wait()
            pltpu.make_async_copy(
                emb_hbm.at[idx_v.at[2 * j + 1]], rows_v.at[b, 1],
                sems[b]).wait()

        zero_acc()

        def group_body(gl, carry):
            g = 2 * c + gl
            n0 = s * 128
            pltpu.sync_copy(att_hbm.at[g, pl.ds(n0, 128)], att_v)
            pltpu.sync_copy(anc_hbm.at[g, s], idx_v)
            start_chunk(0, 0)

            def chunk_pair(jj, carry2):
                for b in range(2):
                    j = 2 * jj + b

                    @pl.when(j + 1 < _NCHUNKS)
                    def _():
                        start_chunk(j + 1, 1 - b)

                    wait_chunk(j, b)

                    avs = [
                        [att_v[_CN * j + nn, pl.ds(ec * 16, 16)]
                         for ec in range(8)]
                        for nn in range(_CN)
                    ]

                    def abody(a, carry3):
                        for ec in range(8):
                            sl = pl.ds(ec * 16, 16)
                            t = rows_v[b, 0, a, sl] * avs[0][ec]
                            t = t + rows_v[b, 0, 64 + a, sl] * avs[1][ec]
                            t = t + rows_v[b, 1, a, sl] * avs[2][ec]
                            t = t + rows_v[b, 1, 64 + a, sl] * avs[3][ec]
                            plsc.addupdate(acc_v.at[a, sl], t)
                        return carry3

                    lax.fori_loop(0, _A, abody, 0, unroll=2)
                return carry2

            lax.fori_loop(0, _NCHUNKS // 2, chunk_pair, 0)
            pltpu.sync_copy(acc_v, out_hbm.at[c, s, gl])
            zero_acc()
            return carry

        lax.fori_loop(0, 2, group_body, 0)

    return k(W_emb, anc_r, att)


def _reduce_body(x_ref, o_ref):
    o_ref[...] = jnp.sum(x_ref[...], axis=1)


def _reduce_partials(partials):
    return pl.pallas_call(
        _reduce_body,
        in_specs=[pl.BlockSpec((_NC, _NS, 2, _A, _D),
                               lambda: (0, 0, 0, 0, 0))],
        out_specs=pl.BlockSpec((_NC, 2, _A, _D), lambda: (0, 0, 0, 0)),
        out_shape=jax.ShapeDtypeStruct((_NC, 2, _A, _D), jnp.float32),
    )(partials)


def kernel(W_emb, leavesList, ancestorsList, W_attention, b_attention,
           v_attention):
    s = _scores(W_emb, W_attention, b_attention, v_attention)
    idx_all = jnp.concatenate([leavesList, ancestorsList], axis=2).reshape(-1)
    pre = _gather_scores(idx_all, s).reshape(_G, _N, _D)
    att = _softmax_n(pre)
    anc_r = ancestorsList.reshape(_G, _NS, 64, 128)
    partials = _weighted_sum(W_emb, anc_r, att)
    out = _reduce_partials(partials).reshape(_G, _A, _D)
    return tuple(out[g:g + 1] for g in range(_G))

# --- scband reference (transcript-rebuilt; emitter-appended) ---
"""Pipeline reference for scband-attention-84516366450883 (READ-ONLY COPY).

The authoritative reference and input builder live on the scoring server;
editing this copy changes nothing except your own understanding.
"""

import jax, jax.numpy as jnp
import numpy as np

VOCAB = 100000
EMB_DIM_SIZE = 64            # embDimSize init arg
W_EMB_DIM = 2 * EMB_DIM_SIZE # W_emb feature dim must be 2*embDimSize for the matmul to be valid
ATT = 128                    # attentionDimSize
G, N, A = 4, 2048, 64        # groups, leaves per group, ancestors per leaf (A must equal embDimSize)


def setup_inputs(seed: int = 0) -> dict:
    key = jax.random.key(seed)
    k1, k2, k3, k4, k5 = jax.random.split(key, 5)
    W_emb = jax.random.normal(k1, (VOCAB, W_EMB_DIM), dtype=jnp.float32)
    leavesList = jax.random.randint(k2, (G, N, A), 0, VOCAB, dtype=jnp.int32)
    ancestorsList = jax.random.randint(k3, (G, N, A), 0, VOCAB, dtype=jnp.int32)
    # learned parameters (match nn.Parameter inits: torch.rand -> uniform, zeros)
    W_attention = jax.random.uniform(k4, (2 * EMB_DIM_SIZE, ATT), dtype=jnp.float32)
    b_attention = jnp.zeros((ATT,), dtype=jnp.float32)
    v_attention = jax.random.uniform(k5, (ATT,), dtype=jnp.float32)
    return {
        'W_emb': W_emb,
        'leavesList': leavesList,
        'ancestorsList': ancestorsList,
        'W_attention': W_attention,
        'b_attention': b_attention,
        'v_attention': v_attention,
    }


def reference(W_emb, leavesList, ancestorsList, W_attention, b_attention, v_attention):
    embList = []
    for g in range(leavesList.shape[0]):
        leaves = leavesList[g]          # 2D [N, A] -> newaxis branch in torch code
        ancestors = ancestorsList[g]
        leaves = leaves[None, :, :]     # [1, N, A]
        ancestors = ancestors[None, :, :]
        leave_tmp = jnp.take(W_emb, leaves, axis=0)      # [1, N, A, 2e]
        anc_tmp = jnp.take(W_emb, ancestors, axis=0)     # [1, N, A, 2e]
        attentionInput = jnp.concatenate((leave_tmp, anc_tmp), axis=2)  # [1, N, 2A, 2e]
        tmp = jnp.matmul(attentionInput, W_attention)    # [1, N, 2A, ATT]
        tmp = tmp + b_attention
        mlpOutput = jnp.tanh(tmp)
        preAttention = jnp.matmul(mlpOutput, v_attention)  # [1, N, 2A]
        tempAttention = jax.nn.softmax(preAttention, axis=1)
        tempEmb = (jnp.take(W_emb, ancestors, axis=0) * tempAttention[:, :, None]).sum(axis=1)  # [1, A, 2e]
        embList.append(tempEmb)
    return tuple(embList)

if __name__ == "__main__":
    import jax
    _d = setup_inputs()
    print(jax.jit(kernel)(*tuple(_d.values())))

</pallas_src>

<mosaic_0001>
#map = affine_map<(d0, d1) -> (0)>
module attributes {stable_mosaic.version = 14 : i64} {
  func.func @k(%arg0: i32, %arg1: i32, %arg2: memref<1048576xi32, #tpu.memory_space<hbm>>, %arg3: memref<100000xf32, #tpu.memory_space<hbm>>, %arg4: memref<1048576xf32, #tpu.memory_space<hbm>>, %arg5: memref<100000xf32, #tpu.memory_space<vmem>>, %arg6: memref<2x4096xi32, #tpu.memory_space<vmem>>, %arg7: memref<2x4096xf32, #tpu.memory_space<vmem>>, %arg8: memref<!tpu.dma_semaphore, #tpu.memory_space<semaphore_mem>>, %arg9: memref<!tpu.dma_semaphore, #tpu.memory_space<semaphore_mem>>, %arg10: memref<!tpu.dma_semaphore, #tpu.memory_space<semaphore_mem>>) attributes {dimension_semantics = [#tpu.dimension_semantics<core_parallel>, #tpu.dimension_semantics<subcore_parallel>], iteration_bounds = array<i64: 2, 16>, scalar_prefetch = 0 : i64, scratch_operands = 6 : i64, tpu.core_type = #tpu.core_type<sc_vector_subcore>, window_params = [{transform_indices = #map}, {transform_indices = #map}, {transform_indices = #map}]} {
    %mul3A = arith.constant 2 : i32
    %mul3A_0 = arith.muli %arg1, %mul3A : i32
    %add3A = arith.addi %mul3A_0, %arg0 : i32
    %mul3A_1 = arith.constant 32768 : i32
    %mul3A_2 = arith.muli %add3A, %mul3A_1 : i32
    tpu.enqueue_dma source(%arg3 : memref<100000xf32, #tpu.memory_space<hbm>>) target(%arg5 : memref<100000xf32, #tpu.memory_space<vmem>>) target_semaphore(%arg8 : memref<!tpu.dma_semaphore, #tpu.memory_space<semaphore_mem>>)
    %dma_start3A = arith.constant 0 : i32
    %dma_start3A_3 = arith.constant 0 : i32
    %dma_start3A_4 = tpu.memref_slice %arg6[%dma_start3A, %dma_start3A_3] : memref<2x4096xi32, #tpu.memory_space<vmem>> -> memref<1x4096xi32, #tpu.memory_space<vmem>>
    %dma_start3A_5 = tpu.memref_squeeze %dma_start3A_4 : memref<1x4096xi32, #tpu.memory_space<vmem>> -> memref<4096xi32, #tpu.memory_space<vmem>>
    %dma_start3A_6 = tpu.memref_slice %arg2[%mul3A_2] : memref<1048576xi32, #tpu.memory_space<hbm>> -> memref<4096xi32, #tpu.memory_space<hbm>>
    %dma_start3A_7 = arith.constant 0 : i32
    %dma_start3A_8 = tpu.memref_slice %arg6[%dma_start3A, %dma_start3A_7] : memref<2x4096xi32, #tpu.memory_space<vmem>> -> memref<1x4096xi32, #tpu.memory_space<vmem>>
    %dma_start3A_9 = tpu.memref_squeeze %dma_start3A_8 : memref<1x4096xi32, #tpu.memory_space<vmem>> -> memref<4096xi32, #tpu.memory_space<vmem>>
    %dma_start3A_10 = tpu.memref_slice %arg2[%mul3A_2] : memref<1048576xi32, #tpu.memory_space<hbm>> -> memref<4096xi32, #tpu.memory_space<hbm>>
    tpu.enqueue_dma source(%dma_start3A_10 : memref<4096xi32, #tpu.memory_space<hbm>>) target(%dma_start3A_9 : memref<4096xi32, #tpu.memory_space<vmem>>) target_semaphore(%arg9 : memref<!tpu.dma_semaphore, #tpu.memory_space<semaphore_mem>>)
    tpu.wait_dma2 semaphore(%arg8 : memref<!tpu.dma_semaphore, #tpu.memory_space<semaphore_mem>>) src(%arg3 : memref<100000xf32, #tpu.memory_space<hbm>>) dst(%arg5 : memref<100000xf32, #tpu.memory_space<vmem>>)
    %add3A_11 = arith.constant 0 : i32
    %add3A_12 = arith.addi %mul3A_2, %add3A_11 : i32
    %add3A_13 = arith.constant 4096 : i32
    %add3A_14 = arith.addi %add3A_12, %add3A_13 : i32
    %dma_start3A_15 = arith.constant 1 : i32
    %dma_start3A_16 = arith.constant 0 : i32
    %dma_start3A_17 = tpu.memref_slice %arg6[%dma_start3A_15, %dma_start3A_16] : memref<2x4096xi32, #tpu.memory_space<vmem>> -> memref<1x4096xi32, #tpu.memory_space<vmem>>
    %dma_start3A_18 = tpu.memref_squeeze %dma_start3A_17 : memref<1x4096xi32, #tpu.memory_space<vmem>> -> memref<4096xi32, #tpu.memory_space<vmem>>
    %dma_start3A_19 = tpu.memref_slice %arg2[%add3A_14] : memref<1048576xi32, #tpu.memory_space<hbm>> -> memref<4096xi32, #tpu.memory_space<hbm>>
    %dma_start3A_20 = arith.constant 0 : i32
    %dma_start3A_21 = tpu.memref_slice %arg6[%dma_start3A_15, %dma_start3A_20] : memref<2x4096xi32, #tpu.memory_space<vmem>> -> memref<1x4096xi32, #tpu.memory_space<vmem>>
    %dma_start3A_22 = tpu.memref_squeeze %dma_start3A_21 : memref<1x4096xi32, #tpu.memory_space<vmem>> -> memref<4096xi32, #tpu.memory_space<vmem>>
    %dma_start3A_23 = tpu.memref_slice %arg2[%add3A_14] : memref<1048576xi32, #tpu.memory_space<hbm>> -> memref<4096xi32, #tpu.memory_space<hbm>>
    tpu.enqueue_dma source(%dma_start3A_23 : memref<4096xi32, #tpu.memory_space<hbm>>) target(%dma_start3A_22 : memref<4096xi32, #tpu.memory_space<vmem>>) target_semaphore(%arg9 : memref<!tpu.dma_semaphore, #tpu.memory_space<semaphore_mem>>)
    %dma_wait3A = arith.constant 0 : i32
    %dma_wait3A_24 = arith.constant 0 : i32
    %dma_wait3A_25 = tpu.memref_slice %arg6[%dma_wait3A, %dma_wait3A_24] : memref<2x4096xi32, #tpu.memory_space<vmem>> -> memref<1x4096xi32, #tpu.memory_space<vmem>>
    %dma_wait3A_26 = tpu.memref_squeeze %dma_wait3A_25 : memref<1x4096xi32, #tpu.memory_space<vmem>> -> memref<4096xi32, #tpu.memory_space<vmem>>
    %dma_wait3A_27 = tpu.memref_slice %arg2[%add3A_12] : memref<1048576xi32, #tpu.memory_space<hbm>> -> memref<4096xi32, #tpu.memory_space<hbm>>
    %dma_wait3A_28 = arith.constant 0 : i32
    %dma_wait3A_29 = tpu.memref_slice %arg6[%dma_wait3A, %dma_wait3A_28] : memref<2x4096xi32, #tpu.memory_space<vmem>> -> memref<1x4096xi32, #tpu.memory_space<vmem>>
    %dma_wait3A_30 = tpu.memref_squeeze %dma_wait3A_29 : memref<1x4096xi32, #tpu.memory_space<vmem>> -> memref<4096xi32, #tpu.memory_space<vmem>>
    %dma_wait3A_31 = tpu.memref_slice %arg2[%add3A_12] : memref<1048576xi32, #tpu.memory_space<hbm>> -> memref<4096xi32, #tpu.memory_space<hbm>>
    tpu.wait_dma2 semaphore(%arg9 : memref<!tpu.dma_semaphore, #tpu.memory_space<semaphore_mem>>) src(%dma_wait3A_31 : memref<4096xi32, #tpu.memory_space<hbm>>) dst(%dma_wait3A_30 : memref<4096xi32, #tpu.memory_space<vmem>>)
    %scan3A = arith.constant 0 : i32
    %scan3A_32 = arith.constant 0 : i32
    %scan3A_33 = arith.constant 64 : i32
    %scan3A_34 = arith.addi %scan3A_32, %scan3A_33 : i32
    %scan3A_35 = arith.constant 4 : i32
    scf.for %scan3A_381 = %scan3A_32 to %scan3A_34 step %scan3A_35  : i32 {
      %mul3A_382 = arith.constant 64 : i32
      %mul3A_383 = arith.muli %scan3A_381, %mul3A_382 : i32
      %add3A_384 = arith.constant 0 : i32
      %add3A_385 = arith.addi %mul3A_383, %add3A_384 : i32
      %get3A = arith.constant 0 : i32
      %get3A_386 = arith.index_cast %get3A : i32 to index
      %get3A_387 = arith.index_cast %add3A_385 : i32 to index
      %get3A_388 = tpu.vector_load %arg6[%get3A_386, %get3A_387] {strides = array<i32>} : memref<2x4096xi32, #tpu.memory_space<vmem>>, vector<16xi32>,
      %gather3A = tpu.vector_load_idx %arg5[%get3A_388] : memref<100000xf32, #tpu.memory_space<vmem>>[vector<16xi32>], vector<16xf32>,
      %swap3A = arith.constant 0 : i32
      %swap3A_389 = arith.index_cast %swap3A : i32 to index
      %swap3A_390 = arith.index_cast %add3A_385 : i32 to index
      %swap3A_391 = tpu.vector_load %arg7[%swap3A_389, %swap3A_390] {strides = array<i32>} : memref<2x4096xf32, #tpu.memory_space<vmem>>, vector<16xf32>,
      tpu.vector_store %arg7[%swap3A_389, %swap3A_390], %gather3A {strides = array<i32>} : memref<2x4096xf32, #tpu.memory_space<vmem>>, vector<16xf32>,
      %mul3A_392 = arith.constant 64 : i32
      %mul3A_393 = arith.muli %scan3A_381, %mul3A_392 : i32
      %add3A_394 = arith.constant 16 : i32
      %add3A_395 = arith.addi %mul3A_393, %add3A_394 : i32
      %get3A_396 = arith.constant 0 : i32
      %get3A_397 = arith.index_cast %get3A_396 : i32 to index
      %get3A_398 = arith.index_cast %add3A_395 : i32 to index
      %get3A_399 = tpu.vector_load %arg6[%get3A_397, %get3A_398] {strides = array<i32>} : memref<2x4096xi32, #tpu.memory_space<vmem>>, vector<16xi32>,
      %gather3A_400 = tpu.vector_load_idx %arg5[%get3A_399] : memref<100000xf32, #tpu.memory_space<vmem>>[vector<16xi32>], vector<16xf32>,
      %swap3A_401 = arith.constant 0 : i32
      %swap3A_402 = arith.index_cast %swap3A_401 : i32 to index
      %swap3A_403 = arith.index_cast %add3A_395 : i32 to index
      %swap3A_404 = tpu.vector_load %arg7[%swap3A_402, %swap3A_403] {strides = array<i32>} : memref<2x4096xf32, #tpu.memory_space<vmem>>, vector<16xf32>,
      tpu.vector_store %arg7[%swap3A_402, %swap3A_403], %gather3A_400 {strides = array<i32>} : memref<2x4096xf32, #tpu.memory_space<vmem>>, vector<16xf32>,
      %mul3A_405 = arith.constant 64 : i32
      %mul3A_406 = arith.muli %scan3A_381, %mul3A_405 : i32
      %add3A_407 = arith.constant 32 : i32
      %add3A_408 = arith.addi %mul3A_406, %add3A_407 : i32
      %get3A_409 = arith.constant 0 : i32
      %get3A_410 = arith.index_cast %get3A_409 : i32 to index
      %get3A_411 = arith.index_cast %add3A_408 : i32 to index
      %get3A_412 = tpu.vector_load %arg6[%get3A_410, %get3A_411] {strides = array<i32>} : memref<2x4096xi32, #tpu.memory_space<vmem>>, vector<16xi32>,
      %gather3A_413 = tpu.vector_load_idx %arg5[%get3A_412] : memref<100000xf32, #tpu.memory_space<vmem>>[vector<16xi32>], vector<16xf32>,
      %swap3A_414 = arith.constant 0 : i32
      %swap3A_415 = arith.index_cast %swap3A_414 : i32 to index
      %swap3A_416 = arith.index_cast %add3A_408 : i32 to index
      %swap3A_417 = tpu.vector_load %arg7[%swap3A_415, %swap3A_416] {strides = array<i32>} : memref<2x4096xf32, #tpu.memory_space<vmem>>, vector<16xf32>,
      tpu.vector_store %arg7[%swap3A_415, %swap3A_416], %gather3A_413 {strides = array<i32>} : memref<2x4096xf32, #tpu.memory_space<vmem>>, vector<16xf32>,
      %mul3A_418 = arith.constant 64 : i32
      %mul3A_419 = arith.muli %scan3A_381, %mul3A_418 : i32
      %add3A_420 = arith.constant 48 : i32
      %add3A_421 = arith.addi %mul3A_419, %add3A_420 : i32
      %get3A_422 = arith.constant 0 : i32
      %get3A_423 = arith.index_cast %get3A_422 : i32 to index
      %get3A_424 = arith.index_cast %add3A_421 : i32 to index
      %get3A_425 = tpu.vector_load %arg6[%get3A_423, %get3A_424] {strides = array<i32>} : memref<2x4096xi32, #tpu.memory_space<vmem>>, vector<16xi32>,
      %gather3A_426 = tpu.vector_load_idx %arg5[%get3A_425] : memref<100000xf32, #tpu.memory_space<vmem>>[vector<16xi32>], vector<16xf32>,
      %swap3A_427 = arith.constant 0 : i32
      %swap3A_428 = arith.index_cast %swap3A_427 : i32 to index
      %swap3A_429 = arith.index_cast %add3A_421 : i32 to index
      %swap3A_430 = tpu.vector_load %arg7[%swap3A_428, %swap3A_429] {strides = array<i32>} : memref<2x4096xf32, #tpu.memory_space<vmem>>, vector<16xf32>,
      tpu.vector_store %arg7[%swap3A_428, %swap3A_429], %gather3A_426 {strides = array<i32>} : memref<2x4096xf32, #tpu.memory_space<vmem>>, vector<16xf32>,
      %scan3A_431 = arith.constant 1 : i32
      %scan3A_432 = arith.addi %scan3A_381, %scan3A_431 : i32
      %mul3A_433 = arith.constant 64 : i32
      %mul3A_434 = arith.muli %scan3A_432, %mul3A_433 : i32
      %add3A_435 = arith.constant 0 : i32
      %add3A_436 = arith.addi %mul3A_434, %add3A_435 : i32
      %get3A_437 = arith.constant 0 : i32
      %get3A_438 = arith.index_cast %get3A_437 : i32 to index
      %get3A_439 = arith.index_cast %add3A_436 : i32 to index
      %get3A_440 = tpu.vector_load %arg6[%get3A_438, %get3A_439] {strides = array<i32>} : memref<2x4096xi32, #tpu.memory_space<vmem>>, vector<16xi32>,
      %gather3A_441 = tpu.vector_load_idx %arg5[%get3A_440] : memref<100000xf32, #tpu.memory_space<vmem>>[vector<16xi32>], vector<16xf32>,
      %swap3A_442 = arith.constant 0 : i32
      %swap3A_443 = arith.index_cast %swap3A_442 : i32 to index
      %swap3A_444 = arith.index_cast %add3A_436 : i32 to index
      %swap3A_445 = tpu.vector_load %arg7[%swap3A_443, %swap3A_444] {strides = array<i32>} : memref<2x4096xf32, #tpu.memory_space<vmem>>, vector<16xf32>,
      tpu.vector_store %arg7[%swap3A_443, %swap3A_444], %gather3A_441 {strides = array<i32>} : memref<2x4096xf32, #tpu.memory_space<vmem>>, vector<16xf32>,
      %mul3A_446 = arith.constant 64 : i32
      %mul3A_447 = arith.muli %scan3A_432, %mul3A_446 : i32
      %add3A_448 = arith.constant 16 : i32
      %add3A_449 = arith.addi %mul3A_447, %add3A_448 : i32
      %get3A_450 = arith.constant 0 : i32
      %get3A_451 = arith.index_cast %get3A_450 : i32 to index
      %get3A_452 = arith.index_cast %add3A_449 : i32 to index
      %get3A_453 = tpu.vector_load %arg6[%get3A_451, %get3A_452] {strides = array<i32>} : memref<2x4096xi32, #tpu.memory_space<vmem>>, vector<16xi32>,
      %gather3A_454 = tpu.vector_load_idx %arg5[%get3A_453] : memref<100000xf32, #tpu.memory_space<vmem>>[vector<16xi32>], vector<16xf32>,
      %swap3A_455 = arith.constant 0 : i32
      %swap3A_456 = arith.index_cast %swap3A_455 : i32 to index
      %swap3A_457 = arith.index_cast %add3A_449 : i32 to index
      %swap3A_458 = tpu.vector_load %arg7[%swap3A_456, %swap3A_457] {strides = array<i32>} : memref<2x4096xf32, #tpu.memory_space<vmem>>, vector<16xf32>,
      tpu.vector_store %arg7[%swap3A_456, %swap3A_457], %gather3A_454 {strides = array<i32>} : memref<2x4096xf32, #tpu.memory_space<vmem>>, vector<16xf32>,
      %mul3A_459 = arith.constant 64 : i32
      %mul3A_460 = arith.muli %scan3A_432, %mul3A_459 : i32
      %add3A_461 = arith.constant 32 : i32
      %add3A_462 = arith.addi %mul3A_460, %add3A_461 : i32
      %get3A_463 = arith.constant 0 : i32
      %get3A_464 = arith.index_cast %get3A_463 : i32 to index
      %get3A_465 = arith.index_cast %add3A_462 : i32 to index
      %get3A_466 = tpu.vector_load %arg6[%get3A_464, %get3A_465] {strides = array<i32>} : memref<2x4096xi32, #tpu.memory_space<vmem>>, vector<16xi32>,
      %gather3A_467 = tpu.vector_load_idx %arg5[%get3A_466] : memref<100000xf32, #tpu.memory_space<vmem>>[vector<16xi32>], vector<16xf32>,
      %swap3A_468 = arith.constant 0 : i32
      %swap3A_469 = arith.index_cast %swap3A_468 : i32 to index
      %swap3A_470 = arith.index_cast %add3A_462 : i32 to index
      %swap3A_471 = tpu.vector_load %arg7[%swap3A_469, %swap3A_470] {strides = array<i32>} : memref<2x4096xf32, #tpu.memory_space<vmem>>, vector<16xf32>,
      tpu.vector_store %arg7[%swap3A_469, %swap3A_470], %gather3A_467 {strides = array<i32>} : memref<2x4096xf32, #tpu.memory_space<vmem>>, vector<16xf32>,
      %mul3A_472 = arith.constant 64 : i32
      %mul3A_473 = arith.muli %scan3A_432, %mul3A_472 : i32
      %add3A_474 = arith.constant 48 : i32
      %add3A_475 = arith.addi %mul3A_473, %add3A_474 : i32
      %get3A_476 = arith.constant 0 : i32
      %get3A_477 = arith.index_cast %get3A_476 : i32 to index
      %get3A_478 = arith.index_cast %add3A_475 : i32 to index
      %get3A_479 = tpu.vector_load %arg6[%get3A_477, %get3A_478] {strides = array<i32>} : memref<2x4096xi32, #tpu.memory_space<vmem>>, vector<16xi32>,
      %gather3A_480 = tpu.vector_load_idx %arg5[%get3A_479] : memref<100000xf32, #tpu.memory_space<vmem>>[vector<16xi32>], vector<16xf32>,
      %swap3A_481 = arith.constant 0 : i32
      %swap3A_482 = arith.index_cast %swap3A_481 : i32 to index
      %swap3A_483 = arith.index_cast %add3A_475 : i32 to index
      %swap3A_484 = tpu.vector_load %arg7[%swap3A_482, %swap3A_483] {strides = array<i32>} : memref<2x4096xf32, #tpu.memory_space<vmem>>, vector<16xf32>,
      tpu.vector_store %arg7[%swap3A_482, %swap3A_483], %gather3A_480 {strides = array<i32>} : memref<2x4096xf32, #tpu.memory_space<vmem>>, vector<16xf32>,
      %scan3A_485 = arith.constant 2 : i32
      %scan3A_486 = arith.addi %scan3A_381, %scan3A_485 : i32
      %mul3A_487 = arith.constant 64 : i32
      %mul3A_488 = arith.muli %scan3A_486, %mul3A_487 : i32
      %add3A_489 = arith.constant 0 : i32
      %add3A_490 = arith.addi %mul3A_488, %add3A_489 : i32
      %get3A_491 = arith.constant 0 : i32
      %get3A_492 = arith.index_cast %get3A_491 : i32 to index
      %get3A_493 = arith.index_cast %add3A_490 : i32 to index
      %get3A_494 = tpu.vector_load %arg6[%get3A_492, %get3A_493] {strides = array<i32>} : memref<2x4096xi32, #tpu.memory_space<vmem>>, vector<16xi32>,
      %gather3A_495 = tpu.vector_load_idx %arg5[%get3A_494] : memref<100000xf32, #tpu.memory_space<vmem>>[vector<16xi32>], vector<16xf32>,
      %swap3A_496 = arith.constant 0 : i32
      %swap3A_497 = arith.index_cast %swap3A_496 : i32 to index
      %swap3A_498 = arith.index_cast %add3A_490 : i32 to index
      %swap3A_499 = tpu.vector_load %arg7[%swap3A_497, %swap3A_498] {strides = array<i32>} : memref<2x4096xf32, #tpu.memory_space<vmem>>, vector<16xf32>,
      tpu.vector_store %arg7[%swap3A_497, %swap3A_498], %gather3A_495 {strides = array<i32>} : memref<2x4096xf32, #tpu.memory_space<vmem>>, vector<16xf32>,
      %mul3A_500 = arith.constant 64 : i32
      %mul3A_501 = arith.muli %scan3A_486, %mul3A_500 : i32
      %add3A_502 = arith.constant 16 : i32
      %add3A_503 = arith.addi %mul3A_501, %add3A_502 : i32
      %get3A_504 = arith.constant 0 : i32
      %get3A_505 = arith.index_cast %get3A_504 : i32 to index
      %get3A_506 = arith.index_cast %add3A_503 : i32 to index
      %get3A_507 = tpu.vector_load %arg6[%get3A_505, %get3A_506] {strides = array<i32>} : memref<2x4096xi32, #tpu.memory_space<vmem>>, vector<16xi32>,
      %gather3A_508 = tpu.vector_load_idx %arg5[%get3A_507] : memref<100000xf32, #tpu.memory_space<vmem>>[vector<16xi32>], vector<16xf32>,
      %swap3A_509 = arith.constant 0 : i32
      %swap3A_510 = arith.index_cast %swap3A_509 : i32 to index
      %swap3A_511 = arith.index_cast %add3A_503 : i32 to index
      %swap3A_512 = tpu.vector_load %arg7[%swap3A_510, %swap3A_511] {strides = array<i32>} : memref<2x4096xf32, #tpu.memory_space<vmem>>, vector<16xf32>,
      tpu.vector_store %arg7[%swap3A_510, %swap3A_511], %gather3A_508 {strides = array<i32>} : memref<2x4096xf32, #tpu.memory_space<vmem>>, vector<16xf32>,
      %mul3A_513 = arith.constant 64 : i32
      %mul3A_514 = arith.muli %scan3A_486, %mul3A_513 : i32
      %add3A_515 = arith.constant 32 : i32
      %add3A_516 = arith.addi %mul3A_514, %add3A_515 : i32
      %get3A_517 = arith.constant 0 : i32
      %get3A_518 = arith.index_cast %get3A_517 : i32 to index
      %get3A_519 = arith.index_cast %add3A_516 : i32 to index
      %get3A_520 = tpu.vector_load %arg6[%get3A_518, %get3A_519] {strides = array<i32>} : memref<2x4096xi32, #tpu.memory_space<vmem>>, vector<16xi32>,
      %gather3A_521 = tpu.vector_load_idx %arg5[%get3A_520] : memref<100000xf32, #tpu.memory_space<vmem>>[vector<16xi32>], vector<16xf32>,
      %swap3A_522 = arith.constant 0 : i32
      %swap3A_523 = arith.index_cast %swap3A_522 : i32 to index
      %swap3A_524 = arith.index_cast %add3A_516 : i32 to index
      %swap3A_525 = tpu.vector_load %arg7[%swap3A_523, %swap3A_524] {strides = array<i32>} : memref<2x4096xf32, #tpu.memory_space<vmem>>, vector<16xf32>,
      tpu.vector_store %arg7[%swap3A_523, %swap3A_524], %gather3A_521 {strides = array<i32>} : memref<2x4096xf32, #tpu.memory_space<vmem>>, vector<16xf32>,
      %mul3A_526 = arith.constant 64 : i32
      %mul3A_527 = arith.muli %scan3A_486, %mul3A_526 : i32
      %add3A_528 = arith.constant 48 : i32
      %add3A_529 = arith.addi %mul3A_527, %add3A_528 : i32
      %get3A_530 = arith.constant 0 : i32
      %get3A_531 = arith.index_cast %get3A_530 : i32 to index
      %get3A_532 = arith.index_cast %add3A_529 : i32 to index
      %get3A_533 = tpu.vector_load %arg6[%get3A_531, %get3A_532] {strides = array<i32>} : memref<2x4096xi32, #tpu.memory_space<vmem>>, vector<16xi32>,
      %gather3A_534 = tpu.vector_load_idx %arg5[%get3A_533] : memref<100000xf32, #tpu.memory_space<vmem>>[vector<16xi32>], vector<16xf32>,
      %swap3A_535 = arith.constant 0 : i32
      %swap3A_536 = arith.index_cast %swap3A_535 : i32 to index
      %swap3A_537 = arith.index_cast %add3A_529 : i32 to index
      %swap3A_538 = tpu.vector_load %arg7[%swap3A_536, %swap3A_537] {strides = array<i32>} : memref<2x4096xf32, #tpu.memory_space<vmem>>, vector<16xf32>,
      tpu.vector_store %arg7[%swap3A_536, %swap3A_537], %gather3A_534 {strides = array<i32>} : memref<2x4096xf32, #tpu.memory_space<vmem>>, vector<16xf32>,
      %scan3A_539 = arith.constant 3 : i32
      %scan3A_540 = arith.addi %scan3A_381, %scan3A_539 : i32
      %mul3A_541 = arith.constant 64 : i32
      %mul3A_542 = arith.muli %scan3A_540, %mul3A_541 : i32
      %add3A_543 = arith.constant 0 : i32
      %add3A_544 = arith.addi %mul3A_542, %add3A_543 : i32
      %get3A_545 = arith.constant 0 : i32
      %get3A_546 = arith.index_cast %get3A_545 : i32 to index
      %get3A_547 = arith.index_cast %add3A_544 : i32 to index
      %get3A_548 = tpu.vector_load %arg6[%get3A_546, %get3A_547] {strides = array<i32>} : memref<2x4096xi32, #tpu.memory_space<vmem>>, vector<16xi32>,
      %gather3A_549 = tpu.vector_load_idx %arg5[%get3A_548] : memref<100000xf32, #tpu.memory_space<vmem>>[vector<16xi32>], vector<16xf32>,
      %swap3A_550 = arith.constant 0 : i32
      %swap3A_551 = arith.index_cast %swap3A_550 : i32 to index
      %swap3A_552 = arith.index_cast %add3A_544 : i32 to index
      %swap3A_553 = tpu.vector_load %arg7[%swap3A_551, %swap3A_552] {strides = array<i32>} : memref<2x4096xf32, #tpu.memory_space<vmem>>, vector<16xf32>,
      tpu.vector_store %arg7[%swap3A_551, %swap3A_552], %gather3A_549 {strides = array<i32>} : memref<2x4096xf32, #tpu.memory_space<vmem>>, vector<16xf32>,
      %mul3A_554 = arith.constant 64 : i32
      %mul3A_555 = arith.muli %scan3A_540, %mul3A_554 : i32
      %add3A_556 = arith.constant 16 : i32
      %add3A_557 = arith.addi %mul3A_555, %add3A_556 : i32
      %get3A_558 = arith.constant 0 : i32
      %get3A_559 = arith.index_cast %get3A_558 : i32 to index
      %get3A_560 = arith.index_cast %add3A_557 : i32 to index
      %get3A_561 = tpu.vector_load %arg6[%get3A_559, %get3A_560] {strides = array<i32>} : memref<2x4096xi32, #tpu.memory_space<vmem>>, vector<16xi32>,
      %gather3A_562 = tpu.vector_load_idx %arg5[%get3A_561] : memref<100000xf32, #tpu.memory_space<vmem>>[vector<16xi32>], vector<16xf32>,
      %swap3A_563 = arith.constant 0 : i32
      %swap3A_564 = arith.index_cast %swap3A_563 : i32 to index
      %swap3A_565 = arith.index_cast %add3A_557 : i32 to index
      %swap3A_566 = tpu.vector_load %arg7[%swap3A_564, %swap3A_565] {strides = array<i32>} : memref<2x4096xf32, #tpu.memory_space<vmem>>, vector<16xf32>,
      tpu.vector_store %arg7[%swap3A_564, %swap3A_565], %gather3A_562 {strides = array<i32>} : memref<2x4096xf32, #tpu.memory_space<vmem>>, vector<16xf32>,
      %mul3A_567 = arith.constant 64 : i32
      %mul3A_568 = arith.muli %scan3A_540, %mul3A_567 : i32
      %add3A_569 = arith.constant 32 : i32
      %add3A_570 = arith.addi %mul3A_568, %add3A_569 : i32
      %get3A_571 = arith.constant 0 : i32
      %get3A_572 = arith.index_cast %get3A_571 : i32 to index
      %get3A_573 = arith.index_cast %add3A_570 : i32 to index
      %get3A_574 = tpu.vector_load %arg6[%get3A_572, %get3A_573] {strides = array<i32>} : memref<2x4096xi32, #tpu.memory_space<vmem>>, vector<16xi32>,
      %gather3A_575 = tpu.vector_load_idx %arg5[%get3A_574] : memref<100000xf32, #tpu.memory_space<vmem>>[vector<16xi32>], vector<16xf32>,
      %swap3A_576 = arith.constant 0 : i32
      %swap3A_577 = arith.index_cast %swap3A_576 : i32 to index
      %swap3A_578 = arith.index_cast %add3A_570 : i32 to index
      %swap3A_579 = tpu.vector_load %arg7[%swap3A_577, %swap3A_578] {strides = array<i32>} : memref<2x4096xf32, #tpu.memory_space<vmem>>, vector<16xf32>,
      tpu.vector_store %arg7[%swap3A_577, %swap3A_578], %gather3A_575 {strides = array<i32>} : memref<2x4096xf32, #tpu.memory_space<vmem>>, vector<16xf32>,
      %mul3A_580 = arith.constant 64 : i32
      %mul3A_581 = arith.muli %scan3A_540, %mul3A_580 : i32
      %add3A_582 = arith.constant 48 : i32
      %add3A_583 = arith.addi %mul3A_581, %add3A_582 : i32
      %get3A_584 = arith.constant 0 : i32
      %get3A_585 = arith.index_cast %get3A_584 : i32 to index
      %get3A_586 = arith.index_cast %add3A_583 : i32 to index
      %get3A_587 = tpu.vector_load %arg6[%get3A_585, %get3A_586] {strides = array<i32>} : memref<2x4096xi32, #tpu.memory_space<vmem>>, vector<16xi32>,
      %gather3A_588 = tpu.vector_load_idx %arg5[%get3A_587] : memref<100000xf32, #tpu.memory_space<vmem>>[vector<16xi32>], vector<16xf32>,
      %swap3A_589 = arith.constant 0 : i32
      %swap3A_590 = arith.index_cast %swap3A_589 : i32 to index
      %swap3A_591 = arith.index_cast %add3A_583 : i32 to index
      %swap3A_592 = tpu.vector_load %arg7[%swap3A_590, %swap3A_591] {strides = array<i32>} : memref<2x4096xf32, #tpu.memory_space<vmem>>, vector<16xf32>,
      tpu.vector_store %arg7[%swap3A_590, %swap3A_591], %gather3A_588 {strides = array<i32>} : memref<2x4096xf32, #tpu.memory_space<vmem>>, vector<16xf32>,
    }
    %scan3A_36 = arith.constant 64 : i32
    %dma_start3A_37 = arith.constant 0 : i32
    %dma_start3A_38 = arith.constant 0 : i32
    %dma_start3A_39 = tpu.memref_slice %arg7[%dma_start3A_37, %dma_start3A_38] : memref<2x4096xf32, #tpu.memory_space<vmem>> -> memref<1x4096xf32, #tpu.memory_space<vmem>>
    %dma_start3A_40 = tpu.memref_squeeze %dma_start3A_39 : memref<1x4096xf32, #tpu.memory_space<vmem>> -> memref<4096xf32, #tpu.memory_space<vmem>>
    %dma_start3A_41 = tpu.memref_slice %arg4[%add3A_12] : memref<1048576xf32, #tpu.memory_space<hbm>> -> memref<4096xf32, #tpu.memory_space<hbm>>
    %dma_start3A_42 = tpu.memref_slice %arg4[%add3A_12] : memref<1048576xf32, #tpu.memory_space<hbm>> -> memref<4096xf32, #tpu.memory_space<hbm>>
    %dma_start3A_43 = arith.constant 0 : i32
    %dma_start3A_44 = tpu.memref_slice %arg7[%dma_start3A_37, %dma_start3A_43] : memref<2x4096xf32, #tpu.memory_space<vmem>> -> memref<1x4096xf32, #tpu.memory_space<vmem>>
    %dma_start3A_45 = tpu.memref_squeeze %dma_start3A_44 : memref<1x4096xf32, #tpu.memory_space<vmem>> -> memref<4096xf32, #tpu.memory_space<vmem>>
    tpu.enqueue_dma source(%dma_start3A_45 : memref<4096xf32, #tpu.memory_space<vmem>>) target(%dma_start3A_42 : memref<4096xf32, #tpu.memory_space<hbm>>) target_semaphore(%arg10 : memref<!tpu.dma_semaphore, #tpu.memory_space<semaphore_mem>>)
    %add3A_46 = arith.constant 4096 : i32
    %add3A_47 = arith.addi %mul3A_2, %add3A_46 : i32
    %add3A_48 = arith.constant 4096 : i32
    %add3A_49 = arith.addi %add3A_47, %add3A_48 : i32
    %dma_start3A_50 = arith.constant 0 : i32
    %dma_start3A_51 = arith.constant 0 : i32
    %dma_start3A_52 = tpu.memref_slice %arg6[%dma_start3A_50, %dma_start3A_51] : memref<2x4096xi32, #tpu.memory_space<vmem>> -> memref<1x4096xi32, #tpu.memory_space<vmem>>
    %dma_start3A_53 = tpu.memref_squeeze %dma_start3A_52 : memref<1x4096xi32, #tpu.memory_space<vmem>> -> memref<4096xi32, #tpu.memory_space<vmem>>
    %dma_start3A_54 = tpu.memref_slice %arg2[%add3A_49] : memref<1048576xi32, #tpu.memory_space<hbm>> -> memref<4096xi32, #tpu.memory_space<hbm>>
    %dma_start3A_55 = arith.constant 0 : i32
    %dma_start3A_56 = tpu.memref_slice %arg6[%dma_start3A_50, %dma_start3A_55] : memref<2x4096xi32, #tpu.memory_space<vmem>> -> memref<1x4096xi32, #tpu.memory_space<vmem>>
    %dma_start3A_57 = tpu.memref_squeeze %dma_start3A_56 : memref<1x4096xi32, #tpu.memory_space<vmem>> -> memref<4096xi32, #tpu.memory_space<vmem>>
    %dma_start3A_58 = tpu.memref_slice %arg2[%add3A_49] : memref<1048576xi32, #tpu.memory_space<hbm>> -> memref<4096xi32, #tpu.memory_space<hbm>>
    tpu.enqueue_dma source(%dma_start3A_58 : memref<4096xi32, #tpu.memory_space<hbm>>) target(%dma_start3A_57 : memref<4096xi32, #tpu.memory_space<vmem>>) target_semaphore(%arg9 : memref<!tpu.dma_semaphore, #tpu.memory_space<semaphore_mem>>)
    %dma_wait3A_59 = arith.constant 1 : i32
    %dma_wait3A_60 = arith.constant 0 : i32
    %dma_wait3A_61 = tpu.memref_slice %arg6[%dma_wait3A_59, %dma_wait3A_60] : memref<2x4096xi32, #tpu.memory_space<vmem>> -> memref<1x4096xi32, #tpu.memory_space<vmem>>
    %dma_wait3A_62 = tpu.memref_squeeze %dma_wait3A_61 : memref<1x4096xi32, #tpu.memory_space<vmem>> -> memref<4096xi32, #tpu.memory_space<vmem>>
    %dma_wait3A_63 = tpu.memref_slice %arg2[%add3A_47] : memref<1048576xi32, #tpu.memory_space<hbm>> -> memref<4096xi32, #tpu.memory_space<hbm>>
    %dma_wait3A_64 = arith.constant 0 : i32
    %dma_wait3A_65 = tpu.memref_slice %arg6[%dma_wait3A_59, %dma_wait3A_64] : memref<2x4096xi32, #tpu.memory_space<vmem>> -> memref<1x4096xi32, #tpu.memory_space<vmem>>
    %dma_wait3A_66 = tpu.memref_squeeze %dma_wait3A_65 : memref<1x4096xi32, #tpu.memory_space<vmem>> -> memref<4096xi32, #tpu.memory_space<vmem>>
    %dma_wait3A_67 = tpu.memref_slice %arg2[%add3A_47] : memref<1048576xi32, #tpu.memory_space<hbm>> -> memref<4096xi32, #tpu.memory_space<hbm>>
    tpu.wait_dma2 semaphore(%arg9 : memref<!tpu.dma_semaphore, #tpu.memory_space<semaphore_mem>>) src(%dma_wait3A_67 : memref<4096xi32, #tpu.memory_space<hbm>>) dst(%dma_wait3A_66 : memref<4096xi32, #tpu.memory_space<vmem>>)
    %scan3A_68 = arith.constant 0 : i32
    %scan3A_69 = arith.constant 0 : i32
    %scan3A_70 = arith.constant 64 : i32
    %scan3A_71 = arith.addi %scan3A_69, %scan3A_70 : i32
    %scan3A_72 = arith.constant 4 : i32
    scf.for %scan3A_381 = %scan3A_69 to %scan3A_71 step %scan3A_72  : i32 {
      %mul3A_382 = arith.constant 64 : i32
      %mul3A_383 = arith.muli %scan3A_381, %mul3A_382 : i32
      %add3A_384 = arith.constant 0 : i32
      %add3A_385 = arith.addi %mul3A_383, %add3A_384 : i32
      %get3A = arith.constant 1 : i32
      %get3A_386 = arith.index_cast %get3A : i32 to index
      %get3A_387 = arith.index_cast %add3A_385 : i32 to index
      %get3A_388 = tpu.vector_load %arg6[%get3A_386, %get3A_387] {strides = array<i32>} : memref<2x4096xi32, #tpu.memory_space<vmem>>, vector<16xi32>,
      %gather3A = tpu.vector_load_idx %arg5[%get3A_388] : memref<100000xf32, #tpu.memory_space<vmem>>[vector<16xi32>], vector<16xf32>,
      %swap3A = arith.constant 1 : i32
      %swap3A_389 = arith.index_cast %swap3A : i32 to index
      %swap3A_390 = arith.index_cast %add3A_385 : i32 to index
      %swap3A_391 = tpu.vector_load %arg7[%swap3A_389, %swap3A_390] {strides = array<i32>} : memref<2x4096xf32, #tpu.memory_space<vmem>>, vector<16xf32>,
      tpu.vector_store %arg7[%swap3A_389, %swap3A_390], %gather3A {strides = array<i32>} : memref<2x4096xf32, #tpu.memory_space<vmem>>, vector<16xf32>,
      %mul3A_392 = arith.constant 64 : i32
      %mul3A_393 = arith.muli %scan3A_381, %mul3A_392 : i32
      %add3A_394 = arith.constant 16 : i32
      %add3A_395 = arith.addi %mul3A_393, %add3A_394 : i32
      %get3A_396 = arith.constant 1 : i32
      %get3A_397 = arith.index_cast %get3A_396 : i32 to index
      %get3A_398 = arith.index_cast %add3A_395 : i32 to index
      %get3A_399 = tpu.vector_load %arg6[%get3A_397, %get3A_398] {strides = array<i32>} : memref<2x4096xi32, #tpu.memory_space<vmem>>, vector<16xi32>,
      %gather3A_400 = tpu.vector_load_idx %arg5[%get3A_399] : memref<100000xf32, #tpu.memory_space<vmem>>[vector<16xi32>], vector<16xf32>,
      %swap3A_401 = arith.constant 1 : i32
      %swap3A_402 = arith.index_cast %swap3A_401 : i32 to index
      %swap3A_403 = arith.index_cast %add3A_395 : i32 to index
      %swap3A_404 = tpu.vector_load %arg7[%swap3A_402, %swap3A_403] {strides = array<i32>} : memref<2x4096xf32, #tpu.memory_space<vmem>>, vector<16xf32>,
      tpu.vector_store %arg7[%swap3A_402, %swap3A_403], %gather3A_400 {strides = array<i32>} : memref<2x4096xf32, #tpu.memory_space<vmem>>, vector<16xf32>,
      %mul3A_405 = arith.constant 64 : i32
      %mul3A_406 = arith.muli %scan3A_381, %mul3A_405 : i32
      %add3A_407 = arith.constant 32 : i32
      %add3A_408 = arith.addi %mul3A_406, %add3A_407 : i32
      %get3A_409 = arith.constant 1 : i32
      %get3A_410 = arith.index_cast %get3A_409 : i32 to index
      %get3A_411 = arith.index_cast %add3A_408 : i32 to index
      %get3A_412 = tpu.vector_load %arg6[%get3A_410, %get3A_411] {strides = array<i32>} : memref<2x4096xi32, #tpu.memory_space<vmem>>, vector<16xi32>,
      %gather3A_413 = tpu.vector_load_idx %arg5[%get3A_412] : memref<100000xf32, #tpu.memory_space<vmem>>[vector<16xi32>], vector<16xf32>,
      %swap3A_414 = arith.constant 1 : i32
      %swap3A_415 = arith.index_cast %swap3A_414 : i32 to index
      %swap3A_416 = arith.index_cast %add3A_408 : i32 to index
      %swap3A_417 = tpu.vector_load %arg7[%swap3A_415, %swap3A_416] {strides = array<i32>} : memref<2x4096xf32, #tpu.memory_space<vmem>>, vector<16xf32>,
      tpu.vector_store %arg7[%swap3A_415, %swap3A_416], %gather3A_413 {strides = array<i32>} : memref<2x4096xf32, #tpu.memory_space<vmem>>, vector<16xf32>,
      %mul3A_418 = arith.constant 64 : i32
      %mul3A_419 = arith.muli %scan3A_381, %mul3A_418 : i32
      %add3A_420 = arith.constant 48 : i32
      %add3A_421 = arith.addi %mul3A_419, %add3A_420 : i32
      %get3A_422 = arith.constant 1 : i32
      %get3A_423 = arith.index_cast %get3A_422 : i32 to index
      %get3A_424 = arith.index_cast %add3A_421 : i32 to index
      %get3A_425 = tpu.vector_load %arg6[%get3A_423, %get3A_424] {strides = array<i32>} : memref<2x4096xi32, #tpu.memory_space<vmem>>, vector<16xi32>,
      %gather3A_426 = tpu.vector_load_idx %arg5[%get3A_425] : memref<100000xf32, #tpu.memory_space<vmem>>[vector<16xi32>], vector<16xf32>,
      %swap3A_427 = arith.constant 1 : i32
      %swap3A_428 = arith.index_cast %swap3A_427 : i32 to index
      %swap3A_429 = arith.index_cast %add3A_421 : i32 to index
      %swap3A_430 = tpu.vector_load %arg7[%swap3A_428, %swap3A_429] {strides = array<i32>} : memref<2x4096xf32, #tpu.memory_space<vmem>>, vector<16xf32>,
      tpu.vector_store %arg7[%swap3A_428, %swap3A_429], %gather3A_426 {strides = array<i32>} : memref<2x4096xf32, #tpu.memory_space<vmem>>, vector<16xf32>,
      %scan3A_431 = arith.constant 1 : i32
      %scan3A_432 = arith.addi %scan3A_381, %scan3A_431 : i32
      %mul3A_433 = arith.constant 64 : i32
      %mul3A_434 = arith.muli %scan3A_432, %mul3A_433 : i32
      %add3A_435 = arith.constant 0 : i32
      %add3A_436 = arith.addi %mul3A_434, %add3A_435 : i32
      %get3A_437 = arith.constant 1 : i32
      %get3A_438 = arith.index_cast %get3A_437 : i32 to index
      %get3A_439 = arith.index_cast %add3A_436 : i32 to index
      %get3A_440 = tpu.vector_load %arg6[%get3A_438, %get3A_439] {strides = array<i32>} : memref<2x4096xi32, #tpu.memory_space<vmem>>, vector<16xi32>,
      %gather3A_441 = tpu.vector_load_idx %arg5[%get3A_440] : memref<100000xf32, #tpu.memory_space<vmem>>[vector<16xi32>], vector<16xf32>,
      %swap3A_442 = arith.constant 1 : i32
      %swap3A_443 = arith.index_cast %swap3A_442 : i32 to index
      %swap3A_444 = arith.index_cast %add3A_436 : i32 to index
      %swap3A_445 = tpu.vector_load %arg7[%swap3A_443, %swap3A_444] {strides = array<i32>} : memref<2x4096xf32, #tpu.memory_space<vmem>>, vector<16xf32>,
      tpu.vector_store %arg7[%swap3A_443, %swap3A_444], %gather3A_441 {strides = array<i32>} : memref<2x4096xf32, #tpu.memory_space<vmem>>, vector<16xf32>,
      %mul3A_446 = arith.constant 64 : i32
      %mul3A_447 = arith.muli %scan3A_432, %mul3A_446 : i32
      %add3A_448 = arith.constant 16 : i32
      %add3A_449 = arith.addi %mul3A_447, %add3A_448 : i32
      %get3A_450 = arith.constant 1 : i32
      %get3A_451 = arith.index_cast %get3A_450 : i32 to index
      %get3A_452 = arith.index_cast %add3A_449 : i32 to index
      %get3A_453 = tpu.vector_load %arg6[%get3A_451, %get3A_452] {strides = array<i32>} : memref<2x4096xi32, #tpu.memory_space<vmem>>, vector<16xi32>,
      %gather3A_454 = tpu.vector_load_idx %arg5[%get3A_453] : memref<100000xf32, #tpu.memory_space<vmem>>[vector<16xi32>], vector<16xf32>,
      %swap3A_455 = arith.constant 1 : i32
      %swap3A_456 = arith.index_cast %swap3A_455 : i32 to index
      %swap3A_457 = arith.index_cast %add3A_449 : i32 to index
      %swap3A_458 = tpu.vector_load %arg7[%swap3A_456, %swap3A_457] {strides = array<i32>} : memref<2x4096xf32, #tpu.memory_space<vmem>>, vector<16xf32>,
      tpu.vector_store %arg7[%swap3A_456, %swap3A_457], %gather3A_454 {strides = array<i32>} : memref<2x4096xf32, #tpu.memory_space<vmem>>, vector<16xf32>,
      %mul3A_459 = arith.constant 64 : i32
      %mul3A_460 = arith.muli %scan3A_432, %mul3A_459 : i32
      %add3A_461 = arith.constant 32 : i32
      %add3A_462 = arith.addi %mul3A_460, %add3A_461 : i32
      %get3A_463 = arith.constant 1 : i32
      %get3A_464 = arith.index_cast %get3A_463 : i32 to index
      %get3A_465 = arith.index_cast %add3A_462 : i32 to index
      %get3A_466 = tpu.vector_load %arg6[%get3A_464, %get3A_465] {strides = array<i32>} : memref<2x4096xi32, #tpu.memory_space<vmem>>, vector<16xi32>,
      %gather3A_467 = tpu.vector_load_idx %arg5[%get3A_466] : memref<100000xf32, #tpu.memory_space<vmem>>[vector<16xi32>], vector<16xf32>,
      %swap3A_468 = arith.constant 1 : i32
      %swap3A_469 = arith.index_cast %swap3A_468 : i32 to index
      %swap3A_470 = arith.index_cast %add3A_462 : i32 to index
      %swap3A_471 = tpu.vector_load %arg7[%swap3A_469, %swap3A_470] {strides = array<i32>} : memref<2x4096xf32, #tpu.memory_space<vmem>>, vector<16xf32>,
      tpu.vector_store %arg7[%swap3A_469, %swap3A_470], %gather3A_467 {strides = array<i32>} : memref<2x4096xf32, #tpu.memory_space<vmem>>, vector<16xf32>,
      %mul3A_472 = arith.constant 64 : i32
      %mul3A_473 = arith.muli %scan3A_432, %mul3A_472 : i32
      %add3A_474 = arith.constant 48 : i32
      %add3A_475 = arith.addi %mul3A_473, %add3A_474 : i32
      %get3A_476 = arith.constant 1 : i32
      %get3A_477 = arith.index_cast %get3A_476 : i32 to index
      %get3A_478 = arith.index_cast %add3A_475 : i32 to index
      %get3A_479 = tpu.vector_load %arg6[%get3A_477, %get3A_478] {strides = array<i32>} : memref<2x4096xi32, #tpu.memory_space<vmem>>, vector<16xi32>,
      %gather3A_480 = tpu.vector_load_idx %arg5[%get3A_479] : memref<100000xf32, #tpu.memory_space<vmem>>[vector<16xi32>], vector<16xf32>,
      %swap3A_481 = arith.constant 1 : i32
      %swap3A_482 = arith.index_cast %swap3A_481 : i32 to index
      %swap3A_483 = arith.index_cast %add3A_475 : i32 to index
      %swap3A_484 = tpu.vector_load %arg7[%swap3A_482, %swap3A_483] {strides = array<i32>} : memref<2x4096xf32, #tpu.memory_space<vmem>>, vector<16xf32>,
      tpu.vector_store %arg7[%swap3A_482, %swap3A_483], %gather3A_480 {strides = array<i32>} : memref<2x4096xf32, #tpu.memory_space<vmem>>, vector<16xf32>,
      %scan3A_485 = arith.constant 2 : i32
      %scan3A_486 = arith.addi %scan3A_381, %scan3A_485 : i32
      %mul3A_487 = arith.constant 64 : i32
      %mul3A_488 = arith.muli %scan3A_486, %mul3A_487 : i32
      %add3A_489 = arith.constant 0 : i32
      %add3A_490 = arith.addi %mul3A_488, %add3A_489 : i32
      %get3A_491 = arith.constant 1 : i32
      %get3A_492 = arith.index_cast %get3A_491 : i32 to index
      %get3A_493 = arith.index_cast %add3A_490 : i32 to index
      %get3A_494 = tpu.vector_load %arg6[%get3A_492, %get3A_493] {strides = array<i32>} : memref<2x4096xi32, #tpu.memory_space<vmem>>, vector<16xi32>,
      %gather3A_495 = tpu.vector_load_idx %arg5[%get3A_494] : memref<100000xf32, #tpu.memory_space<vmem>>[vector<16xi32>], vector<16xf32>,
      %swap3A_496 = arith.constant 1 : i32
      %swap3A_497 = arith.index_cast %swap3A_496 : i32 to index
      %swap3A_498 = arith.index_cast %add3A_490 : i32 to index
      %swap3A_499 = tpu.vector_load %arg7[%swap3A_497, %swap3A_498] {strides = array<i32>} : memref<2x4096xf32, #tpu.memory_space<vmem>>, vector<16xf32>,
      tpu.vector_store %arg7[%swap3A_497, %swap3A_498], %gather3A_495 {strides = array<i32>} : memref<2x4096xf32, #tpu.memory_space<vmem>>, vector<16xf32>,
      %mul3A_500 = arith.constant 64 : i32
      %mul3A_501 = arith.muli %scan3A_486, %mul3A_500 : i32
      %add3A_502 = arith.constant 16 : i32
      %add3A_503 = arith.addi %mul3A_501, %add3A_502 : i32
      %get3A_504 = arith.constant 1 : i32
      %get3A_505 = arith.index_cast %get3A_504 : i32 to index
      %get3A_506 = arith.index_cast %add3A_503 : i32 to index
      %get3A_507 = tpu.vector_load %arg6[%get3A_505, %get3A_506] {strides = array<i32>} : memref<2x4096xi32, #tpu.memory_space<vmem>>, vector<16xi32>,
      %gather3A_508 = tpu.vector_load_idx %arg5[%get3A_507] : memref<100000xf32, #tpu.memory_space<vmem>>[vector<16xi32>], vector<16xf32>,
      %swap3A_509 = arith.constant 1 : i32
      %swap3A_510 = arith.index_cast %swap3A_509 : i32 to index
      %swap3A_511 = arith.index_cast %add3A_503 : i32 to index
      %swap3A_512 = tpu.vector_load %arg7[%swap3A_510, %swap3A_511] {strides = array<i32>} : memref<2x4096xf32, #tpu.memory_space<vmem>>, vector<16xf32>,
      tpu.vector_store %arg7[%swap3A_510, %swap3A_511], %gather3A_508 {strides = array<i32>} : memref<2x4096xf32, #tpu.memory_space<vmem>>, vector<16xf32>,
      %mul3A_513 = arith.constant 64 : i32
      %mul3A_514 = arith.muli %scan3A_486, %mul3A_513 : i32
      %add3A_515 = arith.constant 32 : i32
      %add3A_516 = arith.addi %mul3A_514, %add3A_515 : i32
      %get3A_517 = arith.constant 1 : i32
      %get3A_518 = arith.index_cast %get3A_517 : i32 to index
      %get3A_519 = arith.index_cast %add3A_516 : i32 to index
      %get3A_520 = tpu.vector_load %arg6[%get3A_518, %get3A_519] {strides = array<i32>} : memref<2x4096xi32, #tpu.memory_space<vmem>>, vector<16xi32>,
      %gather3A_521 = tpu.vector_load_idx %arg5[%get3A_520] : memref<100000xf32, #tpu.memory_space<vmem>>[vector<16xi32>], vector<16xf32>,
      %swap3A_522 = arith.constant 1 : i32
      %swap3A_523 = arith.index_cast %swap3A_522 : i32 to index
      %swap3A_524 = arith.index_cast %add3A_516 : i32 to index
      %swap3A_525 = tpu.vector_load %arg7[%swap3A_523, %swap3A_524] {strides = array<i32>} : memref<2x4096xf32, #tpu.memory_space<vmem>>, vector<16xf32>,
      tpu.vector_store %arg7[%swap3A_523, %swap3A_524], %gather3A_521 {strides = array<i32>} : memref<2x4096xf32, #tpu.memory_space<vmem>>, vector<16xf32>,
      %mul3A_526 = arith.constant 64 : i32
      %mul3A_527 = arith.muli %scan3A_486, %mul3A_526 : i32
      %add3A_528 = arith.constant 48 : i32
      %add3A_529 = arith.addi %mul3A_527, %add3A_528 : i32
      %get3A_530 = arith.constant 1 : i32
      %get3A_531 = arith.index_cast %get3A_530 : i32 to index
      %get3A_532 = arith.index_cast %add3A_529 : i32 to index
      %get3A_533 = tpu.vector_load %arg6[%get3A_531, %get3A_532] {strides = array<i32>} : memref<2x4096xi32, #tpu.memory_space<vmem>>, vector<16xi32>,
      %gather3A_534 = tpu.vector_load_idx %arg5[%get3A_533] : memref<100000xf32, #tpu.memory_space<vmem>>[vector<16xi32>], vector<16xf32>,
      %swap3A_535 = arith.constant 1 : i32
      %swap3A_536 = arith.index_cast %swap3A_535 : i32 to index
      %swap3A_537 = arith.index_cast %add3A_529 : i32 to index
      %swap3A_538 = tpu.vector_load %arg7[%swap3A_536, %swap3A_537] {strides = array<i32>} : memref<2x4096xf32, #tpu.memory_space<vmem>>, vector<16xf32>,
      tpu.vector_store %arg7[%swap3A_536, %swap3A_537], %gather3A_534 {strides = array<i32>} : memref<2x4096xf32, #tpu.memory_space<vmem>>, vector<16xf32>,
      %scan3A_539 = arith.constant 3 : i32
      %scan3A_540 = arith.addi %scan3A_381, %scan3A_539 : i32
      %mul3A_541 = arith.constant 64 : i32
      %mul3A_542 = arith.muli %scan3A_540, %mul3A_541 : i32
      %add3A_543 = arith.constant 0 : i32
      %add3A_544 = arith.addi %mul3A_542, %add3A_543 : i32
      %get3A_545 = arith.constant 1 : i32
      %get3A_546 = arith.index_cast %get3A_545 : i32 to index
      %get3A_547 = arith.index_cast %add3A_544 : i32 to index
      %get3A_548 = tpu.vector_load %arg6[%get3A_546, %get3A_547] {strides = array<i32>} : memref<2x4096xi32, #tpu.memory_space<vmem>>, vector<16xi32>,
      %gather3A_549 = tpu.vector_load_idx %arg5[%get3A_548] : memref<100000xf32, #tpu.memory_space<vmem>>[vector<16xi32>], vector<16xf32>,
      %swap3A_550 = arith.constant 1 : i32
      %swap3A_551 = arith.index_cast %swap3A_550 : i32 to index
      %swap3A_552 = arith.index_cast %add3A_544 : i32 to index
      %swap3A_553 = tpu.vector_load %arg7[%swap3A_551, %swap3A_552] {strides = array<i32>} : memref<2x4096xf32, #tpu.memory_space<vmem>>, vector<16xf32>,
      tpu.vector_store %arg7[%swap3A_551, %swap3A_552], %gather3A_549 {strides = array<i32>} : memref<2x4096xf32, #tpu.memory_space<vmem>>, vector<16xf32>,
      %mul3A_554 = arith.constant 64 : i32
      %mul3A_555 = arith.muli %scan3A_540, %mul3A_554 : i32
      %add3A_556 = arith.constant 16 : i32
      %add3A_557 = arith.addi %mul3A_555, %add3A_556 : i32
      %get3A_558 = arith.constant 1 : i32
      %get3A_559 = arith.index_cast %get3A_558 : i32 to index
      %get3A_560 = arith.index_cast %add3A_557 : i32 to index
      %get3A_561 = tpu.vector_load %arg6[%get3A_559, %get3A_560] {strides = array<i32>} : memref<2x4096xi32, #tpu.memory_space<vmem>>, vector<16xi32>,
      %gather3A_562 = tpu.vector_load_idx %arg5[%get3A_561] : memref<100000xf32, #tpu.memory_space<vmem>>[vector<16xi32>], vector<16xf32>,
      %swap3A_563 = arith.constant 1 : i32
      %swap3A_564 = arith.index_cast %swap3A_563 : i32 to index
      %swap3A_565 = arith.index_cast %add3A_557 : i32 to index
      %swap3A_566 = tpu.vector_load %arg7[%swap3A_564, %swap3A_565] {strides = array<i32>} : memref<2x4096xf32, #tpu.memory_space<vmem>>, vector<16xf32>,
      tpu.vector_store %arg7[%swap3A_564, %swap3A_565], %gather3A_562 {strides = array<i32>} : memref<2x4096xf32, #tpu.memory_space<vmem>>, vector<16xf32>,
      %mul3A_567 = arith.constant 64 : i32
      %mul3A_568 = arith.muli %scan3A_540, %mul3A_567 : i32
      %add3A_569 = arith.constant 32 : i32
      %add3A_570 = arith.addi %mul3A_568, %add3A_569 : i32
      %get3A_571 = arith.constant 1 : i32
      %get3A_572 = arith.index_cast %get3A_571 : i32 to index
      %get3A_573 = arith.index_cast %add3A_570 : i32 to index
      %get3A_574 = tpu.vector_load %arg6[%get3A_572, %get3A_573] {strides = array<i32>} : memref<2x4096xi32, #tpu.memory_space<vmem>>, vector<16xi32>,
      %gather3A_575 = tpu.vector_load_idx %arg5[%get3A_574] : memref<100000xf32, #tpu.memory_space<vmem>>[vector<16xi32>], vector<16xf32>,
      %swap3A_576 = arith.constant 1 : i32
      %swap3A_577 = arith.index_cast %swap3A_576 : i32 to index
      %swap3A_578 = arith.index_cast %add3A_570 : i32 to index
      %swap3A_579 = tpu.vector_load %arg7[%swap3A_577, %swap3A_578] {strides = array<i32>} : memref<2x4096xf32, #tpu.memory_space<vmem>>, vector<16xf32>,
      tpu.vector_store %arg7[%swap3A_577, %swap3A_578], %gather3A_575 {strides = array<i32>} : memref<2x4096xf32, #tpu.memory_space<vmem>>, vector<16xf32>,
      %mul3A_580 = arith.constant 64 : i32
      %mul3A_581 = arith.muli %scan3A_540, %mul3A_580 : i32
      %add3A_582 = arith.constant 48 : i32
      %add3A_583 = arith.addi %mul3A_581, %add3A_582 : i32
      %get3A_584 = arith.constant 1 : i32
      %get3A_585 = arith.index_cast %get3A_584 : i32 to index
      %get3A_586 = arith.index_cast %add3A_583 : i32 to index
      %get3A_587 = tpu.vector_load %arg6[%get3A_585, %get3A_586] {strides = array<i32>} : memref<2x4096xi32, #tpu.memory_space<vmem>>, vector<16xi32>,
      %gather3A_588 = tpu.vector_load_idx %arg5[%get3A_587] : memref<100000xf32, #tpu.memory_space<vmem>>[vector<16xi32>], vector<16xf32>,
      %swap3A_589 = arith.constant 1 : i32
      %swap3A_590 = arith.index_cast %swap3A_589 : i32 to index
      %swap3A_591 = arith.index_cast %add3A_583 : i32 to index
      %swap3A_592 = tpu.vector_load %arg7[%swap3A_590, %swap3A_591] {strides = array<i32>} : memref<2x4096xf32, #tpu.memory_space<vmem>>, vector<16xf32>,
      tpu.vector_store %arg7[%swap3A_590, %swap3A_591], %gather3A_588 {strides = array<i32>} : memref<2x4096xf32, #tpu.memory_space<vmem>>, vector<16xf32>,
    }
    %scan3A_73 = arith.constant 64 : i32
    %dma_start3A_74 = arith.constant 1 : i32
    %dma_start3A_75 = arith.constant 0 : i32
    %dma_start3A_76 = tpu.memref_slice %arg7[%dma_start3A_74, %dma_start3A_75] : memref<2x4096xf32, #tpu.memory_space<vmem>> -> memref<1x4096xf32, #tpu.memory_space<vmem>>
    %dma_start3A_77 = tpu.memref_squeeze %dma_start3A_76 : memref<1x4096xf32, #tpu.memory_space<vmem>> -> memref<4096xf32, #tpu.memory_space<vmem>>
    %dma_start3A_78 = tpu.memref_slice %arg4[%add3A_47] : memref<1048576xf32, #tpu.memory_space<hbm>> -> memref<4096xf32, #tpu.memory_space<hbm>>
    %dma_start3A_79 = tpu.memref_slice %arg4[%add3A_47] : memref<1048576xf32, #tpu.memory_space<hbm>> -> memref<4096xf32, #tpu.memory_space<hbm>>
    %dma_start3A_80 = arith.constant 0 : i32
    %dma_start3A_81 = tpu.memref_slice %arg7[%dma_start3A_74, %dma_start3A_80] : memref<2x4096xf32, #tpu.memory_space<vmem>> -> memref<1x4096xf32, #tpu.memory_space<vmem>>
    %dma_start3A_82 = tpu.memref_squeeze %dma_start3A_81 : memref<1x4096xf32, #tpu.memory_space<vmem>> -> memref<4096xf32, #tpu.memory_space<vmem>>
    tpu.enqueue_dma source(%dma_start3A_82 : memref<4096xf32, #tpu.memory_space<vmem>>) target(%dma_start3A_79 : memref<4096xf32, #tpu.memory_space<hbm>>) target_semaphore(%arg10 : memref<!tpu.dma_semaphore, #tpu.memory_space<semaphore_mem>>)
    %add3A_83 = arith.constant 8192 : i32
    %add3A_84 = arith.addi %mul3A_2, %add3A_83 : i32
    %add3A_85 = arith.constant 4096 : i32
    %add3A_86 = arith.addi %add3A_84, %add3A_85 : i32
    %dma_start3A_87 = arith.constant 1 : i32
    %dma_start3A_88 = arith.constant 0 : i32
    %dma_start3A_89 = tpu.memref_slice %arg6[%dma_start3A_87, %dma_start3A_88] : memref<2x4096xi32, #tpu.memory_space<vmem>> -> memref<1x4096xi32, #tpu.memory_space<vmem>>
    %dma_start3A_90 = tpu.memref_squeeze %dma_start3A_89 : memref<1x4096xi32, #tpu.memory_space<vmem>> -> memref<4096xi32, #tpu.memory_space<vmem>>
    %dma_start3A_91 = tpu.memref_slice %arg2[%add3A_86] : memref<1048576xi32, #tpu.memory_space<hbm>> -> memref<4096xi32, #tpu.memory_space<hbm>>
    %dma_start3A_92 = arith.constant 0 : i32
    %dma_start3A_93 = tpu.memref_slice %arg6[%dma_start3A_87, %dma_start3A_92] : memref<2x4096xi32, #tpu.memory_space<vmem>> -> memref<1x4096xi32, #tpu.memory_space<vmem>>
    %dma_start3A_94 = tpu.memref_squeeze %dma_start3A_93 : memref<1x4096xi32, #tpu.memory_space<vmem>> -> memref<4096xi32, #tpu.memory_space<vmem>>
    %dma_start3A_95 = tpu.memref_slice %arg2[%add3A_86] : memref<1048576xi32, #tpu.memory_space<hbm>> -> memref<4096xi32, #tpu.memory_space<hbm>>
    tpu.enqueue_dma source(%dma_start3A_95 : memref<4096xi32, #tpu.memory_space<hbm>>) target(%dma_start3A_94 : memref<4096xi32, #tpu.memory_space<vmem>>) target_semaphore(%arg9 : memref<!tpu.dma_semaphore, #tpu.memory_space<semaphore_mem>>)
    %dma_wait3A_96 = arith.constant 0 : i32
    %dma_wait3A_97 = arith.constant 0 : i32
    %dma_wait3A_98 = tpu.memref_slice %arg6[%dma_wait3A_96, %dma_wait3A_97] : memref<2x4096xi32, #tpu.memory_space<vmem>> -> memref<1x4096xi32, #tpu.memory_space<vmem>>
    %dma_wait3A_99 = tpu.memref_squeeze %dma_wait3A_98 : memref<1x4096xi32, #tpu.memory_space<vmem>> -> memref<4096xi32, #tpu.memory_space<vmem>>
    %dma_wait3A_100 = tpu.memref_slice %arg2[%add3A_84] : memref<1048576xi32, #tpu.memory_space<hbm>> -> memref<4096xi32, #tpu.memory_space<hbm>>
    %dma_wait3A_101 = arith.constant 0 : i32
    %dma_wait3A_102 = tpu.memref_slice %arg6[%dma_wait3A_96, %dma_wait3A_101] : memref<2x4096xi32, #tpu.memory_space<vmem>> -> memref<1x4096xi32, #tpu.memory_space<vmem>>
    %dma_wait3A_103 = tpu.memref_squeeze %dma_wait3A_102 : memref<1x4096xi32, #tpu.memory_space<vmem>> -> memref<4096xi32, #tpu.memory_space<vmem>>
    %dma_wait3A_104 = tpu.memref_slice %arg2[%add3A_84] : memref<1048576xi32, #tpu.memory_space<hbm>> -> memref<4096xi32, #tpu.memory_space<hbm>>
    tpu.wait_dma2 semaphore(%arg9 : memref<!tpu.dma_semaphore, #tpu.memory_space<semaphore_mem>>) src(%dma_wait3A_104 : memref<4096xi32, #tpu.memory_space<hbm>>) dst(%dma_wait3A_103 : memref<4096xi32, #tpu.memory_space<vmem>>)
    %sub3A = arith.constant 8192 : i32
    %sub3A_105 = arith.subi %add3A_84, %sub3A : i32
    %dma_wait3A_106 = arith.constant 0 : i32
    %dma_wait3A_107 = arith.constant 0 : i32
    %dma_wait3A_108 = tpu.memref_slice %arg7[%dma_wait3A_106, %dma_wait3A_107] : memref<2x4096xf32, #tpu.memory_space<vmem>> -> memref<1x4096xf32, #tpu.memory_space<vmem>>
    %dma_wait3A_109 = tpu.memref_squeeze %dma_wait3A_108 : memref<1x4096xf32, #tpu.memory_space<vmem>> -> memref<4096xf32, #tpu.memory_space<vmem>>
    %dma_wait3A_110 = tpu.memref_slice %arg4[%sub3A_105] : memref<1048576xf32, #tpu.memory_space<hbm>> -> memref<4096xf32, #tpu.memory_space<hbm>>
    %dma_wait3A_111 = tpu.memref_slice %arg4[%sub3A_105] : memref<1048576xf32, #tpu.memory_space<hbm>> -> memref<4096xf32, #tpu.memory_space<hbm>>
    %dma_wait3A_112 = arith.constant 0 : i32
    %dma_wait3A_113 = tpu.memref_slice %arg7[%dma_wait3A_106, %dma_wait3A_112] : memref<2x4096xf32, #tpu.memory_space<vmem>> -> memref<1x4096xf32, #tpu.memory_space<vmem>>
    %dma_wait3A_114 = tpu.memref_squeeze %dma_wait3A_113 : memref<1x4096xf32, #tpu.memory_space<vmem>> -> memref<4096xf32, #tpu.memory_space<vmem>>
    tpu.wait_dma2 semaphore(%arg10 : memref<!tpu.dma_semaphore, #tpu.memory_space<semaphore_mem>>) src(%dma_wait3A_114 : memref<4096xf32, #tpu.memory_space<vmem>>) dst(%dma_wait3A_111 : memref<4096xf32, #tpu.memory_space<hbm>>)
    %scan3A_115 = arith.constant 0 : i32
    %scan3A_116 = arith.constant 0 : i32
    %scan3A_117 = arith.constant 64 : i32
    %scan3A_118 = arith.addi %scan3A_116, %scan3A_117 : i32
    %scan3A_119 = arith.constant 4 : i32
    scf.for %scan3A_381 = %scan3A_116 to %scan3A_118 step %scan3A_119  : i32 {
      %mul3A_382 = arith.constant 64 : i32
      %mul3A_383 = arith.muli %scan3A_381, %mul3A_382 : i32
      %add3A_384 = arith.constant 0 : i32
      %add3A_385 = arith.addi %mul3A_383, %add3A_384 : i32
      %get3A = arith.constant 0 : i32
      %get3A_386 = arith.index_cast %get3A : i32 to index
      %get3A_387 = arith.index_cast %add3A_385 : i32 to index
      %get3A_388 = tpu.vector_load %arg6[%get3A_386, %get3A_387] {strides = array<i32>} : memref<2x4096xi32, #tpu.memory_space<vmem>>, vector<16xi32>,
      %gather3A = tpu.vector_load_idx %arg5[%get3A_388] : memref<100000xf32, #tpu.memory_space<vmem>>[vector<16xi32>], vector<16xf32>,
      %swap3A = arith.constant 0 : i32
      %swap3A_389 = arith.index_cast %swap3A : i32 to index
      %swap3A_390 = arith.index_cast %add3A_385 : i32 to index
      %swap3A_391 = tpu.vector_load %arg7[%swap3A_389, %swap3A_390] {strides = array<i32>} : memref<2x4096xf32, #tpu.memory_space<vmem>>, vector<16xf32>,
      tpu.vector_store %arg7[%swap3A_389, %swap3A_390], %gather3A {strides = array<i32>} : memref<2x4096xf32, #tpu.memory_space<vmem>>, vector<16xf32>,
      %mul3A_392 = arith.constant 64 : i32
      %mul3A_393 = arith.muli %scan3A_381, %mul3A_392 : i32
      %add3A_394 = arith.constant 16 : i32
      %add3A_395 = arith.addi %mul3A_393, %add3A_394 : i32
      %get3A_396 = arith.constant 0 : i32
      %get3A_397 = arith.index_cast %get3A_396 : i32 to index
      %get3A_398 = arith.index_cast %add3A_395 : i32 to index
      %get3A_399 = tpu.vector_load %arg6[%get3A_397, %get3A_398] {strides = array<i32>} : memref<2x4096xi32, #tpu.memory_space<vmem>>, vector<16xi32>,
      %gather3A_400 = tpu.vector_load_idx %arg5[%get3A_399] : memref<100000xf32, #tpu.memory_space<vmem>>[vector<16xi32>], vector<16xf32>,
      %swap3A_401 = arith.constant 0 : i32
      %swap3A_402 = arith.index_cast %swap3A_401 : i32 to index
      %swap3A_403 = arith.index_cast %add3A_395 : i32 to index
      %swap3A_404 = tpu.vector_load %arg7[%swap3A_402, %swap3A_403] {strides = array<i32>} : memref<2x4096xf32, #tpu.memory_space<vmem>>, vector<16xf32>,
      tpu.vector_store %arg7[%swap3A_402, %swap3A_403], %gather3A_400 {strides = array<i32>} : memref<2x4096xf32, #tpu.memory_space<vmem>>, vector<16xf32>,
      %mul3A_405 = arith.constant 64 : i32
      %mul3A_406 = arith.muli %scan3A_381, %mul3A_405 : i32
      %add3A_407 = arith.constant 32 : i32
      %add3A_408 = arith.addi %mul3A_406, %add3A_407 : i32
      %get3A_409 = arith.constant 0 : i32
      %get3A_410 = arith.index_cast %get3A_409 : i32 to index
      %get3A_411 = arith.index_cast %add3A_408 : i32 to index
      %get3A_412 = tpu.vector_load %arg6[%get3A_410, %get3A_411] {strides = array<i32>} : memref<2x4096xi32, #tpu.memory_space<vmem>>, vector<16xi32>,
      %gather3A_413 = tpu.vector_load_idx %arg5[%get3A_412] : memref<100000xf32, #tpu.memory_space<vmem>>[vector<16xi32>], vector<16xf32>,
      %swap3A_414 = arith.constant 0 : i32
      %swap3A_415 = arith.index_cast %swap3A_414 : i32 to index
      %swap3A_416 = arith.index_cast %add3A_408 : i32 to index
      %swap3A_417 = tpu.vector_load %arg7[%swap3A_415, %swap3A_416] {strides = array<i32>} : memref<2x4096xf32, #tpu.memory_space<vmem>>, vector<16xf32>,
      tpu.vector_store %arg7[%swap3A_415, %swap3A_416], %gather3A_413 {strides = array<i32>} : memref<2x4096xf32, #tpu.memory_space<vmem>>, vector<16xf32>,
      %mul3A_418 = arith.constant 64 : i32
      %mul3A_419 = arith.muli %scan3A_381, %mul3A_418 : i32
      %add3A_420 = arith.constant 48 : i32
      %add3A_421 = arith.addi %mul3A_419, %add3A_420 : i32
      %get3A_422 = arith.constant 0 : i32
      %get3A_423 = arith.index_cast %get3A_422 : i32 to index
      %get3A_424 = arith.index_cast %add3A_421 : i32 to index
      %get3A_425 = tpu.vector_load %arg6[%get3A_423, %get3A_424] {strides = array<i32>} : memref<2x4096xi32, #tpu.memory_space<vmem>>, vector<16xi32>,
      %gather3A_426 = tpu.vector_load_idx %arg5[%get3A_425] : memref<100000xf32, #tpu.memory_space<vmem>>[vector<16xi32>], vector<16xf32>,
      %swap3A_427 = arith.constant 0 : i32
      %swap3A_428 = arith.index_cast %swap3A_427 : i32 to index
      %swap3A_429 = arith.index_cast %add3A_421 : i32 to index
      %swap3A_430 = tpu.vector_load %arg7[%swap3A_428, %swap3A_429] {strides = array<i32>} : memref<2x4096xf32, #tpu.memory_space<vmem>>, vector<16xf32>,
      tpu.vector_store %arg7[%swap3A_428, %swap3A_429], %gather3A_426 {strides = array<i32>} : memref<2x4096xf32, #tpu.memory_space<vmem>>, vector<16xf32>,
      %scan3A_431 = arith.constant 1 : i32
      %scan3A_432 = arith.addi %scan3A_381, %scan3A_431 : i32
      %mul3A_433 = arith.constant 64 : i32
      %mul3A_434 = arith.muli %scan3A_432, %mul3A_433 : i32
      %add3A_435 = arith.constant 0 : i32
      %add3A_436 = arith.addi %mul3A_434, %add3A_435 : i32
      %get3A_437 = arith.constant 0 : i32
      %get3A_438 = arith.index_cast %get3A_437 : i32 to index
      %get3A_439 = arith.index_cast %add3A_436 : i32 to index
      %get3A_440 = tpu.vector_load %arg6[%get3A_438, %get3A_439] {strides = array<i32>} : memref<2x4096xi32, #tpu.memory_space<vmem>>, vector<16xi32>,
      %gather3A_441 = tpu.vector_load_idx %arg5[%get3A_440] : memref<100000xf32, #tpu.memory_space<vmem>>[vector<16xi32>], vector<16xf32>,
      %swap3A_442 = arith.constant 0 : i32
      %swap3A_443 = arith.index_cast %swap3A_442 : i32 to index
      %swap3A_444 = arith.index_cast %add3A_436 : i32 to index
      %swap3A_445 = tpu.vector_load %arg7[%swap3A_443, %swap3A_444] {strides = array<i32>} : memref<2x4096xf32, #tpu.memory_space<vmem>>, vector<16xf32>,
      tpu.vector_store %arg7[%swap3A_443, %swap3A_444], %gather3A_441 {strides = array<i32>} : memref<2x4096xf32, #tpu.memory_space<vmem>>, vector<16xf32>,
      %mul3A_446 = arith.constant 64 : i32
      %mul3A_447 = arith.muli %scan3A_432, %mul3A_446 : i32
      %add3A_448 = arith.constant 16 : i32
      %add3A_449 = arith.addi %mul3A_447, %add3A_448 : i32
      %get3A_450 = arith.constant 0 : i32
      %get3A_451 = arith.index_cast %get3A_450 : i32 to index
      %get3A_452 = arith.index_cast %add3A_449 : i32 to index
      %get3A_453 = tpu.vector_load %arg6[%get3A_451, %get3A_452] {strides = array<i32>} : memref<2x4096xi32, #tpu.memory_space<vmem>>, vector<16xi32>,
      %gather3A_454 = tpu.vector_load_idx %arg5[%get3A_453] : memref<100000xf32, #tpu.memory_space<vmem>>[vector<16xi32>], vector<16xf32>,
      %swap3A_455 = arith.constant 0 : i32
      %swap3A_456 = arith.index_cast %swap3A_455 : i32 to index
      %swap3A_457 = arith.index_cast %add3A_449 : i32 to index
      %swap3A_458 = tpu.vector_load %arg7[%swap3A_456, %swap3A_457] {strides = array<i32>} : memref<2x4096xf32, #tpu.memory_space<vmem>>, vector<16xf32>,
      tpu.vector_store %arg7[%swap3A_456, %swap3A_457], %gather3A_454 {strides = array<i32>} : memref<2x4096xf32, #tpu.memory_space<vmem>>, vector<16xf32>,
      %mul3A_459 = arith.constant 64 : i32
      %mul3A_460 = arith.muli %scan3A_432, %mul3A_459 : i32
      %add3A_461 = arith.constant 32 : i32
      %add3A_462 = arith.addi %mul3A_460, %add3A_461 : i32
      %get3A_463 = arith.constant 0 : i32
      %get3A_464 = arith.index_cast %get3A_463 : i32 to index
      %get3A_465 = arith.index_cast %add3A_462 : i32 to index
      %get3A_466 = tpu.vector_load %arg6[%get3A_464, %get3A_465] {strides = array<i32>} : memref<2x4096xi32, #tpu.memory_space<vmem>>, vector<16xi32>,
      %gather3A_467 = tpu.vector_load_idx %arg5[%get3A_466] : memref<100000xf32, #tpu.memory_space<vmem>>[vector<16xi32>], vector<16xf32>,
      %swap3A_468 = arith.constant 0 : i32
      %swap3A_469 = arith.index_cast %swap3A_468 : i32 to index
      %swap3A_470 = arith.index_cast %add3A_462 : i32 to index
      %swap3A_471 = tpu.vector_load %arg7[%swap3A_469, %swap3A_470] {strides = array<i32>} : memref<2x4096xf32, #tpu.memory_space<vmem>>, vector<16xf32>,
      tpu.vector_store %arg7[%swap3A_469, %swap3A_470], %gather3A_467 {strides = array<i32>} : memref<2x4096xf32, #tpu.memory_space<vmem>>, vector<16xf32>,
      %mul3A_472 = arith.constant 64 : i32
      %mul3A_473 = arith.muli %scan3A_432, %mul3A_472 : i32
      %add3A_474 = arith.constant 48 : i32
      %add3A_475 = arith.addi %mul3A_473, %add3A_474 : i32
      %get3A_476 = arith.constant 0 : i32
      %get3A_477 = arith.index_cast %get3A_476 : i32 to index
      %get3A_478 = arith.index_cast %add3A_475 : i32 to index
      %get3A_479 = tpu.vector_load %arg6[%get3A_477, %get3A_478] {strides = array<i32>} : memref<2x4096xi32, #tpu.memory_space<vmem>>, vector<16xi32>,
      %gather3A_480 = tpu.vector_load_idx %arg5[%get3A_479] : memref<100000xf32, #tpu.memory_space<vmem>>[vector<16xi32>], vector<16xf32>,
      %swap3A_481 = arith.constant 0 : i32
      %swap3A_482 = arith.index_cast %swap3A_481 : i32 to index
      %swap3A_483 = arith.index_cast %add3A_475 : i32 to index
      %swap3A_484 = tpu.vector_load %arg7[%swap3A_482, %swap3A_483] {strides = array<i32>} : memref<2x4096xf32, #tpu.memory_space<vmem>>, vector<16xf32>,
      tpu.vector_store %arg7[%swap3A_482, %swap3A_483], %gather3A_480 {strides = array<i32>} : memref<2x4096xf32, #tpu.memory_space<vmem>>, vector<16xf32>,
      %scan3A_485 = arith.constant 2 : i32
      %scan3A_486 = arith.addi %scan3A_381, %scan3A_485 : i32
      %mul3A_487 = arith.constant 64 : i32
      %mul3A_488 = arith.muli %scan3A_486, %mul3A_487 : i32
      %add3A_489 = arith.constant 0 : i32
      %add3A_490 = arith.addi %mul3A_488, %add3A_489 : i32
      %get3A_491 = arith.constant 0 : i32
      %get3A_492 = arith.index_cast %get3A_491 : i32 to index
      %get3A_493 = arith.index_cast %add3A_490 : i32 to index
      %get3A_494 = tpu.vector_load %arg6[%get3A_492, %get3A_493] {strides = array<i32>} : memref<2x4096xi32, #tpu.memory_space<vmem>>, vector<16xi32>,
      %gather3A_495 = tpu.vector_load_idx %arg5[%get3A_494] : memref<100000xf32, #tpu.memory_space<vmem>>[vector<16xi32>], vector<16xf32>,
      %swap3A_496 = arith.constant 0 : i32
      %swap3A_497 = arith.index_cast %swap3A_496 : i32 to index
      %swap3A_498 = arith.index_cast %add3A_490 : i32 to index
      %swap3A_499 = tpu.vector_load %arg7[%swap3A_497, %swap3A_498] {strides = array<i32>} : memref<2x4096xf32, #tpu.memory_space<vmem>>, vector<16xf32>,
      tpu.vector_store %arg7[%swap3A_497, %swap3A_498], %gather3A_495 {strides = array<i32>} : memref<2x4096xf32, #tpu.memory_space<vmem>>, vector<16xf32>,
      %mul3A_500 = arith.constant 64 : i32
      %mul3A_501 = arith.muli %scan3A_486, %mul3A_500 : i32
      %add3A_502 = arith.constant 16 : i32
      %add3A_503 = arith.addi %mul3A_501, %add3A_502 : i32
      %get3A_504 = arith.constant 0 : i32
      %get3A_505 = arith.index_cast %get3A_504 : i32 to index
      %get3A_506 = arith.index_cast %add3A_503 : i32 to index
      %get3A_507 = tpu.vector_load %arg6[%get3A_505, %get3A_506] {strides = array<i32>} : memref<2x4096xi32, #tpu.memory_space<vmem>>, vector<16xi32>,
      %gather3A_508 = tpu.vector_load_idx %arg5[%get3A_507] : memref<100000xf32, #tpu.memory_space<vmem>>[vector<16xi32>], vector<16xf32>,
      %swap3A_509 = arith.constant 0 : i32
      %swap3A_510 = arith.index_cast %swap3A_509 : i32 to index
      %swap3A_511 = arith.index_cast %add3A_503 : i32 to index
      %swap3A_512 = tpu.vector_load %arg7[%swap3A_510, %swap3A_511] {strides = array<i32>} : memref<2x4096xf32, #tpu.memory_space<vmem>>, vector<16xf32>,
      tpu.vector_store %arg7[%swap3A_510, %swap3A_511], %gather3A_508 {strides = array<i32>} : memref<2x4096xf32, #tpu.memory_space<vmem>>, vector<16xf32>,
      %mul3A_513 = arith.constant 64 : i32
      %mul3A_514 = arith.muli %scan3A_486, %mul3A_513 : i32
      %add3A_515 = arith.constant 32 : i32
      %add3A_516 = arith.addi %mul3A_514, %add3A_515 : i32
      %get3A_517 = arith.constant 0 : i32
      %get3A_518 = arith.index_cast %get3A_517 : i32 to index
      %get3A_519 = arith.index_cast %add3A_516 : i32 to index
      %get3A_520 = tpu.vector_load %arg6[%get3A_518, %get3A_519] {strides = array<i32>} : memref<2x4096xi32, #tpu.memory_space<vmem>>, vector<16xi32>,
      %gather3A_521 = tpu.vector_load_idx %arg5[%get3A_520] : memref<100000xf32, #tpu.memory_space<vmem>>[vector<16xi32>], vector<16xf32>,
      %swap3A_522 = arith.constant 0 : i32
      %swap3A_523 = arith.index_cast %swap3A_522 : i32 to index
      %swap3A_524 = arith.index_cast %add3A_516 : i32 to index
      %swap3A_525 = tpu.vector_load %arg7[%swap3A_523, %swap3A_524] {strides = array<i32>} : memref<2x4096xf32, #tpu.memory_space<vmem>>, vector<16xf32>,
      tpu.vector_store %arg7[%swap3A_523, %swap3A_524], %gather3A_521 {strides = array<i32>} : memref<2x4096xf32, #tpu.memory_space<vmem>>, vector<16xf32>,
      %mul3A_526 = arith.constant 64 : i32
      %mul3A_527 = arith.muli %scan3A_486, %mul3A_526 : i32
      %add3A_528 = arith.constant 48 : i32
      %add3A_529 = arith.addi %mul3A_527, %add3A_528 : i32
      %get3A_530 = arith.constant 0 : i32
      %get3A_531 = arith.index_cast %get3A_530 : i32 to index
      %get3A_532 = arith.index_cast %add3A_529 : i32 to index
      %get3A_533 = tpu.vector_load %arg6[%get3A_531, %get3A_532] {strides = array<i32>} : memref<2x4096xi32, #tpu.memory_space<vmem>>, vector<16xi32>,
      %gather3A_534 = tpu.vector_load_idx %arg5[%get3A_533] : memref<100000xf32, #tpu.memory_space<vmem>>[vector<16xi32>], vector<16xf32>,
      %swap3A_535 = arith.constant 0 : i32
      %swap3A_536 = arith.index_cast %swap3A_535 : i32 to index
      %swap3A_537 = arith.index_cast %add3A_529 : i32 to index
      %swap3A_538 = tpu.vector_load %arg7[%swap3A_536, %swap3A_537] {strides = array<i32>} : memref<2x4096xf32, #tpu.memory_space<vmem>>, vector<16xf32>,
      tpu.vector_store %arg7[%swap3A_536, %swap3A_537], %gather3A_534 {strides = array<i32>} : memref<2x4096xf32, #tpu.memory_space<vmem>>, vector<16xf32>,
      %scan3A_539 = arith.constant 3 : i32
      %scan3A_540 = arith.addi %scan3A_381, %scan3A_539 : i32
      %mul3A_541 = arith.constant 64 : i32
      %mul3A_542 = arith.muli %scan3A_540, %mul3A_541 : i32
      %add3A_543 = arith.constant 0 : i32
      %add3A_544 = arith.addi %mul3A_542, %add3A_543 : i32
      %get3A_545 = arith.constant 0 : i32
      %get3A_546 = arith.index_cast %get3A_545 : i32 to index
      %get3A_547 = arith.index_cast %add3A_544 : i32 to index
      %get3A_548 = tpu.vector_load %arg6[%get3A_546, %get3A_547] {strides = array<i32>} : memref<2x4096xi32, #tpu.memory_space<vmem>>, vector<16xi32>,
      %gather3A_549 = tpu.vector_load_idx %arg5[%get3A_548] : memref<100000xf32, #tpu.memory_space<vmem>>[vector<16xi32>], vector<16xf32>,
      %swap3A_550 = arith.constant 0 : i32
      %swap3A_551 = arith.index_cast %swap3A_550 : i32 to index
      %swap3A_552 = arith.index_cast %add3A_544 : i32 to index
      %swap3A_553 = tpu.vector_load %arg7[%swap3A_551, %swap3A_552] {strides = array<i32>} : memref<2x4096xf32, #tpu.memory_space<vmem>>, vector<16xf32>,
      tpu.vector_store %arg7[%swap3A_551, %swap3A_552], %gather3A_549 {strides = array<i32>} : memref<2x4096xf32, #tpu.memory_space<vmem>>, vector<16xf32>,
      %mul3A_554 = arith.constant 64 : i32
      %mul3A_555 = arith.muli %scan3A_540, %mul3A_554 : i32
      %add3A_556 = arith.constant 16 : i32
      %add3A_557 = arith.addi %mul3A_555, %add3A_556 : i32
      %get3A_558 = arith.constant 0 : i32
      %get3A_559 = arith.index_cast %get3A_558 : i32 to index
      %get3A_560 = arith.index_cast %add3A_557 : i32 to index
      %get3A_561 = tpu.vector_load %arg6[%get3A_559, %get3A_560] {strides = array<i32>} : memref<2x4096xi32, #tpu.memory_space<vmem>>, vector<16xi32>,
      %gather3A_562 = tpu.vector_load_idx %arg5[%get3A_561] : memref<100000xf32, #tpu.memory_space<vmem>>[vector<16xi32>], vector<16xf32>,
      %swap3A_563 = arith.constant 0 : i32
      %swap3A_564 = arith.index_cast %swap3A_563 : i32 to index
      %swap3A_565 = arith.index_cast %add3A_557 : i32 to index
      %swap3A_566 = tpu.vector_load %arg7[%swap3A_564, %swap3A_565] {strides = array<i32>} : memref<2x4096xf32, #tpu.memory_space<vmem>>, vector<16xf32>,
      tpu.vector_store %arg7[%swap3A_564, %swap3A_565], %gather3A_562 {strides = array<i32>} : memref<2x4096xf32, #tpu.memory_space<vmem>>, vector<16xf32>,
      %mul3A_567 = arith.constant 64 : i32
      %mul3A_568 = arith.muli %scan3A_540, %mul3A_567 : i32
      %add3A_569 = arith.constant 32 : i32
      %add3A_570 = arith.addi %mul3A_568, %add3A_569 : i32
      %get3A_571 = arith.constant 0 : i32
      %get3A_572 = arith.index_cast %get3A_571 : i32 to index
      %get3A_573 = arith.index_cast %add3A_570 : i32 to index
      %get3A_574 = tpu.vector_load %arg6[%get3A_572, %get3A_573] {strides = array<i32>} : memref<2x4096xi32, #tpu.memory_space<vmem>>, vector<16xi32>,
      %gather3A_575 = tpu.vector_load_idx %arg5[%get3A_574] : memref<100000xf32, #tpu.memory_space<vmem>>[vector<16xi32>], vector<16xf32>,
      %swap3A_576 = arith.constant 0 : i32
      %swap3A_577 = arith.index_cast %swap3A_576 : i32 to index
      %swap3A_578 = arith.index_cast %add3A_570 : i32 to index
      %swap3A_579 = tpu.vector_load %arg7[%swap3A_577, %swap3A_578] {strides = array<i32>} : memref<2x4096xf32, #tpu.memory_space<vmem>>, vector<16xf32>,
      tpu.vector_store %arg7[%swap3A_577, %swap3A_578], %gather3A_575 {strides = array<i32>} : memref<2x4096xf32, #tpu.memory_space<vmem>>, vector<16xf32>,
      %mul3A_580 = arith.constant 64 : i32
      %mul3A_581 = arith.muli %scan3A_540, %mul3A_580 : i32
      %add3A_582 = arith.constant 48 : i32
      %add3A_583 = arith.addi %mul3A_581, %add3A_582 : i32
      %get3A_584 = arith.constant 0 : i32
      %get3A_585 = arith.index_cast %get3A_584 : i32 to index
      %get3A_586 = arith.index_cast %add3A_583 : i32 to index
      %get3A_587 = tpu.vector_load %arg6[%get3A_585, %get3A_586] {strides = array<i32>} : memref<2x4096xi32, #tpu.memory_space<vmem>>, vector<16xi32>,
      %gather3A_588 = tpu.vector_load_idx %arg5[%get3A_587] : memref<100000xf32, #tpu.memory_space<vmem>>[vector<16xi32>], vector<16xf32>,
      %swap3A_589 = arith.constant 0 : i32
      %swap3A_590 = arith.index_cast %swap3A_589 : i32 to index
      %swap3A_591 = arith.index_cast %add3A_583 : i32 to index
      %swap3A_592 = tpu.vector_load %arg7[%swap3A_590, %swap3A_591] {strides = array<i32>} : memref<2x4096xf32, #tpu.memory_space<vmem>>, vector<16xf32>,
      tpu.vector_store %arg7[%swap3A_590, %swap3A_591], %gather3A_588 {strides = array<i32>} : memref<2x4096xf32, #tpu.memory_space<vmem>>, vector<16xf32>,
    }
    %scan3A_120 = arith.constant 64 : i32
    %dma_start3A_121 = arith.constant 0 : i32
    %dma_start3A_122 = arith.constant 0 : i32
    %dma_start3A_123 = tpu.memref_slice %arg7[%dma_start3A_121, %dma_start3A_122] : memref<2x4096xf32, #tpu.memory_space<vmem>> -> memref<1x4096xf32, #tpu.memory_space<vmem>>
    %dma_start3A_124 = tpu.memref_squeeze %dma_start3A_123 : memref<1x4096xf32, #tpu.memory_space<vmem>> -> memref<4096xf32, #tpu.memory_space<vmem>>
    %dma_start3A_125 = tpu.memref_slice %arg4[%add3A_84] : memref<1048576xf32, #tpu.memory_space<hbm>> -> memref<4096xf32, #tpu.memory_space<hbm>>
    %dma_start3A_126 = tpu.memref_slice %arg4[%add3A_84] : memref<1048576xf32, #tpu.memory_space<hbm>> -> memref<4096xf32, #tpu.memory_space<hbm>>
    %dma_start3A_127 = arith.constant 0 : i32
    %dma_start3A_128 = tpu.memref_slice %arg7[%dma_start3A_121, %dma_start3A_127] : memref<2x4096xf32, #tpu.memory_space<vmem>> -> memref<1x4096xf32, #tpu.memory_space<vmem>>
    %dma_start3A_129 = tpu.memref_squeeze %dma_start3A_128 : memref<1x4096xf32, #tpu.memory_space<vmem>> -> memref<4096xf32, #tpu.memory_space<vmem>>
    tpu.enqueue_dma source(%dma_start3A_129 : memref<4096xf32, #tpu.memory_space<vmem>>) target(%dma_start3A_126 : memref<4096xf32, #tpu.memory_space<hbm>>) target_semaphore(%arg10 : memref<!tpu.dma_semaphore, #tpu.memory_space<semaphore_mem>>)
    %add3A_130 = arith.constant 12288 : i32
    %add3A_131 = arith.addi %mul3A_2, %add3A_130 : i32
    %add3A_132 = arith.constant 4096 : i32
    %add3A_133 = arith.addi %add3A_131, %add3A_132 : i32
    %dma_start3A_134 = arith.constant 0 : i32
    %dma_start3A_135 = arith.constant 0 : i32
    %dma_start3A_136 = tpu.memref_slice %arg6[%dma_start3A_134, %dma_start3A_135] : memref<2x4096xi32, #tpu.memory_space<vmem>> -> memref<1x4096xi32, #tpu.memory_space<vmem>>
    %dma_start3A_137 = tpu.memref_squeeze %dma_start3A_136 : memref<1x4096xi32, #tpu.memory_space<vmem>> -> memref<4096xi32, #tpu.memory_space<vmem>>
    %dma_start3A_138 = tpu.memref_slice %arg2[%add3A_133] : memref<1048576xi32, #tpu.memory_space<hbm>> -> memref<4096xi32, #tpu.memory_space<hbm>>
    %dma_start3A_139 = arith.constant 0 : i32
    %dma_start3A_140 = tpu.memref_slice %arg6[%dma_start3A_134, %dma_start3A_139] : memref<2x4096xi32, #tpu.memory_space<vmem>> -> memref<1x4096xi32, #tpu.memory_space<vmem>>
    %dma_start3A_141 = tpu.memref_squeeze %dma_start3A_140 : memref<1x4096xi32, #tpu.memory_space<vmem>> -> memref<4096xi32, #tpu.memory_space<vmem>>
    %dma_start3A_142 = tpu.memref_slice %arg2[%add3A_133] : memref<1048576xi32, #tpu.memory_space<hbm>> -> memref<4096xi32, #tpu.memory_space<hbm>>
    tpu.enqueue_dma source(%dma_start3A_142 : memref<4096xi32, #tpu.memory_space<hbm>>) target(%dma_start3A_141 : memref<4096xi32, #tpu.memory_space<vmem>>) target_semaphore(%arg9 : memref<!tpu.dma_semaphore, #tpu.memory_space<semaphore_mem>>)
    %dma_wait3A_143 = arith.constant 1 : i32
    %dma_wait3A_144 = arith.constant 0 : i32
    %dma_wait3A_145 = tpu.memref_slice %arg6[%dma_wait3A_143, %dma_wait3A_144] : memref<2x4096xi32, #tpu.memory_space<vmem>> -> memref<1x4096xi32, #tpu.memory_space<vmem>>
    %dma_wait3A_146 = tpu.memref_squeeze %dma_wait3A_145 : memref<1x4096xi32, #tpu.memory_space<vmem>> -> memref<4096xi32, #tpu.memory_space<vmem>>
    %dma_wait3A_147 = tpu.memref_slice %arg2[%add3A_131] : memref<1048576xi32, #tpu.memory_space<hbm>> -> memref<4096xi32, #tpu.memory_space<hbm>>
    %dma_wait3A_148 = arith.constant 0 : i32
    %dma_wait3A_149 = tpu.memref_slice %arg6[%dma_wait3A_143, %dma_wait3A_148] : memref<2x4096xi32, #tpu.memory_space<vmem>> -> memref<1x4096xi32, #tpu.memory_space<vmem>>
    %dma_wait3A_150 = tpu.memref_squeeze %dma_wait3A_149 : memref<1x4096xi32, #tpu.memory_space<vmem>> -> memref<4096xi32, #tpu.memory_space<vmem>>
    %dma_wait3A_151 = tpu.memref_slice %arg2[%add3A_131] : memref<1048576xi32, #tpu.memory_space<hbm>> -> memref<4096xi32, #tpu.memory_space<hbm>>
    tpu.wait_dma2 semaphore(%arg9 : memref<!tpu.dma_semaphore, #tpu.memory_space<semaphore_mem>>) src(%dma_wait3A_151 : memref<4096xi32, #tpu.memory_space<hbm>>) dst(%dma_wait3A_150 : memref<4096xi32, #tpu.memory_space<vmem>>)
    %sub3A_152 = arith.constant 8192 : i32
    %sub3A_153 = arith.subi %add3A_131, %sub3A_152 : i32
    %dma_wait3A_154 = arith.constant 1 : i32
    %dma_wait3A_155 = arith.constant 0 : i32
    %dma_wait3A_156 = tpu.memref_slice %arg7[%dma_wait3A_154, %dma_wait3A_155] : memref<2x4096xf32, #tpu.memory_space<vmem>> -> memref<1x4096xf32, #tpu.memory_space<vmem>>
    %dma_wait3A_157 = tpu.memref_squeeze %dma_wait3A_156 : memref<1x4096xf32, #tpu.memory_space<vmem>> -> memref<4096xf32, #tpu.memory_space<vmem>>
    %dma_wait3A_158 = tpu.memref_slice %arg4[%sub3A_153] : memref<1048576xf32, #tpu.memory_space<hbm>> -> memref<4096xf32, #tpu.memory_space<hbm>>
    %dma_wait3A_159 = tpu.memref_slice %arg4[%sub3A_153] : memref<1048576xf32, #tpu.memory_space<hbm>> -> memref<4096xf32, #tpu.memory_space<hbm>>
    %dma_wait3A_160 = arith.constant 0 : i32
    %dma_wait3A_161 = tpu.memref_slice %arg7[%dma_wait3A_154, %dma_wait3A_160] : memref<2x4096xf32, #tpu.memory_space<vmem>> -> memref<1x4096xf32, #tpu.memory_space<vmem>>
    %dma_wait3A_162 = tpu.memref_squeeze %dma_wait3A_161 : memref<1x4096xf32, #tpu.memory_space<vmem>> -> memref<4096xf32, #tpu.memory_space<vmem>>
    tpu.wait_dma2 semaphore(%arg10 : memref<!tpu.dma_semaphore, #tpu.memory_space<semaphore_mem>>) src(%dma_wait3A_162 : memref<4096xf32, #tpu.memory_space<vmem>>) dst(%dma_wait3A_159 : memref<4096xf32, #tpu.memory_space<hbm>>)
    %scan3A_163 = arith.constant 0 : i32
    %scan3A_164 = arith.constant 0 : i32
    %scan3A_165 = arith.constant 64 : i32
    %scan3A_166 = arith.addi %scan3A_164, %scan3A_165 : i32
    %scan3A_167 = arith.constant 4 : i32
    scf.for %scan3A_381 = %scan3A_164 to %scan3A_166 step %scan3A_167  : i32 {
      %mul3A_382 = arith.constant 64 : i32
      %mul3A_383 = arith.muli %scan3A_381, %mul3A_382 : i32
      %add3A_384 = arith.constant 0 : i32
      %add3A_385 = arith.addi %mul3A_383, %add3A_384 : i32
      %get3A = arith.constant 1 : i32
      %get3A_386 = arith.index_cast %get3A : i32 to index
      %get3A_387 = arith.index_cast %add3A_385 : i32 to index
      %get3A_388 = tpu.vector_load %arg6[%get3A_386, %get3A_387] {strides = array<i32>} : memref<2x4096xi32, #tpu.memory_space<vmem>>, vector<16xi32>,
      %gather3A = tpu.vector_load_idx %arg5[%get3A_388] : memref<100000xf32, #tpu.memory_space<vmem>>[vector<16xi32>], vector<16xf32>,
      %swap3A = arith.constant 1 : i32
      %swap3A_389 = arith.index_cast %swap3A : i32 to index
      %swap3A_390 = arith.index_cast %add3A_385 : i32 to index
      %swap3A_391 = tpu.vector_load %arg7[%swap3A_389, %swap3A_390] {strides = array<i32>} : memref<2x4096xf32, #tpu.memory_space<vmem>>, vector<16xf32>,
      tpu.vector_store %arg7[%swap3A_389, %swap3A_390], %gather3A {strides = array<i32>} : memref<2x4096xf32, #tpu.memory_space<vmem>>, vector<16xf32>,
      %mul3A_392 = arith.constant 64 : i32
      %mul3A_393 = arith.muli %scan3A_381, %mul3A_392 : i32
      %add3A_394 = arith.constant 16 : i32
      %add3A_395 = arith.addi %mul3A_393, %add3A_394 : i32
      %get3A_396 = arith.constant 1 : i32
      %get3A_397 = arith.index_cast %get3A_396 : i32 to index
      %get3A_398 = arith.index_cast %add3A_395 : i32 to index
      %get3A_399 = tpu.vector_load %arg6[%get3A_397, %get3A_398] {strides = array<i32>} : memref<2x4096xi32, #tpu.memory_space<vmem>>, vector<16xi32>,
      %gather3A_400 = tpu.vector_load_idx %arg5[%get3A_399] : memref<100000xf32, #tpu.memory_space<vmem>>[vector<16xi32>], vector<16xf32>,
      %swap3A_401 = arith.constant 1 : i32
      %swap3A_402 = arith.index_cast %swap3A_401 : i32 to index
      %swap3A_403 = arith.index_cast %add3A_395 : i32 to index
      %swap3A_404 = tpu.vector_load %arg7[%swap3A_402, %swap3A_403] {strides = array<i32>} : memref<2x4096xf32, #tpu.memory_space<vmem>>, vector<16xf32>,
      tpu.vector_store %arg7[%swap3A_402, %swap3A_403], %gather3A_400 {strides = array<i32>} : memref<2x4096xf32, #tpu.memory_space<vmem>>, vector<16xf32>,
      %mul3A_405 = arith.constant 64 : i32
      %mul3A_406 = arith.muli %scan3A_381, %mul3A_405 : i32
      %add3A_407 = arith.constant 32 : i32
      %add3A_408 = arith.addi %mul3A_406, %add3A_407 : i32
      %get3A_409 = arith.constant 1 : i32
      %get3A_410 = arith.index_cast %get3A_409 : i32 to index
      %get3A_411 = arith.index_cast %add3A_408 : i32 to index
      %get3A_412 = tpu.vector_load %arg6[%get3A_410, %get3A_411] {strides = array<i32>} : memref<2x4096xi32, #tpu.memory_space<vmem>>, vector<16xi32>,
      %gather3A_413 = tpu.vector_load_idx %arg5[%get3A_412] : memref<100000xf32, #tpu.memory_space<vmem>>[vector<16xi32>], vector<16xf32>,
      %swap3A_414 = arith.constant 1 : i32
      %swap3A_415 = arith.index_cast %swap3A_414 : i32 to index
      %swap3A_416 = arith.index_cast %add3A_408 : i32 to index
      %swap3A_417 = tpu.vector_load %arg7[%swap3A_415, %swap3A_416] {strides = array<i32>} : memref<2x4096xf32, #tpu.memory_space<vmem>>, vector<16xf32>,
      tpu.vector_store %arg7[%swap3A_415, %swap3A_416], %gather3A_413 {strides = array<i32>} : memref<2x4096xf32, #tpu.memory_space<vmem>>, vector<16xf32>,
      %mul3A_418 = arith.constant 64 : i32
      %mul3A_419 = arith.muli %scan3A_381, %mul3A_418 : i32
      %add3A_420 = arith.constant 48 : i32
      %add3A_421 = arith.addi %mul3A_419, %add3A_420 : i32
      %get3A_422 = arith.constant 1 : i32
      %get3A_423 = arith.index_cast %get3A_422 : i32 to index
      %get3A_424 = arith.index_cast %add3A_421 : i32 to index
      %get3A_425 = tpu.vector_load %arg6[%get3A_423, %get3A_424] {strides = array<i32>} : memref<2x4096xi32, #tpu.memory_space<vmem>>, vector<16xi32>,
      %gather3A_426 = tpu.vector_load_idx %arg5[%get3A_425] : memref<100000xf32, #tpu.memory_space<vmem>>[vector<16xi32>], vector<16xf32>,
      %swap3A_427 = arith.constant 1 : i32
      %swap3A_428 = arith.index_cast %swap3A_427 : i32 to index
      %swap3A_429 = arith.index_cast %add3A_421 : i32 to index
      %swap3A_430 = tpu.vector_load %arg7[%swap3A_428, %swap3A_429] {strides = array<i32>} : memref<2x4096xf32, #tpu.memory_space<vmem>>, vector<16xf32>,
      tpu.vector_store %arg7[%swap3A_428, %swap3A_429], %gather3A_426 {strides = array<i32>} : memref<2x4096xf32, #tpu.memory_space<vmem>>, vector<16xf32>,
      %scan3A_431 = arith.constant 1 : i32
      %scan3A_432 = arith.addi %scan3A_381, %scan3A_431 : i32
      %mul3A_433 = arith.constant 64 : i32
      %mul3A_434 = arith.muli %scan3A_432, %mul3A_433 : i32
      %add3A_435 = arith.constant 0 : i32
      %add3A_436 = arith.addi %mul3A_434, %add3A_435 : i32
      %get3A_437 = arith.constant 1 : i32
      %get3A_438 = arith.index_cast %get3A_437 : i32 to index
      %get3A_439 = arith.index_cast %add3A_436 : i32 to index
      %get3A_440 = tpu.vector_load %arg6[%get3A_438, %get3A_439] {strides = array<i32>} : memref<2x4096xi32, #tpu.memory_space<vmem>>, vector<16xi32>,
      %gather3A_441 = tpu.vector_load_idx %arg5[%get3A_440] : memref<100000xf32, #tpu.memory_space<vmem>>[vector<16xi32>], vector<16xf32>,
      %swap3A_442 = arith.constant 1 : i32
      %swap3A_443 = arith.index_cast %swap3A_442 : i32 to index
      %swap3A_444 = arith.index_cast %add3A_436 : i32 to index
      %swap3A_445 = tpu.vector_load %arg7[%swap3A_443, %swap3A_444] {strides = array<i32>} : memref<2x4096xf32, #tpu.memory_space<vmem>>, vector<16xf32>,
      tpu.vector_store %arg7[%swap3A_443, %swap3A_444], %gather3A_441 {strides = array<i32>} : memref<2x4096xf32, #tpu.memory_space<vmem>>, vector<16xf32>,
      %mul3A_446 = arith.constant 64 : i32
      %mul3A_447 = arith.muli %scan3A_432, %mul3A_446 : i32
      %add3A_448 = arith.constant 16 : i32
      %add3A_449 = arith.addi %mul3A_447, %add3A_448 : i32
      %get3A_450 = arith.constant 1 : i32
      %get3A_451 = arith.index_cast %get3A_450 : i32 to index
      %get3A_452 = arith.index_cast %add3A_449 : i32 to index
      %get3A_453 = tpu.vector_load %arg6[%get3A_451, %get3A_452] {strides = array<i32>} : memref<2x4096xi32, #tpu.memory_space<vmem>>, vector<16xi32>,
      %gather3A_454 = tpu.vector_load_idx %arg5[%get3A_453] : memref<100000xf32, #tpu.memory_space<vmem>>[vector<16xi32>], vector<16xf32>,
      %swap3A_455 = arith.constant 1 : i32
      %swap3A_456 = arith.index_cast %swap3A_455 : i32 to index
      %swap3A_457 = arith.index_cast %add3A_449 : i32 to index
      %swap3A_458 = tpu.vector_load %arg7[%swap3A_456, %swap3A_457] {strides = array<i32>} : memref<2x4096xf32, #tpu.memory_space<vmem>>, vector<16xf32>,
      tpu.vector_store %arg7[%swap3A_456, %swap3A_457], %gather3A_454 {strides = array<i32>} : memref<2x4096xf32, #tpu.memory_space<vmem>>, vector<16xf32>,
      %mul3A_459 = arith.constant 64 : i32
      %mul3A_460 = arith.muli %scan3A_432, %mul3A_459 : i32
      %add3A_461 = arith.constant 32 : i32
      %add3A_462 = arith.addi %mul3A_460, %add3A_461 : i32
      %get3A_463 = arith.constant 1 : i32
      %get3A_464 = arith.index_cast %get3A_463 : i32 to index
      %get3A_465 = arith.index_cast %add3A_462 : i32 to index
      %get3A_466 = tpu.vector_load %arg6[%get3A_464, %get3A_465] {strides = array<i32>} : memref<2x4096xi32, #tpu.memory_space<vmem>>, vector<16xi32>,
      %gather3A_467 = tpu.vector_load_idx %arg5[%get3A_466] : memref<100000xf32, #tpu.memory_space<vmem>>[vector<16xi32>], vector<16xf32>,
      %swap3A_468 = arith.constant 1 : i32
      %swap3A_469 = arith.index_cast %swap3A_468 : i32 to index
      %swap3A_470 = arith.index_cast %add3A_462 : i32 to index
      %swap3A_471 = tpu.vector_load %arg7[%swap3A_469, %swap3A_470] {strides = array<i32>} : memref<2x4096xf32, #tpu.memory_space<vmem>>, vector<16xf32>,
      tpu.vector_store %arg7[%swap3A_469, %swap3A_470], %gather3A_467 {strides = array<i32>} : memref<2x4096xf32, #tpu.memory_space<vmem>>, vector<16xf32>,
      %mul3A_472 = arith.constant 64 : i32
      %mul3A_473 = arith.muli %scan3A_432, %mul3A_472 : i32
      %add3A_474 = arith.constant 48 : i32
      %add3A_475 = arith.addi %mul3A_473, %add3A_474 : i32
      %get3A_476 = arith.constant 1 : i32
      %get3A_477 = arith.index_cast %get3A_476 : i32 to index
      %get3A_478 = arith.index_cast %add3A_475 : i32 to index
      %get3A_479 = tpu.vector_load %arg6[%get3A_477, %get3A_478] {strides = array<i32>} : memref<2x4096xi32, #tpu.memory_space<vmem>>, vector<16xi32>,
      %gather3A_480 = tpu.vector_load_idx %arg5[%get3A_479] : memref<100000xf32, #tpu.memory_space<vmem>>[vector<16xi32>], vector<16xf32>,
      %swap3A_481 = arith.constant 1 : i32
      %swap3A_482 = arith.index_cast %swap3A_481 : i32 to index
      %swap3A_483 = arith.index_cast %add3A_475 : i32 to index
      %swap3A_484 = tpu.vector_load %arg7[%swap3A_482, %swap3A_483] {strides = array<i32>} : memref<2x4096xf32, #tpu.memory_space<vmem>>, vector<16xf32>,
      tpu.vector_store %arg7[%swap3A_482, %swap3A_483], %gather3A_480 {strides = array<i32>} : memref<2x4096xf32, #tpu.memory_space<vmem>>, vector<16xf32>,
      %scan3A_485 = arith.constant 2 : i32
      %scan3A_486 = arith.addi %scan3A_381, %scan3A_485 : i32
      %mul3A_487 = arith.constant 64 : i32
      %mul3A_488 = arith.muli %scan3A_486, %mul3A_487 : i32
      %add3A_489 = arith.constant 0 : i32
      %add3A_490 = arith.addi %mul3A_488, %add3A_489 : i32
      %get3A_491 = arith.constant 1 : i32
      %get3A_492 = arith.index_cast %get3A_491 : i32 to index
      %get3A_493 = arith.index_cast %add3A_490 : i32 to index
      %get3A_494 = tpu.vector_load %arg6[%get3A_492, %get3A_493] {strides = array<i32>} : memref<2x4096xi32, #tpu.memory_space<vmem>>, vector<16xi32>,
      %gather3A_495 = tpu.vector_load_idx %arg5[%get3A_494] : memref<100000xf32, #tpu.memory_space<vmem>>[vector<16xi32>], vector<16xf32>,
      %swap3A_496 = arith.constant 1 : i32
      %swap3A_497 = arith.index_cast %swap3A_496 : i32 to index
      %swap3A_498 = arith.index_cast %add3A_490 : i32 to index
      %swap3A_499 = tpu.vector_load %arg7[%swap3A_497, %swap3A_498] {strides = array<i32>} : memref<2x4096xf32, #tpu.memory_space<vmem>>, vector<16xf32>,
      tpu.vector_store %arg7[%swap3A_497, %swap3A_498], %gather3A_495 {strides = array<i32>} : memref<2x4096xf32, #tpu.memory_space<vmem>>, vector<16xf32>,
      %mul3A_500 = arith.constant 64 : i32
      %mul3A_501 = arith.muli %scan3A_486, %mul3A_500 : i32
      %add3A_502 = arith.constant 16 : i32
      %add3A_503 = arith.addi %mul3A_501, %add3A_502 : i32
      %get3A_504 = arith.constant 1 : i32
      %get3A_505 = arith.index_cast %get3A_504 : i32 to index
      %get3A_506 = arith.index_cast %add3A_503 : i32 to index
      %get3A_507 = tpu.vector_load %arg6[%get3A_505, %get3A_506] {strides = array<i32>} : memref<2x4096xi32, #tpu.memory_space<vmem>>, vector<16xi32>,
      %gather3A_508 = tpu.vector_load_idx %arg5[%get3A_507] : memref<100000xf32, #tpu.memory_space<vmem>>[vector<16xi32>], vector<16xf32>,
      %swap3A_509 = arith.constant 1 : i32
      %swap3A_510 = arith.index_cast %swap3A_509 : i32 to index
      %swap3A_511 = arith.index_cast %add3A_503 : i32 to index
      %swap3A_512 = tpu.vector_load %arg7[%swap3A_510, %swap3A_511] {strides = array<i32>} : memref<2x4096xf32, #tpu.memory_space<vmem>>, vector<16xf32>,
      tpu.vector_store %arg7[%swap3A_510, %swap3A_511], %gather3A_508 {strides = array<i32>} : memref<2x4096xf32, #tpu.memory_space<vmem>>, vector<16xf32>,
      %mul3A_513 = arith.constant 64 : i32
      %mul3A_514 = arith.muli %scan3A_486, %mul3A_513 : i32
      %add3A_515 = arith.constant 32 : i32
      %add3A_516 = arith.addi %mul3A_514, %add3A_515 : i32
      %get3A_517 = arith.constant 1 : i32
      %get3A_518 = arith.index_cast %get3A_517 : i32 to index
      %get3A_519 = arith.index_cast %add3A_516 : i32 to index
      %get3A_520 = tpu.vector_load %arg6[%get3A_518, %get3A_519] {strides = array<i32>} : memref<2x4096xi32, #tpu.memory_space<vmem>>, vector<16xi32>,
      %gather3A_521 = tpu.vector_load_idx %arg5[%get3A_520] : memref<100000xf32, #tpu.memory_space<vmem>>[vector<16xi32>], vector<16xf32>,
      %swap3A_522 = arith.constant 1 : i32
      %swap3A_523 = arith.index_cast %swap3A_522 : i32 to index
      %swap3A_524 = arith.index_cast %add3A_516 : i32 to index
      %swap3A_525 = tpu.vector_load %arg7[%swap3A_523, %swap3A_524] {strides = array<i32>} : memref<2x4096xf32, #tpu.memory_space<vmem>>, vector<16xf32>,
      tpu.vector_store %arg7[%swap3A_523, %swap3A_524], %gather3A_521 {strides = array<i32>} : memref<2x4096xf32, #tpu.memory_space<vmem>>, vector<16xf32>,
      %mul3A_526 = arith.constant 64 : i32
      %mul3A_527 = arith.muli %scan3A_486, %mul3A_526 : i32
      %add3A_528 = arith.constant 48 : i32
      %add3A_529 = arith.addi %mul3A_527, %add3A_528 : i32
      %get3A_530 = arith.constant 1 : i32
      %get3A_531 = arith.index_cast %get3A_530 : i32 to index
      %get3A_532 = arith.index_cast %add3A_529 : i32 to index
      %get3A_533 = tpu.vector_load %arg6[%get3A_531, %get3A_532] {strides = array<i32>} : memref<2x4096xi32, #tpu.memory_space<vmem>>, vector<16xi32>,
      %gather3A_534 = tpu.vector_load_idx %arg5[%get3A_533] : memref<100000xf32, #tpu.memory_space<vmem>>[vector<16xi32>], vector<16xf32>,
      %swap3A_535 = arith.constant 1 : i32
      %swap3A_536 = arith.index_cast %swap3A_535 : i32 to index
      %swap3A_537 = arith.index_cast %add3A_529 : i32 to index
      %swap3A_538 = tpu.vector_load %arg7[%swap3A_536, %swap3A_537] {strides = array<i32>} : memref<2x4096xf32, #tpu.memory_space<vmem>>, vector<16xf32>,
      tpu.vector_store %arg7[%swap3A_536, %swap3A_537], %gather3A_534 {strides = array<i32>} : memref<2x4096xf32, #tpu.memory_space<vmem>>, vector<16xf32>,
      %scan3A_539 = arith.constant 3 : i32
      %scan3A_540 = arith.addi %scan3A_381, %scan3A_539 : i32
      %mul3A_541 = arith.constant 64 : i32
      %mul3A_542 = arith.muli %scan3A_540, %mul3A_541 : i32
      %add3A_543 = arith.constant 0 : i32
      %add3A_544 = arith.addi %mul3A_542, %add3A_543 : i32
      %get3A_545 = arith.constant 1 : i32
      %get3A_546 = arith.index_cast %get3A_545 : i32 to index
      %get3A_547 = arith.index_cast %add3A_544 : i32 to index
      %get3A_548 = tpu.vector_load %arg6[%get3A_546, %get3A_547] {strides = array<i32>} : memref<2x4096xi32, #tpu.memory_space<vmem>>, vector<16xi32>,
      %gather3A_549 = tpu.vector_load_idx %arg5[%get3A_548] : memref<100000xf32, #tpu.memory_space<vmem>>[vector<16xi32>], vector<16xf32>,
      %swap3A_550 = arith.constant 1 : i32
      %swap3A_551 = arith.index_cast %swap3A_550 : i32 to index
      %swap3A_552 = arith.index_cast %add3A_544 : i32 to index
      %swap3A_553 = tpu.vector_load %arg7[%swap3A_551, %swap3A_552] {strides = array<i32>} : memref<2x4096xf32, #tpu.memory_space<vmem>>, vector<16xf32>,
      tpu.vector_store %arg7[%swap3A_551, %swap3A_552], %gather3A_549 {strides = array<i32>} : memref<2x4096xf32, #tpu.memory_space<vmem>>, vector<16xf32>,
      %mul3A_554 = arith.constant 64 : i32
      %mul3A_555 = arith.muli %scan3A_540, %mul3A_554 : i32
      %add3A_556 = arith.constant 16 : i32
      %add3A_557 = arith.addi %mul3A_555, %add3A_556 : i32
      %get3A_558 = arith.constant 1 : i32
      %get3A_559 = arith.index_cast %get3A_558 : i32 to index
      %get3A_560 = arith.index_cast %add3A_557 : i32 to index
      %get3A_561 = tpu.vector_load %arg6[%get3A_559, %get3A_560] {strides = array<i32>} : memref<2x4096xi32, #tpu.memory_space<vmem>>, vector<16xi32>,
      %gather3A_562 = tpu.vector_load_idx %arg5[%get3A_561] : memref<100000xf32, #tpu.memory_space<vmem>>[vector<16xi32>], vector<16xf32>,
      %swap3A_563 = arith.constant 1 : i32
      %swap3A_564 = arith.index_cast %swap3A_563 : i32 to index
      %swap3A_565 = arith.index_cast %add3A_557 : i32 to index
      %swap3A_566 = tpu.vector_load %arg7[%swap3A_564, %swap3A_565] {strides = array<i32>} : memref<2x4096xf32, #tpu.memory_space<vmem>>, vector<16xf32>,
      tpu.vector_store %arg7[%swap3A_564, %swap3A_565], %gather3A_562 {strides = array<i32>} : memref<2x4096xf32, #tpu.memory_space<vmem>>, vector<16xf32>,
      %mul3A_567 = arith.constant 64 : i32
      %mul3A_568 = arith.muli %scan3A_540, %mul3A_567 : i32
      %add3A_569 = arith.constant 32 : i32
      %add3A_570 = arith.addi %mul3A_568, %add3A_569 : i32
      %get3A_571 = arith.constant 1 : i32
      %get3A_572 = arith.index_cast %get3A_571 : i32 to index
      %get3A_573 = arith.index_cast %add3A_570 : i32 to index
      %get3A_574 = tpu.vector_load %arg6[%get3A_572, %get3A_573] {strides = array<i32>} : memref<2x4096xi32, #tpu.memory_space<vmem>>, vector<16xi32>,
      %gather3A_575 = tpu.vector_load_idx %arg5[%get3A_574] : memref<100000xf32, #tpu.memory_space<vmem>>[vector<16xi32>], vector<16xf32>,
      %swap3A_576 = arith.constant 1 : i32
      %swap3A_577 = arith.index_cast %swap3A_576 : i32 to index
      %swap3A_578 = arith.index_cast %add3A_570 : i32 to index
      %swap3A_579 = tpu.vector_load %arg7[%swap3A_577, %swap3A_578] {strides = array<i32>} : memref<2x4096xf32, #tpu.memory_space<vmem>>, vector<16xf32>,
      tpu.vector_store %arg7[%swap3A_577, %swap3A_578], %gather3A_575 {strides = array<i32>} : memref<2x4096xf32, #tpu.memory_space<vmem>>, vector<16xf32>,
      %mul3A_580 = arith.constant 64 : i32
      %mul3A_581 = arith.muli %scan3A_540, %mul3A_580 : i32
      %add3A_582 = arith.constant 48 : i32
      %add3A_583 = arith.addi %mul3A_581, %add3A_582 : i32
      %get3A_584 = arith.constant 1 : i32
      %get3A_585 = arith.index_cast %get3A_584 : i32 to index
      %get3A_586 = arith.index_cast %add3A_583 : i32 to index
      %get3A_587 = tpu.vector_load %arg6[%get3A_585, %get3A_586] {strides = array<i32>} : memref<2x4096xi32, #tpu.memory_space<vmem>>, vector<16xi32>,
      %gather3A_588 = tpu.vector_load_idx %arg5[%get3A_587] : memref<100000xf32, #tpu.memory_space<vmem>>[vector<16xi32>], vector<16xf32>,
      %swap3A_589 = arith.constant 1 : i32
      %swap3A_590 = arith.index_cast %swap3A_589 : i32 to index
      %swap3A_591 = arith.index_cast %add3A_583 : i32 to index
      %swap3A_592 = tpu.vector_load %arg7[%swap3A_590, %swap3A_591] {strides = array<i32>} : memref<2x4096xf32, #tpu.memory_space<vmem>>, vector<16xf32>,
      tpu.vector_store %arg7[%swap3A_590, %swap3A_591], %gather3A_588 {strides = array<i32>} : memref<2x4096xf32, #tpu.memory_space<vmem>>, vector<16xf32>,
    }
    %scan3A_168 = arith.constant 64 : i32
    %dma_start3A_169 = arith.constant 1 : i32
    %dma_start3A_170 = arith.constant 0 : i32
    %dma_start3A_171 = tpu.memref_slice %arg7[%dma_start3A_169, %dma_start3A_170] : memref<2x4096xf32, #tpu.memory_space<vmem>> -> memref<1x4096xf32, #tpu.memory_space<vmem>>
    %dma_start3A_172 = tpu.memref_squeeze %dma_start3A_171 : memref<1x4096xf32, #tpu.memory_space<vmem>> -> memref<4096xf32, #tpu.memory_space<vmem>>
    %dma_start3A_173 = tpu.memref_slice %arg4[%add3A_131] : memref<1048576xf32, #tpu.memory_space<hbm>> -> memref<4096xf32, #tpu.memory_space<hbm>>
    %dma_start3A_174 = tpu.memref_slice %arg4[%add3A_131] : memref<1048576xf32, #tpu.memory_space<hbm>> -> memref<4096xf32, #tpu.memory_space<hbm>>
    %dma_start3A_175 = arith.constant 0 : i32
    %dma_start3A_176 = tpu.memref_slice %arg7[%dma_start3A_169, %dma_start3A_175] : memref<2x4096xf32, #tpu.memory_space<vmem>> -> memref<1x4096xf32, #tpu.memory_space<vmem>>
    %dma_start3A_177 = tpu.memref_squeeze %dma_start3A_176 : memref<1x4096xf32, #tpu.memory_space<vmem>> -> memref<4096xf32, #tpu.memory_space<vmem>>
    tpu.enqueue_dma source(%dma_start3A_177 : memref<4096xf32, #tpu.memory_space<vmem>>) target(%dma_start3A_174 : memref<4096xf32, #tpu.memory_space<hbm>>) target_semaphore(%arg10 : memref<!tpu.dma_semaphore, #tpu.memory_space<semaphore_mem>>)
    %add3A_178 = arith.constant 16384 : i32
    %add3A_179 = arith.addi %mul3A_2, %add3A_178 : i32
    %add3A_180 = arith.constant 4096 : i32
    %add3A_181 = arith.addi %add3A_179, %add3A_180 : i32
    %dma_start3A_182 = arith.constant 1 : i32
    %dma_start3A_183 = arith.constant 0 : i32
    %dma_start3A_184 = tpu.memref_slice %arg6[%dma_start3A_182, %dma_start3A_183] : memref<2x4096xi32, #tpu.memory_space<vmem>> -> memref<1x4096xi32, #tpu.memory_space<vmem>>
    %dma_start3A_185 = tpu.memref_squeeze %dma_start3A_184 : memref<1x4096xi32, #tpu.memory_space<vmem>> -> memref<4096xi32, #tpu.memory_space<vmem>>
    %dma_start3A_186 = tpu.memref_slice %arg2[%add3A_181] : memref<1048576xi32, #tpu.memory_space<hbm>> -> memref<4096xi32, #tpu.memory_space<hbm>>
    %dma_start3A_187 = arith.constant 0 : i32
    %dma_start3A_188 = tpu.memref_slice %arg6[%dma_start3A_182, %dma_start3A_187] : memref<2x4096xi32, #tpu.memory_space<vmem>> -> memref<1x4096xi32, #tpu.memory_space<vmem>>
    %dma_start3A_189 = tpu.memref_squeeze %dma_start3A_188 : memref<1x4096xi32, #tpu.memory_space<vmem>> -> memref<4096xi32, #tpu.memory_space<vmem>>
    %dma_start3A_190 = tpu.memref_slice %arg2[%add3A_181] : memref<1048576xi32, #tpu.memory_space<hbm>> -> memref<4096xi32, #tpu.memory_space<hbm>>
    tpu.enqueue_dma source(%dma_start3A_190 : memref<4096xi32, #tpu.memory_space<hbm>>) target(%dma_start3A_189 : memref<4096xi32, #tpu.memory_space<vmem>>) target_semaphore(%arg9 : memref<!tpu.dma_semaphore, #tpu.memory_space<semaphore_mem>>)
    %dma_wait3A_191 = arith.constant 0 : i32
    %dma_wait3A_192 = arith.constant 0 : i32
    %dma_wait3A_193 = tpu.memref_slice %arg6[%dma_wait3A_191, %dma_wait3A_192] : memref<2x4096xi32, #tpu.memory_space<vmem>> -> memref<1x4096xi32, #tpu.memory_space<vmem>>
    %dma_wait3A_194 = tpu.memref_squeeze %dma_wait3A_193 : memref<1x4096xi32, #tpu.memory_space<vmem>> -> memref<4096xi32, #tpu.memory_space<vmem>>
    %dma_wait3A_195 = tpu.memref_slice %arg2[%add3A_179] : memref<1048576xi32, #tpu.memory_space<hbm>> -> memref<4096xi32, #tpu.memory_space<hbm>>
    %dma_wait3A_196 = arith.constant 0 : i32
    %dma_wait3A_197 = tpu.memref_slice %arg6[%dma_wait3A_191, %dma_wait3A_196] : memref<2x4096xi32, #tpu.memory_space<vmem>> -> memref<1x4096xi32, #tpu.memory_space<vmem>>
    %dma_wait3A_198 = tpu.memref_squeeze %dma_wait3A_197 : memref<1x4096xi32, #tpu.memory_space<vmem>> -> memref<4096xi32, #tpu.memory_space<vmem>>
    %dma_wait3A_199 = tpu.memref_slice %arg2[%add3A_179] : memref<1048576xi32, #tpu.memory_space<hbm>> -> memref<4096xi32, #tpu.memory_space<hbm>>
    tpu.wait_dma2 semaphore(%arg9 : memref<!tpu.dma_semaphore, #tpu.memory_space<semaphore_mem>>) src(%dma_wait3A_199 : memref<4096xi32, #tpu.memory_space<hbm>>) dst(%dma_wait3A_198 : memref<4096xi32, #tpu.memory_space<vmem>>)
    %sub3A_200 = arith.constant 8192 : i32
    %sub3A_201 = arith.subi %add3A_179, %sub3A_200 : i32
    %dma_wait3A_202 = arith.constant 0 : i32
    %dma_wait3A_203 = arith.constant 0 : i32
    %dma_wait3A_204 = tpu.memref_slice %arg7[%dma_wait3A_202, %dma_wait3A_203] : memref<2x4096xf32, #tpu.memory_space<vmem>> -> memref<1x4096xf32, #tpu.memory_space<vmem>>
    %dma_wait3A_205 = tpu.memref_squeeze %dma_wait3A_204 : memref<1x4096xf32, #tpu.memory_space<vmem>> -> memref<4096xf32, #tpu.memory_space<vmem>>
    %dma_wait3A_206 = tpu.memref_slice %arg4[%sub3A_201] : memref<1048576xf32, #tpu.memory_space<hbm>> -> memref<4096xf32, #tpu.memory_space<hbm>>
    %dma_wait3A_207 = tpu.memref_slice %arg4[%sub3A_201] : memref<1048576xf32, #tpu.memory_space<hbm>> -> memref<4096xf32, #tpu.memory_space<hbm>>
    %dma_wait3A_208 = arith.constant 0 : i32
    %dma_wait3A_209 = tpu.memref_slice %arg7[%dma_wait3A_202, %dma_wait3A_208] : memref<2x4096xf32, #tpu.memory_space<vmem>> -> memref<1x4096xf32, #tpu.memory_space<vmem>>
    %dma_wait3A_210 = tpu.memref_squeeze %dma_wait3A_209 : memref<1x4096xf32, #tpu.memory_space<vmem>> -> memref<4096xf32, #tpu.memory_space<vmem>>
    tpu.wait_dma2 semaphore(%arg10 : memref<!tpu.dma_semaphore, #tpu.memory_space<semaphore_mem>>) src(%dma_wait3A_210 : memref<4096xf32, #tpu.memory_space<vmem>>) dst(%dma_wait3A_207 : memref<4096xf32, #tpu.memory_space<hbm>>)
    %scan3A_211 = arith.constant 0 : i32
    %scan3A_212 = arith.constant 0 : i32
    %scan3A_213 = arith.constant 64 : i32
    %scan3A_214 = arith.addi %scan3A_212, %scan3A_213 : i32
    %scan3A_215 = arith.constant 4 : i32
    scf.for %scan3A_381 = %scan3A_212 to %scan3A_214 step %scan3A_215  : i32 {
      %mul3A_382 = arith.constant 64 : i32
      %mul3A_383 = arith.muli %scan3A_381, %mul3A_382 : i32
      %add3A_384 = arith.constant 0 : i32
      %add3A_385 = arith.addi %mul3A_383, %add3A_384 : i32
      %get3A = arith.constant 0 : i32
      %get3A_386 = arith.index_cast %get3A : i32 to index
      %get3A_387 = arith.index_cast %add3A_385 : i32 to index
      %get3A_388 = tpu.vector_load %arg6[%get3A_386, %get3A_387] {strides = array<i32>} : memref<2x4096xi32, #tpu.memory_space<vmem>>, vector<16xi32>,
      %gather3A = tpu.vector_load_idx %arg5[%get3A_388] : memref<100000xf32, #tpu.memory_space<vmem>>[vector<16xi32>], vector<16xf32>,
      %swap3A = arith.constant 0 : i32
      %swap3A_389 = arith.index_cast %swap3A : i32 to index
      %swap3A_390 = arith.index_cast %add3A_385 : i32 to index
      %swap3A_391 = tpu.vector_load %arg7[%swap3A_389, %swap3A_390] {strides = array<i32>} : memref<2x4096xf32, #tpu.memory_space<vmem>>, vector<16xf32>,
      tpu.vector_store %arg7[%swap3A_389, %swap3A_390], %gather3A {strides = array<i32>} : memref<2x4096xf32, #tpu.memory_space<vmem>>, vector<16xf32>,
      %mul3A_392 = arith.constant 64 : i32
      %mul3A_393 = arith.muli %scan3A_381, %mul3A_392 : i32
      %add3A_394 = arith.constant 16 : i32
      %add3A_395 = arith.addi %mul3A_393, %add3A_394 : i32
      %get3A_396 = arith.constant 0 : i32
      %get3A_397 = arith.index_cast %get3A_396 : i32 to index
      %get3A_398 = arith.index_cast %add3A_395 : i32 to index
      %get3A_399 = tpu.vector_load %arg6[%get3A_397, %get3A_398] {strides = array<i32>} : memref<2x4096xi32, #tpu.memory_space<vmem>>, vector<16xi32>,
      %gather3A_400 = tpu.vector_load_idx %arg5[%get3A_399] : memref<100000xf32, #tpu.memory_space<vmem>>[vector<16xi32>], vector<16xf32>,
      %swap3A_401 = arith.constant 0 : i32
      %swap3A_402 = arith.index_cast %swap3A_401 : i32 to index
      %swap3A_403 = arith.index_cast %add3A_395 : i32 to index
      %swap3A_404 = tpu.vector_load %arg7[%swap3A_402, %swap3A_403] {strides = array<i32>} : memref<2x4096xf32, #tpu.memory_space<vmem>>, vector<16xf32>,
      tpu.vector_store %arg7[%swap3A_402, %swap3A_403], %gather3A_400 {strides = array<i32>} : memref<2x4096xf32, #tpu.memory_space<vmem>>, vector<16xf32>,
      %mul3A_405 = arith.constant 64 : i32
      %mul3A_406 = arith.muli %scan3A_381, %mul3A_405 : i32
      %add3A_407 = arith.constant 32 : i32
      %add3A_408 = arith.addi %mul3A_406, %add3A_407 : i32
      %get3A_409 = arith.constant 0 : i32
      %get3A_410 = arith.index_cast %get3A_409 : i32 to index
      %get3A_411 = arith.index_cast %add3A_408 : i32 to index
      %get3A_412 = tpu.vector_load %arg6[%get3A_410, %get3A_411] {strides = array<i32>} : memref<2x4096xi32, #tpu.memory_space<vmem>>, vector<16xi32>,
      %gather3A_413 = tpu.vector_load_idx %arg5[%get3A_412] : memref<100000xf32, #tpu.memory_space<vmem>>[vector<16xi32>], vector<16xf32>,
      %swap3A_414 = arith.constant 0 : i32
      %swap3A_415 = arith.index_cast %swap3A_414 : i32 to index
      %swap3A_416 = arith.index_cast %add3A_408 : i32 to index
      %swap3A_417 = tpu.vector_load %arg7[%swap3A_415, %swap3A_416] {strides = array<i32>} : memref<2x4096xf32, #tpu.memory_space<vmem>>, vector<16xf32>,
      tpu.vector_store %arg7[%swap3A_415, %swap3A_416], %gather3A_413 {strides = array<i32>} : memref<2x4096xf32, #tpu.memory_space<vmem>>, vector<16xf32>,
      %mul3A_418 = arith.constant 64 : i32
      %mul3A_419 = arith.muli %scan3A_381, %mul3A_418 : i32
      %add3A_420 = arith.constant 48 : i32
      %add3A_421 = arith.addi %mul3A_419, %add3A_420 : i32
      %get3A_422 = arith.constant 0 : i32
      %get3A_423 = arith.index_cast %get3A_422 : i32 to index
      %get3A_424 = arith.index_cast %add3A_421 : i32 to index
      %get3A_425 = tpu.vector_load %arg6[%get3A_423, %get3A_424] {strides = array<i32>} : memref<2x4096xi32, #tpu.memory_space<vmem>>, vector<16xi32>,
      %gather3A_426 = tpu.vector_load_idx %arg5[%get3A_425] : memref<100000xf32, #tpu.memory_space<vmem>>[vector<16xi32>], vector<16xf32>,
      %swap3A_427 = arith.constant 0 : i32
      %swap3A_428 = arith.index_cast %swap3A_427 : i32 to index
      %swap3A_429 = arith.index_cast %add3A_421 : i32 to index
      %swap3A_430 = tpu.vector_load %arg7[%swap3A_428, %swap3A_429] {strides = array<i32>} : memref<2x4096xf32, #tpu.memory_space<vmem>>, vector<16xf32>,
      tpu.vector_store %arg7[%swap3A_428, %swap3A_429], %gather3A_426 {strides = array<i32>} : memref<2x4096xf32, #tpu.memory_space<vmem>>, vector<16xf32>,
      %scan3A_431 = arith.constant 1 : i32
      %scan3A_432 = arith.addi %scan3A_381, %scan3A_431 : i32
      %mul3A_433 = arith.constant 64 : i32
      %mul3A_434 = arith.muli %scan3A_432, %mul3A_433 : i32
      %add3A_435 = arith.constant 0 : i32
      %add3A_436 = arith.addi %mul3A_434, %add3A_435 : i32
      %get3A_437 = arith.constant 0 : i32
      %get3A_438 = arith.index_cast %get3A_437 : i32 to index
      %get3A_439 = arith.index_cast %add3A_436 : i32 to index
      %get3A_440 = tpu.vector_load %arg6[%get3A_438, %get3A_439] {strides = array<i32>} : memref<2x4096xi32, #tpu.memory_space<vmem>>, vector<16xi32>,
      %gather3A_441 = tpu.vector_load_idx %arg5[%get3A_440] : memref<100000xf32, #tpu.memory_space<vmem>>[vector<16xi32>], vector<16xf32>,
      %swap3A_442 = arith.constant 0 : i32
      %swap3A_443 = arith.index_cast %swap3A_442 : i32 to index
      %swap3A_444 = arith.index_cast %add3A_436 : i32 to index
      %swap3A_445 = tpu.vector_load %arg7[%swap3A_443, %swap3A_444] {strides = array<i32>} : memref<2x4096xf32, #tpu.memory_space<vmem>>, vector<16xf32>,
      tpu.vector_store %arg7[%swap3A_443, %swap3A_444], %gather3A_441 {strides = array<i32>} : memref<2x4096xf32, #tpu.memory_space<vmem>>, vector<16xf32>,
      %mul3A_446 = arith.constant 64 : i32
      %mul3A_447 = arith.muli %scan3A_432, %mul3A_446 : i32
      %add3A_448 = arith.constant 16 : i32
      %add3A_449 = arith.addi %mul3A_447, %add3A_448 : i32
      %get3A_450 = arith.constant 0 : i32
      %get3A_451 = arith.index_cast %get3A_450 : i32 to index
      %get3A_452 = arith.index_cast %add3A_449 : i32 to index
      %get3A_453 = tpu.vector_load %arg6[%get3A_451, %get3A_452] {strides = array<i32>} : memref<2x4096xi32, #tpu.memory_space<vmem>>, vector<16xi32>,
      %gather3A_454 = tpu.vector_load_idx %arg5[%get3A_453] : memref<100000xf32, #tpu.memory_space<vmem>>[vector<16xi32>], vector<16xf32>,
      %swap3A_455 = arith.constant 0 : i32
      %swap3A_456 = arith.index_cast %swap3A_455 : i32 to index
      %swap3A_457 = arith.index_cast %add3A_449 : i32 to index
      %swap3A_458 = tpu.vector_load %arg7[%swap3A_456, %swap3A_457] {strides = array<i32>} : memref<2x4096xf32, #tpu.memory_space<vmem>>, vector<16xf32>,
      tpu.vector_store %arg7[%swap3A_456, %swap3A_457], %gather3A_454 {strides = array<i32>} : memref<2x4096xf32, #tpu.memory_space<vmem>>, vector<16xf32>,
      %mul3A_459 = arith.constant 64 : i32
      %mul3A_460 = arith.muli %scan3A_432, %mul3A_459 : i32
      %add3A_461 = arith.constant 32 : i32
      %add3A_462 = arith.addi %mul3A_460, %add3A_461 : i32
      %get3A_463 = arith.constant 0 : i32
      %get3A_464 = arith.index_cast %get3A_463 : i32 to index
      %get3A_465 = arith.index_cast %add3A_462 : i32 to index
      %get3A_466 = tpu.vector_load %arg6[%get3A_464, %get3A_465] {strides = array<i32>} : memref<2x4096xi32, #tpu.memory_space<vmem>>, vector<16xi32>,
      %gather3A_467 = tpu.vector_load_idx %arg5[%get3A_466] : memref<100000xf32, #tpu.memory_space<vmem>>[vector<16xi32>], vector<16xf32>,
      %swap3A_468 = arith.constant 0 : i32
      %swap3A_469 = arith.index_cast %swap3A_468 : i32 to index
      %swap3A_470 = arith.index_cast %add3A_462 : i32 to index
      %swap3A_471 = tpu.vector_load %arg7[%swap3A_469, %swap3A_470] {strides = array<i32>} : memref<2x4096xf32, #tpu.memory_space<vmem>>, vector<16xf32>,
      tpu.vector_store %arg7[%swap3A_469, %swap3A_470], %gather3A_467 {strides = array<i32>} : memref<2x4096xf32, #tpu.memory_space<vmem>>, vector<16xf32>,
      %mul3A_472 = arith.constant 64 : i32
      %mul3A_473 = arith.muli %scan3A_432, %mul3A_472 : i32
      %add3A_474 = arith.constant 48 : i32
      %add3A_475 = arith.addi %mul3A_473, %add3A_474 : i32
      %get3A_476 = arith.constant 0 : i32
      %get3A_477 = arith.index_cast %get3A_476 : i32 to index
      %get3A_478 = arith.index_cast %add3A_475 : i32 to index
      %get3A_479 = tpu.vector_load %arg6[%get3A_477, %get3A_478] {strides = array<i32>} : memref<2x4096xi32, #tpu.memory_space<vmem>>, vector<16xi32>,
      %gather3A_480 = tpu.vector_load_idx %arg5[%get3A_479] : memref<100000xf32, #tpu.memory_space<vmem>>[vector<16xi32>], vector<16xf32>,
      %swap3A_481 = arith.constant 0 : i32
      %swap3A_482 = arith.index_cast %swap3A_481 : i32 to index
      %swap3A_483 = arith.index_cast %add3A_475 : i32 to index
      %swap3A_484 = tpu.vector_load %arg7[%swap3A_482, %swap3A_483] {strides = array<i32>} : memref<2x4096xf32, #tpu.memory_space<vmem>>, vector<16xf32>,
      tpu.vector_store %arg7[%swap3A_482, %swap3A_483], %gather3A_480 {strides = array<i32>} : memref<2x4096xf32, #tpu.memory_space<vmem>>, vector<16xf32>,
      %scan3A_485 = arith.constant 2 : i32
      %scan3A_486 = arith.addi %scan3A_381, %scan3A_485 : i32
      %mul3A_487 = arith.constant 64 : i32
      %mul3A_488 = arith.muli %scan3A_486, %mul3A_487 : i32
      %add3A_489 = arith.constant 0 : i32
      %add3A_490 = arith.addi %mul3A_488, %add3A_489 : i32
      %get3A_491 = arith.constant 0 : i32
      %get3A_492 = arith.index_cast %get3A_491 : i32 to index
      %get3A_493 = arith.index_cast %add3A_490 : i32 to index
      %get3A_494 = tpu.vector_load %arg6[%get3A_492, %get3A_493] {strides = array<i32>} : memref<2x4096xi32, #tpu.memory_space<vmem>>, vector<16xi32>,
      %gather3A_495 = tpu.vector_load_idx %arg5[%get3A_494] : memref<100000xf32, #tpu.memory_space<vmem>>[vector<16xi32>], vector<16xf32>,
      %swap3A_496 = arith.constant 0 : i32
      %swap3A_497 = arith.index_cast %swap3A_496 : i32 to index
      %swap3A_498 = arith.index_cast %add3A_490 : i32 to index
      %swap3A_499 = tpu.vector_load %arg7[%swap3A_497, %swap3A_498] {strides = array<i32>} : memref<2x4096xf32, #tpu.memory_space<vmem>>, vector<16xf32>,
      tpu.vector_store %arg7[%swap3A_497, %swap3A_498], %gather3A_495 {strides = array<i32>} : memref<2x4096xf32, #tpu.memory_space<vmem>>, vector<16xf32>,
      %mul3A_500 = arith.constant 64 : i32
      %mul3A_501 = arith.muli %scan3A_486, %mul3A_500 : i32
      %add3A_502 = arith.constant 16 : i32
      %add3A_503 = arith.addi %mul3A_501, %add3A_502 : i32
      %get3A_504 = arith.constant 0 : i32
      %get3A_505 = arith.index_cast %get3A_504 : i32 to index
      %get3A_506 = arith.index_cast %add3A_503 : i32 to index
      %get3A_507 = tpu.vector_load %arg6[%get3A_505, %get3A_506] {strides = array<i32>} : memref<2x4096xi32, #tpu.memory_space<vmem>>, vector<16xi32>,
      %gather3A_508 = tpu.vector_load_idx %arg5[%get3A_507] : memref<100000xf32, #tpu.memory_space<vmem>>[vector<16xi32>], vector<16xf32>,
      %swap3A_509 = arith.constant 0 : i32
      %swap3A_510 = arith.index_cast %swap3A_509 : i32 to index
      %swap3A_511 = arith.index_cast %add3A_503 : i32 to index
      %swap3A_512 = tpu.vector_load %arg7[%swap3A_510, %swap3A_511] {strides = array<i32>} : memref<2x4096xf32, #tpu.memory_space<vmem>>, vector<16xf32>,
      tpu.vector_store %arg7[%swap3A_510, %swap3A_511], %gather3A_508 {strides = array<i32>} : memref<2x4096xf32, #tpu.memory_space<vmem>>, vector<16xf32>,
      %mul3A_513 = arith.constant 64 : i32
      %mul3A_514 = arith.muli %scan3A_486, %mul3A_513 : i32
      %add3A_515 = arith.constant 32 : i32
      %add3A_516 = arith.addi %mul3A_514, %add3A_515 : i32
      %get3A_517 = arith.constant 0 : i32
      %get3A_518 = arith.index_cast %get3A_517 : i32 to index
      %get3A_519 = arith.index_cast %add3A_516 : i32 to index
      %get3A_520 = tpu.vector_load %arg6[%get3A_518, %get3A_519] {strides = array<i32>} : memref<2x4096xi32, #tpu.memory_space<vmem>>, vector<16xi32>,
      %gather3A_521 = tpu.vector_load_idx %arg5[%get3A_520] : memref<100000xf32, #tpu.memory_space<vmem>>[vector<16xi32>], vector<16xf32>,
      %swap3A_522 = arith.constant 0 : i32
      %swap3A_523 = arith.index_cast %swap3A_522 : i32 to index
      %swap3A_524 = arith.index_cast %add3A_516 : i32 to index
      %swap3A_525 = tpu.vector_load %arg7[%swap3A_523, %swap3A_524] {strides = array<i32>} : memref<2x4096xf32, #tpu.memory_space<vmem>>, vector<16xf32>,
      tpu.vector_store %arg7[%swap3A_523, %swap3A_524], %gather3A_521 {strides = array<i32>} : memref<2x4096xf32, #tpu.memory_space<vmem>>, vector<16xf32>,
      %mul3A_526 = arith.constant 64 : i32
      %mul3A_527 = arith.muli %scan3A_486, %mul3A_526 : i32
      %add3A_528 = arith.constant 48 : i32
      %add3A_529 = arith.addi %mul3A_527, %add3A_528 : i32
      %get3A_530 = arith.constant 0 : i32
      %get3A_531 = arith.index_cast %get3A_530 : i32 to index
      %get3A_532 = arith.index_cast %add3A_529 : i32 to index
      %get3A_533 = tpu.vector_load %arg6[%get3A_531, %get3A_532] {strides = array<i32>} : memref<2x4096xi32, #tpu.memory_space<vmem>>, vector<16xi32>,
      %gather3A_534 = tpu.vector_load_idx %arg5[%get3A_533] : memref<100000xf32, #tpu.memory_space<vmem>>[vector<16xi32>], vector<16xf32>,
      %swap3A_535 = arith.constant 0 : i32
      %swap3A_536 = arith.index_cast %swap3A_535 : i32 to index
      %swap3A_537 = arith.index_cast %add3A_529 : i32 to index
      %swap3A_538 = tpu.vector_load %arg7[%swap3A_536, %swap3A_537] {strides = array<i32>} : memref<2x4096xf32, #tpu.memory_space<vmem>>, vector<16xf32>,
      tpu.vector_store %arg7[%swap3A_536, %swap3A_537], %gather3A_534 {strides = array<i32>} : memref<2x4096xf32, #tpu.memory_space<vmem>>, vector<16xf32>,
      %scan3A_539 = arith.constant 3 : i32
      %scan3A_540 = arith.addi %scan3A_381, %scan3A_539 : i32
      %mul3A_541 = arith.constant 64 : i32
      %mul3A_542 = arith.muli %scan3A_540, %mul3A_541 : i32
      %add3A_543 = arith.constant 0 : i32
      %add3A_544 = arith.addi %mul3A_542, %add3A_543 : i32
      %get3A_545 = arith.constant 0 : i32
      %get3A_546 = arith.index_cast %get3A_545 : i32 to index
      %get3A_547 = arith.index_cast %add3A_544 : i32 to index
      %get3A_548 = tpu.vector_load %arg6[%get3A_546, %get3A_547] {strides = array<i32>} : memref<2x4096xi32, #tpu.memory_space<vmem>>, vector<16xi32>,
      %gather3A_549 = tpu.vector_load_idx %arg5[%get3A_548] : memref<100000xf32, #tpu.memory_space<vmem>>[vector<16xi32>], vector<16xf32>,
      %swap3A_550 = arith.constant 0 : i32
      %swap3A_551 = arith.index_cast %swap3A_550 : i32 to index
      %swap3A_552 = arith.index_cast %add3A_544 : i32 to index
      %swap3A_553 = tpu.vector_load %arg7[%swap3A_551, %swap3A_552] {strides = array<i32>} : memref<2x4096xf32, #tpu.memory_space<vmem>>, vector<16xf32>,
      tpu.vector_store %arg7[%swap3A_551, %swap3A_552], %gather3A_549 {strides = array<i32>} : memref<2x4096xf32, #tpu.memory_space<vmem>>, vector<16xf32>,
      %mul3A_554 = arith.constant 64 : i32
      %mul3A_555 = arith.muli %scan3A_540, %mul3A_554 : i32
      %add3A_556 = arith.constant 16 : i32
      %add3A_557 = arith.addi %mul3A_555, %add3A_556 : i32
      %get3A_558 = arith.constant 0 : i32
      %get3A_559 = arith.index_cast %get3A_558 : i32 to index
      %get3A_560 = arith.index_cast %add3A_557 : i32 to index
      %get3A_561 = tpu.vector_load %arg6[%get3A_559, %get3A_560] {strides = array<i32>} : memref<2x4096xi32, #tpu.memory_space<vmem>>, vector<16xi32>,
      %gather3A_562 = tpu.vector_load_idx %arg5[%get3A_561] : memref<100000xf32, #tpu.memory_space<vmem>>[vector<16xi32>], vector<16xf32>,
      %swap3A_563 = arith.constant 0 : i32
      %swap3A_564 = arith.index_cast %swap3A_563 : i32 to index
      %swap3A_565 = arith.index_cast %add3A_557 : i32 to index
      %swap3A_566 = tpu.vector_load %arg7[%swap3A_564, %swap3A_565] {strides = array<i32>} : memref<2x4096xf32, #tpu.memory_space<vmem>>, vector<16xf32>,
      tpu.vector_store %arg7[%swap3A_564, %swap3A_565], %gather3A_562 {strides = array<i32>} : memref<2x4096xf32, #tpu.memory_space<vmem>>, vector<16xf32>,
      %mul3A_567 = arith.constant 64 : i32
      %mul3A_568 = arith.muli %scan3A_540, %mul3A_567 : i32
      %add3A_569 = arith.constant 32 : i32
      %add3A_570 = arith.addi %mul3A_568, %add3A_569 : i32
      %get3A_571 = arith.constant 0 : i32
      %get3A_572 = arith.index_cast %get3A_571 : i32 to index
      %get3A_573 = arith.index_cast %add3A_570 : i32 to index
      %get3A_574 = tpu.vector_load %arg6[%get3A_572, %get3A_573] {strides = array<i32>} : memref<2x4096xi32, #tpu.memory_space<vmem>>, vector<16xi32>,
      %gather3A_575 = tpu.vector_load_idx %arg5[%get3A_574] : memref<100000xf32, #tpu.memory_space<vmem>>[vector<16xi32>], vector<16xf32>,
      %swap3A_576 = arith.constant 0 : i32
      %swap3A_577 = arith.index_cast %swap3A_576 : i32 to index
      %swap3A_578 = arith.index_cast %add3A_570 : i32 to index
      %swap3A_579 = tpu.vector_load %arg7[%swap3A_577, %swap3A_578] {strides = array<i32>} : memref<2x4096xf32, #tpu.memory_space<vmem>>, vector<16xf32>,
      tpu.vector_store %arg7[%swap3A_577, %swap3A_578], %gather3A_575 {strides = array<i32>} : memref<2x4096xf32, #tpu.memory_space<vmem>>, vector<16xf32>,
      %mul3A_580 = arith.constant 64 : i32
      %mul3A_581 = arith.muli %scan3A_540, %mul3A_580 : i32
      %add3A_582 = arith.constant 48 : i32
      %add3A_583 = arith.addi %mul3A_581, %add3A_582 : i32
      %get3A_584 = arith.constant 0 : i32
      %get3A_585 = arith.index_cast %get3A_584 : i32 to index
      %get3A_586 = arith.index_cast %add3A_583 : i32 to index
      %get3A_587 = tpu.vector_load %arg6[%get3A_585, %get3A_586] {strides = array<i32>} : memref<2x4096xi32, #tpu.memory_space<vmem>>, vector<16xi32>,
      %gather3A_588 = tpu.vector_load_idx %arg5[%get3A_587] : memref<100000xf32, #tpu.memory_space<vmem>>[vector<16xi32>], vector<16xf32>,
      %swap3A_589 = arith.constant 0 : i32
      %swap3A_590 = arith.index_cast %swap3A_589 : i32 to index
      %swap3A_591 = arith.index_cast %add3A_583 : i32 to index
      %swap3A_592 = tpu.vector_load %arg7[%swap3A_590, %swap3A_591] {strides = array<i32>} : memref<2x4096xf32, #tpu.memory_space<vmem>>, vector<16xf32>,
      tpu.vector_store %arg7[%swap3A_590, %swap3A_591], %gather3A_588 {strides = array<i32>} : memref<2x4096xf32, #tpu.memory_space<vmem>>, vector<16xf32>,
    }
    %scan3A_216 = arith.constant 64 : i32
    %dma_start3A_217 = arith.constant 0 : i32
    %dma_start3A_218 = arith.constant 0 : i32
    %dma_start3A_219 = tpu.memref_slice %arg7[%dma_start3A_217, %dma_start3A_218] : memref<2x4096xf32, #tpu.memory_space<vmem>> -> memref<1x4096xf32, #tpu.memory_space<vmem>>
    %dma_start3A_220 = tpu.memref_squeeze %dma_start3A_219 : memref<1x4096xf32, #tpu.memory_space<vmem>> -> memref<4096xf32, #tpu.memory_space<vmem>>
    %dma_start3A_221 = tpu.memref_slice %arg4[%add3A_179] : memref<1048576xf32, #tpu.memory_space<hbm>> -> memref<4096xf32, #tpu.memory_space<hbm>>
    %dma_start3A_222 = tpu.memref_slice %arg4[%add3A_179] : memref<1048576xf32, #tpu.memory_space<hbm>> -> memref<4096xf32, #tpu.memory_space<hbm>>
    %dma_start3A_223 = arith.constant 0 : i32
    %dma_start3A_224 = tpu.memref_slice %arg7[%dma_start3A_217, %dma_start3A_223] : memref<2x4096xf32, #tpu.memory_space<vmem>> -> memref<1x4096xf32, #tpu.memory_space<vmem>>
    %dma_start3A_225 = tpu.memref_squeeze %dma_start3A_224 : memref<1x4096xf32, #tpu.memory_space<vmem>> -> memref<4096xf32, #tpu.memory_space<vmem>>
    tpu.enqueue_dma source(%dma_start3A_225 : memref<4096xf32, #tpu.memory_space<vmem>>) target(%dma_start3A_222 : memref<4096xf32, #tpu.memory_space<hbm>>) target_semaphore(%arg10 : memref<!tpu.dma_semaphore, #tpu.memory_space<semaphore_mem>>)
    %add3A_226 = arith.constant 20480 : i32
    %add3A_227 = arith.addi %mul3A_2, %add3A_226 : i32
    %add3A_228 = arith.constant 4096 : i32
    %add3A_229 = arith.addi %add3A_227, %add3A_228 : i32
    %dma_start3A_230 = arith.constant 0 : i32
    %dma_start3A_231 = arith.constant 0 : i32
    %dma_start3A_232 = tpu.memref_slice %arg6[%dma_start3A_230, %dma_start3A_231] : memref<2x4096xi32, #tpu.memory_space<vmem>> -> memref<1x4096xi32, #tpu.memory_space<vmem>>
    %dma_start3A_233 = tpu.memref_squeeze %dma_start3A_232 : memref<1x4096xi32, #tpu.memory_space<vmem>> -> memref<4096xi32, #tpu.memory_space<vmem>>
    %dma_start3A_234 = tpu.memref_slice %arg2[%add3A_229] : memref<1048576xi32, #tpu.memory_space<hbm>> -> memref<4096xi32, #tpu.memory_space<hbm>>
    %dma_start3A_235 = arith.constant 0 : i32
    %dma_start3A_236 = tpu.memref_slice %arg6[%dma_start3A_230, %dma_start3A_235] : memref<2x4096xi32, #tpu.memory_space<vmem>> -> memref<1x4096xi32, #tpu.memory_space<vmem>>
    %dma_start3A_237 = tpu.memref_squeeze %dma_start3A_236 : memref<1x4096xi32, #tpu.memory_space<vmem>> -> memref<4096xi32, #tpu.memory_space<vmem>>
    %dma_start3A_238 = tpu.memref_slice %arg2[%add3A_229] : memref<1048576xi32, #tpu.memory_space<hbm>> -> memref<4096xi32, #tpu.memory_space<hbm>>
    tpu.enqueue_dma source(%dma_start3A_238 : memref<4096xi32, #tpu.memory_space<hbm>>) target(%dma_start3A_237 : memref<4096xi32, #tpu.memory_space<vmem>>) target_semaphore(%arg9 : memref<!tpu.dma_semaphore, #tpu.memory_space<semaphore_mem>>)
    %dma_wait3A_239 = arith.constant 1 : i32
    %dma_wait3A_240 = arith.constant 0 : i32
    %dma_wait3A_241 = tpu.memref_slice %arg6[%dma_wait3A_239, %dma_wait3A_240] : memref<2x4096xi32, #tpu.memory_space<vmem>> -> memref<1x4096xi32, #tpu.memory_space<vmem>>
    %dma_wait3A_242 = tpu.memref_squeeze %dma_wait3A_241 : memref<1x4096xi32, #tpu.memory_space<vmem>> -> memref<4096xi32, #tpu.memory_space<vmem>>
    %dma_wait3A_243 = tpu.memref_slice %arg2[%add3A_227] : memref<1048576xi32, #tpu.memory_space<hbm>> -> memref<4096xi32, #tpu.memory_space<hbm>>
    %dma_wait3A_244 = arith.constant 0 : i32
    %dma_wait3A_245 = tpu.memref_slice %arg6[%dma_wait3A_239, %dma_wait3A_244] : memref<2x4096xi32, #tpu.memory_space<vmem>> -> memref<1x4096xi32, #tpu.memory_space<vmem>>
    %dma_wait3A_246 = tpu.memref_squeeze %dma_wait3A_245 : memref<1x4096xi32, #tpu.memory_space<vmem>> -> memref<4096xi32, #tpu.memory_space<vmem>>
    %dma_wait3A_247 = tpu.memref_slice %arg2[%add3A_227] : memref<1048576xi32, #tpu.memory_space<hbm>> -> memref<4096xi32, #tpu.memory_space<hbm>>
    tpu.wait_dma2 semaphore(%arg9 : memref<!tpu.dma_semaphore, #tpu.memory_space<semaphore_mem>>) src(%dma_wait3A_247 : memref<4096xi32, #tpu.memory_space<hbm>>) dst(%dma_wait3A_246 : memref<4096xi32, #tpu.memory_space<vmem>>)
    %sub3A_248 = arith.constant 8192 : i32
    %sub3A_249 = arith.subi %add3A_227, %sub3A_248 : i32
    %dma_wait3A_250 = arith.constant 1 : i32
    %dma_wait3A_251 = arith.constant 0 : i32
    %dma_wait3A_252 = tpu.memref_slice %arg7[%dma_wait3A_250, %dma_wait3A_251] : memref<2x4096xf32, #tpu.memory_space<vmem>> -> memref<1x4096xf32, #tpu.memory_space<vmem>>
    %dma_wait3A_253 = tpu.memref_squeeze %dma_wait3A_252 : memref<1x4096xf32, #tpu.memory_space<vmem>> -> memref<4096xf32, #tpu.memory_space<vmem>>
    %dma_wait3A_254 = tpu.memref_slice %arg4[%sub3A_249] : memref<1048576xf32, #tpu.memory_space<hbm>> -> memref<4096xf32, #tpu.memory_space<hbm>>
    %dma_wait3A_255 = tpu.memref_slice %arg4[%sub3A_249] : memref<1048576xf32, #tpu.memory_space<hbm>> -> memref<4096xf32, #tpu.memory_space<hbm>>
    %dma_wait3A_256 = arith.constant 0 : i32
    %dma_wait3A_257 = tpu.memref_slice %arg7[%dma_wait3A_250, %dma_wait3A_256] : memref<2x4096xf32, #tpu.memory_space<vmem>> -> memref<1x4096xf32, #tpu.memory_space<vmem>>
    %dma_wait3A_258 = tpu.memref_squeeze %dma_wait3A_257 : memref<1x4096xf32, #tpu.memory_space<vmem>> -> memref<4096xf32, #tpu.memory_space<vmem>>
    tpu.wait_dma2 semaphore(%arg10 : memref<!tpu.dma_semaphore, #tpu.memory_space<semaphore_mem>>) src(%dma_wait3A_258 : memref<4096xf32, #tpu.memory_space<vmem>>) dst(%dma_wait3A_255 : memref<4096xf32, #tpu.memory_space<hbm>>)
    %scan3A_259 = arith.constant 0 : i32
    %scan3A_260 = arith.constant 0 : i32
    %scan3A_261 = arith.constant 64 : i32
    %scan3A_262 = arith.addi %scan3A_260, %scan3A_261 : i32
    %scan3A_263 = arith.constant 4 : i32
    scf.for %scan3A_381 = %scan3A_260 to %scan3A_262 step %scan3A_263  : i32 {
      %mul3A_382 = arith.constant 64 : i32
      %mul3A_383 = arith.muli %scan3A_381, %mul3A_382 : i32
      %add3A_384 = arith.constant 0 : i32
      %add3A_385 = arith.addi %mul3A_383, %add3A_384 : i32
      %get3A = arith.constant 1 : i32
      %get3A_386 = arith.index_cast %get3A : i32 to index
      %get3A_387 = arith.index_cast %add3A_385 : i32 to index
      %get3A_388 = tpu.vector_load %arg6[%get3A_386, %get3A_387] {strides = array<i32>} : memref<2x4096xi32, #tpu.memory_space<vmem>>, vector<16xi32>,
      %gather3A = tpu.vector_load_idx %arg5[%get3A_388] : memref<100000xf32, #tpu.memory_space<vmem>>[vector<16xi32>], vector<16xf32>,
      %swap3A = arith.constant 1 : i32
      %swap3A_389 = arith.index_cast %swap3A : i32 to index
      %swap3A_390 = arith.index_cast %add3A_385 : i32 to index
      %swap3A_391 = tpu.vector_load %arg7[%swap3A_389, %swap3A_390] {strides = array<i32>} : memref<2x4096xf32, #tpu.memory_space<vmem>>, vector<16xf32>,
      tpu.vector_store %arg7[%swap3A_389, %swap3A_390], %gather3A {strides = array<i32>} : memref<2x4096xf32, #tpu.memory_space<vmem>>, vector<16xf32>,
      %mul3A_392 = arith.constant 64 : i32
      %mul3A_393 = arith.muli %scan3A_381, %mul3A_392 : i32
      %add3A_394 = arith.constant 16 : i32
      %add3A_395 = arith.addi %mul3A_393, %add3A_394 : i32
      %get3A_396 = arith.constant 1 : i32
      %get3A_397 = arith.index_cast %get3A_396 : i32 to index
      %get3A_398 = arith.index_cast %add3A_395 : i32 to index
      %get3A_399 = tpu.vector_load %arg6[%get3A_397, %get3A_398] {strides = array<i32>} : memref<2x4096xi32, #tpu.memory_space<vmem>>, vector<16xi32>,
      %gather3A_400 = tpu.vector_load_idx %arg5[%get3A_399] : memref<100000xf32, #tpu.memory_space<vmem>>[vector<16xi32>], vector<16xf32>,
      %swap3A_401 = arith.constant 1 : i32
      %swap3A_402 = arith.index_cast %swap3A_401 : i32 to index
      %swap3A_403 = arith.index_cast %add3A_395 : i32 to index
      %swap3A_404 = tpu.vector_load %arg7[%swap3A_402, %swap3A_403] {strides = array<i32>} : memref<2x4096xf32, #tpu.memory_space<vmem>>, vector<16xf32>,
      tpu.vector_store %arg7[%swap3A_402, %swap3A_403], %gather3A_400 {strides = array<i32>} : memref<2x4096xf32, #tpu.memory_space<vmem>>, vector<16xf32>,
      %mul3A_405 = arith.constant 64 : i32
      %mul3A_406 = arith.muli %scan3A_381, %mul3A_405 : i32
      %add3A_407 = arith.constant 32 : i32
      %add3A_408 = arith.addi %mul3A_406, %add3A_407 : i32
      %get3A_409 = arith.constant 1 : i32
      %get3A_410 = arith.index_cast %get3A_409 : i32 to index
      %get3A_411 = arith.index_cast %add3A_408 : i32 to index
      %get3A_412 = tpu.vector_load %arg6[%get3A_410, %get3A_411] {strides = array<i32>} : memref<2x4096xi32, #tpu.memory_space<vmem>>, vector<16xi32>,
      %gather3A_413 = tpu.vector_load_idx %arg5[%get3A_412] : memref<100000xf32, #tpu.memory_space<vmem>>[vector<16xi32>], vector<16xf32>,
      %swap3A_414 = arith.constant 1 : i32
      %swap3A_415 = arith.index_cast %swap3A_414 : i32 to index
      %swap3A_416 = arith.index_cast %add3A_408 : i32 to index
      %swap3A_417 = tpu.vector_load %arg7[%swap3A_415, %swap3A_416] {strides = array<i32>} : memref<2x4096xf32, #tpu.memory_space<vmem>>, vector<16xf32>,
      tpu.vector_store %arg7[%swap3A_415, %swap3A_416], %gather3A_413 {strides = array<i32>} : memref<2x4096xf32, #tpu.memory_space<vmem>>, vector<16xf32>,
      %mul3A_418 = arith.constant 64 : i32
      %mul3A_419 = arith.muli %scan3A_381, %mul3A_418 : i32
      %add3A_420 = arith.constant 48 : i32
      %add3A_421 = arith.addi %mul3A_419, %add3A_420 : i32
      %get3A_422 = arith.constant 1 : i32
      %get3A_423 = arith.index_cast %get3A_422 : i32 to index
      %get3A_424 = arith.index_cast %add3A_421 : i32 to index
      %get3A_425 = tpu.vector_load %arg6[%get3A_423, %get3A_424] {strides = array<i32>} : memref<2x4096xi32, #tpu.memory_space<vmem>>, vector<16xi32>,
      %gather3A_426 = tpu.vector_load_idx %arg5[%get3A_425] : memref<100000xf32, #tpu.memory_space<vmem>>[vector<16xi32>], vector<16xf32>,
      %swap3A_427 = arith.constant 1 : i32
      %swap3A_428 = arith.index_cast %swap3A_427 : i32 to index
      %swap3A_429 = arith.index_cast %add3A_421 : i32 to index
      %swap3A_430 = tpu.vector_load %arg7[%swap3A_428, %swap3A_429] {strides = array<i32>} : memref<2x4096xf32, #tpu.memory_space<vmem>>, vector<16xf32>,
      tpu.vector_store %arg7[%swap3A_428, %swap3A_429], %gather3A_426 {strides = array<i32>} : memref<2x4096xf32, #tpu.memory_space<vmem>>, vector<16xf32>,
      %scan3A_431 = arith.constant 1 : i32
      %scan3A_432 = arith.addi %scan3A_381, %scan3A_431 : i32
      %mul3A_433 = arith.constant 64 : i32
      %mul3A_434 = arith.muli %scan3A_432, %mul3A_433 : i32
      %add3A_435 = arith.constant 0 : i32
      %add3A_436 = arith.addi %mul3A_434, %add3A_435 : i32
      %get3A_437 = arith.constant 1 : i32
      %get3A_438 = arith.index_cast %get3A_437 : i32 to index
      %get3A_439 = arith.index_cast %add3A_436 : i32 to index
      %get3A_440 = tpu.vector_load %arg6[%get3A_438, %get3A_439] {strides = array<i32>} : memref<2x4096xi32, #tpu.memory_space<vmem>>, vector<16xi32>,
      %gather3A_441 = tpu.vector_load_idx %arg5[%get3A_440] : memref<100000xf32, #tpu.memory_space<vmem>>[vector<16xi32>], vector<16xf32>,
      %swap3A_442 = arith.constant 1 : i32
      %swap3A_443 = arith.index_cast %swap3A_442 : i32 to index
      %swap3A_444 = arith.index_cast %add3A_436 : i32 to index
      %swap3A_445 = tpu.vector_load %arg7[%swap3A_443, %swap3A_444] {strides = array<i32>} : memref<2x4096xf32, #tpu.memory_space<vmem>>, vector<16xf32>,
      tpu.vector_store %arg7[%swap3A_443, %swap3A_444], %gather3A_441 {strides = array<i32>} : memref<2x4096xf32, #tpu.memory_space<vmem>>, vector<16xf32>,
      %mul3A_446 = arith.constant 64 : i32
      %mul3A_447 = arith.muli %scan3A_432, %mul3A_446 : i32
      %add3A_448 = arith.constant 16 : i32
      %add3A_449 = arith.addi %mul3A_447, %add3A_448 : i32
      %get3A_450 = arith.constant 1 : i32
      %get3A_451 = arith.index_cast %get3A_450 : i32 to index
      %get3A_452 = arith.index_cast %add3A_449 : i32 to index
      %get3A_453 = tpu.vector_load %arg6[%get3A_451, %get3A_452] {strides = array<i32>} : memref<2x4096xi32, #tpu.memory_space<vmem>>, vector<16xi32>,
      %gather3A_454 = tpu.vector_load_idx %arg5[%get3A_453] : memref<100000xf32, #tpu.memory_space<vmem>>[vector<16xi32>], vector<16xf32>,
      %swap3A_455 = arith.constant 1 : i32
      %swap3A_456 = arith.index_cast %swap3A_455 : i32 to index
      %swap3A_457 = arith.index_cast %add3A_449 : i32 to index
      %swap3A_458 = tpu.vector_load %arg7[%swap3A_456, %swap3A_457] {strides = array<i32>} : memref<2x4096xf32, #tpu.memory_space<vmem>>, vector<16xf32>,
      tpu.vector_store %arg7[%swap3A_456, %swap3A_457], %gather3A_454 {strides = array<i32>} : memref<2x4096xf32, #tpu.memory_space<vmem>>, vector<16xf32>,
      %mul3A_459 = arith.constant 64 : i32
      %mul3A_460 = arith.muli %scan3A_432, %mul3A_459 : i32
      %add3A_461 = arith.constant 32 : i32
      %add3A_462 = arith.addi %mul3A_460, %add3A_461 : i32
      %get3A_463 = arith.constant 1 : i32
      %get3A_464 = arith.index_cast %get3A_463 : i32 to index
      %get3A_465 = arith.index_cast %add3A_462 : i32 to index
      %get3A_466 = tpu.vector_load %arg6[%get3A_464, %get3A_465] {strides = array<i32>} : memref<2x4096xi32, #tpu.memory_space<vmem>>, vector<16xi32>,
      %gather3A_467 = tpu.vector_load_idx %arg5[%get3A_466] : memref<100000xf32, #tpu.memory_space<vmem>>[vector<16xi32>], vector<16xf32>,
      %swap3A_468 = arith.constant 1 : i32
      %swap3A_469 = arith.index_cast %swap3A_468 : i32 to index
      %swap3A_470 = arith.index_cast %add3A_462 : i32 to index
      %swap3A_471 = tpu.vector_load %arg7[%swap3A_469, %swap3A_470] {strides = array<i32>} : memref<2x4096xf32, #tpu.memory_space<vmem>>, vector<16xf32>,
      tpu.vector_store %arg7[%swap3A_469, %swap3A_470], %gather3A_467 {strides = array<i32>} : memref<2x4096xf32, #tpu.memory_space<vmem>>, vector<16xf32>,
      %mul3A_472 = arith.constant 64 : i32
      %mul3A_473 = arith.muli %scan3A_432, %mul3A_472 : i32
      %add3A_474 = arith.constant 48 : i32
      %add3A_475 = arith.addi %mul3A_473, %add3A_474 : i32
      %get3A_476 = arith.constant 1 : i32
      %get3A_477 = arith.index_cast %get3A_476 : i32 to index
      %get3A_478 = arith.index_cast %add3A_475 : i32 to index
      %get3A_479 = tpu.vector_load %arg6[%get3A_477, %get3A_478] {strides = array<i32>} : memref<2x4096xi32, #tpu.memory_space<vmem>>, vector<16xi32>,
      %gather3A_480 = tpu.vector_load_idx %arg5[%get3A_479] : memref<100000xf32, #tpu.memory_space<vmem>>[vector<16xi32>], vector<16xf32>,
      %swap3A_481 = arith.constant 1 : i32
      %swap3A_482 = arith.index_cast %swap3A_481 : i32 to index
      %swap3A_483 = arith.index_cast %add3A_475 : i32 to index
      %swap3A_484 = tpu.vector_load %arg7[%swap3A_482, %swap3A_483] {strides = array<i32>} : memref<2x4096xf32, #tpu.memory_space<vmem>>, vector<16xf32>,
      tpu.vector_store %arg7[%swap3A_482, %swap3A_483], %gather3A_480 {strides = array<i32>} : memref<2x4096xf32, #tpu.memory_space<vmem>>, vector<16xf32>,
      %scan3A_485 = arith.constant 2 : i32
      %scan3A_486 = arith.addi %scan3A_381, %scan3A_485 : i32
      %mul3A_487 = arith.constant 64 : i32
      %mul3A_488 = arith.muli %scan3A_486, %mul3A_487 : i32
      %add3A_489 = arith.constant 0 : i32
      %add3A_490 = arith.addi %mul3A_488, %add3A_489 : i32
      %get3A_491 = arith.constant 1 : i32
      %get3A_492 = arith.index_cast %get3A_491 : i32 to index
      %get3A_493 = arith.index_cast %add3A_490 : i32 to index
      %get3A_494 = tpu.vector_load %arg6[%get3A_492, %get3A_493] {strides = array<i32>} : memref<2x4096xi32, #tpu.memory_space<vmem>>, vector<16xi32>,
      %gather3A_495 = tpu.vector_load_idx %arg5[%get3A_494] : memref<100000xf32, #tpu.memory_space<vmem>>[vector<16xi32>], vector<16xf32>,
      %swap3A_496 = arith.constant 1 : i32
      %swap3A_497 = arith.index_cast %swap3A_496 : i32 to index
      %swap3A_498 = arith.index_cast %add3A_490 : i32 to index
      %swap3A_499 = tpu.vector_load %arg7[%swap3A_497, %swap3A_498] {strides = array<i32>} : memref<2x4096xf32, #tpu.memory_space<vmem>>, vector<16xf32>,
      tpu.vector_store %arg7[%swap3A_497, %swap3A_498], %gather3A_495 {strides = array<i32>} : memref<2x4096xf32, #tpu.memory_space<vmem>>, vector<16xf32>,
      %mul3A_500 = arith.constant 64 : i32
      %mul3A_501 = arith.muli %scan3A_486, %mul3A_500 : i32
      %add3A_502 = arith.constant 16 : i32
      %add3A_503 = arith.addi %mul3A_501, %add3A_502 : i32
      %get3A_504 = arith.constant 1 : i32
      %get3A_505 = arith.index_cast %get3A_504 : i32 to index
      %get3A_506 = arith.index_cast %add3A_503 : i32 to index
      %get3A_507 = tpu.vector_load %arg6[%get3A_505, %get3A_506] {strides = array<i32>} : memref<2x4096xi32, #tpu.memory_space<vmem>>, vector<16xi32>,
      %gather3A_508 = tpu.vector_load_idx %arg5[%get3A_507] : memref<100000xf32, #tpu.memory_space<vmem>>[vector<16xi32>], vector<16xf32>,
      %swap3A_509 = arith.constant 1 : i32
      %swap3A_510 = arith.index_cast %swap3A_509 : i32 to index
      %swap3A_511 = arith.index_cast %add3A_503 : i32 to index
      %swap3A_512 = tpu.vector_load %arg7[%swap3A_510, %swap3A_511] {strides = array<i32>} : memref<2x4096xf32, #tpu.memory_space<vmem>>, vector<16xf32>,
      tpu.vector_store %arg7[%swap3A_510, %swap3A_511], %gather3A_508 {strides = array<i32>} : memref<2x4096xf32, #tpu.memory_space<vmem>>, vector<16xf32>,
      %mul3A_513 = arith.constant 64 : i32
      %mul3A_514 = arith.muli %scan3A_486, %mul3A_513 : i32
      %add3A_515 = arith.constant 32 : i32
      %add3A_516 = arith.addi %mul3A_514, %add3A_515 : i32
      %get3A_517 = arith.constant 1 : i32
      %get3A_518 = arith.index_cast %get3A_517 : i32 to index
      %get3A_519 = arith.index_cast %add3A_516 : i32 to index
      %get3A_520 = tpu.vector_load %arg6[%get3A_518, %get3A_519] {strides = array<i32>} : memref<2x4096xi32, #tpu.memory_space<vmem>>, vector<16xi32>,
      %gather3A_521 = tpu.vector_load_idx %arg5[%get3A_520] : memref<100000xf32, #tpu.memory_space<vmem>>[vector<16xi32>], vector<16xf32>,
      %swap3A_522 = arith.constant 1 : i32
      %swap3A_523 = arith.index_cast %swap3A_522 : i32 to index
      %swap3A_524 = arith.index_cast %add3A_516 : i32 to index
      %swap3A_525 = tpu.vector_load %arg7[%swap3A_523, %swap3A_524] {strides = array<i32>} : memref<2x4096xf32, #tpu.memory_space<vmem>>, vector<16xf32>,
      tpu.vector_store %arg7[%swap3A_523, %swap3A_524], %gather3A_521 {strides = array<i32>} : memref<2x4096xf32, #tpu.memory_space<vmem>>, vector<16xf32>,
      %mul3A_526 = arith.constant 64 : i32
      %mul3A_527 = arith.muli %scan3A_486, %mul3A_526 : i32
      %add3A_528 = arith.constant 48 : i32
      %add3A_529 = arith.addi %mul3A_527, %add3A_528 : i32
      %get3A_530 = arith.constant 1 : i32
      %get3A_531 = arith.index_cast %get3A_530 : i32 to index
      %get3A_532 = arith.index_cast %add3A_529 : i32 to index
      %get3A_533 = tpu.vector_load %arg6[%get3A_531, %get3A_532] {strides = array<i32>} : memref<2x4096xi32, #tpu.memory_space<vmem>>, vector<16xi32>,
      %gather3A_534 = tpu.vector_load_idx %arg5[%get3A_533] : memref<100000xf32, #tpu.memory_space<vmem>>[vector<16xi32>], vector<16xf32>,
      %swap3A_535 = arith.constant 1 : i32
      %swap3A_536 = arith.index_cast %swap3A_535 : i32 to index
      %swap3A_537 = arith.index_cast %add3A_529 : i32 to index
      %swap3A_538 = tpu.vector_load %arg7[%swap3A_536, %swap3A_537] {strides = array<i32>} : memref<2x4096xf32, #tpu.memory_space<vmem>>, vector<16xf32>,
      tpu.vector_store %arg7[%swap3A_536, %swap3A_537], %gather3A_534 {strides = array<i32>} : memref<2x4096xf32, #tpu.memory_space<vmem>>, vector<16xf32>,
      %scan3A_539 = arith.constant 3 : i32
      %scan3A_540 = arith.addi %scan3A_381, %scan3A_539 : i32
      %mul3A_541 = arith.constant 64 : i32
      %mul3A_542 = arith.muli %scan3A_540, %mul3A_541 : i32
      %add3A_543 = arith.constant 0 : i32
      %add3A_544 = arith.addi %mul3A_542, %add3A_543 : i32
      %get3A_545 = arith.constant 1 : i32
      %get3A_546 = arith.index_cast %get3A_545 : i32 to index
      %get3A_547 = arith.index_cast %add3A_544 : i32 to index
      %get3A_548 = tpu.vector_load %arg6[%get3A_546, %get3A_547] {strides = array<i32>} : memref<2x4096xi32, #tpu.memory_space<vmem>>, vector<16xi32>,
      %gather3A_549 = tpu.vector_load_idx %arg5[%get3A_548] : memref<100000xf32, #tpu.memory_space<vmem>>[vector<16xi32>], vector<16xf32>,
      %swap3A_550 = arith.constant 1 : i32
      %swap3A_551 = arith.index_cast %swap3A_550 : i32 to index
      %swap3A_552 = arith.index_cast %add3A_544 : i32 to index
      %swap3A_553 = tpu.vector_load %arg7[%swap3A_551, %swap3A_552] {strides = array<i32>} : memref<2x4096xf32, #tpu.memory_space<vmem>>, vector<16xf32>,
      tpu.vector_store %arg7[%swap3A_551, %swap3A_552], %gather3A_549 {strides = array<i32>} : memref<2x4096xf32, #tpu.memory_space<vmem>>, vector<16xf32>,
      %mul3A_554 = arith.constant 64 : i32
      %mul3A_555 = arith.muli %scan3A_540, %mul3A_554 : i32
      %add3A_556 = arith.constant 16 : i32
      %add3A_557 = arith.addi %mul3A_555, %add3A_556 : i32
      %get3A_558 = arith.constant 1 : i32
      %get3A_559 = arith.index_cast %get3A_558 : i32 to index
      %get3A_560 = arith.index_cast %add3A_557 : i32 to index
      %get3A_561 = tpu.vector_load %arg6[%get3A_559, %get3A_560] {strides = array<i32>} : memref<2x4096xi32, #tpu.memory_space<vmem>>, vector<16xi32>,
      %gather3A_562 = tpu.vector_load_idx %arg5[%get3A_561] : memref<100000xf32, #tpu.memory_space<vmem>>[vector<16xi32>], vector<16xf32>,
      %swap3A_563 = arith.constant 1 : i32
      %swap3A_564 = arith.index_cast %swap3A_563 : i32 to index
      %swap3A_565 = arith.index_cast %add3A_557 : i32 to index
      %swap3A_566 = tpu.vector_load %arg7[%swap3A_564, %swap3A_565] {strides = array<i32>} : memref<2x4096xf32, #tpu.memory_space<vmem>>, vector<16xf32>,
      tpu.vector_store %arg7[%swap3A_564, %swap3A_565], %gather3A_562 {strides = array<i32>} : memref<2x4096xf32, #tpu.memory_space<vmem>>, vector<16xf32>,
      %mul3A_567 = arith.constant 64 : i32
      %mul3A_568 = arith.muli %scan3A_540, %mul3A_567 : i32
      %add3A_569 = arith.constant 32 : i32
      %add3A_570 = arith.addi %mul3A_568, %add3A_569 : i32
      %get3A_571 = arith.constant 1 : i32
      %get3A_572 = arith.index_cast %get3A_571 : i32 to index
      %get3A_573 = arith.index_cast %add3A_570 : i32 to index
      %get3A_574 = tpu.vector_load %arg6[%get3A_572, %get3A_573] {strides = array<i32>} : memref<2x4096xi32, #tpu.memory_space<vmem>>, vector<16xi32>,
      %gather3A_575 = tpu.vector_load_idx %arg5[%get3A_574] : memref<100000xf32, #tpu.memory_space<vmem>>[vector<16xi32>], vector<16xf32>,
      %swap3A_576 = arith.constant 1 : i32
      %swap3A_577 = arith.index_cast %swap3A_576 : i32 to index
      %swap3A_578 = arith.index_cast %add3A_570 : i32 to index
      %swap3A_579 = tpu.vector_load %arg7[%swap3A_577, %swap3A_578] {strides = array<i32>} : memref<2x4096xf32, #tpu.memory_space<vmem>>, vector<16xf32>,
      tpu.vector_store %arg7[%swap3A_577, %swap3A_578], %gather3A_575 {strides = array<i32>} : memref<2x4096xf32, #tpu.memory_space<vmem>>, vector<16xf32>,
      %mul3A_580 = arith.constant 64 : i32
      %mul3A_581 = arith.muli %scan3A_540, %mul3A_580 : i32
      %add3A_582 = arith.constant 48 : i32
      %add3A_583 = arith.addi %mul3A_581, %add3A_582 : i32
      %get3A_584 = arith.constant 1 : i32
      %get3A_585 = arith.index_cast %get3A_584 : i32 to index
      %get3A_586 = arith.index_cast %add3A_583 : i32 to index
      %get3A_587 = tpu.vector_load %arg6[%get3A_585, %get3A_586] {strides = array<i32>} : memref<2x4096xi32, #tpu.memory_space<vmem>>, vector<16xi32>,
      %gather3A_588 = tpu.vector_load_idx %arg5[%get3A_587] : memref<100000xf32, #tpu.memory_space<vmem>>[vector<16xi32>], vector<16xf32>,
      %swap3A_589 = arith.constant 1 : i32
      %swap3A_590 = arith.index_cast %swap3A_589 : i32 to index
      %swap3A_591 = arith.index_cast %add3A_583 : i32 to index
      %swap3A_592 = tpu.vector_load %arg7[%swap3A_590, %swap3A_591] {strides = array<i32>} : memref<2x4096xf32, #tpu.memory_space<vmem>>, vector<16xf32>,
      tpu.vector_store %arg7[%swap3A_590, %swap3A_591], %gather3A_588 {strides = array<i32>} : memref<2x4096xf32, #tpu.memory_space<vmem>>, vector<16xf32>,
    }
    %scan3A_264 = arith.constant 64 : i32
    %dma_start3A_265 = arith.constant 1 : i32
    %dma_start3A_266 = arith.constant 0 : i32
    %dma_start3A_267 = tpu.memref_slice %arg7[%dma_start3A_265, %dma_start3A_266] : memref<2x4096xf32, #tpu.memory_space<vmem>> -> memref<1x4096xf32, #tpu.memory_space<vmem>>
    %dma_start3A_268 = tpu.memref_squeeze %dma_start3A_267 : memref<1x4096xf32, #tpu.memory_space<vmem>> -> memref<4096xf32, #tpu.memory_space<vmem>>
    %dma_start3A_269 = tpu.memref_slice %arg4[%add3A_227] : memref<1048576xf32, #tpu.memory_space<hbm>> -> memref<4096xf32, #tpu.memory_space<hbm>>
    %dma_start3A_270 = tpu.memref_slice %arg4[%add3A_227] : memref<1048576xf32, #tpu.memory_space<hbm>> -> memref<4096xf32, #tpu.memory_space<hbm>>
    %dma_start3A_271 = arith.constant 0 : i32
    %dma_start3A_272 = tpu.memref_slice %arg7[%dma_start3A_265, %dma_start3A_271] : memref<2x4096xf32, #tpu.memory_space<vmem>> -> memref<1x4096xf32, #tpu.memory_space<vmem>>
    %dma_start3A_273 = tpu.memref_squeeze %dma_start3A_272 : memref<1x4096xf32, #tpu.memory_space<vmem>> -> memref<4096xf32, #tpu.memory_space<vmem>>
    tpu.enqueue_dma source(%dma_start3A_273 : memref<4096xf32, #tpu.memory_space<vmem>>) target(%dma_start3A_270 : memref<4096xf32, #tpu.memory_space<hbm>>) target_semaphore(%arg10 : memref<!tpu.dma_semaphore, #tpu.memory_space<semaphore_mem>>)
    %add3A_274 = arith.constant 24576 : i32
    %add3A_275 = arith.addi %mul3A_2, %add3A_274 : i32
    %add3A_276 = arith.constant 4096 : i32
    %add3A_277 = arith.addi %add3A_275, %add3A_276 : i32
    %dma_start3A_278 = arith.constant 1 : i32
    %dma_start3A_279 = arith.constant 0 : i32
    %dma_start3A_280 = tpu.memref_slice %arg6[%dma_start3A_278, %dma_start3A_279] : memref<2x4096xi32, #tpu.memory_space<vmem>> -> memref<1x4096xi32, #tpu.memory_space<vmem>>
    %dma_start3A_281 = tpu.memref_squeeze %dma_start3A_280 : memref<1x4096xi32, #tpu.memory_space<vmem>> -> memref<4096xi32, #tpu.memory_space<vmem>>
    %dma_start3A_282 = tpu.memref_slice %arg2[%add3A_277] : memref<1048576xi32, #tpu.memory_space<hbm>> -> memref<4096xi32, #tpu.memory_space<hbm>>
    %dma_start3A_283 = arith.constant 0 : i32
    %dma_start3A_284 = tpu.memref_slice %arg6[%dma_start3A_278, %dma_start3A_283] : memref<2x4096xi32, #tpu.memory_space<vmem>> -> memref<1x4096xi32, #tpu.memory_space<vmem>>
    %dma_start3A_285 = tpu.memref_squeeze %dma_start3A_284 : memref<1x4096xi32, #tpu.memory_space<vmem>> -> memref<4096xi32, #tpu.memory_space<vmem>>
    %dma_start3A_286 = tpu.memref_slice %arg2[%add3A_277] : memref<1048576xi32, #tpu.memory_space<hbm>> -> memref<4096xi32, #tpu.memory_space<hbm>>
    tpu.enqueue_dma source(%dma_start3A_286 : memref<4096xi32, #tpu.memory_space<hbm>>) target(%dma_start3A_285 : memref<4096xi32, #tpu.memory_space<vmem>>) target_semaphore(%arg9 : memref<!tpu.dma_semaphore, #tpu.memory_space<semaphore_mem>>)
    %dma_wait3A_287 = arith.constant 0 : i32
    %dma_wait3A_288 = arith.constant 0 : i32
    %dma_wait3A_289 = tpu.memref_slice %arg6[%dma_wait3A_287, %dma_wait3A_288] : memref<2x4096xi32, #tpu.memory_space<vmem>> -> memref<1x4096xi32, #tpu.memory_space<vmem>>
    %dma_wait3A_290 = tpu.memref_squeeze %dma_wait3A_289 : memref<1x4096xi32, #tpu.memory_space<vmem>> -> memref<4096xi32, #tpu.memory_space<vmem>>
    %dma_wait3A_291 = tpu.memref_slice %arg2[%add3A_275] : memref<1048576xi32, #tpu.memory_space<hbm>> -> memref<4096xi32, #tpu.memory_space<hbm>>
    %dma_wait3A_292 = arith.constant 0 : i32
    %dma_wait3A_293 = tpu.memref_slice %arg6[%dma_wait3A_287, %dma_wait3A_292] : memref<2x4096xi32, #tpu.memory_space<vmem>> -> memref<1x4096xi32, #tpu.memory_space<vmem>>
    %dma_wait3A_294 = tpu.memref_squeeze %dma_wait3A_293 : memref<1x4096xi32, #tpu.memory_space<vmem>> -> memref<4096xi32, #tpu.memory_space<vmem>>
    %dma_wait3A_295 = tpu.memref_slice %arg2[%add3A_275] : memref<1048576xi32, #tpu.memory_space<hbm>> -> memref<4096xi32, #tpu.memory_space<hbm>>
    tpu.wait_dma2 semaphore(%arg9 : memref<!tpu.dma_semaphore, #tpu.memory_space<semaphore_mem>>) src(%dma_wait3A_295 : memref<4096xi32, #tpu.memory_space<hbm>>) dst(%dma_wait3A_294 : memref<4096xi32, #tpu.memory_space<vmem>>)
    %sub3A_296 = arith.constant 8192 : i32
    %sub3A_297 = arith.subi %add3A_275, %sub3A_296 : i32
    %dma_wait3A_298 = arith.constant 0 : i32
    %dma_wait3A_299 = arith.constant 0 : i32
    %dma_wait3A_300 = tpu.memref_slice %arg7[%dma_wait3A_298, %dma_wait3A_299] : memref<2x4096xf32, #tpu.memory_space<vmem>> -> memref<1x4096xf32, #tpu.memory_space<vmem>>
    %dma_wait3A_301 = tpu.memref_squeeze %dma_wait3A_300 : memref<1x4096xf32, #tpu.memory_space<vmem>> -> memref<4096xf32, #tpu.memory_space<vmem>>
    %dma_wait3A_302 = tpu.memref_slice %arg4[%sub3A_297] : memref<1048576xf32, #tpu.memory_space<hbm>> -> memref<4096xf32, #tpu.memory_space<hbm>>
    %dma_wait3A_303 = tpu.memref_slice %arg4[%sub3A_297] : memref<1048576xf32, #tpu.memory_space<hbm>> -> memref<4096xf32, #tpu.memory_space<hbm>>
    %dma_wait3A_304 = arith.constant 0 : i32
    %dma_wait3A_305 = tpu.memref_slice %arg7[%dma_wait3A_298, %dma_wait3A_304] : memref<2x4096xf32, #tpu.memory_space<vmem>> -> memref<1x4096xf32, #tpu.memory_space<vmem>>
    %dma_wait3A_306 = tpu.memref_squeeze %dma_wait3A_305 : memref<1x4096xf32, #tpu.memory_space<vmem>> -> memref<4096xf32, #tpu.memory_space<vmem>>
    tpu.wait_dma2 semaphore(%arg10 : memref<!tpu.dma_semaphore, #tpu.memory_space<semaphore_mem>>) src(%dma_wait3A_306 : memref<4096xf32, #tpu.memory_space<vmem>>) dst(%dma_wait3A_303 : memref<4096xf32, #tpu.memory_space<hbm>>)
    %scan3A_307 = arith.constant 0 : i32
    %scan3A_308 = arith.constant 0 : i32
    %scan3A_309 = arith.constant 64 : i32
    %scan3A_310 = arith.addi %scan3A_308, %scan3A_309 : i32
    %scan3A_311 = arith.constant 4 : i32
    scf.for %scan3A_381 = %scan3A_308 to %scan3A_310 step %scan3A_311  : i32 {
      %mul3A_382 = arith.constant 64 : i32
      %mul3A_383 = arith.muli %scan3A_381, %mul3A_382 : i32
      %add3A_384 = arith.constant 0 : i32
      %add3A_385 = arith.addi %mul3A_383, %add3A_384 : i32
      %get3A = arith.constant 0 : i32
      %get3A_386 = arith.index_cast %get3A : i32 to index
      %get3A_387 = arith.index_cast %add3A_385 : i32 to index
      %get3A_388 = tpu.vector_load %arg6[%get3A_386, %get3A_387] {strides = array<i32>} : memref<2x4096xi32, #tpu.memory_space<vmem>>, vector<16xi32>,
      %gather3A = tpu.vector_load_idx %arg5[%get3A_388] : memref<100000xf32, #tpu.memory_space<vmem>>[vector<16xi32>], vector<16xf32>,
      %swap3A = arith.constant 0 : i32
      %swap3A_389 = arith.index_cast %swap3A : i32 to index
      %swap3A_390 = arith.index_cast %add3A_385 : i32 to index
      %swap3A_391 = tpu.vector_load %arg7[%swap3A_389, %swap3A_390] {strides = array<i32>} : memref<2x4096xf32, #tpu.memory_space<vmem>>, vector<16xf32>,
      tpu.vector_store %arg7[%swap3A_389, %swap3A_390], %gather3A {strides = array<i32>} : memref<2x4096xf32, #tpu.memory_space<vmem>>, vector<16xf32>,
      %mul3A_392 = arith.constant 64 : i32
      %mul3A_393 = arith.muli %scan3A_381, %mul3A_392 : i32
      %add3A_394 = arith.constant 16 : i32
      %add3A_395 = arith.addi %mul3A_393, %add3A_394 : i32
      %get3A_396 = arith.constant 0 : i32
      %get3A_397 = arith.index_cast %get3A_396 : i32 to index
      %get3A_398 = arith.index_cast %add3A_395 : i32 to index
      %get3A_399 = tpu.vector_load %arg6[%get3A_397, %get3A_398] {strides = array<i32>} : memref<2x4096xi32, #tpu.memory_space<vmem>>, vector<16xi32>,
      %gather3A_400 = tpu.vector_load_idx %arg5[%get3A_399] : memref<100000xf32, #tpu.memory_space<vmem>>[vector<16xi32>], vector<16xf32>,
      %swap3A_401 = arith.constant 0 : i32
      %swap3A_402 = arith.index_cast %swap3A_401 : i32 to index
      %swap3A_403 = arith.index_cast %add3A_395 : i32 to index
      %swap3A_404 = tpu.vector_load %arg7[%swap3A_402, %swap3A_403] {strides = array<i32>} : memref<2x4096xf32, #tpu.memory_space<vmem>>, vector<16xf32>,
      tpu.vector_store %arg7[%swap3A_402, %swap3A_403], %gather3A_400 {strides = array<i32>} : memref<2x4096xf32, #tpu.memory_space<vmem>>, vector<16xf32>,
      %mul3A_405 = arith.constant 64 : i32
      %mul3A_406 = arith.muli %scan3A_381, %mul3A_405 : i32
      %add3A_407 = arith.constant 32 : i32
      %add3A_408 = arith.addi %mul3A_406, %add3A_407 : i32
      %get3A_409 = arith.constant 0 : i32
      %get3A_410 = arith.index_cast %get3A_409 : i32 to index
      %get3A_411 = arith.index_cast %add3A_408 : i32 to index
      %get3A_412 = tpu.vector_load %arg6[%get3A_410, %get3A_411] {strides = array<i32>} : memref<2x4096xi32, #tpu.memory_space<vmem>>, vector<16xi32>,
      %gather3A_413 = tpu.vector_load_idx %arg5[%get3A_412] : memref<100000xf32, #tpu.memory_space<vmem>>[vector<16xi32>], vector<16xf32>,
      %swap3A_414 = arith.constant 0 : i32
      %swap3A_415 = arith.index_cast %swap3A_414 : i32 to index
      %swap3A_416 = arith.index_cast %add3A_408 : i32 to index
      %swap3A_417 = tpu.vector_load %arg7[%swap3A_415, %swap3A_416] {strides = array<i32>} : memref<2x4096xf32, #tpu.memory_space<vmem>>, vector<16xf32>,
      tpu.vector_store %arg7[%swap3A_415, %swap3A_416], %gather3A_413 {strides = array<i32>} : memref<2x4096xf32, #tpu.memory_space<vmem>>, vector<16xf32>,
      %mul3A_418 = arith.constant 64 : i32
      %mul3A_419 = arith.muli %scan3A_381, %mul3A_418 : i32
      %add3A_420 = arith.constant 48 : i32
      %add3A_421 = arith.addi %mul3A_419, %add3A_420 : i32
      %get3A_422 = arith.constant 0 : i32
      %get3A_423 = arith.index_cast %get3A_422 : i32 to index
      %get3A_424 = arith.index_cast %add3A_421 : i32 to index
      %get3A_425 = tpu.vector_load %arg6[%get3A_423, %get3A_424] {strides = array<i32>} : memref<2x4096xi32, #tpu.memory_space<vmem>>, vector<16xi32>,
      %gather3A_426 = tpu.vector_load_idx %arg5[%get3A_425] : memref<100000xf32, #tpu.memory_space<vmem>>[vector<16xi32>], vector<16xf32>,
      %swap3A_427 = arith.constant 0 : i32
      %swap3A_428 = arith.index_cast %swap3A_427 : i32 to index
      %swap3A_429 = arith.index_cast %add3A_421 : i32 to index
      %swap3A_430 = tpu.vector_load %arg7[%swap3A_428, %swap3A_429] {strides = array<i32>} : memref<2x4096xf32, #tpu.memory_space<vmem>>, vector<16xf32>,
      tpu.vector_store %arg7[%swap3A_428, %swap3A_429], %gather3A_426 {strides = array<i32>} : memref<2x4096xf32, #tpu.memory_space<vmem>>, vector<16xf32>,
      %scan3A_431 = arith.constant 1 : i32
      %scan3A_432 = arith.addi %scan3A_381, %scan3A_431 : i32
      %mul3A_433 = arith.constant 64 : i32
      %mul3A_434 = arith.muli %scan3A_432, %mul3A_433 : i32
      %add3A_435 = arith.constant 0 : i32
      %add3A_436 = arith.addi %mul3A_434, %add3A_435 : i32
      %get3A_437 = arith.constant 0 : i32
      %get3A_438 = arith.index_cast %get3A_437 : i32 to index
      %get3A_439 = arith.index_cast %add3A_436 : i32 to index
      %get3A_440 = tpu.vector_load %arg6[%get3A_438, %get3A_439] {strides = array<i32>} : memref<2x4096xi32, #tpu.memory_space<vmem>>, vector<16xi32>,
      %gather3A_441 = tpu.vector_load_idx %arg5[%get3A_440] : memref<100000xf32, #tpu.memory_space<vmem>>[vector<16xi32>], vector<16xf32>,
      %swap3A_442 = arith.constant 0 : i32
      %swap3A_443 = arith.index_cast %swap3A_442 : i32 to index
      %swap3A_444 = arith.index_cast %add3A_436 : i32 to index
      %swap3A_445 = tpu.vector_load %arg7[%swap3A_443, %swap3A_444] {strides = array<i32>} : memref<2x4096xf32, #tpu.memory_space<vmem>>, vector<16xf32>,
      tpu.vector_store %arg7[%swap3A_443, %swap3A_444], %gather3A_441 {strides = array<i32>} : memref<2x4096xf32, #tpu.memory_space<vmem>>, vector<16xf32>,
      %mul3A_446 = arith.constant 64 : i32
      %mul3A_447 = arith.muli %scan3A_432, %mul3A_446 : i32
      %add3A_448 = arith.constant 16 : i32
      %add3A_449 = arith.addi %mul3A_447, %add3A_448 : i32
      %get3A_450 = arith.constant 0 : i32
      %get3A_451 = arith.index_cast %get3A_450 : i32 to index
      %get3A_452 = arith.index_cast %add3A_449 : i32 to index
      %get3A_453 = tpu.vector_load %arg6[%get3A_451, %get3A_452] {strides = array<i32>} : memref<2x4096xi32, #tpu.memory_space<vmem>>, vector<16xi32>,
      %gather3A_454 = tpu.vector_load_idx %arg5[%get3A_453] : memref<100000xf32, #tpu.memory_space<vmem>>[vector<16xi32>], vector<16xf32>,
      %swap3A_455 = arith.constant 0 : i32
      %swap3A_456 = arith.index_cast %swap3A_455 : i32 to index
      %swap3A_457 = arith.index_cast %add3A_449 : i32 to index
      %swap3A_458 = tpu.vector_load %arg7[%swap3A_456, %swap3A_457] {strides = array<i32>} : memref<2x4096xf32, #tpu.memory_space<vmem>>, vector<16xf32>,
      tpu.vector_store %arg7[%swap3A_456, %swap3A_457], %gather3A_454 {strides = array<i32>} : memref<2x4096xf32, #tpu.memory_space<vmem>>, vector<16xf32>,
      %mul3A_459 = arith.constant 64 : i32
      %mul3A_460 = arith.muli %scan3A_432, %mul3A_459 : i32
      %add3A_461 = arith.constant 32 : i32
      %add3A_462 = arith.addi %mul3A_460, %add3A_461 : i32
      %get3A_463 = arith.constant 0 : i32
      %get3A_464 = arith.index_cast %get3A_463 : i32 to index
      %get3A_465 = arith.index_cast %add3A_462 : i32 to index
      %get3A_466 = tpu.vector_load %arg6[%get3A_464, %get3A_465] {strides = array<i32>} : memref<2x4096xi32, #tpu.memory_space<vmem>>, vector<16xi32>,
      %gather3A_467 = tpu.vector_load_idx %arg5[%get3A_466] : memref<100000xf32, #tpu.memory_space<vmem>>[vector<16xi32>], vector<16xf32>,
      %swap3A_468 = arith.constant 0 : i32
      %swap3A_469 = arith.index_cast %swap3A_468 : i32 to index
      %swap3A_470 = arith.index_cast %add3A_462 : i32 to index
      %swap3A_471 = tpu.vector_load %arg7[%swap3A_469, %swap3A_470] {strides = array<i32>} : memref<2x4096xf32, #tpu.memory_space<vmem>>, vector<16xf32>,
      tpu.vector_store %arg7[%swap3A_469, %swap3A_470], %gather3A_467 {strides = array<i32>} : memref<2x4096xf32, #tpu.memory_space<vmem>>, vector<16xf32>,
      %mul3A_472 = arith.constant 64 : i32
      %mul3A_473 = arith.muli %scan3A_432, %mul3A_472 : i32
      %add3A_474 = arith.constant 48 : i32
      %add3A_475 = arith.addi %mul3A_473, %add3A_474 : i32
      %get3A_476 = arith.constant 0 : i32
      %get3A_477 = arith.index_cast %get3A_476 : i32 to index
      %get3A_478 = arith.index_cast %add3A_475 : i32 to index
      %get3A_479 = tpu.vector_load %arg6[%get3A_477, %get3A_478] {strides = array<i32>} : memref<2x4096xi32, #tpu.memory_space<vmem>>, vector<16xi32>,
      %gather3A_480 = tpu.vector_load_idx %arg5[%get3A_479] : memref<100000xf32, #tpu.memory_space<vmem>>[vector<16xi32>], vector<16xf32>,
      %swap3A_481 = arith.constant 0 : i32
      %swap3A_482 = arith.index_cast %swap3A_481 : i32 to index
      %swap3A_483 = arith.index_cast %add3A_475 : i32 to index
      %swap3A_484 = tpu.vector_load %arg7[%swap3A_482, %swap3A_483] {strides = array<i32>} : memref<2x4096xf32, #tpu.memory_space<vmem>>, vector<16xf32>,
      tpu.vector_store %arg7[%swap3A_482, %swap3A_483], %gather3A_480 {strides = array<i32>} : memref<2x4096xf32, #tpu.memory_space<vmem>>, vector<16xf32>,
      %scan3A_485 = arith.constant 2 : i32
      %scan3A_486 = arith.addi %scan3A_381, %scan3A_485 : i32
      %mul3A_487 = arith.constant 64 : i32
      %mul3A_488 = arith.muli %scan3A_486, %mul3A_487 : i32
      %add3A_489 = arith.constant 0 : i32
      %add3A_490 = arith.addi %mul3A_488, %add3A_489 : i32
      %get3A_491 = arith.constant 0 : i32
      %get3A_492 = arith.index_cast %get3A_491 : i32 to index
      %get3A_493 = arith.index_cast %add3A_490 : i32 to index
      %get3A_494 = tpu.vector_load %arg6[%get3A_492, %get3A_493] {strides = array<i32>} : memref<2x4096xi32, #tpu.memory_space<vmem>>, vector<16xi32>,
      %gather3A_495 = tpu.vector_load_idx %arg5[%get3A_494] : memref<100000xf32, #tpu.memory_space<vmem>>[vector<16xi32>], vector<16xf32>,
      %swap3A_496 = arith.constant 0 : i32
      %swap3A_497 = arith.index_cast %swap3A_496 : i32 to index
      %swap3A_498 = arith.index_cast %add3A_490 : i32 to index
      %swap3A_499 = tpu.vector_load %arg7[%swap3A_497, %swap3A_498] {strides = array<i32>} : memref<2x4096xf32, #tpu.memory_space<vmem>>, vector<16xf32>,
      tpu.vector_store %arg7[%swap3A_497, %swap3A_498], %gather3A_495 {strides = array<i32>} : memref<2x4096xf32, #tpu.memory_space<vmem>>, vector<16xf32>,
      %mul3A_500 = arith.constant 64 : i32
      %mul3A_501 = arith.muli %scan3A_486, %mul3A_500 : i32
      %add3A_502 = arith.constant 16 : i32
      %add3A_503 = arith.addi %mul3A_501, %add3A_502 : i32
      %get3A_504 = arith.constant 0 : i32
      %get3A_505 = arith.index_cast %get3A_504 : i32 to index
      %get3A_506 = arith.index_cast %add3A_503 : i32 to index
      %get3A_507 = tpu.vector_load %arg6[%get3A_505, %get3A_506] {strides = array<i32>} : memref<2x4096xi32, #tpu.memory_space<vmem>>, vector<16xi32>,
      %gather3A_508 = tpu.vector_load_idx %arg5[%get3A_507] : memref<100000xf32, #tpu.memory_space<vmem>>[vector<16xi32>], vector<16xf32>,
      %swap3A_509 = arith.constant 0 : i32
      %swap3A_510 = arith.index_cast %swap3A_509 : i32 to index
      %swap3A_511 = arith.index_cast %add3A_503 : i32 to index
      %swap3A_512 = tpu.vector_load %arg7[%swap3A_510, %swap3A_511] {strides = array<i32>} : memref<2x4096xf32, #tpu.memory_space<vmem>>, vector<16xf32>,
      tpu.vector_store %arg7[%swap3A_510, %swap3A_511], %gather3A_508 {strides = array<i32>} : memref<2x4096xf32, #tpu.memory_space<vmem>>, vector<16xf32>,
      %mul3A_513 = arith.constant 64 : i32
      %mul3A_514 = arith.muli %scan3A_486, %mul3A_513 : i32
      %add3A_515 = arith.constant 32 : i32
      %add3A_516 = arith.addi %mul3A_514, %add3A_515 : i32
      %get3A_517 = arith.constant 0 : i32
      %get3A_518 = arith.index_cast %get3A_517 : i32 to index
      %get3A_519 = arith.index_cast %add3A_516 : i32 to index
      %get3A_520 = tpu.vector_load %arg6[%get3A_518, %get3A_519] {strides = array<i32>} : memref<2x4096xi32, #tpu.memory_space<vmem>>, vector<16xi32>,
      %gather3A_521 = tpu.vector_load_idx %arg5[%get3A_520] : memref<100000xf32, #tpu.memory_space<vmem>>[vector<16xi32>], vector<16xf32>,
      %swap3A_522 = arith.constant 0 : i32
      %swap3A_523 = arith.index_cast %swap3A_522 : i32 to index
      %swap3A_524 = arith.index_cast %add3A_516 : i32 to index
      %swap3A_525 = tpu.vector_load %arg7[%swap3A_523, %swap3A_524] {strides = array<i32>} : memref<2x4096xf32, #tpu.memory_space<vmem>>, vector<16xf32>,
      tpu.vector_store %arg7[%swap3A_523, %swap3A_524], %gather3A_521 {strides = array<i32>} : memref<2x4096xf32, #tpu.memory_space<vmem>>, vector<16xf32>,
      %mul3A_526 = arith.constant 64 : i32
      %mul3A_527 = arith.muli %scan3A_486, %mul3A_526 : i32
      %add3A_528 = arith.constant 48 : i32
      %add3A_529 = arith.addi %mul3A_527, %add3A_528 : i32
      %get3A_530 = arith.constant 0 : i32
      %get3A_531 = arith.index_cast %get3A_530 : i32 to index
      %get3A_532 = arith.index_cast %add3A_529 : i32 to index
      %get3A_533 = tpu.vector_load %arg6[%get3A_531, %get3A_532] {strides = array<i32>} : memref<2x4096xi32, #tpu.memory_space<vmem>>, vector<16xi32>,
      %gather3A_534 = tpu.vector_load_idx %arg5[%get3A_533] : memref<100000xf32, #tpu.memory_space<vmem>>[vector<16xi32>], vector<16xf32>,
      %swap3A_535 = arith.constant 0 : i32
      %swap3A_536 = arith.index_cast %swap3A_535 : i32 to index
      %swap3A_537 = arith.index_cast %add3A_529 : i32 to index
      %swap3A_538 = tpu.vector_load %arg7[%swap3A_536, %swap3A_537] {strides = array<i32>} : memref<2x4096xf32, #tpu.memory_space<vmem>>, vector<16xf32>,
      tpu.vector_store %arg7[%swap3A_536, %swap3A_537], %gather3A_534 {strides = array<i32>} : memref<2x4096xf32, #tpu.memory_space<vmem>>, vector<16xf32>,
      %scan3A_539 = arith.constant 3 : i32
      %scan3A_540 = arith.addi %scan3A_381, %scan3A_539 : i32
      %mul3A_541 = arith.constant 64 : i32
      %mul3A_542 = arith.muli %scan3A_540, %mul3A_541 : i32
      %add3A_543 = arith.constant 0 : i32
      %add3A_544 = arith.addi %mul3A_542, %add3A_543 : i32
      %get3A_545 = arith.constant 0 : i32
      %get3A_546 = arith.index_cast %get3A_545 : i32 to index
      %get3A_547 = arith.index_cast %add3A_544 : i32 to index
      %get3A_548 = tpu.vector_load %arg6[%get3A_546, %get3A_547] {strides = array<i32>} : memref<2x4096xi32, #tpu.memory_space<vmem>>, vector<16xi32>,
      %gather3A_549 = tpu.vector_load_idx %arg5[%get3A_548] : memref<100000xf32, #tpu.memory_space<vmem>>[vector<16xi32>], vector<16xf32>,
      %swap3A_550 = arith.constant 0 : i32
      %swap3A_551 = arith.index_cast %swap3A_550 : i32 to index
      %swap3A_552 = arith.index_cast %add3A_544 : i32 to index
      %swap3A_553 = tpu.vector_load %arg7[%swap3A_551, %swap3A_552] {strides = array<i32>} : memref<2x4096xf32, #tpu.memory_space<vmem>>, vector<16xf32>,
      tpu.vector_store %arg7[%swap3A_551, %swap3A_552], %gather3A_549 {strides = array<i32>} : memref<2x4096xf32, #tpu.memory_space<vmem>>, vector<16xf32>,
      %mul3A_554 = arith.constant 64 : i32
      %mul3A_555 = arith.muli %scan3A_540, %mul3A_554 : i32
      %add3A_556 = arith.constant 16 : i32
      %add3A_557 = arith.addi %mul3A_555, %add3A_556 : i32
      %get3A_558 = arith.constant 0 : i32
      %get3A_559 = arith.index_cast %get3A_558 : i32 to index
      %get3A_560 = arith.index_cast %add3A_557 : i32 to index
      %get3A_561 = tpu.vector_load %arg6[%get3A_559, %get3A_560] {strides = array<i32>} : memref<2x4096xi32, #tpu.memory_space<vmem>>, vector<16xi32>,
      %gather3A_562 = tpu.vector_load_idx %arg5[%get3A_561] : memref<100000xf32, #tpu.memory_space<vmem>>[vector<16xi32>], vector<16xf32>,
      %swap3A_563 = arith.constant 0 : i32
      %swap3A_564 = arith.index_cast %swap3A_563 : i32 to index
      %swap3A_565 = arith.index_cast %add3A_557 : i32 to index
      %swap3A_566 = tpu.vector_load %arg7[%swap3A_564, %swap3A_565] {strides = array<i32>} : memref<2x4096xf32, #tpu.memory_space<vmem>>, vector<16xf32>,
      tpu.vector_store %arg7[%swap3A_564, %swap3A_565], %gather3A_562 {strides = array<i32>} : memref<2x4096xf32, #tpu.memory_space<vmem>>, vector<16xf32>,
      %mul3A_567 = arith.constant 64 : i32
      %mul3A_568 = arith.muli %scan3A_540, %mul3A_567 : i32
      %add3A_569 = arith.constant 32 : i32
      %add3A_570 = arith.addi %mul3A_568, %add3A_569 : i32
      %get3A_571 = arith.constant 0 : i32
      %get3A_572 = arith.index_cast %get3A_571 : i32 to index
      %get3A_573 = arith.index_cast %add3A_570 : i32 to index
      %get3A_574 = tpu.vector_load %arg6[%get3A_572, %get3A_573] {strides = array<i32>} : memref<2x4096xi32, #tpu.memory_space<vmem>>, vector<16xi32>,
      %gather3A_575 = tpu.vector_load_idx %arg5[%get3A_574] : memref<100000xf32, #tpu.memory_space<vmem>>[vector<16xi32>], vector<16xf32>,
      %swap3A_576 = arith.constant 0 : i32
      %swap3A_577 = arith.index_cast %swap3A_576 : i32 to index
      %swap3A_578 = arith.index_cast %add3A_570 : i32 to index
      %swap3A_579 = tpu.vector_load %arg7[%swap3A_577, %swap3A_578] {strides = array<i32>} : memref<2x4096xf32, #tpu.memory_space<vmem>>, vector<16xf32>,
      tpu.vector_store %arg7[%swap3A_577, %swap3A_578], %gather3A_575 {strides = array<i32>} : memref<2x4096xf32, #tpu.memory_space<vmem>>, vector<16xf32>,
      %mul3A_580 = arith.constant 64 : i32
      %mul3A_581 = arith.muli %scan3A_540, %mul3A_580 : i32
      %add3A_582 = arith.constant 48 : i32
      %add3A_583 = arith.addi %mul3A_581, %add3A_582 : i32
      %get3A_584 = arith.constant 0 : i32
      %get3A_585 = arith.index_cast %get3A_584 : i32 to index
      %get3A_586 = arith.index_cast %add3A_583 : i32 to index
      %get3A_587 = tpu.vector_load %arg6[%get3A_585, %get3A_586] {strides = array<i32>} : memref<2x4096xi32, #tpu.memory_space<vmem>>, vector<16xi32>,
      %gather3A_588 = tpu.vector_load_idx %arg5[%get3A_587] : memref<100000xf32, #tpu.memory_space<vmem>>[vector<16xi32>], vector<16xf32>,
      %swap3A_589 = arith.constant 0 : i32
      %swap3A_590 = arith.index_cast %swap3A_589 : i32 to index
      %swap3A_591 = arith.index_cast %add3A_583 : i32 to index
      %swap3A_592 = tpu.vector_load %arg7[%swap3A_590, %swap3A_591] {strides = array<i32>} : memref<2x4096xf32, #tpu.memory_space<vmem>>, vector<16xf32>,
      tpu.vector_store %arg7[%swap3A_590, %swap3A_591], %gather3A_588 {strides = array<i32>} : memref<2x4096xf32, #tpu.memory_space<vmem>>, vector<16xf32>,
    }
    %scan3A_312 = arith.constant 64 : i32
    %dma_start3A_313 = arith.constant 0 : i32
    %dma_start3A_314 = arith.constant 0 : i32
    %dma_start3A_315 = tpu.memref_slice %arg7[%dma_start3A_313, %dma_start3A_314] : memref<2x4096xf32, #tpu.memory_space<vmem>> -> memref<1x4096xf32, #tpu.memory_space<vmem>>
    %dma_start3A_316 = tpu.memref_squeeze %dma_start3A_315 : memref<1x4096xf32, #tpu.memory_space<vmem>> -> memref<4096xf32, #tpu.memory_space<vmem>>
    %dma_start3A_317 = tpu.memref_slice %arg4[%add3A_275] : memref<1048576xf32, #tpu.memory_space<hbm>> -> memref<4096xf32, #tpu.memory_space<hbm>>
    %dma_start3A_318 = tpu.memref_slice %arg4[%add3A_275] : memref<1048576xf32, #tpu.memory_space<hbm>> -> memref<4096xf32, #tpu.memory_space<hbm>>
    %dma_start3A_319 = arith.constant 0 : i32
    %dma_start3A_320 = tpu.memref_slice %arg7[%dma_start3A_313, %dma_start3A_319] : memref<2x4096xf32, #tpu.memory_space<vmem>> -> memref<1x4096xf32, #tpu.memory_space<vmem>>
    %dma_start3A_321 = tpu.memref_squeeze %dma_start3A_320 : memref<1x4096xf32, #tpu.memory_space<vmem>> -> memref<4096xf32, #tpu.memory_space<vmem>>
    tpu.enqueue_dma source(%dma_start3A_321 : memref<4096xf32, #tpu.memory_space<vmem>>) target(%dma_start3A_318 : memref<4096xf32, #tpu.memory_space<hbm>>) target_semaphore(%arg10 : memref<!tpu.dma_semaphore, #tpu.memory_space<semaphore_mem>>)
    %add3A_322 = arith.constant 28672 : i32
    %add3A_323 = arith.addi %mul3A_2, %add3A_322 : i32
    %dma_wait3A_324 = arith.constant 1 : i32
    %dma_wait3A_325 = arith.constant 0 : i32
    %dma_wait3A_326 = tpu.memref_slice %arg6[%dma_wait3A_324, %dma_wait3A_325] : memref<2x4096xi32, #tpu.memory_space<vmem>> -> memref<1x4096xi32, #tpu.memory_space<vmem>>
    %dma_wait3A_327 = tpu.memref_squeeze %dma_wait3A_326 : memref<1x4096xi32, #tpu.memory_space<vmem>> -> memref<4096xi32, #tpu.memory_space<vmem>>
    %dma_wait3A_328 = tpu.memref_slice %arg2[%add3A_323] : memref<1048576xi32, #tpu.memory_space<hbm>> -> memref<4096xi32, #tpu.memory_space<hbm>>
    %dma_wait3A_329 = arith.constant 0 : i32
    %dma_wait3A_330 = tpu.memref_slice %arg6[%dma_wait3A_324, %dma_wait3A_329] : memref<2x4096xi32, #tpu.memory_space<vmem>> -> memref<1x4096xi32, #tpu.memory_space<vmem>>
    %dma_wait3A_331 = tpu.memref_squeeze %dma_wait3A_330 : memref<1x4096xi32, #tpu.memory_space<vmem>> -> memref<4096xi32, #tpu.memory_space<vmem>>
    %dma_wait3A_332 = tpu.memref_slice %arg2[%add3A_323] : memref<1048576xi32, #tpu.memory_space<hbm>> -> memref<4096xi32, #tpu.memory_space<hbm>>
    tpu.wait_dma2 semaphore(%arg9 : memref<!tpu.dma_semaphore, #tpu.memory_space<semaphore_mem>>) src(%dma_wait3A_332 : memref<4096xi32, #tpu.memory_space<hbm>>) dst(%dma_wait3A_331 : memref<4096xi32, #tpu.memory_space<vmem>>)
    %sub3A_333 = arith.constant 8192 : i32
    %sub3A_334 = arith.subi %add3A_323, %sub3A_333 : i32
    %dma_wait3A_335 = arith.constant 1 : i32
    %dma_wait3A_336 = arith.constant 0 : i32
    %dma_wait3A_337 = tpu.memref_slice %arg7[%dma_wait3A_335, %dma_wait3A_336] : memref<2x4096xf32, #tpu.memory_space<vmem>> -> memref<1x4096xf32, #tpu.memory_space<vmem>>
    %dma_wait3A_338 = tpu.memref_squeeze %dma_wait3A_337 : memref<1x4096xf32, #tpu.memory_space<vmem>> -> memref<4096xf32, #tpu.memory_space<vmem>>
    %dma_wait3A_339 = tpu.memref_slice %arg4[%sub3A_334] : memref<1048576xf32, #tpu.memory_space<hbm>> -> memref<4096xf32, #tpu.memory_space<hbm>>
    %dma_wait3A_340 = tpu.memref_slice %arg4[%sub3A_334] : memref<1048576xf32, #tpu.memory_space<hbm>> -> memref<4096xf32, #tpu.memory_space<hbm>>
    %dma_wait3A_341 = arith.constant 0 : i32
    %dma_wait3A_342 = tpu.memref_slice %arg7[%dma_wait3A_335, %dma_wait3A_341] : memref<2x4096xf32, #tpu.memory_space<vmem>> -> memref<1x4096xf32, #tpu.memory_space<vmem>>
    %dma_wait3A_343 = tpu.memref_squeeze %dma_wait3A_342 : memref<1x4096xf32, #tpu.memory_space<vmem>> -> memref<4096xf32, #tpu.memory_space<vmem>>
    tpu.wait_dma2 semaphore(%arg10 : memref<!tpu.dma_semaphore, #tpu.memory_space<semaphore_mem>>) src(%dma_wait3A_343 : memref<4096xf32, #tpu.memory_space<vmem>>) dst(%dma_wait3A_340 : memref<4096xf32, #tpu.memory_space<hbm>>)
    %scan3A_344 = arith.constant 0 : i32
    %scan3A_345 = arith.constant 0 : i32
    %scan3A_346 = arith.constant 64 : i32
    %scan3A_347 = arith.addi %scan3A_345, %scan3A_346 : i32
    %scan3A_348 = arith.constant 4 : i32
    scf.for %scan3A_381 = %scan3A_345 to %scan3A_347 step %scan3A_348  : i32 {
      %mul3A_382 = arith.constant 64 : i32
      %mul3A_383 = arith.muli %scan3A_381, %mul3A_382 : i32
      %add3A_384 = arith.constant 0 : i32
      %add3A_385 = arith.addi %mul3A_383, %add3A_384 : i32
      %get3A = arith.constant 1 : i32
      %get3A_386 = arith.index_cast %get3A : i32 to index
      %get3A_387 = arith.index_cast %add3A_385 : i32 to index
      %get3A_388 = tpu.vector_load %arg6[%get3A_386, %get3A_387] {strides = array<i32>} : memref<2x4096xi32, #tpu.memory_space<vmem>>, vector<16xi32>,
      %gather3A = tpu.vector_load_idx %arg5[%get3A_388] : memref<100000xf32, #tpu.memory_space<vmem>>[vector<16xi32>], vector<16xf32>,
      %swap3A = arith.constant 1 : i32
      %swap3A_389 = arith.index_cast %swap3A : i32 to index
      %swap3A_390 = arith.index_cast %add3A_385 : i32 to index
      %swap3A_391 = tpu.vector_load %arg7[%swap3A_389, %swap3A_390] {strides = array<i32>} : memref<2x4096xf32, #tpu.memory_space<vmem>>, vector<16xf32>,
      tpu.vector_store %arg7[%swap3A_389, %swap3A_390], %gather3A {strides = array<i32>} : memref<2x4096xf32, #tpu.memory_space<vmem>>, vector<16xf32>,
      %mul3A_392 = arith.constant 64 : i32
      %mul3A_393 = arith.muli %scan3A_381, %mul3A_392 : i32
      %add3A_394 = arith.constant 16 : i32
      %add3A_395 = arith.addi %mul3A_393, %add3A_394 : i32
      %get3A_396 = arith.constant 1 : i32
      %get3A_397 = arith.index_cast %get3A_396 : i32 to index
      %get3A_398 = arith.index_cast %add3A_395 : i32 to index
      %get3A_399 = tpu.vector_load %arg6[%get3A_397, %get3A_398] {strides = array<i32>} : memref<2x4096xi32, #tpu.memory_space<vmem>>, vector<16xi32>,
      %gather3A_400 = tpu.vector_load_idx %arg5[%get3A_399] : memref<100000xf32, #tpu.memory_space<vmem>>[vector<16xi32>], vector<16xf32>,
      %swap3A_401 = arith.constant 1 : i32
      %swap3A_402 = arith.index_cast %swap3A_401 : i32 to index
      %swap3A_403 = arith.index_cast %add3A_395 : i32 to index
      %swap3A_404 = tpu.vector_load %arg7[%swap3A_402, %swap3A_403] {strides = array<i32>} : memref<2x4096xf32, #tpu.memory_space<vmem>>, vector<16xf32>,
      tpu.vector_store %arg7[%swap3A_402, %swap3A_403], %gather3A_400 {strides = array<i32>} : memref<2x4096xf32, #tpu.memory_space<vmem>>, vector<16xf32>,
      %mul3A_405 = arith.constant 64 : i32
      %mul3A_406 = arith.muli %scan3A_381, %mul3A_405 : i32
      %add3A_407 = arith.constant 32 : i32
      %add3A_408 = arith.addi %mul3A_406, %add3A_407 : i32
      %get3A_409 = arith.constant 1 : i32
      %get3A_410 = arith.index_cast %get3A_409 : i32 to index
      %get3A_411 = arith.index_cast %add3A_408 : i32 to index
      %get3A_412 = tpu.vector_load %arg6[%get3A_410, %get3A_411] {strides = array<i32>} : memref<2x4096xi32, #tpu.memory_space<vmem>>, vector<16xi32>,
      %gather3A_413 = tpu.vector_load_idx %arg5[%get3A_412] : memref<100000xf32, #tpu.memory_space<vmem>>[vector<16xi32>], vector<16xf32>,
      %swap3A_414 = arith.constant 1 : i32
      %swap3A_415 = arith.index_cast %swap3A_414 : i32 to index
      %swap3A_416 = arith.index_cast %add3A_408 : i32 to index
      %swap3A_417 = tpu.vector_load %arg7[%swap3A_415, %swap3A_416] {strides = array<i32>} : memref<2x4096xf32, #tpu.memory_space<vmem>>, vector<16xf32>,
      tpu.vector_store %arg7[%swap3A_415, %swap3A_416], %gather3A_413 {strides = array<i32>} : memref<2x4096xf32, #tpu.memory_space<vmem>>, vector<16xf32>,
      %mul3A_418 = arith.constant 64 : i32
      %mul3A_419 = arith.muli %scan3A_381, %mul3A_418 : i32
      %add3A_420 = arith.constant 48 : i32
      %add3A_421 = arith.addi %mul3A_419, %add3A_420 : i32
      %get3A_422 = arith.constant 1 : i32
      %get3A_423 = arith.index_cast %get3A_422 : i32 to index
      %get3A_424 = arith.index_cast %add3A_421 : i32 to index
      %get3A_425 = tpu.vector_load %arg6[%get3A_423, %get3A_424] {strides = array<i32>} : memref<2x4096xi32, #tpu.memory_space<vmem>>, vector<16xi32>,
      %gather3A_426 = tpu.vector_load_idx %arg5[%get3A_425] : memref<100000xf32, #tpu.memory_space<vmem>>[vector<16xi32>], vector<16xf32>,
      %swap3A_427 = arith.constant 1 : i32
      %swap3A_428 = arith.index_cast %swap3A_427 : i32 to index
      %swap3A_429 = arith.index_cast %add3A_421 : i32 to index
      %swap3A_430 = tpu.vector_load %arg7[%swap3A_428, %swap3A_429] {strides = array<i32>} : memref<2x4096xf32, #tpu.memory_space<vmem>>, vector<16xf32>,
      tpu.vector_store %arg7[%swap3A_428, %swap3A_429], %gather3A_426 {strides = array<i32>} : memref<2x4096xf32, #tpu.memory_space<vmem>>, vector<16xf32>,
      %scan3A_431 = arith.constant 1 : i32
      %scan3A_432 = arith.addi %scan3A_381, %scan3A_431 : i32
      %mul3A_433 = arith.constant 64 : i32
      %mul3A_434 = arith.muli %scan3A_432, %mul3A_433 : i32
      %add3A_435 = arith.constant 0 : i32
      %add3A_436 = arith.addi %mul3A_434, %add3A_435 : i32
      %get3A_437 = arith.constant 1 : i32
      %get3A_438 = arith.index_cast %get3A_437 : i32 to index
      %get3A_439 = arith.index_cast %add3A_436 : i32 to index
      %get3A_440 = tpu.vector_load %arg6[%get3A_438, %get3A_439] {strides = array<i32>} : memref<2x4096xi32, #tpu.memory_space<vmem>>, vector<16xi32>,
      %gather3A_441 = tpu.vector_load_idx %arg5[%get3A_440] : memref<100000xf32, #tpu.memory_space<vmem>>[vector<16xi32>], vector<16xf32>,
      %swap3A_442 = arith.constant 1 : i32
      %swap3A_443 = arith.index_cast %swap3A_442 : i32 to index
      %swap3A_444 = arith.index_cast %add3A_436 : i32 to index
      %swap3A_445 = tpu.vector_load %arg7[%swap3A_443, %swap3A_444] {strides = array<i32>} : memref<2x4096xf32, #tpu.memory_space<vmem>>, vector<16xf32>,
      tpu.vector_store %arg7[%swap3A_443, %swap3A_444], %gather3A_441 {strides = array<i32>} : memref<2x4096xf32, #tpu.memory_space<vmem>>, vector<16xf32>,
      %mul3A_446 = arith.constant 64 : i32
      %mul3A_447 = arith.muli %scan3A_432, %mul3A_446 : i32
      %add3A_448 = arith.constant 16 : i32
      %add3A_449 = arith.addi %mul3A_447, %add3A_448 : i32
      %get3A_450 = arith.constant 1 : i32
      %get3A_451 = arith.index_cast %get3A_450 : i32 to index
      %get3A_452 = arith.index_cast %add3A_449 : i32 to index
      %get3A_453 = tpu.vector_load %arg6[%get3A_451, %get3A_452] {strides = array<i32>} : memref<2x4096xi32, #tpu.memory_space<vmem>>, vector<16xi32>,
      %gather3A_454 = tpu.vector_load_idx %arg5[%get3A_453] : memref<100000xf32, #tpu.memory_space<vmem>>[vector<16xi32>], vector<16xf32>,
      %swap3A_455 = arith.constant 1 : i32
      %swap3A_456 = arith.index_cast %swap3A_455 : i32 to index
      %swap3A_457 = arith.index_cast %add3A_449 : i32 to index
      %swap3A_458 = tpu.vector_load %arg7[%swap3A_456, %swap3A_457] {strides = array<i32>} : memref<2x4096xf32, #tpu.memory_space<vmem>>, vector<16xf32>,
      tpu.vector_store %arg7[%swap3A_456, %swap3A_457], %gather3A_454 {strides = array<i32>} : memref<2x4096xf32, #tpu.memory_space<vmem>>, vector<16xf32>,
      %mul3A_459 = arith.constant 64 : i32
      %mul3A_460 = arith.muli %scan3A_432, %mul3A_459 : i32
      %add3A_461 = arith.constant 32 : i32
      %add3A_462 = arith.addi %mul3A_460, %add3A_461 : i32
      %get3A_463 = arith.constant 1 : i32
      %get3A_464 = arith.index_cast %get3A_463 : i32 to index
      %get3A_465 = arith.index_cast %add3A_462 : i32 to index
      %get3A_466 = tpu.vector_load %arg6[%get3A_464, %get3A_465] {strides = array<i32>} : memref<2x4096xi32, #tpu.memory_space<vmem>>, vector<16xi32>,
      %gather3A_467 = tpu.vector_load_idx %arg5[%get3A_466] : memref<100000xf32, #tpu.memory_space<vmem>>[vector<16xi32>], vector<16xf32>,
      %swap3A_468 = arith.constant 1 : i32
      %swap3A_469 = arith.index_cast %swap3A_468 : i32 to index
      %swap3A_470 = arith.index_cast %add3A_462 : i32 to index
      %swap3A_471 = tpu.vector_load %arg7[%swap3A_469, %swap3A_470] {strides = array<i32>} : memref<2x4096xf32, #tpu.memory_space<vmem>>, vector<16xf32>,
      tpu.vector_store %arg7[%swap3A_469, %swap3A_470], %gather3A_467 {strides = array<i32>} : memref<2x4096xf32, #tpu.memory_space<vmem>>, vector<16xf32>,
      %mul3A_472 = arith.constant 64 : i32
      %mul3A_473 = arith.muli %scan3A_432, %mul3A_472 : i32
      %add3A_474 = arith.constant 48 : i32
      %add3A_475 = arith.addi %mul3A_473, %add3A_474 : i32
      %get3A_476 = arith.constant 1 : i32
      %get3A_477 = arith.index_cast %get3A_476 : i32 to index
      %get3A_478 = arith.index_cast %add3A_475 : i32 to index
      %get3A_479 = tpu.vector_load %arg6[%get3A_477, %get3A_478] {strides = array<i32>} : memref<2x4096xi32, #tpu.memory_space<vmem>>, vector<16xi32>,
      %gather3A_480 = tpu.vector_load_idx %arg5[%get3A_479] : memref<100000xf32, #tpu.memory_space<vmem>>[vector<16xi32>], vector<16xf32>,
      %swap3A_481 = arith.constant 1 : i32
      %swap3A_482 = arith.index_cast %swap3A_481 : i32 to index
      %swap3A_483 = arith.index_cast %add3A_475 : i32 to index
      %swap3A_484 = tpu.vector_load %arg7[%swap3A_482, %swap3A_483] {strides = array<i32>} : memref<2x4096xf32, #tpu.memory_space<vmem>>, vector<16xf32>,
      tpu.vector_store %arg7[%swap3A_482, %swap3A_483], %gather3A_480 {strides = array<i32>} : memref<2x4096xf32, #tpu.memory_space<vmem>>, vector<16xf32>,
      %scan3A_485 = arith.constant 2 : i32
      %scan3A_486 = arith.addi %scan3A_381, %scan3A_485 : i32
      %mul3A_487 = arith.constant 64 : i32
      %mul3A_488 = arith.muli %scan3A_486, %mul3A_487 : i32
      %add3A_489 = arith.constant 0 : i32
      %add3A_490 = arith.addi %mul3A_488, %add3A_489 : i32
      %get3A_491 = arith.constant 1 : i32
      %get3A_492 = arith.index_cast %get3A_491 : i32 to index
      %get3A_493 = arith.index_cast %add3A_490 : i32 to index
      %get3A_494 = tpu.vector_load %arg6[%get3A_492, %get3A_493] {strides = array<i32>} : memref<2x4096xi32, #tpu.memory_space<vmem>>, vector<16xi32>,
      %gather3A_495 = tpu.vector_load_idx %arg5[%get3A_494] : memref<100000xf32, #tpu.memory_space<vmem>>[vector<16xi32>], vector<16xf32>,
      %swap3A_496 = arith.constant 1 : i32
      %swap3A_497 = arith.index_cast %swap3A_496 : i32 to index
      %swap3A_498 = arith.index_cast %add3A_490 : i32 to index
      %swap3A_499 = tpu.vector_load %arg7[%swap3A_497, %swap3A_498] {strides = array<i32>} : memref<2x4096xf32, #tpu.memory_space<vmem>>, vector<16xf32>,
      tpu.vector_store %arg7[%swap3A_497, %swap3A_498], %gather3A_495 {strides = array<i32>} : memref<2x4096xf32, #tpu.memory_space<vmem>>, vector<16xf32>,
      %mul3A_500 = arith.constant 64 : i32
      %mul3A_501 = arith.muli %scan3A_486, %mul3A_500 : i32
      %add3A_502 = arith.constant 16 : i32
      %add3A_503 = arith.addi %mul3A_501, %add3A_502 : i32
      %get3A_504 = arith.constant 1 : i32
      %get3A_505 = arith.index_cast %get3A_504 : i32 to index
      %get3A_506 = arith.index_cast %add3A_503 : i32 to index
      %get3A_507 = tpu.vector_load %arg6[%get3A_505, %get3A_506] {strides = array<i32>} : memref<2x4096xi32, #tpu.memory_space<vmem>>, vector<16xi32>,
      %gather3A_508 = tpu.vector_load_idx %arg5[%get3A_507] : memref<100000xf32, #tpu.memory_space<vmem>>[vector<16xi32>], vector<16xf32>,
      %swap3A_509 = arith.constant 1 : i32
      %swap3A_510 = arith.index_cast %swap3A_509 : i32 to index
      %swap3A_511 = arith.index_cast %add3A_503 : i32 to index
      %swap3A_512 = tpu.vector_load %arg7[%swap3A_510, %swap3A_511] {strides = array<i32>} : memref<2x4096xf32, #tpu.memory_space<vmem>>, vector<16xf32>,
      tpu.vector_store %arg7[%swap3A_510, %swap3A_511], %gather3A_508 {strides = array<i32>} : memref<2x4096xf32, #tpu.memory_space<vmem>>, vector<16xf32>,
      %mul3A_513 = arith.constant 64 : i32
      %mul3A_514 = arith.muli %scan3A_486, %mul3A_513 : i32
      %add3A_515 = arith.constant 32 : i32
      %add3A_516 = arith.addi %mul3A_514, %add3A_515 : i32
      %get3A_517 = arith.constant 1 : i32
      %get3A_518 = arith.index_cast %get3A_517 : i32 to index
      %get3A_519 = arith.index_cast %add3A_516 : i32 to index
      %get3A_520 = tpu.vector_load %arg6[%get3A_518, %get3A_519] {strides = array<i32>} : memref<2x4096xi32, #tpu.memory_space<vmem>>, vector<16xi32>,
      %gather3A_521 = tpu.vector_load_idx %arg5[%get3A_520] : memref<100000xf32, #tpu.memory_space<vmem>>[vector<16xi32>], vector<16xf32>,
      %swap3A_522 = arith.constant 1 : i32
      %swap3A_523 = arith.index_cast %swap3A_522 : i32 to index
      %swap3A_524 = arith.index_cast %add3A_516 : i32 to index
      %swap3A_525 = tpu.vector_load %arg7[%swap3A_523, %swap3A_524] {strides = array<i32>} : memref<2x4096xf32, #tpu.memory_space<vmem>>, vector<16xf32>,
      tpu.vector_store %arg7[%swap3A_523, %swap3A_524], %gather3A_521 {strides = array<i32>} : memref<2x4096xf32, #tpu.memory_space<vmem>>, vector<16xf32>,
      %mul3A_526 = arith.constant 64 : i32
      %mul3A_527 = arith.muli %scan3A_486, %mul3A_526 : i32
      %add3A_528 = arith.constant 48 : i32
      %add3A_529 = arith.addi %mul3A_527, %add3A_528 : i32
      %get3A_530 = arith.constant 1 : i32
      %get3A_531 = arith.index_cast %get3A_530 : i32 to index
      %get3A_532 = arith.index_cast %add3A_529 : i32 to index
      %get3A_533 = tpu.vector_load %arg6[%get3A_531, %get3A_532] {strides = array<i32>} : memref<2x4096xi32, #tpu.memory_space<vmem>>, vector<16xi32>,
      %gather3A_534 = tpu.vector_load_idx %arg5[%get3A_533] : memref<100000xf32, #tpu.memory_space<vmem>>[vector<16xi32>], vector<16xf32>,
      %swap3A_535 = arith.constant 1 : i32
      %swap3A_536 = arith.index_cast %swap3A_535 : i32 to index
      %swap3A_537 = arith.index_cast %add3A_529 : i32 to index
      %swap3A_538 = tpu.vector_load %arg7[%swap3A_536, %swap3A_537] {strides = array<i32>} : memref<2x4096xf32, #tpu.memory_space<vmem>>, vector<16xf32>,
      tpu.vector_store %arg7[%swap3A_536, %swap3A_537], %gather3A_534 {strides = array<i32>} : memref<2x4096xf32, #tpu.memory_space<vmem>>, vector<16xf32>,
      %scan3A_539 = arith.constant 3 : i32
      %scan3A_540 = arith.addi %scan3A_381, %scan3A_539 : i32
      %mul3A_541 = arith.constant 64 : i32
      %mul3A_542 = arith.muli %scan3A_540, %mul3A_541 : i32
      %add3A_543 = arith.constant 0 : i32
      %add3A_544 = arith.addi %mul3A_542, %add3A_543 : i32
      %get3A_545 = arith.constant 1 : i32
      %get3A_546 = arith.index_cast %get3A_545 : i32 to index
      %get3A_547 = arith.index_cast %add3A_544 : i32 to index
      %get3A_548 = tpu.vector_load %arg6[%get3A_546, %get3A_547] {strides = array<i32>} : memref<2x4096xi32, #tpu.memory_space<vmem>>, vector<16xi32>,
      %gather3A_549 = tpu.vector_load_idx %arg5[%get3A_548] : memref<100000xf32, #tpu.memory_space<vmem>>[vector<16xi32>], vector<16xf32>,
      %swap3A_550 = arith.constant 1 : i32
      %swap3A_551 = arith.index_cast %swap3A_550 : i32 to index
      %swap3A_552 = arith.index_cast %add3A_544 : i32 to index
      %swap3A_553 = tpu.vector_load %arg7[%swap3A_551, %swap3A_552] {strides = array<i32>} : memref<2x4096xf32, #tpu.memory_space<vmem>>, vector<16xf32>,
      tpu.vector_store %arg7[%swap3A_551, %swap3A_552], %gather3A_549 {strides = array<i32>} : memref<2x4096xf32, #tpu.memory_space<vmem>>, vector<16xf32>,
      %mul3A_554 = arith.constant 64 : i32
      %mul3A_555 = arith.muli %scan3A_540, %mul3A_554 : i32
      %add3A_556 = arith.constant 16 : i32
      %add3A_557 = arith.addi %mul3A_555, %add3A_556 : i32
      %get3A_558 = arith.constant 1 : i32
      %get3A_559 = arith.index_cast %get3A_558 : i32 to index
      %get3A_560 = arith.index_cast %add3A_557 : i32 to index
      %get3A_561 = tpu.vector_load %arg6[%get3A_559, %get3A_560] {strides = array<i32>} : memref<2x4096xi32, #tpu.memory_space<vmem>>, vector<16xi32>,
      %gather3A_562 = tpu.vector_load_idx %arg5[%get3A_561] : memref<100000xf32, #tpu.memory_space<vmem>>[vector<16xi32>], vector<16xf32>,
      %swap3A_563 = arith.constant 1 : i32
      %swap3A_564 = arith.index_cast %swap3A_563 : i32 to index
      %swap3A_565 = arith.index_cast %add3A_557 : i32 to index
      %swap3A_566 = tpu.vector_load %arg7[%swap3A_564, %swap3A_565] {strides = array<i32>} : memref<2x4096xf32, #tpu.memory_space<vmem>>, vector<16xf32>,
      tpu.vector_store %arg7[%swap3A_564, %swap3A_565], %gather3A_562 {strides = array<i32>} : memref<2x4096xf32, #tpu.memory_space<vmem>>, vector<16xf32>,
      %mul3A_567 = arith.constant 64 : i32
      %mul3A_568 = arith.muli %scan3A_540, %mul3A_567 : i32
      %add3A_569 = arith.constant 32 : i32
      %add3A_570 = arith.addi %mul3A_568, %add3A_569 : i32
      %get3A_571 = arith.constant 1 : i32
      %get3A_572 = arith.index_cast %get3A_571 : i32 to index
      %get3A_573 = arith.index_cast %add3A_570 : i32 to index
      %get3A_574 = tpu.vector_load %arg6[%get3A_572, %get3A_573] {strides = array<i32>} : memref<2x4096xi32, #tpu.memory_space<vmem>>, vector<16xi32>,
      %gather3A_575 = tpu.vector_load_idx %arg5[%get3A_574] : memref<100000xf32, #tpu.memory_space<vmem>>[vector<16xi32>], vector<16xf32>,
      %swap3A_576 = arith.constant 1 : i32
      %swap3A_577 = arith.index_cast %swap3A_576 : i32 to index
      %swap3A_578 = arith.index_cast %add3A_570 : i32 to index
      %swap3A_579 = tpu.vector_load %arg7[%swap3A_577, %swap3A_578] {strides = array<i32>} : memref<2x4096xf32, #tpu.memory_space<vmem>>, vector<16xf32>,
      tpu.vector_store %arg7[%swap3A_577, %swap3A_578], %gather3A_575 {strides = array<i32>} : memref<2x4096xf32, #tpu.memory_space<vmem>>, vector<16xf32>,
      %mul3A_580 = arith.constant 64 : i32
      %mul3A_581 = arith.muli %scan3A_540, %mul3A_580 : i32
      %add3A_582 = arith.constant 48 : i32
      %add3A_583 = arith.addi %mul3A_581, %add3A_582 : i32
      %get3A_584 = arith.constant 1 : i32
      %get3A_585 = arith.index_cast %get3A_584 : i32 to index
      %get3A_586 = arith.index_cast %add3A_583 : i32 to index
      %get3A_587 = tpu.vector_load %arg6[%get3A_585, %get3A_586] {strides = array<i32>} : memref<2x4096xi32, #tpu.memory_space<vmem>>, vector<16xi32>,
      %gather3A_588 = tpu.vector_load_idx %arg5[%get3A_587] : memref<100000xf32, #tpu.memory_space<vmem>>[vector<16xi32>], vector<16xf32>,
      %swap3A_589 = arith.constant 1 : i32
      %swap3A_590 = arith.index_cast %swap3A_589 : i32 to index
      %swap3A_591 = arith.index_cast %add3A_583 : i32 to index
      %swap3A_592 = tpu.vector_load %arg7[%swap3A_590, %swap3A_591] {strides = array<i32>} : memref<2x4096xf32, #tpu.memory_space<vmem>>, vector<16xf32>,
      tpu.vector_store %arg7[%swap3A_590, %swap3A_591], %gather3A_588 {strides = array<i32>} : memref<2x4096xf32, #tpu.memory_space<vmem>>, vector<16xf32>,
    }
    %scan3A_349 = arith.constant 64 : i32
    %dma_start3A_350 = arith.constant 1 : i32
    %dma_start3A_351 = arith.constant 0 : i32
    %dma_start3A_352 = tpu.memref_slice %arg7[%dma_start3A_350, %dma_start3A_351] : memref<2x4096xf32, #tpu.memory_space<vmem>> -> memref<1x4096xf32, #tpu.memory_space<vmem>>
    %dma_start3A_353 = tpu.memref_squeeze %dma_start3A_352 : memref<1x4096xf32, #tpu.memory_space<vmem>> -> memref<4096xf32, #tpu.memory_space<vmem>>
    %dma_start3A_354 = tpu.memref_slice %arg4[%add3A_323] : memref<1048576xf32, #tpu.memory_space<hbm>> -> memref<4096xf32, #tpu.memory_space<hbm>>
    %dma_start3A_355 = tpu.memref_slice %arg4[%add3A_323] : memref<1048576xf32, #tpu.memory_space<hbm>> -> memref<4096xf32, #tpu.memory_space<hbm>>
    %dma_start3A_356 = arith.constant 0 : i32
    %dma_start3A_357 = tpu.memref_slice %arg7[%dma_start3A_350, %dma_start3A_356] : memref<2x4096xf32, #tpu.memory_space<vmem>> -> memref<1x4096xf32, #tpu.memory_space<vmem>>
    %dma_start3A_358 = tpu.memref_squeeze %dma_start3A_357 : memref<1x4096xf32, #tpu.memory_space<vmem>> -> memref<4096xf32, #tpu.memory_space<vmem>>
    tpu.enqueue_dma source(%dma_start3A_358 : memref<4096xf32, #tpu.memory_space<vmem>>) target(%dma_start3A_355 : memref<4096xf32, #tpu.memory_space<hbm>>) target_semaphore(%arg10 : memref<!tpu.dma_semaphore, #tpu.memory_space<semaphore_mem>>)
    %add3A_359 = arith.constant 24576 : i32
    %add3A_360 = arith.addi %mul3A_2, %add3A_359 : i32
    %dma_wait3A_361 = arith.constant 0 : i32
    %dma_wait3A_362 = arith.constant 0 : i32
    %dma_wait3A_363 = tpu.memref_slice %arg7[%dma_wait3A_361, %dma_wait3A_362] : memref<2x4096xf32, #tpu.memory_space<vmem>> -> memref<1x4096xf32, #tpu.memory_space<vmem>>
    %dma_wait3A_364 = tpu.memref_squeeze %dma_wait3A_363 : memref<1x4096xf32, #tpu.memory_space<vmem>> -> memref<4096xf32, #tpu.memory_space<vmem>>
    %dma_wait3A_365 = tpu.memref_slice %arg4[%add3A_360] : memref<1048576xf32, #tpu.memory_space<hbm>> -> memref<4096xf32, #tpu.memory_space<hbm>>
    %dma_wait3A_366 = tpu.memref_slice %arg4[%add3A_360] : memref<1048576xf32, #tpu.memory_space<hbm>> -> memref<4096xf32, #tpu.memory_space<hbm>>
    %dma_wait3A_367 = arith.constant 0 : i32
    %dma_wait3A_368 = tpu.memref_slice %arg7[%dma_wait3A_361, %dma_wait3A_367] : memref<2x4096xf32, #tpu.memory_space<vmem>> -> memref<1x4096xf32, #tpu.memory_space<vmem>>
    %dma_wait3A_369 = tpu.memref_squeeze %dma_wait3A_368 : memref<1x4096xf32, #tpu.memory_space<vmem>> -> memref<4096xf32, #tpu.memory_space<vmem>>
    tpu.wait_dma2 semaphore(%arg10 : memref<!tpu.dma_semaphore, #tpu.memory_space<semaphore_mem>>) src(%dma_wait3A_369 : memref<4096xf32, #tpu.memory_space<vmem>>) dst(%dma_wait3A_366 : memref<4096xf32, #tpu.memory_space<hbm>>)
    %add3A_370 = arith.constant 28672 : i32
    %add3A_371 = arith.addi %mul3A_2, %add3A_370 : i32
    %dma_wait3A_372 = arith.constant 1 : i32
    %dma_wait3A_373 = arith.constant 0 : i32
    %dma_wait3A_374 = tpu.memref_slice %arg7[%dma_wait3A_372, %dma_wait3A_373] : memref<2x4096xf32, #tpu.memory_space<vmem>> -> memref<1x4096xf32, #tpu.memory_space<vmem>>
    %dma_wait3A_375 = tpu.memref_squeeze %dma_wait3A_374 : memref<1x4096xf32, #tpu.memory_space<vmem>> -> memref<4096xf32, #tpu.memory_space<vmem>>
    %dma_wait3A_376 = tpu.memref_slice %arg4[%add3A_371] : memref<1048576xf32, #tpu.memory_space<hbm>> -> memref<4096xf32, #tpu.memory_space<hbm>>
    %dma_wait3A_377 = tpu.memref_slice %arg4[%add3A_371] : memref<1048576xf32, #tpu.memory_space<hbm>> -> memref<4096xf32, #tpu.memory_space<hbm>>
    %dma_wait3A_378 = arith.constant 0 : i32
    %dma_wait3A_379 = tpu.memref_slice %arg7[%dma_wait3A_372, %dma_wait3A_378] : memref<2x4096xf32, #tpu.memory_space<vmem>> -> memref<1x4096xf32, #tpu.memory_space<vmem>>
    %dma_wait3A_380 = tpu.memref_squeeze %dma_wait3A_379 : memref<1x4096xf32, #tpu.memory_space<vmem>> -> memref<4096xf32, #tpu.memory_space<vmem>>
    tpu.wait_dma2 semaphore(%arg10 : memref<!tpu.dma_semaphore, #tpu.memory_space<semaphore_mem>>) src(%dma_wait3A_380 : memref<4096xf32, #tpu.memory_space<vmem>>) dst(%dma_wait3A_377 : memref<4096xf32, #tpu.memory_space<hbm>>)
    return
  }
}

#map = affine_map<(d0, d1) -> (0, 0)>
#map1 = affine_map<(d0, d1) -> (0, 0, 0, 0)>
#map2 = affine_map<(d0, d1) -> (0, 0, 0)>
#map3 = affine_map<(d0, d1) -> (0, 0, 0, 0, 0)>
module attributes {stable_mosaic.version = 14 : i64} {
  func.func @k(%arg0: i32, %arg1: i32, %arg2: memref<100000x128xf32, #tpu.memory_space<hbm>>, %arg3: memref<4x16x64x128xi32, #tpu.memory_space<hbm>>, %arg4: memref<4x2048x128xf32, #tpu.memory_space<hbm>>, %arg5: memref<2x16x2x64x128xf32, #tpu.memory_space<hbm>>, %arg6: memref<64x128xi32, #tpu.memory_space<vmem>>, %arg7: memref<2x2x128x128xf32, #tpu.memory_space<vmem>>, %arg8: memref<128x128xf32, #tpu.memory_space<vmem>>, %arg9: memref<64x128xf32, #tpu.memory_space<vmem>>, %arg10: memref<!tpu.dma_semaphore, #tpu.memory_space<semaphore_mem>>, %arg11: memref<!tpu.dma_semaphore, #tpu.memory_space<semaphore_mem>>) attributes {dimension_semantics = [#tpu.dimension_semantics<core_parallel>, #tpu.dimension_semantics<subcore_parallel>], iteration_bounds = array<i64: 2, 16>, scalar_prefetch = 0 : i64, scratch_operands = 6 : i64, tpu.core_type = #tpu.core_type<sc_vector_subcore>, window_params = [{transform_indices = #map}, {transform_indices = #map1}, {transform_indices = #map2}, {transform_indices = #map3}]} {
    %broadcast_in_dim3A = arith.constant 0.000000e+00 : f32
    %broadcast_in_dim3A_0 = vector.broadcast %broadcast_in_dim3A : f32 to vector<16xf32>
    %parallel_loop3A = arith.constant 0 : i32
    %parallel_loop3A_1 = arith.constant 64 : i32
    %parallel_loop3A_2 = arith.constant 1 : i32
    scf.for %parallel_loop3A_8 = %parallel_loop3A to %parallel_loop3A_1 step %parallel_loop3A_2  : i32 {
      %parallel_loop3A_9 = arith.index_cast %parallel_loop3A_8 : i32 to index
      %parallel_loop3A_10 = arith.constant 0 : index
      %parallel_loop3A_11 = tpu.vector_load %arg9[%parallel_loop3A_9, %parallel_loop3A_10] {strides = array<i32>} : memref<64x128xf32, #tpu.memory_space<vmem>>, vector<16xf32>,
      tpu.vector_store %arg9[%parallel_loop3A_9, %parallel_loop3A_10], %broadcast_in_dim3A_0 {strides = array<i32>} : memref<64x128xf32, #tpu.memory_space<vmem>>, vector<16xf32>,
      %parallel_loop3A_12 = arith.index_cast %parallel_loop3A_8 : i32 to index
      %parallel_loop3A_13 = arith.constant 16 : index
      %parallel_loop3A_14 = tpu.vector_load %arg9[%parallel_loop3A_12, %parallel_loop3A_13] {strides = array<i32>} : memref<64x128xf32, #tpu.memory_space<vmem>>, vector<16xf32>,
      tpu.vector_store %arg9[%parallel_loop3A_12, %parallel_loop3A_13], %broadcast_in_dim3A_0 {strides = array<i32>} : memref<64x128xf32, #tpu.memory_space<vmem>>, vector<16xf32>,
      %parallel_loop3A_15 = arith.index_cast %parallel_loop3A_8 : i32 to index
      %parallel_loop3A_16 = arith.constant 32 : index
      %parallel_loop3A_17 = tpu.vector_load %arg9[%parallel_loop3A_15, %parallel_loop3A_16] {strides = array<i32>} : memref<64x128xf32, #tpu.memory_space<vmem>>, vector<16xf32>,
      tpu.vector_store %arg9[%parallel_loop3A_15, %parallel_loop3A_16], %broadcast_in_dim3A_0 {strides = array<i32>} : memref<64x128xf32, #tpu.memory_space<vmem>>, vector<16xf32>,
      %parallel_loop3A_18 = arith.index_cast %parallel_loop3A_8 : i32 to index
      %parallel_loop3A_19 = arith.constant 48 : index
      %parallel_loop3A_20 = tpu.vector_load %arg9[%parallel_loop3A_18, %parallel_loop3A_19] {strides = array<i32>} : memref<64x128xf32, #tpu.memory_space<vmem>>, vector<16xf32>,
      tpu.vector_store %arg9[%parallel_loop3A_18, %parallel_loop3A_19], %broadcast_in_dim3A_0 {strides = array<i32>} : memref<64x128xf32, #tpu.memory_space<vmem>>, vector<16xf32>,
      %parallel_loop3A_21 = arith.index_cast %parallel_loop3A_8 : i32 to index
      %parallel_loop3A_22 = arith.constant 64 : index
      %parallel_loop3A_23 = tpu.vector_load %arg9[%parallel_loop3A_21, %parallel_loop3A_22] {strides = array<i32>} : memref<64x128xf32, #tpu.memory_space<vmem>>, vector<16xf32>,
      tpu.vector_store %arg9[%parallel_loop3A_21, %parallel_loop3A_22], %broadcast_in_dim3A_0 {strides = array<i32>} : memref<64x128xf32, #tpu.memory_space<vmem>>, vector<16xf32>,
      %parallel_loop3A_24 = arith.index_cast %parallel_loop3A_8 : i32 to index
      %parallel_loop3A_25 = arith.constant 80 : index
      %parallel_loop3A_26 = tpu.vector_load %arg9[%parallel_loop3A_24, %parallel_loop3A_25] {strides = array<i32>} : memref<64x128xf32, #tpu.memory_space<vmem>>, vector<16xf32>,
      tpu.vector_store %arg9[%parallel_loop3A_24, %parallel_loop3A_25], %broadcast_in_dim3A_0 {strides = array<i32>} : memref<64x128xf32, #tpu.memory_space<vmem>>, vector<16xf32>,
      %parallel_loop3A_27 = arith.index_cast %parallel_loop3A_8 : i32 to index
      %parallel_loop3A_28 = arith.constant 96 : index
      %parallel_loop3A_29 = tpu.vector_load %arg9[%parallel_loop3A_27, %parallel_loop3A_28] {strides = array<i32>} : memref<64x128xf32, #tpu.memory_space<vmem>>, vector<16xf32>,
      tpu.vector_store %arg9[%parallel_loop3A_27, %parallel_loop3A_28], %broadcast_in_dim3A_0 {strides = array<i32>} : memref<64x128xf32, #tpu.memory_space<vmem>>, vector<16xf32>,
      %parallel_loop3A_30 = arith.index_cast %parallel_loop3A_8 : i32 to index
      %parallel_loop3A_31 = arith.constant 112 : index
      %parallel_loop3A_32 = tpu.vector_load %arg9[%parallel_loop3A_30, %parallel_loop3A_31] {strides = array<i32>} : memref<64x128xf32, #tpu.memory_space<vmem>>, vector<16xf32>,
      tpu.vector_store %arg9[%parallel_loop3A_30, %parallel_loop3A_31], %broadcast_in_dim3A_0 {strides = array<i32>} : memref<64x128xf32, #tpu.memory_space<vmem>>, vector<16xf32>,
    } {sc.loop_unroll_factor = 8 : i64, sc.parallel_access}
    %scan3A = arith.constant 0 : i32
    %scan3A_3 = arith.constant 0 : i32
    %scan3A_4 = arith.constant 2 : i32
    %scan3A_5 = arith.addi %scan3A_3, %scan3A_4 : i32
    %scan3A_6 = arith.constant 1 : i32
    scf.for %scan3A_8 = %scan3A_3 to %scan3A_5 step %scan3A_6  : i32 {
      %mul3A = arith.constant 2 : i32
      %mul3A_9 = arith.muli %mul3A, %arg0 : i32
      %add3A = arith.addi %mul3A_9, %scan3A_8 : i32
      %mul3A_10 = arith.constant 128 : i32
      %mul3A_11 = arith.muli %arg1, %mul3A_10 : i32
      "tpu.region"() ({
        %run_scoped3A = tpu.sem_alloc : memref<!tpu.dma_semaphore, #tpu.memory_space<semaphore_mem>>
        %dma_start3A_46 = arith.constant 0 : i32
        %dma_start3A_47 = tpu.memref_slice %arg4[%add3A, %mul3A_11, %dma_start3A_46] : memref<4x2048x128xf32, #tpu.memory_space<hbm>> -> memref<1x128x128xf32, #tpu.memory_space<hbm>>
        %dma_start3A_48 = tpu.memref_squeeze %dma_start3A_47 : memref<1x128x128xf32, #tpu.memory_space<hbm>> -> memref<128x128xf32, #tpu.memory_space<hbm>>
        %dma_start3A_49 = arith.constant 0 : i32
        %dma_start3A_50 = tpu.memref_slice %arg4[%add3A, %mul3A_11, %dma_start3A_49] : memref<4x2048x128xf32, #tpu.memory_space<hbm>> -> memref<1x128x128xf32, #tpu.memory_space<hbm>>
        %dma_start3A_51 = tpu.memref_squeeze %dma_start3A_50 : memref<1x128x128xf32, #tpu.memory_space<hbm>> -> memref<128x128xf32, #tpu.memory_space<hbm>>
        tpu.enqueue_dma source(%dma_start3A_51 : memref<128x128xf32, #tpu.memory_space<hbm>>) target(%arg8 : memref<128x128xf32, #tpu.memory_space<vmem>>) target_semaphore(%run_scoped3A : memref<!tpu.dma_semaphore, #tpu.memory_space<semaphore_mem>>)
        %dma_wait3A = arith.constant 0 : i32
        %dma_wait3A_52 = tpu.memref_slice %arg4[%add3A, %mul3A_11, %dma_wait3A] : memref<4x2048x128xf32, #tpu.memory_space<hbm>> -> memref<1x128x128xf32, #tpu.memory_space<hbm>>
        %dma_wait3A_53 = tpu.memref_squeeze %dma_wait3A_52 : memref<1x128x128xf32, #tpu.memory_space<hbm>> -> memref<128x128xf32, #tpu.memory_space<hbm>>
        %dma_wait3A_54 = arith.constant 0 : i32
        %dma_wait3A_55 = tpu.memref_slice %arg4[%add3A, %mul3A_11, %dma_wait3A_54] : memref<4x2048x128xf32, #tpu.memory_space<hbm>> -> memref<1x128x128xf32, #tpu.memory_space<hbm>>
        %dma_wait3A_56 = tpu.memref_squeeze %dma_wait3A_55 : memref<1x128x128xf32, #tpu.memory_space<hbm>> -> memref<128x128xf32, #tpu.memory_space<hbm>>
        tpu.wait_dma2 semaphore(%run_scoped3A : memref<!tpu.dma_semaphore, #tpu.memory_space<semaphore_mem>>) src(%dma_wait3A_56 : memref<128x128xf32, #tpu.memory_space<hbm>>) dst(%arg8 : memref<128x128xf32, #tpu.memory_space<vmem>>)
        tpu.yield
      }) : () -> ()
      "tpu.region"() ({
        %run_scoped3A = tpu.sem_alloc : memref<!tpu.dma_semaphore, #tpu.memory_space<semaphore_mem>>
        %dma_start3A_46 = arith.constant 0 : i32
        %dma_start3A_47 = arith.constant 0 : i32
        %dma_start3A_48 = tpu.memref_slice %arg3[%add3A, %arg1, %dma_start3A_46, %dma_start3A_47] : memref<4x16x64x128xi32, #tpu.memory_space<hbm>> -> memref<1x1x64x128xi32, #tpu.memory_space<hbm>>
        %dma_start3A_49 = tpu.memref_squeeze %dma_start3A_48 : memref<1x1x64x128xi32, #tpu.memory_space<hbm>> -> memref<64x128xi32, #tpu.memory_space<hbm>>
        %dma_start3A_50 = arith.constant 0 : i32
        %dma_start3A_51 = arith.constant 0 : i32
        %dma_start3A_52 = tpu.memref_slice %arg3[%add3A, %arg1, %dma_start3A_50, %dma_start3A_51] : memref<4x16x64x128xi32, #tpu.memory_space<hbm>> -> memref<1x1x64x128xi32, #tpu.memory_space<hbm>>
        %dma_start3A_53 = tpu.memref_squeeze %dma_start3A_52 : memref<1x1x64x128xi32, #tpu.memory_space<hbm>> -> memref<64x128xi32, #tpu.memory_space<hbm>>
        tpu.enqueue_dma source(%dma_start3A_53 : memref<64x128xi32, #tpu.memory_space<hbm>>) target(%arg6 : memref<64x128xi32, #tpu.memory_space<vmem>>) target_semaphore(%run_scoped3A : memref<!tpu.dma_semaphore, #tpu.memory_space<semaphore_mem>>)
        %dma_wait3A = arith.constant 0 : i32
        %dma_wait3A_54 = arith.constant 0 : i32
        %dma_wait3A_55 = tpu.memref_slice %arg3[%add3A, %arg1, %dma_wait3A, %dma_wait3A_54] : memref<4x16x64x128xi32, #tpu.memory_space<hbm>> -> memref<1x1x64x128xi32, #tpu.memory_space<hbm>>
        %dma_wait3A_56 = tpu.memref_squeeze %dma_wait3A_55 : memref<1x1x64x128xi32, #tpu.memory_space<hbm>> -> memref<64x128xi32, #tpu.memory_space<hbm>>
        %dma_wait3A_57 = arith.constant 0 : i32
        %dma_wait3A_58 = arith.constant 0 : i32
        %dma_wait3A_59 = tpu.memref_slice %arg3[%add3A, %arg1, %dma_wait3A_57, %dma_wait3A_58] : memref<4x16x64x128xi32, #tpu.memory_space<hbm>> -> memref<1x1x64x128xi32, #tpu.memory_space<hbm>>
        %dma_wait3A_60 = tpu.memref_squeeze %dma_wait3A_59 : memref<1x1x64x128xi32, #tpu.memory_space<hbm>> -> memref<64x128xi32, #tpu.memory_space<hbm>>
        tpu.wait_dma2 semaphore(%run_scoped3A : memref<!tpu.dma_semaphore, #tpu.memory_space<semaphore_mem>>) src(%dma_wait3A_60 : memref<64x128xi32, #tpu.memory_space<hbm>>) dst(%arg6 : memref<64x128xi32, #tpu.memory_space<vmem>>)
        tpu.yield
      }) : () -> ()
      %dma_start3A = arith.constant 0 : i32
      %dma_start3A_12 = arith.constant 0 : i32
      %dma_start3A_13 = arith.constant 0 : i32
      %dma_start3A_14 = arith.constant 0 : i32
      %dma_start3A_15 = arith.constant 0 : i32
      %dma_start3A_16 = tpu.memref_slice %arg7[%dma_start3A_12, %dma_start3A_13, %dma_start3A_14, %dma_start3A_15] : memref<2x2x128x128xf32, #tpu.memory_space<vmem>> -> memref<1x1x128x128xf32, #tpu.memory_space<vmem>>
      %dma_start3A_17 = tpu.memref_squeeze %dma_start3A_16 : memref<1x1x128x128xf32, #tpu.memory_space<vmem>> -> memref<128x128xf32, #tpu.memory_space<vmem>>
      %dma_start3A_18 = arith.constant 0 : i32
      %dma_start3A_19 = tpu.memref_slice %arg6[%dma_start3A, %dma_start3A_18] : memref<64x128xi32, #tpu.memory_space<vmem>> -> memref<1x128xi32, #tpu.memory_space<vmem>>
      %dma_start3A_20 = tpu.memref_squeeze %dma_start3A_19 : memref<1x128xi32, #tpu.memory_space<vmem>> -> memref<128xi32, #tpu.memory_space<vmem>>
      %dma_start3A_21 = arith.constant 0 : i32
      %dma_start3A_22 = arith.constant 0 : i32
      %dma_start3A_23 = tpu.memref_slice %arg2[%dma_start3A_21, %dma_start3A_22] : memref<100000x128xf32, #tpu.memory_space<hbm>> -> memref<100000x128xf32, #tpu.memory_space<hbm>>
      tpu.enqueue_indirect_dma source(%dma_start3A_23 : memref<100000x128xf32, #tpu.memory_space<hbm>>) target(%dma_start3A_17 : memref<128x128xf32, #tpu.memory_space<vmem>>) offsets(%dma_start3A_20 : memref<128xi32, #tpu.memory_space<vmem>>) semaphore(%arg10 : memref<!tpu.dma_semaphore, #tpu.memory_space<semaphore_mem>>)
      %dma_start3A_24 = arith.constant 1 : i32
      %dma_start3A_25 = arith.constant 0 : i32
      %dma_start3A_26 = arith.constant 1 : i32
      %dma_start3A_27 = arith.constant 0 : i32
      %dma_start3A_28 = arith.constant 0 : i32
      %dma_start3A_29 = tpu.memref_slice %arg7[%dma_start3A_25, %dma_start3A_26, %dma_start3A_27, %dma_start3A_28] : memref<2x2x128x128xf32, #tpu.memory_space<vmem>> -> memref<1x1x128x128xf32, #tpu.memory_space<vmem>>
      %dma_start3A_30 = tpu.memref_squeeze %dma_start3A_29 : memref<1x1x128x128xf32, #tpu.memory_space<vmem>> -> memref<128x128xf32, #tpu.memory_space<vmem>>
      %dma_start3A_31 = arith.constant 0 : i32
      %dma_start3A_32 = tpu.memref_slice %arg6[%dma_start3A_24, %dma_start3A_31] : memref<64x128xi32, #tpu.memory_space<vmem>> -> memref<1x128xi32, #tpu.memory_space<vmem>>
      %dma_start3A_33 = tpu.memref_squeeze %dma_start3A_32 : memref<1x128xi32, #tpu.memory_space<vmem>> -> memref<128xi32, #tpu.memory_space<vmem>>
      %dma_start3A_34 = arith.constant 0 : i32
      %dma_start3A_35 = arith.constant 0 : i32
      %dma_start3A_36 = tpu.memref_slice %arg2[%dma_start3A_34, %dma_start3A_35] : memref<100000x128xf32, #tpu.memory_space<hbm>> -> memref<100000x128xf32, #tpu.memory_space<hbm>>
      tpu.enqueue_indirect_dma source(%dma_start3A_36 : memref<100000x128xf32, #tpu.memory_space<hbm>>) target(%dma_start3A_30 : memref<128x128xf32, #tpu.memory_space<vmem>>) offsets(%dma_start3A_33 : memref<128xi32, #tpu.memory_space<vmem>>) semaphore(%arg10 : memref<!tpu.dma_semaphore, #tpu.memory_space<semaphore_mem>>)
      %scan3A_37 = arith.constant 0 : i32
      %scan3A_38 = arith.constant 0 : i32
      %scan3A_39 = arith.constant 16 : i32
      %scan3A_40 = arith.addi %scan3A_38, %scan3A_39 : i32
      %scan3A_41 = arith.constant 1 : i32
      scf.for %scan3A_46 = %scan3A_38 to %scan3A_40 step %scan3A_41  : i32 {
        %mul3A_47 = arith.constant 2 : i32
        %mul3A_48 = arith.muli %mul3A_47, %scan3A_46 : i32
        %add3A_49 = arith.constant 0 : i32
        %add3A_50 = arith.addi %mul3A_48, %add3A_49 : i32
        %add3A_51 = arith.constant 1 : i32
        %add3A_52 = arith.addi %add3A_50, %add3A_51 : i32
        %lt3A = arith.constant 32 : i32
        %lt3A_53 = arith.cmpi slt, %add3A_52, %lt3A : i32
        %convert_element_type3A = arith.extui %lt3A_53 : i1 to i32
        %cond3A = arith.constant 0 : i32
        %cond3A_54 = arith.cmpi ne, %convert_element_type3A, %cond3A : i32
        scf.if %cond3A_54 {
          %add3A_584 = arith.constant 1 : i32
          %add3A_585 = arith.addi %add3A_50, %add3A_584 : i32
          %mul3A_586 = arith.constant 2 : i32
          %mul3A_587 = arith.muli %mul3A_586, %add3A_585 : i32
          %dma_start3A_588 = arith.constant 1 : i32
          %dma_start3A_589 = arith.constant 0 : i32
          %dma_start3A_590 = arith.constant 0 : i32
          %dma_start3A_591 = arith.constant 0 : i32
          %dma_start3A_592 = tpu.memref_slice %arg7[%dma_start3A_588, %dma_start3A_589, %dma_start3A_590, %dma_start3A_591] : memref<2x2x128x128xf32, #tpu.memory_space<vmem>> -> memref<1x1x128x128xf32, #tpu.memory_space<vmem>>
          %dma_start3A_593 = tpu.memref_squeeze %dma_start3A_592 : memref<1x1x128x128xf32, #tpu.memory_space<vmem>> -> memref<128x128xf32, #tpu.memory_space<vmem>>
          %dma_start3A_594 = arith.constant 0 : i32
          %dma_start3A_595 = tpu.memref_slice %arg6[%mul3A_587, %dma_start3A_594] : memref<64x128xi32, #tpu.memory_space<vmem>> -> memref<1x128xi32, #tpu.memory_space<vmem>>
          %dma_start3A_596 = tpu.memref_squeeze %dma_start3A_595 : memref<1x128xi32, #tpu.memory_space<vmem>> -> memref<128xi32, #tpu.memory_space<vmem>>
          %dma_start3A_597 = arith.constant 0 : i32
          %dma_start3A_598 = arith.constant 0 : i32
          %dma_start3A_599 = tpu.memref_slice %arg2[%dma_start3A_597, %dma_start3A_598] : memref<100000x128xf32, #tpu.memory_space<hbm>> -> memref<100000x128xf32, #tpu.memory_space<hbm>>
          tpu.enqueue_indirect_dma source(%dma_start3A_599 : memref<100000x128xf32, #tpu.memory_space<hbm>>) target(%dma_start3A_593 : memref<128x128xf32, #tpu.memory_space<vmem>>) offsets(%dma_start3A_596 : memref<128xi32, #tpu.memory_space<vmem>>) semaphore(%arg11 : memref<!tpu.dma_semaphore, #tpu.memory_space<semaphore_mem>>)
          %mul3A_600 = arith.constant 2 : i32
          %mul3A_601 = arith.muli %mul3A_600, %add3A_585 : i32
          %add3A_602 = arith.constant 1 : i32
          %add3A_603 = arith.addi %mul3A_601, %add3A_602 : i32
          %dma_start3A_604 = arith.constant 1 : i32
          %dma_start3A_605 = arith.constant 1 : i32
          %dma_start3A_606 = arith.constant 0 : i32
          %dma_start3A_607 = arith.constant 0 : i32
          %dma_start3A_608 = tpu.memref_slice %arg7[%dma_start3A_604, %dma_start3A_605, %dma_start3A_606, %dma_start3A_607] : memref<2x2x128x128xf32, #tpu.memory_space<vmem>> -> memref<1x1x128x128xf32, #tpu.memory_space<vmem>>
          %dma_start3A_609 = tpu.memref_squeeze %dma_start3A_608 : memref<1x1x128x128xf32, #tpu.memory_space<vmem>> -> memref<128x128xf32, #tpu.memory_space<vmem>>
          %dma_start3A_610 = arith.constant 0 : i32
          %dma_start3A_611 = tpu.memref_slice %arg6[%add3A_603, %dma_start3A_610] : memref<64x128xi32, #tpu.memory_space<vmem>> -> memref<1x128xi32, #tpu.memory_space<vmem>>
          %dma_start3A_612 = tpu.memref_squeeze %dma_start3A_611 : memref<1x128xi32, #tpu.memory_space<vmem>> -> memref<128xi32, #tpu.memory_space<vmem>>
          %dma_start3A_613 = arith.constant 0 : i32
          %dma_start3A_614 = arith.constant 0 : i32
          %dma_start3A_615 = tpu.memref_slice %arg2[%dma_start3A_613, %dma_start3A_614] : memref<100000x128xf32, #tpu.memory_space<hbm>> -> memref<100000x128xf32, #tpu.memory_space<hbm>>
          tpu.enqueue_indirect_dma source(%dma_start3A_615 : memref<100000x128xf32, #tpu.memory_space<hbm>>) target(%dma_start3A_609 : memref<128x128xf32, #tpu.memory_space<vmem>>) offsets(%dma_start3A_612 : memref<128xi32, #tpu.memory_space<vmem>>) semaphore(%arg11 : memref<!tpu.dma_semaphore, #tpu.memory_space<semaphore_mem>>)
        } else {
        }
        %mul3A_55 = arith.constant 2 : i32
        %mul3A_56 = arith.muli %mul3A_55, %add3A_50 : i32
        %dma_wait3A = arith.constant 0 : i32
        %dma_wait3A_57 = arith.constant 0 : i32
        %dma_wait3A_58 = arith.constant 0 : i32
        %dma_wait3A_59 = arith.constant 0 : i32
        %dma_wait3A_60 = tpu.memref_slice %arg7[%dma_wait3A, %dma_wait3A_57, %dma_wait3A_58, %dma_wait3A_59] : memref<2x2x128x128xf32, #tpu.memory_space<vmem>> -> memref<1x1x128x128xf32, #tpu.memory_space<vmem>>
        %dma_wait3A_61 = tpu.memref_squeeze %dma_wait3A_60 : memref<1x1x128x128xf32, #tpu.memory_space<vmem>> -> memref<128x128xf32, #tpu.memory_space<vmem>>
        %dma_wait3A_62 = arith.constant 0 : i32
        %dma_wait3A_63 = tpu.memref_slice %arg6[%mul3A_56, %dma_wait3A_62] : memref<64x128xi32, #tpu.memory_space<vmem>> -> memref<1x128xi32, #tpu.memory_space<vmem>>
        %dma_wait3A_64 = tpu.memref_squeeze %dma_wait3A_63 : memref<1x128xi32, #tpu.memory_space<vmem>> -> memref<128xi32, #tpu.memory_space<vmem>>
        %dma_wait3A_65 = arith.constant 0 : i32
        %dma_wait3A_66 = arith.constant 0 : i32
        %dma_wait3A_67 = tpu.memref_slice %arg2[%dma_wait3A_65, %dma_wait3A_66] : memref<100000x128xf32, #tpu.memory_space<hbm>> -> memref<100000x128xf32, #tpu.memory_space<hbm>>
        tpu.wait_indirect_dma semaphore(%arg10 : memref<!tpu.dma_semaphore, #tpu.memory_space<semaphore_mem>>) src(%dma_wait3A_67 : memref<100000x128xf32, #tpu.memory_space<hbm>>) dst(%dma_wait3A_61 : memref<128x128xf32, #tpu.memory_space<vmem>>)
        %mul3A_68 = arith.constant 2 : i32
        %mul3A_69 = arith.muli %mul3A_68, %add3A_50 : i32
        %add3A_70 = arith.constant 1 : i32
        %add3A_71 = arith.addi %mul3A_69, %add3A_70 : i32
        %dma_wait3A_72 = arith.constant 0 : i32
        %dma_wait3A_73 = arith.constant 1 : i32
        %dma_wait3A_74 = arith.constant 0 : i32
        %dma_wait3A_75 = arith.constant 0 : i32
        %dma_wait3A_76 = tpu.memref_slice %arg7[%dma_wait3A_72, %dma_wait3A_73, %dma_wait3A_74, %dma_wait3A_75] : memref<2x2x128x128xf32, #tpu.memory_space<vmem>> -> memref<1x1x128x128xf32, #tpu.memory_space<vmem>>
        %dma_wait3A_77 = tpu.memref_squeeze %dma_wait3A_76 : memref<1x1x128x128xf32, #tpu.memory_space<vmem>> -> memref<128x128xf32, #tpu.memory_space<vmem>>
        %dma_wait3A_78 = arith.constant 0 : i32
        %dma_wait3A_79 = tpu.memref_slice %arg6[%add3A_71, %dma_wait3A_78] : memref<64x128xi32, #tpu.memory_space<vmem>> -> memref<1x128xi32, #tpu.memory_space<vmem>>
        %dma_wait3A_80 = tpu.memref_squeeze %dma_wait3A_79 : memref<1x128xi32, #tpu.memory_space<vmem>> -> memref<128xi32, #tpu.memory_space<vmem>>
        %dma_wait3A_81 = arith.constant 0 : i32
        %dma_wait3A_82 = arith.constant 0 : i32
        %dma_wait3A_83 = tpu.memref_slice %arg2[%dma_wait3A_81, %dma_wait3A_82] : memref<100000x128xf32, #tpu.memory_space<hbm>> -> memref<100000x128xf32, #tpu.memory_space<hbm>>
        tpu.wait_indirect_dma semaphore(%arg10 : memref<!tpu.dma_semaphore, #tpu.memory_space<semaphore_mem>>) src(%dma_wait3A_83 : memref<100000x128xf32, #tpu.memory_space<hbm>>) dst(%dma_wait3A_77 : memref<128x128xf32, #tpu.memory_space<vmem>>)
        %mul3A_84 = arith.constant 4 : i32
        %mul3A_85 = arith.muli %mul3A_84, %add3A_50 : i32
        %add3A_86 = arith.constant 0 : i32
        %add3A_87 = arith.addi %mul3A_85, %add3A_86 : i32
        %get3A = arith.index_cast %add3A_87 : i32 to index
        %get3A_88 = arith.constant 0 : index
        %get3A_89 = tpu.vector_load %arg8[%get3A, %get3A_88] {strides = array<i32>} : memref<128x128xf32, #tpu.memory_space<vmem>>, vector<16xf32>,
        %mul3A_90 = arith.constant 4 : i32
        %mul3A_91 = arith.muli %mul3A_90, %add3A_50 : i32
        %add3A_92 = arith.constant 0 : i32
        %add3A_93 = arith.addi %mul3A_91, %add3A_92 : i32
        %get3A_94 = arith.index_cast %add3A_93 : i32 to index
        %get3A_95 = arith.constant 16 : index
        %get3A_96 = tpu.vector_load %arg8[%get3A_94, %get3A_95] {strides = array<i32>} : memref<128x128xf32, #tpu.memory_space<vmem>>, vector<16xf32>,
        %mul3A_97 = arith.constant 4 : i32
        %mul3A_98 = arith.muli %mul3A_97, %add3A_50 : i32
        %add3A_99 = arith.constant 0 : i32
        %add3A_100 = arith.addi %mul3A_98, %add3A_99 : i32
        %get3A_101 = arith.index_cast %add3A_100 : i32 to index
        %get3A_102 = arith.constant 32 : index
        %get3A_103 = tpu.vector_load %arg8[%get3A_101, %get3A_102] {strides = array<i32>} : memref<128x128xf32, #tpu.memory_space<vmem>>, vector<16xf32>,
        %mul3A_104 = arith.constant 4 : i32
        %mul3A_105 = arith.muli %mul3A_104, %add3A_50 : i32
        %add3A_106 = arith.constant 0 : i32
        %add3A_107 = arith.addi %mul3A_105, %add3A_106 : i32
        %get3A_108 = arith.index_cast %add3A_107 : i32 to index
        %get3A_109 = arith.constant 48 : index
        %get3A_110 = tpu.vector_load %arg8[%get3A_108, %get3A_109] {strides = array<i32>} : memref<128x128xf32, #tpu.memory_space<vmem>>, vector<16xf32>,
        %mul3A_111 = arith.constant 4 : i32
        %mul3A_112 = arith.muli %mul3A_111, %add3A_50 : i32
        %add3A_113 = arith.constant 0 : i32
        %add3A_114 = arith.addi %mul3A_112, %add3A_113 : i32
        %get3A_115 = arith.index_cast %add3A_114 : i32 to index
        %get3A_116 = arith.constant 64 : index
        %get3A_117 = tpu.vector_load %arg8[%get3A_115, %get3A_116] {strides = array<i32>} : memref<128x128xf32, #tpu.memory_space<vmem>>, vector<16xf32>,
        %mul3A_118 = arith.constant 4 : i32
        %mul3A_119 = arith.muli %mul3A_118, %add3A_50 : i32
        %add3A_120 = arith.constant 0 : i32
        %add3A_121 = arith.addi %mul3A_119, %add3A_120 : i32
        %get3A_122 = arith.index_cast %add3A_121 : i32 to index
        %get3A_123 = arith.constant 80 : index
        %get3A_124 = tpu.vector_load %arg8[%get3A_122, %get3A_123] {strides = array<i32>} : memref<128x128xf32, #tpu.memory_space<vmem>>, vector<16xf32>,
        %mul3A_125 = arith.constant 4 : i32
        %mul3A_126 = arith.muli %mul3A_125, %add3A_50 : i32
        %add3A_127 = arith.constant 0 : i32
        %add3A_128 = arith.addi %mul3A_126, %add3A_127 : i32
        %get3A_129 = arith.index_cast %add3A_128 : i32 to index
        %get3A_130 = arith.constant 96 : index
        %get3A_131 = tpu.vector_load %arg8[%get3A_129, %get3A_130] {strides = array<i32>} : memref<128x128xf32, #tpu.memory_space<vmem>>, vector<16xf32>,
        %mul3A_132 = arith.constant 4 : i32
        %mul3A_133 = arith.muli %mul3A_132, %add3A_50 : i32
        %add3A_134 = arith.constant 0 : i32
        %add3A_135 = arith.addi %mul3A_133, %add3A_134 : i32
        %get3A_136 = arith.index_cast %add3A_135 : i32 to index
        %get3A_137 = arith.constant 112 : index
        %get3A_138 = tpu.vector_load %arg8[%get3A_136, %get3A_137] {strides = array<i32>} : memref<128x128xf32, #tpu.memory_space<vmem>>, vector<16xf32>,
        %mul3A_139 = arith.constant 4 : i32
        %mul3A_140 = arith.muli %mul3A_139, %add3A_50 : i32
        %add3A_141 = arith.constant 1 : i32
        %add3A_142 = arith.addi %mul3A_140, %add3A_141 : i32
        %get3A_143 = arith.index_cast %add3A_142 : i32 to index
        %get3A_144 = arith.constant 0 : index
        %get3A_145 = tpu.vector_load %arg8[%get3A_143, %get3A_144] {strides = array<i32>} : memref<128x128xf32, #tpu.memory_space<vmem>>, vector<16xf32>,
        %mul3A_146 = arith.constant 4 : i32
        %mul3A_147 = arith.muli %mul3A_146, %add3A_50 : i32
        %add3A_148 = arith.constant 1 : i32
        %add3A_149 = arith.addi %mul3A_147, %add3A_148 : i32
        %get3A_150 = arith.index_cast %add3A_149 : i32 to index
        %get3A_151 = arith.constant 16 : index
        %get3A_152 = tpu.vector_load %arg8[%get3A_150, %get3A_151] {strides = array<i32>} : memref<128x128xf32, #tpu.memory_space<vmem>>, vector<16xf32>,
        %mul3A_153 = arith.constant 4 : i32
        %mul3A_154 = arith.muli %mul3A_153, %add3A_50 : i32
        %add3A_155 = arith.constant 1 : i32
        %add3A_156 = arith.addi %mul3A_154, %add3A_155 : i32
        %get3A_157 = arith.index_cast %add3A_156 : i32 to index
        %get3A_158 = arith.constant 32 : index
        %get3A_159 = tpu.vector_load %arg8[%get3A_157, %get3A_158] {strides = array<i32>} : memref<128x128xf32, #tpu.memory_space<vmem>>, vector<16xf32>,
        %mul3A_160 = arith.constant 4 : i32
        %mul3A_161 = arith.muli %mul3A_160, %add3A_50 : i32
        %add3A_162 = arith.constant 1 : i32
        %add3A_163 = arith.addi %mul3A_161, %add3A_162 : i32
        %get3A_164 = arith.index_cast %add3A_163 : i32 to index
        %get3A_165 = arith.constant 48 : index
        %get3A_166 = tpu.vector_load %arg8[%get3A_164, %get3A_165] {strides = array<i32>} : memref<128x128xf32, #tpu.memory_space<vmem>>, vector<16xf32>,
        %mul3A_167 = arith.constant 4 : i32
        %mul3A_168 = arith.muli %mul3A_167, %add3A_50 : i32
        %add3A_169 = arith.constant 1 : i32
        %add3A_170 = arith.addi %mul3A_168, %add3A_169 : i32
        %get3A_171 = arith.index_cast %add3A_170 : i32 to index
        %get3A_172 = arith.constant 64 : index
        %get3A_173 = tpu.vector_load %arg8[%get3A_171, %get3A_172] {strides = array<i32>} : memref<128x128xf32, #tpu.memory_space<vmem>>, vector<16xf32>,
        %mul3A_174 = arith.constant 4 : i32
        %mul3A_175 = arith.muli %mul3A_174, %add3A_50 : i32
        %add3A_176 = arith.constant 1 : i32
        %add3A_177 = arith.addi %mul3A_175, %add3A_176 : i32
        %get3A_178 = arith.index_cast %add3A_177 : i32 to index
        %get3A_179 = arith.constant 80 : index
        %get3A_180 = tpu.vector_load %arg8[%get3A_178, %get3A_179] {strides = array<i32>} : memref<128x128xf32, #tpu.memory_space<vmem>>, vector<16xf32>,
        %mul3A_181 = arith.constant 4 : i32
        %mul3A_182 = arith.muli %mul3A_181, %add3A_50 : i32
        %add3A_183 = arith.constant 1 : i32
        %add3A_184 = arith.addi %mul3A_182, %add3A_183 : i32
        %get3A_185 = arith.index_cast %add3A_184 : i32 to index
        %get3A_186 = arith.constant 96 : index
        %get3A_187 = tpu.vector_load %arg8[%get3A_185, %get3A_186] {strides = array<i32>} : memref<128x128xf32, #tpu.memory_space<vmem>>, vector<16xf32>,
        %mul3A_188 = arith.constant 4 : i32
        %mul3A_189 = arith.muli %mul3A_188, %add3A_50 : i32
        %add3A_190 = arith.constant 1 : i32
        %add3A_191 = arith.addi %mul3A_189, %add3A_190 : i32
        %get3A_192 = arith.index_cast %add3A_191 : i32 to index
        %get3A_193 = arith.constant 112 : index
        %get3A_194 = tpu.vector_load %arg8[%get3A_192, %get3A_193] {strides = array<i32>} : memref<128x128xf32, #tpu.memory_space<vmem>>, vector<16xf32>,
        %mul3A_195 = arith.constant 4 : i32
        %mul3A_196 = arith.muli %mul3A_195, %add3A_50 : i32
        %add3A_197 = arith.constant 2 : i32
        %add3A_198 = arith.addi %mul3A_196, %add3A_197 : i32
        %get3A_199 = arith.index_cast %add3A_198 : i32 to index
        %get3A_200 = arith.constant 0 : index
        %get3A_201 = tpu.vector_load %arg8[%get3A_199, %get3A_200] {strides = array<i32>} : memref<128x128xf32, #tpu.memory_space<vmem>>, vector<16xf32>,
        %mul3A_202 = arith.constant 4 : i32
        %mul3A_203 = arith.muli %mul3A_202, %add3A_50 : i32
        %add3A_204 = arith.constant 2 : i32
        %add3A_205 = arith.addi %mul3A_203, %add3A_204 : i32
        %get3A_206 = arith.index_cast %add3A_205 : i32 to index
        %get3A_207 = arith.constant 16 : index
        %get3A_208 = tpu.vector_load %arg8[%get3A_206, %get3A_207] {strides = array<i32>} : memref<128x128xf32, #tpu.memory_space<vmem>>, vector<16xf32>,
        %mul3A_209 = arith.constant 4 : i32
        %mul3A_210 = arith.muli %mul3A_209, %add3A_50 : i32
        %add3A_211 = arith.constant 2 : i32
        %add3A_212 = arith.addi %mul3A_210, %add3A_211 : i32
        %get3A_213 = arith.index_cast %add3A_212 : i32 to index
        %get3A_214 = arith.constant 32 : index
        %get3A_215 = tpu.vector_load %arg8[%get3A_213, %get3A_214] {strides = array<i32>} : memref<128x128xf32, #tpu.memory_space<vmem>>, vector<16xf32>,
        %mul3A_216 = arith.constant 4 : i32
        %mul3A_217 = arith.muli %mul3A_216, %add3A_50 : i32
        %add3A_218 = arith.constant 2 : i32
        %add3A_219 = arith.addi %mul3A_217, %add3A_218 : i32
        %get3A_220 = arith.index_cast %add3A_219 : i32 to index
        %get3A_221 = arith.constant 48 : index
        %get3A_222 = tpu.vector_load %arg8[%get3A_220, %get3A_221] {strides = array<i32>} : memref<128x128xf32, #tpu.memory_space<vmem>>, vector<16xf32>,
        %mul3A_223 = arith.constant 4 : i32
        %mul3A_224 = arith.muli %mul3A_223, %add3A_50 : i32
        %add3A_225 = arith.constant 2 : i32
        %add3A_226 = arith.addi %mul3A_224, %add3A_225 : i32
        %get3A_227 = arith.index_cast %add3A_226 : i32 to index
        %get3A_228 = arith.constant 64 : index
        %get3A_229 = tpu.vector_load %arg8[%get3A_227, %get3A_228] {strides = array<i32>} : memref<128x128xf32, #tpu.memory_space<vmem>>, vector<16xf32>,
        %mul3A_230 = arith.constant 4 : i32
        %mul3A_231 = arith.muli %mul3A_230, %add3A_50 : i32
        %add3A_232 = arith.constant 2 : i32
        %add3A_233 = arith.addi %mul3A_231, %add3A_232 : i32
        %get3A_234 = arith.index_cast %add3A_233 : i32 to index
        %get3A_235 = arith.constant 80 : index
        %get3A_236 = tpu.vector_load %arg8[%get3A_234, %get3A_235] {strides = array<i32>} : memref<128x128xf32, #tpu.memory_space<vmem>>, vector<16xf32>,
        %mul3A_237 = arith.constant 4 : i32
        %mul3A_238 = arith.muli %mul3A_237, %add3A_50 : i32
        %add3A_239 = arith.constant 2 : i32
        %add3A_240 = arith.addi %mul3A_238, %add3A_239 : i32
        %get3A_241 = arith.index_cast %add3A_240 : i32 to index
        %get3A_242 = arith.constant 96 : index
        %get3A_243 = tpu.vector_load %arg8[%get3A_241, %get3A_242] {strides = array<i32>} : memref<128x128xf32, #tpu.memory_space<vmem>>, vector<16xf32>,
        %mul3A_244 = arith.constant 4 : i32
        %mul3A_245 = arith.muli %mul3A_244, %add3A_50 : i32
        %add3A_246 = arith.constant 2 : i32
        %add3A_247 = arith.addi %mul3A_245, %add3A_246 : i32
        %get3A_248 = arith.index_cast %add3A_247 : i32 to index
        %get3A_249 = arith.constant 112 : index
        %get3A_250 = tpu.vector_load %arg8[%get3A_248, %get3A_249] {strides = array<i32>} : memref<128x128xf32, #tpu.memory_space<vmem>>, vector<16xf32>,
        %mul3A_251 = arith.constant 4 : i32
        %mul3A_252 = arith.muli %mul3A_251, %add3A_50 : i32
        %add3A_253 = arith.constant 3 : i32
        %add3A_254 = arith.addi %mul3A_252, %add3A_253 : i32
        %get3A_255 = arith.index_cast %add3A_254 : i32 to index
        %get3A_256 = arith.constant 0 : index
        %get3A_257 = tpu.vector_load %arg8[%get3A_255, %get3A_256] {strides = array<i32>} : memref<128x128xf32, #tpu.memory_space<vmem>>, vector<16xf32>,
        %mul3A_258 = arith.constant 4 : i32
        %mul3A_259 = arith.muli %mul3A_258, %add3A_50 : i32
        %add3A_260 = arith.constant 3 : i32
        %add3A_261 = arith.addi %mul3A_259, %add3A_260 : i32
        %get3A_262 = arith.index_cast %add3A_261 : i32 to index
        %get3A_263 = arith.constant 16 : index
        %get3A_264 = tpu.vector_load %arg8[%get3A_262, %get3A_263] {strides = array<i32>} : memref<128x128xf32, #tpu.memory_space<vmem>>, vector<16xf32>,
        %mul3A_265 = arith.constant 4 : i32
        %mul3A_266 = arith.muli %mul3A_265, %add3A_50 : i32
        %add3A_267 = arith.constant 3 : i32
        %add3A_268 = arith.addi %mul3A_266, %add3A_267 : i32
        %get3A_269 = arith.index_cast %add3A_268 : i32 to index
        %get3A_270 = arith.constant 32 : index
        %get3A_271 = tpu.vector_load %arg8[%get3A_269, %get3A_270] {strides = array<i32>} : memref<128x128xf32, #tpu.memory_space<vmem>>, vector<16xf32>,
        %mul3A_272 = arith.constant 4 : i32
        %mul3A_273 = arith.muli %mul3A_272, %add3A_50 : i32
        %add3A_274 = arith.constant 3 : i32
        %add3A_275 = arith.addi %mul3A_273, %add3A_274 : i32
        %get3A_276 = arith.index_cast %add3A_275 : i32 to index
        %get3A_277 = arith.constant 48 : index
        %get3A_278 = tpu.vector_load %arg8[%get3A_276, %get3A_277] {strides = array<i32>} : memref<128x128xf32, #tpu.memory_space<vmem>>, vector<16xf32>,
        %mul3A_279 = arith.constant 4 : i32
        %mul3A_280 = arith.muli %mul3A_279, %add3A_50 : i32
        %add3A_281 = arith.constant 3 : i32
        %add3A_282 = arith.addi %mul3A_280, %add3A_281 : i32
        %get3A_283 = arith.index_cast %add3A_282 : i32 to index
        %get3A_284 = arith.constant 64 : index
        %get3A_285 = tpu.vector_load %arg8[%get3A_283, %get3A_284] {strides = array<i32>} : memref<128x128xf32, #tpu.memory_space<vmem>>, vector<16xf32>,
        %mul3A_286 = arith.constant 4 : i32
        %mul3A_287 = arith.muli %mul3A_286, %add3A_50 : i32
        %add3A_288 = arith.constant 3 : i32
        %add3A_289 = arith.addi %mul3A_287, %add3A_288 : i32
        %get3A_290 = arith.index_cast %add3A_289 : i32 to index
        %get3A_291 = arith.constant 80 : index
        %get3A_292 = tpu.vector_load %arg8[%get3A_290, %get3A_291] {strides = array<i32>} : memref<128x128xf32, #tpu.memory_space<vmem>>, vector<16xf32>,
        %mul3A_293 = arith.constant 4 : i32
        %mul3A_294 = arith.muli %mul3A_293, %add3A_50 : i32
        %add3A_295 = arith.constant 3 : i32
        %add3A_296 = arith.addi %mul3A_294, %add3A_295 : i32
        %get3A_297 = arith.index_cast %add3A_296 : i32 to index
        %get3A_298 = arith.constant 96 : index
        %get3A_299 = tpu.vector_load %arg8[%get3A_297, %get3A_298] {strides = array<i32>} : memref<128x128xf32, #tpu.memory_space<vmem>>, vector<16xf32>,
        %mul3A_300 = arith.constant 4 : i32
        %mul3A_301 = arith.muli %mul3A_300, %add3A_50 : i32
        %add3A_302 = arith.constant 3 : i32
        %add3A_303 = arith.addi %mul3A_301, %add3A_302 : i32
        %get3A_304 = arith.index_cast %add3A_303 : i32 to index
        %get3A_305 = arith.constant 112 : index
        %get3A_306 = tpu.vector_load %arg8[%get3A_304, %get3A_305] {strides = array<i32>} : memref<128x128xf32, #tpu.memory_space<vmem>>, vector<16xf32>,
        %scan3A_307 = arith.constant 0 : i32
        %scan3A_308 = arith.constant 0 : i32
        %scan3A_309 = arith.constant 64 : i32
        %scan3A_310 = arith.addi %scan3A_308, %scan3A_309 : i32
        %scan3A_311 = arith.constant 2 : i32
        scf.for %scan3A_584 = %scan3A_308 to %scan3A_310 step %scan3A_311  : i32 {
          %get3A_585 = arith.constant 0 : i32
          %get3A_586 = arith.constant 0 : i32
          %get3A_587 = arith.index_cast %get3A_585 : i32 to index
          %get3A_588 = arith.index_cast %get3A_586 : i32 to index
          %get3A_589 = arith.index_cast %scan3A_584 : i32 to index
          %get3A_590 = arith.constant 0 : index
          %get3A_591 = tpu.vector_load %arg7[%get3A_587, %get3A_588, %get3A_589, %get3A_590] {strides = array<i32>} : memref<2x2x128x128xf32, #tpu.memory_space<vmem>>, vector<16xf32>,
          %mul3A_592 = arith.mulf %get3A_591, %get3A_89 : vector<16xf32>
          %add3A_593 = arith.constant 64 : i32
          %add3A_594 = arith.addi %add3A_593, %scan3A_584 : i32
          %get3A_595 = arith.constant 0 : i32
          %get3A_596 = arith.constant 0 : i32
          %get3A_597 = arith.index_cast %get3A_595 : i32 to index
          %get3A_598 = arith.index_cast %get3A_596 : i32 to index
          %get3A_599 = arith.index_cast %add3A_594 : i32 to index
          %get3A_600 = arith.constant 0 : index
          %get3A_601 = tpu.vector_load %arg7[%get3A_597, %get3A_598, %get3A_599, %get3A_600] {strides = array<i32>} : memref<2x2x128x128xf32, #tpu.memory_space<vmem>>, vector<16xf32>,
          %mul3A_602 = arith.mulf %get3A_601, %get3A_145 : vector<16xf32>
          %add3A_603 = arith.addf %mul3A_592, %mul3A_602 : vector<16xf32>
          %get3A_604 = arith.constant 0 : i32
          %get3A_605 = arith.constant 1 : i32
          %get3A_606 = arith.index_cast %get3A_604 : i32 to index
          %get3A_607 = arith.index_cast %get3A_605 : i32 to index
          %get3A_608 = arith.index_cast %scan3A_584 : i32 to index
          %get3A_609 = arith.constant 0 : index
          %get3A_610 = tpu.vector_load %arg7[%get3A_606, %get3A_607, %get3A_608, %get3A_609] {strides = array<i32>} : memref<2x2x128x128xf32, #tpu.memory_space<vmem>>, vector<16xf32>,
          %mul3A_611 = arith.mulf %get3A_610, %get3A_201 : vector<16xf32>
          %add3A_612 = arith.addf %add3A_603, %mul3A_611 : vector<16xf32>
          %add3A_613 = arith.constant 64 : i32
          %add3A_614 = arith.addi %add3A_613, %scan3A_584 : i32
          %get3A_615 = arith.constant 0 : i32
          %get3A_616 = arith.constant 1 : i32
          %get3A_617 = arith.index_cast %get3A_615 : i32 to index
          %get3A_618 = arith.index_cast %get3A_616 : i32 to index
          %get3A_619 = arith.index_cast %add3A_614 : i32 to index
          %get3A_620 = arith.constant 0 : index
          %get3A_621 = tpu.vector_load %arg7[%get3A_617, %get3A_618, %get3A_619, %get3A_620] {strides = array<i32>} : memref<2x2x128x128xf32, #tpu.memory_space<vmem>>, vector<16xf32>,
          %mul3A_622 = arith.mulf %get3A_621, %get3A_257 : vector<16xf32>
          %add3A_623 = arith.addf %add3A_612, %mul3A_622 : vector<16xf32>
          %swap3A = arith.index_cast %scan3A_584 : i32 to index
          %swap3A_624 = arith.constant 0 : index
          %swap3A_625 = tpu.vector_load %arg9[%swap3A, %swap3A_624] {strides = array<i32>} : memref<64x128xf32, #tpu.memory_space<vmem>>, vector<16xf32>,
          tpu.vector_store %arg9[%swap3A, %swap3A_624], %add3A_623 {add = true, strides = array<i32>} : memref<64x128xf32, #tpu.memory_space<vmem>>, vector<16xf32>,
          %get3A_626 = arith.constant 0 : i32
          %get3A_627 = arith.constant 0 : i32
          %get3A_628 = arith.index_cast %get3A_626 : i32 to index
          %get3A_629 = arith.index_cast %get3A_627 : i32 to index
          %get3A_630 = arith.index_cast %scan3A_584 : i32 to index
          %get3A_631 = arith.constant 16 : index
          %get3A_632 = tpu.vector_load %arg7[%get3A_628, %get3A_629, %get3A_630, %get3A_631] {strides = array<i32>} : memref<2x2x128x128xf32, #tpu.memory_space<vmem>>, vector<16xf32>,
          %mul3A_633 = arith.mulf %get3A_632, %get3A_96 : vector<16xf32>
          %add3A_634 = arith.constant 64 : i32
          %add3A_635 = arith.addi %add3A_634, %scan3A_584 : i32
          %get3A_636 = arith.constant 0 : i32
          %get3A_637 = arith.constant 0 : i32
          %get3A_638 = arith.index_cast %get3A_636 : i32 to index
          %get3A_639 = arith.index_cast %get3A_637 : i32 to index
          %get3A_640 = arith.index_cast %add3A_635 : i32 to index
          %get3A_641 = arith.constant 16 : index
          %get3A_642 = tpu.vector_load %arg7[%get3A_638, %get3A_639, %get3A_640, %get3A_641] {strides = array<i32>} : memref<2x2x128x128xf32, #tpu.memory_space<vmem>>, vector<16xf32>,
          %mul3A_643 = arith.mulf %get3A_642, %get3A_152 : vector<16xf32>
          %add3A_644 = arith.addf %mul3A_633, %mul3A_643 : vector<16xf32>
          %get3A_645 = arith.constant 0 : i32
          %get3A_646 = arith.constant 1 : i32
          %get3A_647 = arith.index_cast %get3A_645 : i32 to index
          %get3A_648 = arith.index_cast %get3A_646 : i32 to index
          %get3A_649 = arith.index_cast %scan3A_584 : i32 to index
          %get3A_650 = arith.constant 16 : index
          %get3A_651 = tpu.vector_load %arg7[%get3A_647, %get3A_648, %get3A_649, %get3A_650] {strides = array<i32>} : memref<2x2x128x128xf32, #tpu.memory_space<vmem>>, vector<16xf32>,
          %mul3A_652 = arith.mulf %get3A_651, %get3A_208 : vector<16xf32>
          %add3A_653 = arith.addf %add3A_644, %mul3A_652 : vector<16xf32>
          %add3A_654 = arith.constant 64 : i32
          %add3A_655 = arith.addi %add3A_654, %scan3A_584 : i32
          %get3A_656 = arith.constant 0 : i32
          %get3A_657 = arith.constant 1 : i32
          %get3A_658 = arith.index_cast %get3A_656 : i32 to index
          %get3A_659 = arith.index_cast %get3A_657 : i32 to index
          %get3A_660 = arith.index_cast %add3A_655 : i32 to index
          %get3A_661 = arith.constant 16 : index
          %get3A_662 = tpu.vector_load %arg7[%get3A_658, %get3A_659, %get3A_660, %get3A_661] {strides = array<i32>} : memref<2x2x128x128xf32, #tpu.memory_space<vmem>>, vector<16xf32>,
          %mul3A_663 = arith.mulf %get3A_662, %get3A_264 : vector<16xf32>
          %add3A_664 = arith.addf %add3A_653, %mul3A_663 : vector<16xf32>
          %swap3A_665 = arith.index_cast %scan3A_584 : i32 to index
          %swap3A_666 = arith.constant 16 : index
          %swap3A_667 = tpu.vector_load %arg9[%swap3A_665, %swap3A_666] {strides = array<i32>} : memref<64x128xf32, #tpu.memory_space<vmem>>, vector<16xf32>,
          tpu.vector_store %arg9[%swap3A_665, %swap3A_666], %add3A_664 {add = true, strides = array<i32>} : memref<64x128xf32, #tpu.memory_space<vmem>>, vector<16xf32>,
          %get3A_668 = arith.constant 0 : i32
          %get3A_669 = arith.constant 0 : i32
          %get3A_670 = arith.index_cast %get3A_668 : i32 to index
          %get3A_671 = arith.index_cast %get3A_669 : i32 to index
          %get3A_672 = arith.index_cast %scan3A_584 : i32 to index
          %get3A_673 = arith.constant 32 : index
          %get3A_674 = tpu.vector_load %arg7[%get3A_670, %get3A_671, %get3A_672, %get3A_673] {strides = array<i32>} : memref<2x2x128x128xf32, #tpu.memory_space<vmem>>, vector<16xf32>,
          %mul3A_675 = arith.mulf %get3A_674, %get3A_103 : vector<16xf32>
          %add3A_676 = arith.constant 64 : i32
          %add3A_677 = arith.addi %add3A_676, %scan3A_584 : i32
          %get3A_678 = arith.constant 0 : i32
          %get3A_679 = arith.constant 0 : i32
          %get3A_680 = arith.index_cast %get3A_678 : i32 to index
          %get3A_681 = arith.index_cast %get3A_679 : i32 to index
          %get3A_682 = arith.index_cast %add3A_677 : i32 to index
          %get3A_683 = arith.constant 32 : index
          %get3A_684 = tpu.vector_load %arg7[%get3A_680, %get3A_681, %get3A_682, %get3A_683] {strides = array<i32>} : memref<2x2x128x128xf32, #tpu.memory_space<vmem>>, vector<16xf32>,
          %mul3A_685 = arith.mulf %get3A_684, %get3A_159 : vector<16xf32>
          %add3A_686 = arith.addf %mul3A_675, %mul3A_685 : vector<16xf32>
          %get3A_687 = arith.constant 0 : i32
          %get3A_688 = arith.constant 1 : i32
          %get3A_689 = arith.index_cast %get3A_687 : i32 to index
          %get3A_690 = arith.index_cast %get3A_688 : i32 to index
          %get3A_691 = arith.index_cast %scan3A_584 : i32 to index
          %get3A_692 = arith.constant 32 : index
          %get3A_693 = tpu.vector_load %arg7[%get3A_689, %get3A_690, %get3A_691, %get3A_692] {strides = array<i32>} : memref<2x2x128x128xf32, #tpu.memory_space<vmem>>, vector<16xf32>,
          %mul3A_694 = arith.mulf %get3A_693, %get3A_215 : vector<16xf32>
          %add3A_695 = arith.addf %add3A_686, %mul3A_694 : vector<16xf32>
          %add3A_696 = arith.constant 64 : i32
          %add3A_697 = arith.addi %add3A_696, %scan3A_584 : i32
          %get3A_698 = arith.constant 0 : i32
          %get3A_699 = arith.constant 1 : i32
          %get3A_700 = arith.index_cast %get3A_698 : i32 to index
          %get3A_701 = arith.index_cast %get3A_699 : i32 to index
          %get3A_702 = arith.index_cast %add3A_697 : i32 to index
          %get3A_703 = arith.constant 32 : index
          %get3A_704 = tpu.vector_load %arg7[%get3A_700, %get3A_701, %get3A_702, %get3A_703] {strides = array<i32>} : memref<2x2x128x128xf32, #tpu.memory_space<vmem>>, vector<16xf32>,
          %mul3A_705 = arith.mulf %get3A_704, %get3A_271 : vector<16xf32>
          %add3A_706 = arith.addf %add3A_695, %mul3A_705 : vector<16xf32>
          %swap3A_707 = arith.index_cast %scan3A_584 : i32 to index
          %swap3A_708 = arith.constant 32 : index
          %swap3A_709 = tpu.vector_load %arg9[%swap3A_707, %swap3A_708] {strides = array<i32>} : memref<64x128xf32, #tpu.memory_space<vmem>>, vector<16xf32>,
          tpu.vector_store %arg9[%swap3A_707, %swap3A_708], %add3A_706 {add = true, strides = array<i32>} : memref<64x128xf32, #tpu.memory_space<vmem>>, vector<16xf32>,
          %get3A_710 = arith.constant 0 : i32
          %get3A_711 = arith.constant 0 : i32
          %get3A_712 = arith.index_cast %get3A_710 : i32 to index
          %get3A_713 = arith.index_cast %get3A_711 : i32 to index
          %get3A_714 = arith.index_cast %scan3A_584 : i32 to index
          %get3A_715 = arith.constant 48 : index
          %get3A_716 = tpu.vector_load %arg7[%get3A_712, %get3A_713, %get3A_714, %get3A_715] {strides = array<i32>} : memref<2x2x128x128xf32, #tpu.memory_space<vmem>>, vector<16xf32>,
          %mul3A_717 = arith.mulf %get3A_716, %get3A_110 : vector<16xf32>
          %add3A_718 = arith.constant 64 : i32
          %add3A_719 = arith.addi %add3A_718, %scan3A_584 : i32
          %get3A_720 = arith.constant 0 : i32
          %get3A_721 = arith.constant 0 : i32
          %get3A_722 = arith.index_cast %get3A_720 : i32 to index
          %get3A_723 = arith.index_cast %get3A_721 : i32 to index
          %get3A_724 = arith.index_cast %add3A_719 : i32 to index
          %get3A_725 = arith.constant 48 : index
          %get3A_726 = tpu.vector_load %arg7[%get3A_722, %get3A_723, %get3A_724, %get3A_725] {strides = array<i32>} : memref<2x2x128x128xf32, #tpu.memory_space<vmem>>, vector<16xf32>,
          %mul3A_727 = arith.mulf %get3A_726, %get3A_166 : vector<16xf32>
          %add3A_728 = arith.addf %mul3A_717, %mul3A_727 : vector<16xf32>
          %get3A_729 = arith.constant 0 : i32
          %get3A_730 = arith.constant 1 : i32
          %get3A_731 = arith.index_cast %get3A_729 : i32 to index
          %get3A_732 = arith.index_cast %get3A_730 : i32 to index
          %get3A_733 = arith.index_cast %scan3A_584 : i32 to index
          %get3A_734 = arith.constant 48 : index
          %get3A_735 = tpu.vector_load %arg7[%get3A_731, %get3A_732, %get3A_733, %get3A_734] {strides = array<i32>} : memref<2x2x128x128xf32, #tpu.memory_space<vmem>>, vector<16xf32>,
          %mul3A_736 = arith.mulf %get3A_735, %get3A_222 : vector<16xf32>
          %add3A_737 = arith.addf %add3A_728, %mul3A_736 : vector<16xf32>
          %add3A_738 = arith.constant 64 : i32
          %add3A_739 = arith.addi %add3A_738, %scan3A_584 : i32
          %get3A_740 = arith.constant 0 : i32
          %get3A_741 = arith.constant 1 : i32
          %get3A_742 = arith.index_cast %get3A_740 : i32 to index
          %get3A_743 = arith.index_cast %get3A_741 : i32 to index
          %get3A_744 = arith.index_cast %add3A_739 : i32 to index
          %get3A_745 = arith.constant 48 : index
          %get3A_746 = tpu.vector_load %arg7[%get3A_742, %get3A_743, %get3A_744, %get3A_745] {strides = array<i32>} : memref<2x2x128x128xf32, #tpu.memory_space<vmem>>, vector<16xf32>,
          %mul3A_747 = arith.mulf %get3A_746, %get3A_278 : vector<16xf32>
          %add3A_748 = arith.addf %add3A_737, %mul3A_747 : vector<16xf32>
          %swap3A_749 = arith.index_cast %scan3A_584 : i32 to index
          %swap3A_750 = arith.constant 48 : index
          %swap3A_751 = tpu.vector_load %arg9[%swap3A_749, %swap3A_750] {strides = array<i32>} : memref<64x128xf32, #tpu.memory_space<vmem>>, vector<16xf32>,
          tpu.vector_store %arg9[%swap3A_749, %swap3A_750], %add3A_748 {add = true, strides = array<i32>} : memref<64x128xf32, #tpu.memory_space<vmem>>, vector<16xf32>,
          %get3A_752 = arith.constant 0 : i32
          %get3A_753 = arith.constant 0 : i32
          %get3A_754 = arith.index_cast %get3A_752 : i32 to index
          %get3A_755 = arith.index_cast %get3A_753 : i32 to index
          %get3A_756 = arith.index_cast %scan3A_584 : i32 to index
          %get3A_757 = arith.constant 64 : index
          %get3A_758 = tpu.vector_load %arg7[%get3A_754, %get3A_755, %get3A_756, %get3A_757] {strides = array<i32>} : memref<2x2x128x128xf32, #tpu.memory_space<vmem>>, vector<16xf32>,
          %mul3A_759 = arith.mulf %get3A_758, %get3A_117 : vector<16xf32>
          %add3A_760 = arith.constant 64 : i32
          %add3A_761 = arith.addi %add3A_760, %scan3A_584 : i32
          %get3A_762 = arith.constant 0 : i32
          %get3A_763 = arith.constant 0 : i32
          %get3A_764 = arith.index_cast %get3A_762 : i32 to index
          %get3A_765 = arith.index_cast %get3A_763 : i32 to index
          %get3A_766 = arith.index_cast %add3A_761 : i32 to index
          %get3A_767 = arith.constant 64 : index
          %get3A_768 = tpu.vector_load %arg7[%get3A_764, %get3A_765, %get3A_766, %get3A_767] {strides = array<i32>} : memref<2x2x128x128xf32, #tpu.memory_space<vmem>>, vector<16xf32>,
          %mul3A_769 = arith.mulf %get3A_768, %get3A_173 : vector<16xf32>
          %add3A_770 = arith.addf %mul3A_759, %mul3A_769 : vector<16xf32>
          %get3A_771 = arith.constant 0 : i32
          %get3A_772 = arith.constant 1 : i32
          %get3A_773 = arith.index_cast %get3A_771 : i32 to index
          %get3A_774 = arith.index_cast %get3A_772 : i32 to index
          %get3A_775 = arith.index_cast %scan3A_584 : i32 to index
          %get3A_776 = arith.constant 64 : index
          %get3A_777 = tpu.vector_load %arg7[%get3A_773, %get3A_774, %get3A_775, %get3A_776] {strides = array<i32>} : memref<2x2x128x128xf32, #tpu.memory_space<vmem>>, vector<16xf32>,
          %mul3A_778 = arith.mulf %get3A_777, %get3A_229 : vector<16xf32>
          %add3A_779 = arith.addf %add3A_770, %mul3A_778 : vector<16xf32>
          %add3A_780 = arith.constant 64 : i32
          %add3A_781 = arith.addi %add3A_780, %scan3A_584 : i32
          %get3A_782 = arith.constant 0 : i32
          %get3A_783 = arith.constant 1 : i32
          %get3A_784 = arith.index_cast %get3A_782 : i32 to index
          %get3A_785 = arith.index_cast %get3A_783 : i32 to index
          %get3A_786 = arith.index_cast %add3A_781 : i32 to index
          %get3A_787 = arith.constant 64 : index
          %get3A_788 = tpu.vector_load %arg7[%get3A_784, %get3A_785, %get3A_786, %get3A_787] {strides = array<i32>} : memref<2x2x128x128xf32, #tpu.memory_space<vmem>>, vector<16xf32>,
          %mul3A_789 = arith.mulf %get3A_788, %get3A_285 : vector<16xf32>
          %add3A_790 = arith.addf %add3A_779, %mul3A_789 : vector<16xf32>
          %swap3A_791 = arith.index_cast %scan3A_584 : i32 to index
          %swap3A_792 = arith.constant 64 : index
          %swap3A_793 = tpu.vector_load %arg9[%swap3A_791, %swap3A_792] {strides = array<i32>} : memref<64x128xf32, #tpu.memory_space<vmem>>, vector<16xf32>,
          tpu.vector_store %arg9[%swap3A_791, %swap3A_792], %add3A_790 {add = true, strides = array<i32>} : memref<64x128xf32, #tpu.memory_space<vmem>>, vector<16xf32>,
          %get3A_794 = arith.constant 0 : i32
          %get3A_795 = arith.constant 0 : i32
          %get3A_796 = arith.index_cast %get3A_794 : i32 to index
          %get3A_797 = arith.index_cast %get3A_795 : i32 to index
          %get3A_798 = arith.index_cast %scan3A_584 : i32 to index
          %get3A_799 = arith.constant 80 : index
          %get3A_800 = tpu.vector_load %arg7[%get3A_796, %get3A_797, %get3A_798, %get3A_799] {strides = array<i32>} : memref<2x2x128x128xf32, #tpu.memory_space<vmem>>, vector<16xf32>,
          %mul3A_801 = arith.mulf %get3A_800, %get3A_124 : vector<16xf32>
          %add3A_802 = arith.constant 64 : i32
          %add3A_803 = arith.addi %add3A_802, %scan3A_584 : i32
          %get3A_804 = arith.constant 0 : i32
          %get3A_805 = arith.constant 0 : i32
          %get3A_806 = arith.index_cast %get3A_804 : i32 to index
          %get3A_807 = arith.index_cast %get3A_805 : i32 to index
          %get3A_808 = arith.index_cast %add3A_803 : i32 to index
          %get3A_809 = arith.constant 80 : index
          %get3A_810 = tpu.vector_load %arg7[%get3A_806, %get3A_807, %get3A_808, %get3A_809] {strides = array<i32>} : memref<2x2x128x128xf32, #tpu.memory_space<vmem>>, vector<16xf32>,
          %mul3A_811 = arith.mulf %get3A_810, %get3A_180 : vector<16xf32>
          %add3A_812 = arith.addf %mul3A_801, %mul3A_811 : vector<16xf32>
          %get3A_813 = arith.constant 0 : i32
          %get3A_814 = arith.constant 1 : i32
          %get3A_815 = arith.index_cast %get3A_813 : i32 to index
          %get3A_816 = arith.index_cast %get3A_814 : i32 to index
          %get3A_817 = arith.index_cast %scan3A_584 : i32 to index
          %get3A_818 = arith.constant 80 : index
          %get3A_819 = tpu.vector_load %arg7[%get3A_815, %get3A_816, %get3A_817, %get3A_818] {strides = array<i32>} : memref<2x2x128x128xf32, #tpu.memory_space<vmem>>, vector<16xf32>,
          %mul3A_820 = arith.mulf %get3A_819, %get3A_236 : vector<16xf32>
          %add3A_821 = arith.addf %add3A_812, %mul3A_820 : vector<16xf32>
          %add3A_822 = arith.constant 64 : i32
          %add3A_823 = arith.addi %add3A_822, %scan3A_584 : i32
          %get3A_824 = arith.constant 0 : i32
          %get3A_825 = arith.constant 1 : i32
          %get3A_826 = arith.index_cast %get3A_824 : i32 to index
          %get3A_827 = arith.index_cast %get3A_825 : i32 to index
          %get3A_828 = arith.index_cast %add3A_823 : i32 to index
          %get3A_829 = arith.constant 80 : index
          %get3A_830 = tpu.vector_load %arg7[%get3A_826, %get3A_827, %get3A_828, %get3A_829] {strides = array<i32>} : memref<2x2x128x128xf32, #tpu.memory_space<vmem>>, vector<16xf32>,
          %mul3A_831 = arith.mulf %get3A_830, %get3A_292 : vector<16xf32>
          %add3A_832 = arith.addf %add3A_821, %mul3A_831 : vector<16xf32>
          %swap3A_833 = arith.index_cast %scan3A_584 : i32 to index
          %swap3A_834 = arith.constant 80 : index
          %swap3A_835 = tpu.vector_load %arg9[%swap3A_833, %swap3A_834] {strides = array<i32>} : memref<64x128xf32, #tpu.memory_space<vmem>>, vector<16xf32>,
          tpu.vector_store %arg9[%swap3A_833, %swap3A_834], %add3A_832 {add = true, strides = array<i32>} : memref<64x128xf32, #tpu.memory_space<vmem>>, vector<16xf32>,
          %get3A_836 = arith.constant 0 : i32
          %get3A_837 = arith.constant 0 : i32
          %get3A_838 = arith.index_cast %get3A_836 : i32 to index
          %get3A_839 = arith.index_cast %get3A_837 : i32 to index
          %get3A_840 = arith.index_cast %scan3A_584 : i32 to index
          %get3A_841 = arith.constant 96 : index
          %get3A_842 = tpu.vector_load %arg7[%get3A_838, %get3A_839, %get3A_840, %get3A_841] {strides = array<i32>} : memref<2x2x128x128xf32, #tpu.memory_space<vmem>>, vector<16xf32>,
          %mul3A_843 = arith.mulf %get3A_842, %get3A_131 : vector<16xf32>
          %add3A_844 = arith.constant 64 : i32
          %add3A_845 = arith.addi %add3A_844, %scan3A_584 : i32
          %get3A_846 = arith.constant 0 : i32
          %get3A_847 = arith.constant 0 : i32
          %get3A_848 = arith.index_cast %get3A_846 : i32 to index
          %get3A_849 = arith.index_cast %get3A_847 : i32 to index
          %get3A_850 = arith.index_cast %add3A_845 : i32 to index
          %get3A_851 = arith.constant 96 : index
          %get3A_852 = tpu.vector_load %arg7[%get3A_848, %get3A_849, %get3A_850, %get3A_851] {strides = array<i32>} : memref<2x2x128x128xf32, #tpu.memory_space<vmem>>, vector<16xf32>,
          %mul3A_853 = arith.mulf %get3A_852, %get3A_187 : vector<16xf32>
          %add3A_854 = arith.addf %mul3A_843, %mul3A_853 : vector<16xf32>
          %get3A_855 = arith.constant 0 : i32
          %get3A_856 = arith.constant 1 : i32
          %get3A_857 = arith.index_cast %get3A_855 : i32 to index
          %get3A_858 = arith.index_cast %get3A_856 : i32 to index
          %get3A_859 = arith.index_cast %scan3A_584 : i32 to index
          %get3A_860 = arith.constant 96 : index
          %get3A_861 = tpu.vector_load %arg7[%get3A_857, %get3A_858, %get3A_859, %get3A_860] {strides = array<i32>} : memref<2x2x128x128xf32, #tpu.memory_space<vmem>>, vector<16xf32>,
          %mul3A_862 = arith.mulf %get3A_861, %get3A_243 : vector<16xf32>
          %add3A_863 = arith.addf %add3A_854, %mul3A_862 : vector<16xf32>
          %add3A_864 = arith.constant 64 : i32
          %add3A_865 = arith.addi %add3A_864, %scan3A_584 : i32
          %get3A_866 = arith.constant 0 : i32
          %get3A_867 = arith.constant 1 : i32
          %get3A_868 = arith.index_cast %get3A_866 : i32 to index
          %get3A_869 = arith.index_cast %get3A_867 : i32 to index
          %get3A_870 = arith.index_cast %add3A_865 : i32 to index
          %get3A_871 = arith.constant 96 : index
          %get3A_872 = tpu.vector_load %arg7[%get3A_868, %get3A_869, %get3A_870, %get3A_871] {strides = array<i32>} : memref<2x2x128x128xf32, #tpu.memory_space<vmem>>, vector<16xf32>,
          %mul3A_873 = arith.mulf %get3A_872, %get3A_299 : vector<16xf32>
          %add3A_874 = arith.addf %add3A_863, %mul3A_873 : vector<16xf32>
          %swap3A_875 = arith.index_cast %scan3A_584 : i32 to index
          %swap3A_876 = arith.constant 96 : index
          %swap3A_877 = tpu.vector_load %arg9[%swap3A_875, %swap3A_876] {strides = array<i32>} : memref<64x128xf32, #tpu.memory_space<vmem>>, vector<16xf32>,
          tpu.vector_store %arg9[%swap3A_875, %swap3A_876], %add3A_874 {add = true, strides = array<i32>} : memref<64x128xf32, #tpu.memory_space<vmem>>, vector<16xf32>,
          %get3A_878 = arith.constant 0 : i32
          %get3A_879 = arith.constant 0 : i32
          %get3A_880 = arith.index_cast %get3A_878 : i32 to index
          %get3A_881 = arith.index_cast %get3A_879 : i32 to index
          %get3A_882 = arith.index_cast %scan3A_584 : i32 to index
          %get3A_883 = arith.constant 112 : index
          %get3A_884 = tpu.vector_load %arg7[%get3A_880, %get3A_881, %get3A_882, %get3A_883] {strides = array<i32>} : memref<2x2x128x128xf32, #tpu.memory_space<vmem>>, vector<16xf32>,
          %mul3A_885 = arith.mulf %get3A_884, %get3A_138 : vector<16xf32>
          %add3A_886 = arith.constant 64 : i32
          %add3A_887 = arith.addi %add3A_886, %scan3A_584 : i32
          %get3A_888 = arith.constant 0 : i32
          %get3A_889 = arith.constant 0 : i32
          %get3A_890 = arith.index_cast %get3A_888 : i32 to index
          %get3A_891 = arith.index_cast %get3A_889 : i32 to index
          %get3A_892 = arith.index_cast %add3A_887 : i32 to index
          %get3A_893 = arith.constant 112 : index
          %get3A_894 = tpu.vector_load %arg7[%get3A_890, %get3A_891, %get3A_892, %get3A_893] {strides = array<i32>} : memref<2x2x128x128xf32, #tpu.memory_space<vmem>>, vector<16xf32>,
          %mul3A_895 = arith.mulf %get3A_894, %get3A_194 : vector<16xf32>
          %add3A_896 = arith.addf %mul3A_885, %mul3A_895 : vector<16xf32>
          %get3A_897 = arith.constant 0 : i32
          %get3A_898 = arith.constant 1 : i32
          %get3A_899 = arith.index_cast %get3A_897 : i32 to index
          %get3A_900 = arith.index_cast %get3A_898 : i32 to index
          %get3A_901 = arith.index_cast %scan3A_584 : i32 to index
          %get3A_902 = arith.constant 112 : index
          %get3A_903 = tpu.vector_load %arg7[%get3A_899, %get3A_900, %get3A_901, %get3A_902] {strides = array<i32>} : memref<2x2x128x128xf32, #tpu.memory_space<vmem>>, vector<16xf32>,
          %mul3A_904 = arith.mulf %get3A_903, %get3A_250 : vector<16xf32>
          %add3A_905 = arith.addf %add3A_896, %mul3A_904 : vector<16xf32>
          %add3A_906 = arith.constant 64 : i32
          %add3A_907 = arith.addi %add3A_906, %scan3A_584 : i32
          %get3A_908 = arith.constant 0 : i32
          %get3A_909 = arith.constant 1 : i32
          %get3A_910 = arith.index_cast %get3A_908 : i32 to index
          %get3A_911 = arith.index_cast %get3A_909 : i32 to index
          %get3A_912 = arith.index_cast %add3A_907 : i32 to index
          %get3A_913 = arith.constant 112 : index
          %get3A_914 = tpu.vector_load %arg7[%get3A_910, %get3A_911, %get3A_912, %get3A_913] {strides = array<i32>} : memref<2x2x128x128xf32, #tpu.memory_space<vmem>>, vector<16xf32>,
          %mul3A_915 = arith.mulf %get3A_914, %get3A_306 : vector<16xf32>
          %add3A_916 = arith.addf %add3A_905, %mul3A_915 : vector<16xf32>
          %swap3A_917 = arith.index_cast %scan3A_584 : i32 to index
          %swap3A_918 = arith.constant 112 : index
          %swap3A_919 = tpu.vector_load %arg9[%swap3A_917, %swap3A_918] {strides = array<i32>} : memref<64x128xf32, #tpu.memory_space<vmem>>, vector<16xf32>,
          tpu.vector_store %arg9[%swap3A_917, %swap3A_918], %add3A_916 {add = true, strides = array<i32>} : memref<64x128xf32, #tpu.memory_space<vmem>>, vector<16xf32>,
          %scan3A_920 = arith.constant 1 : i32
          %scan3A_921 = arith.addi %scan3A_584, %scan3A_920 : i32
          %get3A_922 = arith.constant 0 : i32
          %get3A_923 = arith.constant 0 : i32
          %get3A_924 = arith.index_cast %get3A_922 : i32 to index
          %get3A_925 = arith.index_cast %get3A_923 : i32 to index
          %get3A_926 = arith.index_cast %scan3A_921 : i32 to index
          %get3A_927 = arith.constant 0 : index
          %get3A_928 = tpu.vector_load %arg7[%get3A_924, %get3A_925, %get3A_926, %get3A_927] {strides = array<i32>} : memref<2x2x128x128xf32, #tpu.memory_space<vmem>>, vector<16xf32>,
          %mul3A_929 = arith.mulf %get3A_928, %get3A_89 : vector<16xf32>
          %add3A_930 = arith.constant 64 : i32
          %add3A_931 = arith.addi %add3A_930, %scan3A_921 : i32
          %get3A_932 = arith.constant 0 : i32
          %get3A_933 = arith.constant 0 : i32
          %get3A_934 = arith.index_cast %get3A_932 : i32 to index
          %get3A_935 = arith.index_cast %get3A_933 : i32 to index
          %get3A_936 = arith.index_cast %add3A_931 : i32 to index
          %get3A_937 = arith.constant 0 : index
          %get3A_938 = tpu.vector_load %arg7[%get3A_934, %get3A_935, %get3A_936, %get3A_937] {strides = array<i32>} : memref<2x2x128x128xf32, #tpu.memory_space<vmem>>, vector<16xf32>,
          %mul3A_939 = arith.mulf %get3A_938, %get3A_145 : vector<16xf32>
          %add3A_940 = arith.addf %mul3A_929, %mul3A_939 : vector<16xf32>
          %get3A_941 = arith.constant 0 : i32
          %get3A_942 = arith.constant 1 : i32
          %get3A_943 = arith.index_cast %get3A_941 : i32 to index
          %get3A_944 = arith.index_cast %get3A_942 : i32 to index
          %get3A_945 = arith.index_cast %scan3A_921 : i32 to index
          %get3A_946 = arith.constant 0 : index
          %get3A_947 = tpu.vector_load %arg7[%get3A_943, %get3A_944, %get3A_945, %get3A_946] {strides = array<i32>} : memref<2x2x128x128xf32, #tpu.memory_space<vmem>>, vector<16xf32>,
          %mul3A_948 = arith.mulf %get3A_947, %get3A_201 : vector<16xf32>
          %add3A_949 = arith.addf %add3A_940, %mul3A_948 : vector<16xf32>
          %add3A_950 = arith.constant 64 : i32
          %add3A_951 = arith.addi %add3A_950, %scan3A_921 : i32
          %get3A_952 = arith.constant 0 : i32
          %get3A_953 = arith.constant 1 : i32
          %get3A_954 = arith.index_cast %get3A_952 : i32 to index
          %get3A_955 = arith.index_cast %get3A_953 : i32 to index
          %get3A_956 = arith.index_cast %add3A_951 : i32 to index
          %get3A_957 = arith.constant 0 : index
          %get3A_958 = tpu.vector_load %arg7[%get3A_954, %get3A_955, %get3A_956, %get3A_957] {strides = array<i32>} : memref<2x2x128x128xf32, #tpu.memory_space<vmem>>, vector<16xf32>,
          %mul3A_959 = arith.mulf %get3A_958, %get3A_257 : vector<16xf32>
          %add3A_960 = arith.addf %add3A_949, %mul3A_959 : vector<16xf32>
          %swap3A_961 = arith.index_cast %scan3A_921 : i32 to index
          %swap3A_962 = arith.constant 0 : index
          %swap3A_963 = tpu.vector_load %arg9[%swap3A_961, %swap3A_962] {strides = array<i32>} : memref<64x128xf32, #tpu.memory_space<vmem>>, vector<16xf32>,
          tpu.vector_store %arg9[%swap3A_961, %swap3A_962], %add3A_960 {add = true, strides = array<i32>} : memref<64x128xf32, #tpu.memory_space<vmem>>, vector<16xf32>,
          %get3A_964 = arith.constant 0 : i32
          %get3A_965 = arith.constant 0 : i32
          %get3A_966 = arith.index_cast %get3A_964 : i32 to index
          %get3A_967 = arith.index_cast %get3A_965 : i32 to index
          %get3A_968 = arith.index_cast %scan3A_921 : i32 to index
          %get3A_969 = arith.constant 16 : index
          %get3A_970 = tpu.vector_load %arg7[%get3A_966, %get3A_967, %get3A_968, %get3A_969] {strides = array<i32>} : memref<2x2x128x128xf32, #tpu.memory_space<vmem>>, vector<16xf32>,
          %mul3A_971 = arith.mulf %get3A_970, %get3A_96 : vector<16xf32>
          %add3A_972 = arith.constant 64 : i32
          %add3A_973 = arith.addi %add3A_972, %scan3A_921 : i32
          %get3A_974 = arith.constant 0 : i32
          %get3A_975 = arith.constant 0 : i32
          %get3A_976 = arith.index_cast %get3A_974 : i32 to index
          %get3A_977 = arith.index_cast %get3A_975 : i32 to index
          %get3A_978 = arith.index_cast %add3A_973 : i32 to index
          %get3A_979 = arith.constant 16 : index
          %get3A_980 = tpu.vector_load %arg7[%get3A_976, %get3A_977, %get3A_978, %get3A_979] {strides = array<i32>} : memref<2x2x128x128xf32, #tpu.memory_space<vmem>>, vector<16xf32>,
          %mul3A_981 = arith.mulf %get3A_980, %get3A_152 : vector<16xf32>
          %add3A_982 = arith.addf %mul3A_971, %mul3A_981 : vector<16xf32>
          %get3A_983 = arith.constant 0 : i32
          %get3A_984 = arith.constant 1 : i32
          %get3A_985 = arith.index_cast %get3A_983 : i32 to index
          %get3A_986 = arith.index_cast %get3A_984 : i32 to index
          %get3A_987 = arith.index_cast %scan3A_921 : i32 to index
          %get3A_988 = arith.constant 16 : index
          %get3A_989 = tpu.vector_load %arg7[%get3A_985, %get3A_986, %get3A_987, %get3A_988] {strides = array<i32>} : memref<2x2x128x128xf32, #tpu.memory_space<vmem>>, vector<16xf32>,
          %mul3A_990 = arith.mulf %get3A_989, %get3A_208 : vector<16xf32>
          %add3A_991 = arith.addf %add3A_982, %mul3A_990 : vector<16xf32>
          %add3A_992 = arith.constant 64 : i32
          %add3A_993 = arith.addi %add3A_992, %scan3A_921 : i32
          %get3A_994 = arith.constant 0 : i32
          %get3A_995 = arith.constant 1 : i32
          %get3A_996 = arith.index_cast %get3A_994 : i32 to index
          %get3A_997 = arith.index_cast %get3A_995 : i32 to index
          %get3A_998 = arith.index_cast %add3A_993 : i32 to index
          %get3A_999 = arith.constant 16 : index
          %get3A_1000 = tpu.vector_load %arg7[%get3A_996, %get3A_997, %get3A_998, %get3A_999] {strides = array<i32>} : memref<2x2x128x128xf32, #tpu.memory_space<vmem>>, vector<16xf32>,
          %mul3A_1001 = arith.mulf %get3A_1000, %get3A_264 : vector<16xf32>
          %add3A_1002 = arith.addf %add3A_991, %mul3A_1001 : vector<16xf32>
          %swap3A_1003 = arith.index_cast %scan3A_921 : i32 to index
          %swap3A_1004 = arith.constant 16 : index
          %swap3A_1005 = tpu.vector_load %arg9[%swap3A_1003, %swap3A_1004] {strides = array<i32>} : memref<64x128xf32, #tpu.memory_space<vmem>>, vector<16xf32>,
          tpu.vector_store %arg9[%swap3A_1003, %swap3A_1004], %add3A_1002 {add = true, strides = array<i32>} : memref<64x128xf32, #tpu.memory_space<vmem>>, vector<16xf32>,
          %get3A_1006 = arith.constant 0 : i32
          %get3A_1007 = arith.constant 0 : i32
          %get3A_1008 = arith.index_cast %get3A_1006 : i32 to index
          %get3A_1009 = arith.index_cast %get3A_1007 : i32 to index
          %get3A_1010 = arith.index_cast %scan3A_921 : i32 to index
          %get3A_1011 = arith.constant 32 : index
          %get3A_1012 = tpu.vector_load %arg7[%get3A_1008, %get3A_1009, %get3A_1010, %get3A_1011] {strides = array<i32>} : memref<2x2x128x128xf32, #tpu.memory_space<vmem>>, vector<16xf32>,
          %mul3A_1013 = arith.mulf %get3A_1012, %get3A_103 : vector<16xf32>
          %add3A_1014 = arith.constant 64 : i32
          %add3A_1015 = arith.addi %add3A_1014, %scan3A_921 : i32
          %get3A_1016 = arith.constant 0 : i32
          %get3A_1017 = arith.constant 0 : i32
          %get3A_1018 = arith.index_cast %get3A_1016 : i32 to index
          %get3A_1019 = arith.index_cast %get3A_1017 : i32 to index
          %get3A_1020 = arith.index_cast %add3A_1015 : i32 to index
          %get3A_1021 = arith.constant 32 : index
          %get3A_1022 = tpu.vector_load %arg7[%get3A_1018, %get3A_1019, %get3A_1020, %get3A_1021] {strides = array<i32>} : memref<2x2x128x128xf32, #tpu.memory_space<vmem>>, vector<16xf32>,
          %mul3A_1023 = arith.mulf %get3A_1022, %get3A_159 : vector<16xf32>
          %add3A_1024 = arith.addf %mul3A_1013, %mul3A_1023 : vector<16xf32>
          %get3A_1025 = arith.constant 0 : i32
          %get3A_1026 = arith.constant 1 : i32
          %get3A_1027 = arith.index_cast %get3A_1025 : i32 to index
          %get3A_1028 = arith.index_cast %get3A_1026 : i32 to index
          %get3A_1029 = arith.index_cast %scan3A_921 : i32 to index
          %get3A_1030 = arith.constant 32 : index
          %get3A_1031 = tpu.vector_load %arg7[%get3A_1027, %get3A_1028, %get3A_1029, %get3A_1030] {strides = array<i32>} : memref<2x2x128x128xf32, #tpu.memory_space<vmem>>, vector<16xf32>,
          %mul3A_1032 = arith.mulf %get3A_1031, %get3A_215 : vector<16xf32>
          %add3A_1033 = arith.addf %add3A_1024, %mul3A_1032 : vector<16xf32>
          %add3A_1034 = arith.constant 64 : i32
          %add3A_1035 = arith.addi %add3A_1034, %scan3A_921 : i32
          %get3A_1036 = arith.constant 0 : i32
          %get3A_1037 = arith.constant 1 : i32
          %get3A_1038 = arith.index_cast %get3A_1036 : i32 to index
          %get3A_1039 = arith.index_cast %get3A_1037 : i32 to index
          %get3A_1040 = arith.index_cast %add3A_1035 : i32 to index
          %get3A_1041 = arith.constant 32 : index
          %get3A_1042 = tpu.vector_load %arg7[%get3A_1038, %get3A_1039, %get3A_1040, %get3A_1041] {strides = array<i32>} : memref<2x2x128x128xf32, #tpu.memory_space<vmem>>, vector<16xf32>,
          %mul3A_1043 = arith.mulf %get3A_1042, %get3A_271 : vector<16xf32>
          %add3A_1044 = arith.addf %add3A_1033, %mul3A_1043 : vector<16xf32>
          %swap3A_1045 = arith.index_cast %scan3A_921 : i32 to index
          %swap3A_1046 = arith.constant 32 : index
          %swap3A_1047 = tpu.vector_load %arg9[%swap3A_1045, %swap3A_1046] {strides = array<i32>} : memref<64x128xf32, #tpu.memory_space<vmem>>, vector<16xf32>,
          tpu.vector_store %arg9[%swap3A_1045, %swap3A_1046], %add3A_1044 {add = true, strides = array<i32>} : memref<64x128xf32, #tpu.memory_space<vmem>>, vector<16xf32>,
          %get3A_1048 = arith.constant 0 : i32
          %get3A_1049 = arith.constant 0 : i32
          %get3A_1050 = arith.index_cast %get3A_1048 : i32 to index
          %get3A_1051 = arith.index_cast %get3A_1049 : i32 to index
          %get3A_1052 = arith.index_cast %scan3A_921 : i32 to index
          %get3A_1053 = arith.constant 48 : index
          %get3A_1054 = tpu.vector_load %arg7[%get3A_1050, %get3A_1051, %get3A_1052, %get3A_1053] {strides = array<i32>} : memref<2x2x128x128xf32, #tpu.memory_space<vmem>>, vector<16xf32>,
          %mul3A_1055 = arith.mulf %get3A_1054, %get3A_110 : vector<16xf32>
          %add3A_1056 = arith.constant 64 : i32
          %add3A_1057 = arith.addi %add3A_1056, %scan3A_921 : i32
          %get3A_1058 = arith.constant 0 : i32
          %get3A_1059 = arith.constant 0 : i32
          %get3A_1060 = arith.index_cast %get3A_1058 : i32 to index
          %get3A_1061 = arith.index_cast %get3A_1059 : i32 to index
          %get3A_1062 = arith.index_cast %add3A_1057 : i32 to index
          %get3A_1063 = arith.constant 48 : index
          %get3A_1064 = tpu.vector_load %arg7[%get3A_1060, %get3A_1061, %get3A_1062, %get3A_1063] {strides = array<i32>} : memref<2x2x128x128xf32, #tpu.memory_space<vmem>>, vector<16xf32>,
          %mul3A_1065 = arith.mulf %get3A_1064, %get3A_166 : vector<16xf32>
          %add3A_1066 = arith.addf %mul3A_1055, %mul3A_1065 : vector<16xf32>
          %get3A_1067 = arith.constant 0 : i32
          %get3A_1068 = arith.constant 1 : i32
          %get3A_1069 = arith.index_cast %get3A_1067 : i32 to index
          %get3A_1070 = arith.index_cast %get3A_1068 : i32 to index
          %get3A_1071 = arith.index_cast %scan3A_921 : i32 to index
          %get3A_1072 = arith.constant 48 : index
          %get3A_1073 = tpu.vector_load %arg7[%get3A_1069, %get3A_1070, %get3A_1071, %get3A_1072] {strides = array<i32>} : memref<2x2x128x128xf32, #tpu.memory_space<vmem>>, vector<16xf32>,
          %mul3A_1074 = arith.mulf %get3A_1073, %get3A_222 : vector<16xf32>
          %add3A_1075 = arith.addf %add3A_1066, %mul3A_1074 : vector<16xf32>
          %add3A_1076 = arith.constant 64 : i32
          %add3A_1077 = arith.addi %add3A_1076, %scan3A_921 : i32
          %get3A_1078 = arith.constant 0 : i32
          %get3A_1079 = arith.constant 1 : i32
          %get3A_1080 = arith.index_cast %get3A_1078 : i32 to index
          %get3A_1081 = arith.index_cast %get3A_1079 : i32 to index
          %get3A_1082 = arith.index_cast %add3A_1077 : i32 to index
          %get3A_1083 = arith.constant 48 : index
          %get3A_1084 = tpu.vector_load %arg7[%get3A_1080, %get3A_1081, %get3A_1082, %get3A_1083] {strides = array<i32>} : memref<2x2x128x128xf32, #tpu.memory_space<vmem>>, vector<16xf32>,
          %mul3A_1085 = arith.mulf %get3A_1084, %get3A_278 : vector<16xf32>
          %add3A_1086 = arith.addf %add3A_1075, %mul3A_1085 : vector<16xf32>
          %swap3A_1087 = arith.index_cast %scan3A_921 : i32 to index
          %swap3A_1088 = arith.constant 48 : index
          %swap3A_1089 = tpu.vector_load %arg9[%swap3A_1087, %swap3A_1088] {strides = array<i32>} : memref<64x128xf32, #tpu.memory_space<vmem>>, vector<16xf32>,
          tpu.vector_store %arg9[%swap3A_1087, %swap3A_1088], %add3A_1086 {add = true, strides = array<i32>} : memref<64x128xf32, #tpu.memory_space<vmem>>, vector<16xf32>,
          %get3A_1090 = arith.constant 0 : i32
          %get3A_1091 = arith.constant 0 : i32
          %get3A_1092 = arith.index_cast %get3A_1090 : i32 to index
          %get3A_1093 = arith.index_cast %get3A_1091 : i32 to index
          %get3A_1094 = arith.index_cast %scan3A_921 : i32 to index
          %get3A_1095 = arith.constant 64 : index
          %get3A_1096 = tpu.vector_load %arg7[%get3A_1092, %get3A_1093, %get3A_1094, %get3A_1095] {strides = array<i32>} : memref<2x2x128x128xf32, #tpu.memory_space<vmem>>, vector<16xf32>,
          %mul3A_1097 = arith.mulf %get3A_1096, %get3A_117 : vector<16xf32>
          %add3A_1098 = arith.constant 64 : i32
          %add3A_1099 = arith.addi %add3A_1098, %scan3A_921 : i32
          %get3A_1100 = arith.constant 0 : i32
          %get3A_1101 = arith.constant 0 : i32
          %get3A_1102 = arith.index_cast %get3A_1100 : i32 to index
          %get3A_1103 = arith.index_cast %get3A_1101 : i32 to index
          %get3A_1104 = arith.index_cast %add3A_1099 : i32 to index
          %get3A_1105 = arith.constant 64 : index
          %get3A_1106 = tpu.vector_load %arg7[%get3A_1102, %get3A_1103, %get3A_1104, %get3A_1105] {strides = array<i32>} : memref<2x2x128x128xf32, #tpu.memory_space<vmem>>, vector<16xf32>,
          %mul3A_1107 = arith.mulf %get3A_1106, %get3A_173 : vector<16xf32>
          %add3A_1108 = arith.addf %mul3A_1097, %mul3A_1107 : vector<16xf32>
          %get3A_1109 = arith.constant 0 : i32
          %get3A_1110 = arith.constant 1 : i32
          %get3A_1111 = arith.index_cast %get3A_1109 : i32 to index
          %get3A_1112 = arith.index_cast %get3A_1110 : i32 to index
          %get3A_1113 = arith.index_cast %scan3A_921 : i32 to index
          %get3A_1114 = arith.constant 64 : index
          %get3A_1115 = tpu.vector_load %arg7[%get3A_1111, %get3A_1112, %get3A_1113, %get3A_1114] {strides = array<i32>} : memref<2x2x128x128xf32, #tpu.memory_space<vmem>>, vector<16xf32>,
          %mul3A_1116 = arith.mulf %get3A_1115, %get3A_229 : vector<16xf32>
          %add3A_1117 = arith.addf %add3A_1108, %mul3A_1116 : vector<16xf32>
          %add3A_1118 = arith.constant 64 : i32
          %add3A_1119 = arith.addi %add3A_1118, %scan3A_921 : i32
          %get3A_1120 = arith.constant 0 : i32
          %get3A_1121 = arith.constant 1 : i32
          %get3A_1122 = arith.index_cast %get3A_1120 : i32 to index
          %get3A_1123 = arith.index_cast %get3A_1121 : i32 to index
          %get3A_1124 = arith.index_cast %add3A_1119 : i32 to index
          %get3A_1125 = arith.constant 64 : index
          %get3A_1126 = tpu.vector_load %arg7[%get3A_1122, %get3A_1123, %get3A_1124, %get3A_1125] {strides = array<i32>} : memref<2x2x128x128xf32, #tpu.memory_space<vmem>>, vector<16xf32>,
          %mul3A_1127 = arith.mulf %get3A_1126, %get3A_285 : vector<16xf32>
          %add3A_1128 = arith.addf %add3A_1117, %mul3A_1127 : vector<16xf32>
          %swap3A_1129 = arith.index_cast %scan3A_921 : i32 to index
          %swap3A_1130 = arith.constant 64 : index
          %swap3A_1131 = tpu.vector_load %arg9[%swap3A_1129, %swap3A_1130] {strides = array<i32>} : memref<64x128xf32, #tpu.memory_space<vmem>>, vector<16xf32>,
          tpu.vector_store %arg9[%swap3A_1129, %swap3A_1130], %add3A_1128 {add = true, strides = array<i32>} : memref<64x128xf32, #tpu.memory_space<vmem>>, vector<16xf32>,
          %get3A_1132 = arith.constant 0 : i32
          %get3A_1133 = arith.constant 0 : i32
          %get3A_1134 = arith.index_cast %get3A_1132 : i32 to index
          %get3A_1135 = arith.index_cast %get3A_1133 : i32 to index
          %get3A_1136 = arith.index_cast %scan3A_921 : i32 to index
          %get3A_1137 = arith.constant 80 : index
          %get3A_1138 = tpu.vector_load %arg7[%get3A_1134, %get3A_1135, %get3A_1136, %get3A_1137] {strides = array<i32>} : memref<2x2x128x128xf32, #tpu.memory_space<vmem>>, vector<16xf32>,
          %mul3A_1139 = arith.mulf %get3A_1138, %get3A_124 : vector<16xf32>
          %add3A_1140 = arith.constant 64 : i32
          %add3A_1141 = arith.addi %add3A_1140, %scan3A_921 : i32
          %get3A_1142 = arith.constant 0 : i32
          %get3A_1143 = arith.constant 0 : i32
          %get3A_1144 = arith.index_cast %get3A_1142 : i32 to index
          %get3A_1145 = arith.index_cast %get3A_1143 : i32 to index
          %get3A_1146 = arith.index_cast %add3A_1141 : i32 to index
          %get3A_1147 = arith.constant 80 : index
          %get3A_1148 = tpu.vector_load %arg7[%get3A_1144, %get3A_1145, %get3A_1146, %get3A_1147] {strides = array<i32>} : memref<2x2x128x128xf32, #tpu.memory_space<vmem>>, vector<16xf32>,
          %mul3A_1149 = arith.mulf %get3A_1148, %get3A_180 : vector<16xf32>
          %add3A_1150 = arith.addf %mul3A_1139, %mul3A_1149 : vector<16xf32>
          %get3A_1151 = arith.constant 0 : i32
          %get3A_1152 = arith.constant 1 : i32
          %get3A_1153 = arith.index_cast %get3A_1151 : i32 to index
          %get3A_1154 = arith.index_cast %get3A_1152 : i32 to index
          %get3A_1155 = arith.index_cast %scan3A_921 : i32 to index
          %get3A_1156 = arith.constant 80 : index
          %get3A_1157 = tpu.vector_load %arg7[%get3A_1153, %get3A_1154, %get3A_1155, %get3A_1156] {strides = array<i32>} : memref<2x2x128x128xf32, #tpu.memory_space<vmem>>, vector<16xf32>,
          %mul3A_1158 = arith.mulf %get3A_1157, %get3A_236 : vector<16xf32>
          %add3A_1159 = arith.addf %add3A_1150, %mul3A_1158 : vector<16xf32>
          %add3A_1160 = arith.constant 64 : i32
          %add3A_1161 = arith.addi %add3A_1160, %scan3A_921 : i32
          %get3A_1162 = arith.constant 0 : i32
          %get3A_1163 = arith.constant 1 : i32
          %get3A_1164 = arith.index_cast %get3A_1162 : i32 to index
          %get3A_1165 = arith.index_cast %get3A_1163 : i32 to index
          %get3A_1166 = arith.index_cast %add3A_1161 : i32 to index
          %get3A_1167 = arith.constant 80 : index
          %get3A_1168 = tpu.vector_load %arg7[%get3A_1164, %get3A_1165, %get3A_1166, %get3A_1167] {strides = array<i32>} : memref<2x2x128x128xf32, #tpu.memory_space<vmem>>, vector<16xf32>,
          %mul3A_1169 = arith.mulf %get3A_1168, %get3A_292 : vector<16xf32>
          %add3A_1170 = arith.addf %add3A_1159, %mul3A_1169 : vector<16xf32>
          %swap3A_1171 = arith.index_cast %scan3A_921 : i32 to index
          %swap3A_1172 = arith.constant 80 : index
          %swap3A_1173 = tpu.vector_load %arg9[%swap3A_1171, %swap3A_1172] {strides = array<i32>} : memref<64x128xf32, #tpu.memory_space<vmem>>, vector<16xf32>,
          tpu.vector_store %arg9[%swap3A_1171, %swap3A_1172], %add3A_1170 {add = true, strides = array<i32>} : memref<64x128xf32, #tpu.memory_space<vmem>>, vector<16xf32>,
          %get3A_1174 = arith.constant 0 : i32
          %get3A_1175 = arith.constant 0 : i32
          %get3A_1176 = arith.index_cast %get3A_1174 : i32 to index
          %get3A_1177 = arith.index_cast %get3A_1175 : i32 to index
          %get3A_1178 = arith.index_cast %scan3A_921 : i32 to index
          %get3A_1179 = arith.constant 96 : index
          %get3A_1180 = tpu.vector_load %arg7[%get3A_1176, %get3A_1177, %get3A_1178, %get3A_1179] {strides = array<i32>} : memref<2x2x128x128xf32, #tpu.memory_space<vmem>>, vector<16xf32>,
          %mul3A_1181 = arith.mulf %get3A_1180, %get3A_131 : vector<16xf32>
          %add3A_1182 = arith.constant 64 : i32
          %add3A_1183 = arith.addi %add3A_1182, %scan3A_921 : i32
          %get3A_1184 = arith.constant 0 : i32
          %get3A_1185 = arith.constant 0 : i32
          %get3A_1186 = arith.index_cast %get3A_1184 : i32 to index
          %get3A_1187 = arith.index_cast %get3A_1185 : i32 to index
          %get3A_1188 = arith.index_cast %add3A_1183 : i32 to index
          %get3A_1189 = arith.constant 96 : index
          %get3A_1190 = tpu.vector_load %arg7[%get3A_1186, %get3A_1187, %get3A_1188, %get3A_1189] {strides = array<i32>} : memref<2x2x128x128xf32, #tpu.memory_space<vmem>>, vector<16xf32>,
          %mul3A_1191 = arith.mulf %get3A_1190, %get3A_187 : vector<16xf32>
          %add3A_1192 = arith.addf %mul3A_1181, %mul3A_1191 : vector<16xf32>
          %get3A_1193 = arith.constant 0 : i32
          %get3A_1194 = arith.constant 1 : i32
          %get3A_1195 = arith.index_cast %get3A_1193 : i32 to index
          %get3A_1196 = arith.index_cast %get3A_1194 : i32 to index
          %get3A_1197 = arith.index_cast %scan3A_921 : i32 to index
          %get3A_1198 = arith.constant 96 : index
          %get3A_1199 = tpu.vector_load %arg7[%get3A_1195, %get3A_1196, %get3A_1197, %get3A_1198] {strides = array<i32>} : memref<2x2x128x128xf32, #tpu.memory_space<vmem>>, vector<16xf32>,
          %mul3A_1200 = arith.mulf %get3A_1199, %get3A_243 : vector<16xf32>
          %add3A_1201 = arith.addf %add3A_1192, %mul3A_1200 : vector<16xf32>
          %add3A_1202 = arith.constant 64 : i32
          %add3A_1203 = arith.addi %add3A_1202, %scan3A_921 : i32
          %get3A_1204 = arith.constant 0 : i32
          %get3A_1205 = arith.constant 1 : i32
          %get3A_1206 = arith.index_cast %get3A_1204 : i32 to index
          %get3A_1207 = arith.index_cast %get3A_1205 : i32 to index
          %get3A_1208 = arith.index_cast %add3A_1203 : i32 to index
          %get3A_1209 = arith.constant 96 : index
          %get3A_1210 = tpu.vector_load %arg7[%get3A_1206, %get3A_1207, %get3A_1208, %get3A_1209] {strides = array<i32>} : memref<2x2x128x128xf32, #tpu.memory_space<vmem>>, vector<16xf32>,
          %mul3A_1211 = arith.mulf %get3A_1210, %get3A_299 : vector<16xf32>
          %add3A_1212 = arith.addf %add3A_1201, %mul3A_1211 : vector<16xf32>
          %swap3A_1213 = arith.index_cast %scan3A_921 : i32 to index
          %swap3A_1214 = arith.constant 96 : index
          %swap3A_1215 = tpu.vector_load %arg9[%swap3A_1213, %swap3A_1214] {strides = array<i32>} : memref<64x128xf32, #tpu.memory_space<vmem>>, vector<16xf32>,
          tpu.vector_store %arg9[%swap3A_1213, %swap3A_1214], %add3A_1212 {add = true, strides = array<i32>} : memref<64x128xf32, #tpu.memory_space<vmem>>, vector<16xf32>,
          %get3A_1216 = arith.constant 0 : i32
          %get3A_1217 = arith.constant 0 : i32
          %get3A_1218 = arith.index_cast %get3A_1216 : i32 to index
          %get3A_1219 = arith.index_cast %get3A_1217 : i32 to index
          %get3A_1220 = arith.index_cast %scan3A_921 : i32 to index
          %get3A_1221 = arith.constant 112 : index
          %get3A_1222 = tpu.vector_load %arg7[%get3A_1218, %get3A_1219, %get3A_1220, %get3A_1221] {strides = array<i32>} : memref<2x2x128x128xf32, #tpu.memory_space<vmem>>, vector<16xf32>,
          %mul3A_1223 = arith.mulf %get3A_1222, %get3A_138 : vector<16xf32>
          %add3A_1224 = arith.constant 64 : i32
          %add3A_1225 = arith.addi %add3A_1224, %scan3A_921 : i32
          %get3A_1226 = arith.constant 0 : i32
          %get3A_1227 = arith.constant 0 : i32
          %get3A_1228 = arith.index_cast %get3A_1226 : i32 to index
          %get3A_1229 = arith.index_cast %get3A_1227 : i32 to index
          %get3A_1230 = arith.index_cast %add3A_1225 : i32 to index
          %get3A_1231 = arith.constant 112 : index
          %get3A_1232 = tpu.vector_load %arg7[%get3A_1228, %get3A_1229, %get3A_1230, %get3A_1231] {strides = array<i32>} : memref<2x2x128x128xf32, #tpu.memory_space<vmem>>, vector<16xf32>,
          %mul3A_1233 = arith.mulf %get3A_1232, %get3A_194 : vector<16xf32>
          %add3A_1234 = arith.addf %mul3A_1223, %mul3A_1233 : vector<16xf32>
          %get3A_1235 = arith.constant 0 : i32
          %get3A_1236 = arith.constant 1 : i32
          %get3A_1237 = arith.index_cast %get3A_1235 : i32 to index
          %get3A_1238 = arith.index_cast %get3A_1236 : i32 to index
          %get3A_1239 = arith.index_cast %scan3A_921 : i32 to index
          %get3A_1240 = arith.constant 112 : index
          %get3A_1241 = tpu.vector_load %arg7[%get3A_1237, %get3A_1238, %get3A_1239, %get3A_1240] {strides = array<i32>} : memref<2x2x128x128xf32, #tpu.memory_space<vmem>>, vector<16xf32>,
          %mul3A_1242 = arith.mulf %get3A_1241, %get3A_250 : vector<16xf32>
          %add3A_1243 = arith.addf %add3A_1234, %mul3A_1242 : vector<16xf32>
          %add3A_1244 = arith.constant 64 : i32
          %add3A_1245 = arith.addi %add3A_1244, %scan3A_921 : i32
          %get3A_1246 = arith.constant 0 : i32
          %get3A_1247 = arith.constant 1 : i32
          %get3A_1248 = arith.index_cast %get3A_1246 : i32 to index
          %get3A_1249 = arith.index_cast %get3A_1247 : i32 to index
          %get3A_1250 = arith.index_cast %add3A_1245 : i32 to index
          %get3A_1251 = arith.constant 112 : index
          %get3A_1252 = tpu.vector_load %arg7[%get3A_1248, %get3A_1249, %get3A_1250, %get3A_1251] {strides = array<i32>} : memref<2x2x128x128xf32, #tpu.memory_space<vmem>>, vector<16xf32>,
          %mul3A_1253 = arith.mulf %get3A_1252, %get3A_306 : vector<16xf32>
          %add3A_1254 = arith.addf %add3A_1243, %mul3A_1253 : vector<16xf32>
          %swap3A_1255 = arith.index_cast %scan3A_921 : i32 to index
          %swap3A_1256 = arith.constant 112 : index
          %swap3A_1257 = tpu.vector_load %arg9[%swap3A_1255, %swap3A_1256] {strides = array<i32>} : memref<64x128xf32, #tpu.memory_space<vmem>>, vector<16xf32>,
          tpu.vector_store %arg9[%swap3A_1255, %swap3A_1256], %add3A_1254 {add = true, strides = array<i32>} : memref<64x128xf32, #tpu.memory_space<vmem>>, vector<16xf32>,
        }
        %scan3A_312 = arith.constant 64 : i32
        %mul3A_313 = arith.constant 2 : i32
        %mul3A_314 = arith.muli %mul3A_313, %scan3A_46 : i32
        %add3A_315 = arith.constant 1 : i32
        %add3A_316 = arith.addi %mul3A_314, %add3A_315 : i32
        %add3A_317 = arith.constant 1 : i32
        %add3A_318 = arith.addi %add3A_316, %add3A_317 : i32
        %lt3A_319 = arith.constant 32 : i32
        %lt3A_320 = arith.cmpi slt, %add3A_318, %lt3A_319 : i32
        %convert_element_type3A_321 = arith.extui %lt3A_320 : i1 to i32
        %cond3A_322 = arith.constant 0 : i32
        %cond3A_323 = arith.cmpi ne, %convert_element_type3A_321, %cond3A_322 : i32
        scf.if %cond3A_323 {
          %add3A_584 = arith.constant 1 : i32
          %add3A_585 = arith.addi %add3A_316, %add3A_584 : i32
          %mul3A_586 = arith.constant 2 : i32
          %mul3A_587 = arith.muli %mul3A_586, %add3A_585 : i32
          %dma_start3A_588 = arith.constant 0 : i32
          %dma_start3A_589 = arith.constant 0 : i32
          %dma_start3A_590 = arith.constant 0 : i32
          %dma_start3A_591 = arith.constant 0 : i32
          %dma_start3A_592 = tpu.memref_slice %arg7[%dma_start3A_588, %dma_start3A_589, %dma_start3A_590, %dma_start3A_591] : memref<2x2x128x128xf32, #tpu.memory_space<vmem>> -> memref<1x1x128x128xf32, #tpu.memory_space<vmem>>
          %dma_start3A_593 = tpu.memref_squeeze %dma_start3A_592 : memref<1x1x128x128xf32, #tpu.memory_space<vmem>> -> memref<128x128xf32, #tpu.memory_space<vmem>>
          %dma_start3A_594 = arith.constant 0 : i32
          %dma_start3A_595 = tpu.memref_slice %arg6[%mul3A_587, %dma_start3A_594] : memref<64x128xi32, #tpu.memory_space<vmem>> -> memref<1x128xi32, #tpu.memory_space<vmem>>
          %dma_start3A_596 = tpu.memref_squeeze %dma_start3A_595 : memref<1x128xi32, #tpu.memory_space<vmem>> -> memref<128xi32, #tpu.memory_space<vmem>>
          %dma_start3A_597 = arith.constant 0 : i32
          %dma_start3A_598 = arith.constant 0 : i32
          %dma_start3A_599 = tpu.memref_slice %arg2[%dma_start3A_597, %dma_start3A_598] : memref<100000x128xf32, #tpu.memory_space<hbm>> -> memref<100000x128xf32, #tpu.memory_space<hbm>>
          tpu.enqueue_indirect_dma source(%dma_start3A_599 : memref<100000x128xf32, #tpu.memory_space<hbm>>) target(%dma_start3A_593 : memref<128x128xf32, #tpu.memory_space<vmem>>) offsets(%dma_start3A_596 : memref<128xi32, #tpu.memory_space<vmem>>) semaphore(%arg10 : memref<!tpu.dma_semaphore, #tpu.memory_space<semaphore_mem>>)
          %mul3A_600 = arith.constant 2 : i32
          %mul3A_601 = arith.muli %mul3A_600, %add3A_585 : i32
          %add3A_602 = arith.constant 1 : i32
          %add3A_603 = arith.addi %mul3A_601, %add3A_602 : i32
          %dma_start3A_604 = arith.constant 0 : i32
          %dma_start3A_605 = arith.constant 1 : i32
          %dma_start3A_606 = arith.constant 0 : i32
          %dma_start3A_607 = arith.constant 0 : i32
          %dma_start3A_608 = tpu.memref_slice %arg7[%dma_start3A_604, %dma_start3A_605, %dma_start3A_606, %dma_start3A_607] : memref<2x2x128x128xf32, #tpu.memory_space<vmem>> -> memref<1x1x128x128xf32, #tpu.memory_space<vmem>>
          %dma_start3A_609 = tpu.memref_squeeze %dma_start3A_608 : memref<1x1x128x128xf32, #tpu.memory_space<vmem>> -> memref<128x128xf32, #tpu.memory_space<vmem>>
          %dma_start3A_610 = arith.constant 0 : i32
          %dma_start3A_611 = tpu.memref_slice %arg6[%add3A_603, %dma_start3A_610] : memref<64x128xi32, #tpu.memory_space<vmem>> -> memref<1x128xi32, #tpu.memory_space<vmem>>
          %dma_start3A_612 = tpu.memref_squeeze %dma_start3A_611 : memref<1x128xi32, #tpu.memory_space<vmem>> -> memref<128xi32, #tpu.memory_space<vmem>>
          %dma_start3A_613 = arith.constant 0 : i32
          %dma_start3A_614 = arith.constant 0 : i32
          %dma_start3A_615 = tpu.memref_slice %arg2[%dma_start3A_613, %dma_start3A_614] : memref<100000x128xf32, #tpu.memory_space<hbm>> -> memref<100000x128xf32, #tpu.memory_space<hbm>>
          tpu.enqueue_indirect_dma source(%dma_start3A_615 : memref<100000x128xf32, #tpu.memory_space<hbm>>) target(%dma_start3A_609 : memref<128x128xf32, #tpu.memory_space<vmem>>) offsets(%dma_start3A_612 : memref<128xi32, #tpu.memory_space<vmem>>) semaphore(%arg10 : memref<!tpu.dma_semaphore, #tpu.memory_space<semaphore_mem>>)
        } else {
        }
        %mul3A_324 = arith.constant 2 : i32
        %mul3A_325 = arith.muli %mul3A_324, %add3A_316 : i32
        %dma_wait3A_326 = arith.constant 1 : i32
        %dma_wait3A_327 = arith.constant 0 : i32
        %dma_wait3A_328 = arith.constant 0 : i32
        %dma_wait3A_329 = arith.constant 0 : i32
        %dma_wait3A_330 = tpu.memref_slice %arg7[%dma_wait3A_326, %dma_wait3A_327, %dma_wait3A_328, %dma_wait3A_329] : memref<2x2x128x128xf32, #tpu.memory_space<vmem>> -> memref<1x1x128x128xf32, #tpu.memory_space<vmem>>
        %dma_wait3A_331 = tpu.memref_squeeze %dma_wait3A_330 : memref<1x1x128x128xf32, #tpu.memory_space<vmem>> -> memref<128x128xf32, #tpu.memory_space<vmem>>
        %dma_wait3A_332 = arith.constant 0 : i32
        %dma_wait3A_333 = tpu.memref_slice %arg6[%mul3A_325, %dma_wait3A_332] : memref<64x128xi32, #tpu.memory_space<vmem>> -> memref<1x128xi32, #tpu.memory_space<vmem>>
        %dma_wait3A_334 = tpu.memref_squeeze %dma_wait3A_333 : memref<1x128xi32, #tpu.memory_space<vmem>> -> memref<128xi32, #tpu.memory_space<vmem>>
        %dma_wait3A_335 = arith.constant 0 : i32
        %dma_wait3A_336 = arith.constant 0 : i32
        %dma_wait3A_337 = tpu.memref_slice %arg2[%dma_wait3A_335, %dma_wait3A_336] : memref<100000x128xf32, #tpu.memory_space<hbm>> -> memref<100000x128xf32, #tpu.memory_space<hbm>>
        tpu.wait_indirect_dma semaphore(%arg11 : memref<!tpu.dma_semaphore, #tpu.memory_space<semaphore_mem>>) src(%dma_wait3A_337 : memref<100000x128xf32, #tpu.memory_space<hbm>>) dst(%dma_wait3A_331 : memref<128x128xf32, #tpu.memory_space<vmem>>)
        %mul3A_338 = arith.constant 2 : i32
        %mul3A_339 = arith.muli %mul3A_338, %add3A_316 : i32
        %add3A_340 = arith.constant 1 : i32
        %add3A_341 = arith.addi %mul3A_339, %add3A_340 : i32
        %dma_wait3A_342 = arith.constant 1 : i32
        %dma_wait3A_343 = arith.constant 1 : i32
        %dma_wait3A_344 = arith.constant 0 : i32
        %dma_wait3A_345 = arith.constant 0 : i32
        %dma_wait3A_346 = tpu.memref_slice %arg7[%dma_wait3A_342, %dma_wait3A_343, %dma_wait3A_344, %dma_wait3A_345] : memref<2x2x128x128xf32, #tpu.memory_space<vmem>> -> memref<1x1x128x128xf32, #tpu.memory_space<vmem>>
        %dma_wait3A_347 = tpu.memref_squeeze %dma_wait3A_346 : memref<1x1x128x128xf32, #tpu.memory_space<vmem>> -> memref<128x128xf32, #tpu.memory_space<vmem>>
        %dma_wait3A_348 = arith.constant 0 : i32
        %dma_wait3A_349 = tpu.memref_slice %arg6[%add3A_341, %dma_wait3A_348] : memref<64x128xi32, #tpu.memory_space<vmem>> -> memref<1x128xi32, #tpu.memory_space<vmem>>
        %dma_wait3A_350 = tpu.memref_squeeze %dma_wait3A_349 : memref<1x128xi32, #tpu.memory_space<vmem>> -> memref<128xi32, #tpu.memory_space<vmem>>
        %dma_wait3A_351 = arith.constant 0 : i32
        %dma_wait3A_352 = arith.constant 0 : i32
        %dma_wait3A_353 = tpu.memref_slice %arg2[%dma_wait3A_351, %dma_wait3A_352] : memref<100000x128xf32, #tpu.memory_space<hbm>> -> memref<100000x128xf32, #tpu.memory_space<hbm>>
        tpu.wait_indirect_dma semaphore(%arg11 : memref<!tpu.dma_semaphore, #tpu.memory_space<semaphore_mem>>) src(%dma_wait3A_353 : memref<100000x128xf32, #tpu.memory_space<hbm>>) dst(%dma_wait3A_347 : memref<128x128xf32, #tpu.memory_space<vmem>>)
        %mul3A_354 = arith.constant 4 : i32
        %mul3A_355 = arith.muli %mul3A_354, %add3A_316 : i32
        %add3A_356 = arith.constant 0 : i32
        %add3A_357 = arith.addi %mul3A_355, %add3A_356 : i32
        %get3A_358 = arith.index_cast %add3A_357 : i32 to index
        %get3A_359 = arith.constant 0 : index
        %get3A_360 = tpu.vector_load %arg8[%get3A_358, %get3A_359] {strides = array<i32>} : memref<128x128xf32, #tpu.memory_space<vmem>>, vector<16xf32>,
        %mul3A_361 = arith.constant 4 : i32
        %mul3A_362 = arith.muli %mul3A_361, %add3A_316 : i32
        %add3A_363 = arith.constant 0 : i32
        %add3A_364 = arith.addi %mul3A_362, %add3A_363 : i32
        %get3A_365 = arith.index_cast %add3A_364 : i32 to index
        %get3A_366 = arith.constant 16 : index
        %get3A_367 = tpu.vector_load %arg8[%get3A_365, %get3A_366] {strides = array<i32>} : memref<128x128xf32, #tpu.memory_space<vmem>>, vector<16xf32>,
        %mul3A_368 = arith.constant 4 : i32
        %mul3A_369 = arith.muli %mul3A_368, %add3A_316 : i32
        %add3A_370 = arith.constant 0 : i32
        %add3A_371 = arith.addi %mul3A_369, %add3A_370 : i32
        %get3A_372 = arith.index_cast %add3A_371 : i32 to index
        %get3A_373 = arith.constant 32 : index
        %get3A_374 = tpu.vector_load %arg8[%get3A_372, %get3A_373] {strides = array<i32>} : memref<128x128xf32, #tpu.memory_space<vmem>>, vector<16xf32>,
        %mul3A_375 = arith.constant 4 : i32
        %mul3A_376 = arith.muli %mul3A_375, %add3A_316 : i32
        %add3A_377 = arith.constant 0 : i32
        %add3A_378 = arith.addi %mul3A_376, %add3A_377 : i32
        %get3A_379 = arith.index_cast %add3A_378 : i32 to index
        %get3A_380 = arith.constant 48 : index
        %get3A_381 = tpu.vector_load %arg8[%get3A_379, %get3A_380] {strides = array<i32>} : memref<128x128xf32, #tpu.memory_space<vmem>>, vector<16xf32>,
        %mul3A_382 = arith.constant 4 : i32
        %mul3A_383 = arith.muli %mul3A_382, %add3A_316 : i32
        %add3A_384 = arith.constant 0 : i32
        %add3A_385 = arith.addi %mul3A_383, %add3A_384 : i32
        %get3A_386 = arith.index_cast %add3A_385 : i32 to index
        %get3A_387 = arith.constant 64 : index
        %get3A_388 = tpu.vector_load %arg8[%get3A_386, %get3A_387] {strides = array<i32>} : memref<128x128xf32, #tpu.memory_space<vmem>>, vector<16xf32>,
        %mul3A_389 = arith.constant 4 : i32
        %mul3A_390 = arith.muli %mul3A_389, %add3A_316 : i32
        %add3A_391 = arith.constant 0 : i32
        %add3A_392 = arith.addi %mul3A_390, %add3A_391 : i32
        %get3A_393 = arith.index_cast %add3A_392 : i32 to index
        %get3A_394 = arith.constant 80 : index
        %get3A_395 = tpu.vector_load %arg8[%get3A_393, %get3A_394] {strides = array<i32>} : memref<128x128xf32, #tpu.memory_space<vmem>>, vector<16xf32>,
        %mul3A_396 = arith.constant 4 : i32
        %mul3A_397 = arith.muli %mul3A_396, %add3A_316 : i32
        %add3A_398 = arith.constant 0 : i32
        %add3A_399 = arith.addi %mul3A_397, %add3A_398 : i32
        %get3A_400 = arith.index_cast %add3A_399 : i32 to index
        %get3A_401 = arith.constant 96 : index
        %get3A_402 = tpu.vector_load %arg8[%get3A_400, %get3A_401] {strides = array<i32>} : memref<128x128xf32, #tpu.memory_space<vmem>>, vector<16xf32>,
        %mul3A_403 = arith.constant 4 : i32
        %mul3A_404 = arith.muli %mul3A_403, %add3A_316 : i32
        %add3A_405 = arith.constant 0 : i32
        %add3A_406 = arith.addi %mul3A_404, %add3A_405 : i32
        %get3A_407 = arith.index_cast %add3A_406 : i32 to index
        %get3A_408 = arith.constant 112 : index
        %get3A_409 = tpu.vector_load %arg8[%get3A_407, %get3A_408] {strides = array<i32>} : memref<128x128xf32, #tpu.memory_space<vmem>>, vector<16xf32>,
        %mul3A_410 = arith.constant 4 : i32
        %mul3A_411 = arith.muli %mul3A_410, %add3A_316 : i32
        %add3A_412 = arith.constant 1 : i32
        %add3A_413 = arith.addi %mul3A_411, %add3A_412 : i32
        %get3A_414 = arith.index_cast %add3A_413 : i32 to index
        %get3A_415 = arith.constant 0 : index
        %get3A_416 = tpu.vector_load %arg8[%get3A_414, %get3A_415] {strides = array<i32>} : memref<128x128xf32, #tpu.memory_space<vmem>>, vector<16xf32>,
        %mul3A_417 = arith.constant 4 : i32
        %mul3A_418 = arith.muli %mul3A_417, %add3A_316 : i32
        %add3A_419 = arith.constant 1 : i32
        %add3A_420 = arith.addi %mul3A_418, %add3A_419 : i32
        %get3A_421 = arith.index_cast %add3A_420 : i32 to index
        %get3A_422 = arith.constant 16 : index
        %get3A_423 = tpu.vector_load %arg8[%get3A_421, %get3A_422] {strides = array<i32>} : memref<128x128xf32, #tpu.memory_space<vmem>>, vector<16xf32>,
        %mul3A_424 = arith.constant 4 : i32
        %mul3A_425 = arith.muli %mul3A_424, %add3A_316 : i32
        %add3A_426 = arith.constant 1 : i32
        %add3A_427 = arith.addi %mul3A_425, %add3A_426 : i32
        %get3A_428 = arith.index_cast %add3A_427 : i32 to index
        %get3A_429 = arith.constant 32 : index
        %get3A_430 = tpu.vector_load %arg8[%get3A_428, %get3A_429] {strides = array<i32>} : memref<128x128xf32, #tpu.memory_space<vmem>>, vector<16xf32>,
        %mul3A_431 = arith.constant 4 : i32
        %mul3A_432 = arith.muli %mul3A_431, %add3A_316 : i32
        %add3A_433 = arith.constant 1 : i32
        %add3A_434 = arith.addi %mul3A_432, %add3A_433 : i32
        %get3A_435 = arith.index_cast %add3A_434 : i32 to index
        %get3A_436 = arith.constant 48 : index
        %get3A_437 = tpu.vector_load %arg8[%get3A_435, %get3A_436] {strides = array<i32>} : memref<128x128xf32, #tpu.memory_space<vmem>>, vector<16xf32>,
        %mul3A_438 = arith.constant 4 : i32
        %mul3A_439 = arith.muli %mul3A_438, %add3A_316 : i32
        %add3A_440 = arith.constant 1 : i32
        %add3A_441 = arith.addi %mul3A_439, %add3A_440 : i32
        %get3A_442 = arith.index_cast %add3A_441 : i32 to index
        %get3A_443 = arith.constant 64 : index
        %get3A_444 = tpu.vector_load %arg8[%get3A_442, %get3A_443] {strides = array<i32>} : memref<128x128xf32, #tpu.memory_space<vmem>>, vector<16xf32>,
        %mul3A_445 = arith.constant 4 : i32
        %mul3A_446 = arith.muli %mul3A_445, %add3A_316 : i32
        %add3A_447 = arith.constant 1 : i32
        %add3A_448 = arith.addi %mul3A_446, %add3A_447 : i32
        %get3A_449 = arith.index_cast %add3A_448 : i32 to index
        %get3A_450 = arith.constant 80 : index
        %get3A_451 = tpu.vector_load %arg8[%get3A_449, %get3A_450] {strides = array<i32>} : memref<128x128xf32, #tpu.memory_space<vmem>>, vector<16xf32>,
        %mul3A_452 = arith.constant 4 : i32
        %mul3A_453 = arith.muli %mul3A_452, %add3A_316 : i32
        %add3A_454 = arith.constant 1 : i32
        %add3A_455 = arith.addi %mul3A_453, %add3A_454 : i32
        %get3A_456 = arith.index_cast %add3A_455 : i32 to index
        %get3A_457 = arith.constant 96 : index
        %get3A_458 = tpu.vector_load %arg8[%get3A_456, %get3A_457] {strides = array<i32>} : memref<128x128xf32, #tpu.memory_space<vmem>>, vector<16xf32>,
        %mul3A_459 = arith.constant 4 : i32
        %mul3A_460 = arith.muli %mul3A_459, %add3A_316 : i32
        %add3A_461 = arith.constant 1 : i32
        %add3A_462 = arith.addi %mul3A_460, %add3A_461 : i32
        %get3A_463 = arith.index_cast %add3A_462 : i32 to index
        %get3A_464 = arith.constant 112 : index
        %get3A_465 = tpu.vector_load %arg8[%get3A_463, %get3A_464] {strides = array<i32>} : memref<128x128xf32, #tpu.memory_space<vmem>>, vector<16xf32>,
        %mul3A_466 = arith.constant 4 : i32
        %mul3A_467 = arith.muli %mul3A_466, %add3A_316 : i32
        %add3A_468 = arith.constant 2 : i32
        %add3A_469 = arith.addi %mul3A_467, %add3A_468 : i32
        %get3A_470 = arith.index_cast %add3A_469 : i32 to index
        %get3A_471 = arith.constant 0 : index
        %get3A_472 = tpu.vector_load %arg8[%get3A_470, %get3A_471] {strides = array<i32>} : memref<128x128xf32, #tpu.memory_space<vmem>>, vector<16xf32>,
        %mul3A_473 = arith.constant 4 : i32
        %mul3A_474 = arith.muli %mul3A_473, %add3A_316 : i32
        %add3A_475 = arith.constant 2 : i32
        %add3A_476 = arith.addi %mul3A_474, %add3A_475 : i32
        %get3A_477 = arith.index_cast %add3A_476 : i32 to index
        %get3A_478 = arith.constant 16 : index
        %get3A_479 = tpu.vector_load %arg8[%get3A_477, %get3A_478] {strides = array<i32>} : memref<128x128xf32, #tpu.memory_space<vmem>>, vector<16xf32>,
        %mul3A_480 = arith.constant 4 : i32
        %mul3A_481 = arith.muli %mul3A_480, %add3A_316 : i32
        %add3A_482 = arith.constant 2 : i32
        %add3A_483 = arith.addi %mul3A_481, %add3A_482 : i32
        %get3A_484 = arith.index_cast %add3A_483 : i32 to index
        %get3A_485 = arith.constant 32 : index
        %get3A_486 = tpu.vector_load %arg8[%get3A_484, %get3A_485] {strides = array<i32>} : memref<128x128xf32, #tpu.memory_space<vmem>>, vector<16xf32>,
        %mul3A_487 = arith.constant 4 : i32
        %mul3A_488 = arith.muli %mul3A_487, %add3A_316 : i32
        %add3A_489 = arith.constant 2 : i32
        %add3A_490 = arith.addi %mul3A_488, %add3A_489 : i32
        %get3A_491 = arith.index_cast %add3A_490 : i32 to index
        %get3A_492 = arith.constant 48 : index
        %get3A_493 = tpu.vector_load %arg8[%get3A_491, %get3A_492] {strides = array<i32>} : memref<128x128xf32, #tpu.memory_space<vmem>>, vector<16xf32>,
        %mul3A_494 = arith.constant 4 : i32
        %mul3A_495 = arith.muli %mul3A_494, %add3A_316 : i32
        %add3A_496 = arith.constant 2 : i32
        %add3A_497 = arith.addi %mul3A_495, %add3A_496 : i32
        %get3A_498 = arith.index_cast %add3A_497 : i32 to index
        %get3A_499 = arith.constant 64 : index
        %get3A_500 = tpu.vector_load %arg8[%get3A_498, %get3A_499] {strides = array<i32>} : memref<128x128xf32, #tpu.memory_space<vmem>>, vector<16xf32>,
        %mul3A_501 = arith.constant 4 : i32
        %mul3A_502 = arith.muli %mul3A_501, %add3A_316 : i32
        %add3A_503 = arith.constant 2 : i32
        %add3A_504 = arith.addi %mul3A_502, %add3A_503 : i32
        %get3A_505 = arith.index_cast %add3A_504 : i32 to index
        %get3A_506 = arith.constant 80 : index
        %get3A_507 = tpu.vector_load %arg8[%get3A_505, %get3A_506] {strides = array<i32>} : memref<128x128xf32, #tpu.memory_space<vmem>>, vector<16xf32>,
        %mul3A_508 = arith.constant 4 : i32
        %mul3A_509 = arith.muli %mul3A_508, %add3A_316 : i32
        %add3A_510 = arith.constant 2 : i32
        %add3A_511 = arith.addi %mul3A_509, %add3A_510 : i32
        %get3A_512 = arith.index_cast %add3A_511 : i32 to index
        %get3A_513 = arith.constant 96 : index
        %get3A_514 = tpu.vector_load %arg8[%get3A_512, %get3A_513] {strides = array<i32>} : memref<128x128xf32, #tpu.memory_space<vmem>>, vector<16xf32>,
        %mul3A_515 = arith.constant 4 : i32
        %mul3A_516 = arith.muli %mul3A_515, %add3A_316 : i32
        %add3A_517 = arith.constant 2 : i32
        %add3A_518 = arith.addi %mul3A_516, %add3A_517 : i32
        %get3A_519 = arith.index_cast %add3A_518 : i32 to index
        %get3A_520 = arith.constant 112 : index
        %get3A_521 = tpu.vector_load %arg8[%get3A_519, %get3A_520] {strides = array<i32>} : memref<128x128xf32, #tpu.memory_space<vmem>>, vector<16xf32>,
        %mul3A_522 = arith.constant 4 : i32
        %mul3A_523 = arith.muli %mul3A_522, %add3A_316 : i32
        %add3A_524 = arith.constant 3 : i32
        %add3A_525 = arith.addi %mul3A_523, %add3A_524 : i32
        %get3A_526 = arith.index_cast %add3A_525 : i32 to index
        %get3A_527 = arith.constant 0 : index
        %get3A_528 = tpu.vector_load %arg8[%get3A_526, %get3A_527] {strides = array<i32>} : memref<128x128xf32, #tpu.memory_space<vmem>>, vector<16xf32>,
        %mul3A_529 = arith.constant 4 : i32
        %mul3A_530 = arith.muli %mul3A_529, %add3A_316 : i32
        %add3A_531 = arith.constant 3 : i32
        %add3A_532 = arith.addi %mul3A_530, %add3A_531 : i32
        %get3A_533 = arith.index_cast %add3A_532 : i32 to index
        %get3A_534 = arith.constant 16 : index
        %get3A_535 = tpu.vector_load %arg8[%get3A_533, %get3A_534] {strides = array<i32>} : memref<128x128xf32, #tpu.memory_space<vmem>>, vector<16xf32>,
        %mul3A_536 = arith.constant 4 : i32
        %mul3A_537 = arith.muli %mul3A_536, %add3A_316 : i32
        %add3A_538 = arith.constant 3 : i32
        %add3A_539 = arith.addi %mul3A_537, %add3A_538 : i32
        %get3A_540 = arith.index_cast %add3A_539 : i32 to index
        %get3A_541 = arith.constant 32 : index
        %get3A_542 = tpu.vector_load %arg8[%get3A_540, %get3A_541] {strides = array<i32>} : memref<128x128xf32, #tpu.memory_space<vmem>>, vector<16xf32>,
        %mul3A_543 = arith.constant 4 : i32
        %mul3A_544 = arith.muli %mul3A_543, %add3A_316 : i32
        %add3A_545 = arith.constant 3 : i32
        %add3A_546 = arith.addi %mul3A_544, %add3A_545 : i32
        %get3A_547 = arith.index_cast %add3A_546 : i32 to index
        %get3A_548 = arith.constant 48 : index
        %get3A_549 = tpu.vector_load %arg8[%get3A_547, %get3A_548] {strides = array<i32>} : memref<128x128xf32, #tpu.memory_space<vmem>>, vector<16xf32>,
        %mul3A_550 = arith.constant 4 : i32
        %mul3A_551 = arith.muli %mul3A_550, %add3A_316 : i32
        %add3A_552 = arith.constant 3 : i32
        %add3A_553 = arith.addi %mul3A_551, %add3A_552 : i32
        %get3A_554 = arith.index_cast %add3A_553 : i32 to index
        %get3A_555 = arith.constant 64 : index
        %get3A_556 = tpu.vector_load %arg8[%get3A_554, %get3A_555] {strides = array<i32>} : memref<128x128xf32, #tpu.memory_space<vmem>>, vector<16xf32>,
        %mul3A_557 = arith.constant 4 : i32
        %mul3A_558 = arith.muli %mul3A_557, %add3A_316 : i32
        %add3A_559 = arith.constant 3 : i32
        %add3A_560 = arith.addi %mul3A_558, %add3A_559 : i32
        %get3A_561 = arith.index_cast %add3A_560 : i32 to index
        %get3A_562 = arith.constant 80 : index
        %get3A_563 = tpu.vector_load %arg8[%get3A_561, %get3A_562] {strides = array<i32>} : memref<128x128xf32, #tpu.memory_space<vmem>>, vector<16xf32>,
        %mul3A_564 = arith.constant 4 : i32
        %mul3A_565 = arith.muli %mul3A_564, %add3A_316 : i32
        %add3A_566 = arith.constant 3 : i32
        %add3A_567 = arith.addi %mul3A_565, %add3A_566 : i32
        %get3A_568 = arith.index_cast %add3A_567 : i32 to index
        %get3A_569 = arith.constant 96 : index
        %get3A_570 = tpu.vector_load %arg8[%get3A_568, %get3A_569] {strides = array<i32>} : memref<128x128xf32, #tpu.memory_space<vmem>>, vector<16xf32>,
        %mul3A_571 = arith.constant 4 : i32
        %mul3A_572 = arith.muli %mul3A_571, %add3A_316 : i32
        %add3A_573 = arith.constant 3 : i32
        %add3A_574 = arith.addi %mul3A_572, %add3A_573 : i32
        %get3A_575 = arith.index_cast %add3A_574 : i32 to index
        %get3A_576 = arith.constant 112 : index
        %get3A_577 = tpu.vector_load %arg8[%get3A_575, %get3A_576] {strides = array<i32>} : memref<128x128xf32, #tpu.memory_space<vmem>>, vector<16xf32>,
        %scan3A_578 = arith.constant 0 : i32
        %scan3A_579 = arith.constant 0 : i32
        %scan3A_580 = arith.constant 64 : i32
        %scan3A_581 = arith.addi %scan3A_579, %scan3A_580 : i32
        %scan3A_582 = arith.constant 2 : i32
        scf.for %scan3A_584 = %scan3A_579 to %scan3A_581 step %scan3A_582  : i32 {
          %get3A_585 = arith.constant 1 : i32
          %get3A_586 = arith.constant 0 : i32
          %get3A_587 = arith.index_cast %get3A_585 : i32 to index
          %get3A_588 = arith.index_cast %get3A_586 : i32 to index
          %get3A_589 = arith.index_cast %scan3A_584 : i32 to index
          %get3A_590 = arith.constant 0 : index
          %get3A_591 = tpu.vector_load %arg7[%get3A_587, %get3A_588, %get3A_589, %get3A_590] {strides = array<i32>} : memref<2x2x128x128xf32, #tpu.memory_space<vmem>>, vector<16xf32>,
          %mul3A_592 = arith.mulf %get3A_591, %get3A_360 : vector<16xf32>
          %add3A_593 = arith.constant 64 : i32
          %add3A_594 = arith.addi %add3A_593, %scan3A_584 : i32
          %get3A_595 = arith.constant 1 : i32
          %get3A_596 = arith.constant 0 : i32
          %get3A_597 = arith.index_cast %get3A_595 : i32 to index
          %get3A_598 = arith.index_cast %get3A_596 : i32 to index
          %get3A_599 = arith.index_cast %add3A_594 : i32 to index
          %get3A_600 = arith.constant 0 : index
          %get3A_601 = tpu.vector_load %arg7[%get3A_597, %get3A_598, %get3A_599, %get3A_600] {strides = array<i32>} : memref<2x2x128x128xf32, #tpu.memory_space<vmem>>, vector<16xf32>,
          %mul3A_602 = arith.mulf %get3A_601, %get3A_416 : vector<16xf32>
          %add3A_603 = arith.addf %mul3A_592, %mul3A_602 : vector<16xf32>
          %get3A_604 = arith.constant 1 : i32
          %get3A_605 = arith.constant 1 : i32
          %get3A_606 = arith.index_cast %get3A_604 : i32 to index
          %get3A_607 = arith.index_cast %get3A_605 : i32 to index
          %get3A_608 = arith.index_cast %scan3A_584 : i32 to index
          %get3A_609 = arith.constant 0 : index
          %get3A_610 = tpu.vector_load %arg7[%get3A_606, %get3A_607, %get3A_608, %get3A_609] {strides = array<i32>} : memref<2x2x128x128xf32, #tpu.memory_space<vmem>>, vector<16xf32>,
          %mul3A_611 = arith.mulf %get3A_610, %get3A_472 : vector<16xf32>
          %add3A_612 = arith.addf %add3A_603, %mul3A_611 : vector<16xf32>
          %add3A_613 = arith.constant 64 : i32
          %add3A_614 = arith.addi %add3A_613, %scan3A_584 : i32
          %get3A_615 = arith.constant 1 : i32
          %get3A_616 = arith.constant 1 : i32
          %get3A_617 = arith.index_cast %get3A_615 : i32 to index
          %get3A_618 = arith.index_cast %get3A_616 : i32 to index
          %get3A_619 = arith.index_cast %add3A_614 : i32 to index
          %get3A_620 = arith.constant 0 : index
          %get3A_621 = tpu.vector_load %arg7[%get3A_617, %get3A_618, %get3A_619, %get3A_620] {strides = array<i32>} : memref<2x2x128x128xf32, #tpu.memory_space<vmem>>, vector<16xf32>,
          %mul3A_622 = arith.mulf %get3A_621, %get3A_528 : vector<16xf32>
          %add3A_623 = arith.addf %add3A_612, %mul3A_622 : vector<16xf32>
          %swap3A = arith.index_cast %scan3A_584 : i32 to index
          %swap3A_624 = arith.constant 0 : index
          %swap3A_625 = tpu.vector_load %arg9[%swap3A, %swap3A_624] {strides = array<i32>} : memref<64x128xf32, #tpu.memory_space<vmem>>, vector<16xf32>,
          tpu.vector_store %arg9[%swap3A, %swap3A_624], %add3A_623 {add = true, strides = array<i32>} : memref<64x128xf32, #tpu.memory_space<vmem>>, vector<16xf32>,
          %get3A_626 = arith.constant 1 : i32
          %get3A_627 = arith.constant 0 : i32
          %get3A_628 = arith.index_cast %get3A_626 : i32 to index
          %get3A_629 = arith.index_cast %get3A_627 : i32 to index
          %get3A_630 = arith.index_cast %scan3A_584 : i32 to index
          %get3A_631 = arith.constant 16 : index
          %get3A_632 = tpu.vector_load %arg7[%get3A_628, %get3A_629, %get3A_630, %get3A_631] {strides = array<i32>} : memref<2x2x128x128xf32, #tpu.memory_space<vmem>>, vector<16xf32>,
          %mul3A_633 = arith.mulf %get3A_632, %get3A_367 : vector<16xf32>
          %add3A_634 = arith.constant 64 : i32
          %add3A_635 = arith.addi %add3A_634, %scan3A_584 : i32
          %get3A_636 = arith.constant 1 : i32
          %get3A_637 = arith.constant 0 : i32
          %get3A_638 = arith.index_cast %get3A_636 : i32 to index
          %get3A_639 = arith.index_cast %get3A_637 : i32 to index
          %get3A_640 = arith.index_cast %add3A_635 : i32 to index
          %get3A_641 = arith.constant 16 : index
          %get3A_642 = tpu.vector_load %arg7[%get3A_638, %get3A_639, %get3A_640, %get3A_641] {strides = array<i32>} : memref<2x2x128x128xf32, #tpu.memory_space<vmem>>, vector<16xf32>,
          %mul3A_643 = arith.mulf %get3A_642, %get3A_423 : vector<16xf32>
          %add3A_644 = arith.addf %mul3A_633, %mul3A_643 : vector<16xf32>
          %get3A_645 = arith.constant 1 : i32
          %get3A_646 = arith.constant 1 : i32
          %get3A_647 = arith.index_cast %get3A_645 : i32 to index
          %get3A_648 = arith.index_cast %get3A_646 : i32 to index
          %get3A_649 = arith.index_cast %scan3A_584 : i32 to index
          %get3A_650 = arith.constant 16 : index
          %get3A_651 = tpu.vector_load %arg7[%get3A_647, %get3A_648, %get3A_649, %get3A_650] {strides = array<i32>} : memref<2x2x128x128xf32, #tpu.memory_space<vmem>>, vector<16xf32>,
          %mul3A_652 = arith.mulf %get3A_651, %get3A_479 : vector<16xf32>
          %add3A_653 = arith.addf %add3A_644, %mul3A_652 : vector<16xf32>
          %add3A_654 = arith.constant 64 : i32
          %add3A_655 = arith.addi %add3A_654, %scan3A_584 : i32
          %get3A_656 = arith.constant 1 : i32
          %get3A_657 = arith.constant 1 : i32
          %get3A_658 = arith.index_cast %get3A_656 : i32 to index
          %get3A_659 = arith.index_cast %get3A_657 : i32 to index
          %get3A_660 = arith.index_cast %add3A_655 : i32 to index
          %get3A_661 = arith.constant 16 : index
          %get3A_662 = tpu.vector_load %arg7[%get3A_658, %get3A_659, %get3A_660, %get3A_661] {strides = array<i32>} : memref<2x2x128x128xf32, #tpu.memory_space<vmem>>, vector<16xf32>,
          %mul3A_663 = arith.mulf %get3A_662, %get3A_535 : vector<16xf32>
          %add3A_664 = arith.addf %add3A_653, %mul3A_663 : vector<16xf32>
          %swap3A_665 = arith.index_cast %scan3A_584 : i32 to index
          %swap3A_666 = arith.constant 16 : index
          %swap3A_667 = tpu.vector_load %arg9[%swap3A_665, %swap3A_666] {strides = array<i32>} : memref<64x128xf32, #tpu.memory_space<vmem>>, vector<16xf32>,
          tpu.vector_store %arg9[%swap3A_665, %swap3A_666], %add3A_664 {add = true, strides = array<i32>} : memref<64x128xf32, #tpu.memory_space<vmem>>, vector<16xf32>,
          %get3A_668 = arith.constant 1 : i32
          %get3A_669 = arith.constant 0 : i32
          %get3A_670 = arith.index_cast %get3A_668 : i32 to index
          %get3A_671 = arith.index_cast %get3A_669 : i32 to index
          %get3A_672 = arith.index_cast %scan3A_584 : i32 to index
          %get3A_673 = arith.constant 32 : index
          %get3A_674 = tpu.vector_load %arg7[%get3A_670, %get3A_671, %get3A_672, %get3A_673] {strides = array<i32>} : memref<2x2x128x128xf32, #tpu.memory_space<vmem>>, vector<16xf32>,
          %mul3A_675 = arith.mulf %get3A_674, %get3A_374 : vector<16xf32>
          %add3A_676 = arith.constant 64 : i32
          %add3A_677 = arith.addi %add3A_676, %scan3A_584 : i32
          %get3A_678 = arith.constant 1 : i32
          %get3A_679 = arith.constant 0 : i32
          %get3A_680 = arith.index_cast %get3A_678 : i32 to index
          %get3A_681 = arith.index_cast %get3A_679 : i32 to index
          %get3A_682 = arith.index_cast %add3A_677 : i32 to index
          %get3A_683 = arith.constant 32 : index
          %get3A_684 = tpu.vector_load %arg7[%get3A_680, %get3A_681, %get3A_682, %get3A_683] {strides = array<i32>} : memref<2x2x128x128xf32, #tpu.memory_space<vmem>>, vector<16xf32>,
          %mul3A_685 = arith.mulf %get3A_684, %get3A_430 : vector<16xf32>
          %add3A_686 = arith.addf %mul3A_675, %mul3A_685 : vector<16xf32>
          %get3A_687 = arith.constant 1 : i32
          %get3A_688 = arith.constant 1 : i32
          %get3A_689 = arith.index_cast %get3A_687 : i32 to index
          %get3A_690 = arith.index_cast %get3A_688 : i32 to index
          %get3A_691 = arith.index_cast %scan3A_584 : i32 to index
          %get3A_692 = arith.constant 32 : index
          %get3A_693 = tpu.vector_load %arg7[%get3A_689, %get3A_690, %get3A_691, %get3A_692] {strides = array<i32>} : memref<2x2x128x128xf32, #tpu.memory_space<vmem>>, vector<16xf32>,
          %mul3A_694 = arith.mulf %get3A_693, %get3A_486 : vector<16xf32>
          %add3A_695 = arith.addf %add3A_686, %mul3A_694 : vector<16xf32>
          %add3A_696 = arith.constant 64 : i32
          %add3A_697 = arith.addi %add3A_696, %scan3A_584 : i32
          %get3A_698 = arith.constant 1 : i32
          %get3A_699 = arith.constant 1 : i32
          %get3A_700 = arith.index_cast %get3A_698 : i32 to index
          %get3A_701 = arith.index_cast %get3A_699 : i32 to index
          %get3A_702 = arith.index_cast %add3A_697 : i32 to index
          %get3A_703 = arith.constant 32 : index
          %get3A_704 = tpu.vector_load %arg7[%get3A_700, %get3A_701, %get3A_702, %get3A_703] {strides = array<i32>} : memref<2x2x128x128xf32, #tpu.memory_space<vmem>>, vector<16xf32>,
          %mul3A_705 = arith.mulf %get3A_704, %get3A_542 : vector<16xf32>
          %add3A_706 = arith.addf %add3A_695, %mul3A_705 : vector<16xf32>
          %swap3A_707 = arith.index_cast %scan3A_584 : i32 to index
          %swap3A_708 = arith.constant 32 : index
          %swap3A_709 = tpu.vector_load %arg9[%swap3A_707, %swap3A_708] {strides = array<i32>} : memref<64x128xf32, #tpu.memory_space<vmem>>, vector<16xf32>,
          tpu.vector_store %arg9[%swap3A_707, %swap3A_708], %add3A_706 {add = true, strides = array<i32>} : memref<64x128xf32, #tpu.memory_space<vmem>>, vector<16xf32>,
          %get3A_710 = arith.constant 1 : i32
          %get3A_711 = arith.constant 0 : i32
          %get3A_712 = arith.index_cast %get3A_710 : i32 to index
          %get3A_713 = arith.index_cast %get3A_711 : i32 to index
          %get3A_714 = arith.index_cast %scan3A_584 : i32 to index
          %get3A_715 = arith.constant 48 : index
          %get3A_716 = tpu.vector_load %arg7[%get3A_712, %get3A_713, %get3A_714, %get3A_715] {strides = array<i32>} : memref<2x2x128x128xf32, #tpu.memory_space<vmem>>, vector<16xf32>,
          %mul3A_717 = arith.mulf %get3A_716, %get3A_381 : vector<16xf32>
          %add3A_718 = arith.constant 64 : i32
          %add3A_719 = arith.addi %add3A_718, %scan3A_584 : i32
          %get3A_720 = arith.constant 1 : i32
          %get3A_721 = arith.constant 0 : i32
          %get3A_722 = arith.index_cast %get3A_720 : i32 to index
          %get3A_723 = arith.index_cast %get3A_721 : i32 to index
          %get3A_724 = arith.index_cast %add3A_719 : i32 to index
          %get3A_725 = arith.constant 48 : index
          %get3A_726 = tpu.vector_load %arg7[%get3A_722, %get3A_723, %get3A_724, %get3A_725] {strides = array<i32>} : memref<2x2x128x128xf32, #tpu.memory_space<vmem>>, vector<16xf32>,
          %mul3A_727 = arith.mulf %get3A_726, %get3A_437 : vector<16xf32>
          %add3A_728 = arith.addf %mul3A_717, %mul3A_727 : vector<16xf32>
          %get3A_729 = arith.constant 1 : i32
          %get3A_730 = arith.constant 1 : i32
          %get3A_731 = arith.index_cast %get3A_729 : i32 to index
          %get3A_732 = arith.index_cast %get3A_730 : i32 to index
          %get3A_733 = arith.index_cast %scan3A_584 : i32 to index
          %get3A_734 = arith.constant 48 : index
          %get3A_735 = tpu.vector_load %arg7[%get3A_731, %get3A_732, %get3A_733, %get3A_734] {strides = array<i32>} : memref<2x2x128x128xf32, #tpu.memory_space<vmem>>, vector<16xf32>,
          %mul3A_736 = arith.mulf %get3A_735, %get3A_493 : vector<16xf32>
          %add3A_737 = arith.addf %add3A_728, %mul3A_736 : vector<16xf32>
          %add3A_738 = arith.constant 64 : i32
          %add3A_739 = arith.addi %add3A_738, %scan3A_584 : i32
          %get3A_740 = arith.constant 1 : i32
          %get3A_741 = arith.constant 1 : i32
          %get3A_742 = arith.index_cast %get3A_740 : i32 to index
          %get3A_743 = arith.index_cast %get3A_741 : i32 to index
          %get3A_744 = arith.index_cast %add3A_739 : i32 to index
          %get3A_745 = arith.constant 48 : index
          %get3A_746 = tpu.vector_load %arg7[%get3A_742, %get3A_743, %get3A_744, %get3A_745] {strides = array<i32>} : memref<2x2x128x128xf32, #tpu.memory_space<vmem>>, vector<16xf32>,
          %mul3A_747 = arith.mulf %get3A_746, %get3A_549 : vector<16xf32>
          %add3A_748 = arith.addf %add3A_737, %mul3A_747 : vector<16xf32>
          %swap3A_749 = arith.index_cast %scan3A_584 : i32 to index
          %swap3A_750 = arith.constant 48 : index
          %swap3A_751 = tpu.vector_load %arg9[%swap3A_749, %swap3A_750] {strides = array<i32>} : memref<64x128xf32, #tpu.memory_space<vmem>>, vector<16xf32>,
          tpu.vector_store %arg9[%swap3A_749, %swap3A_750], %add3A_748 {add = true, strides = array<i32>} : memref<64x128xf32, #tpu.memory_space<vmem>>, vector<16xf32>,
          %get3A_752 = arith.constant 1 : i32
          %get3A_753 = arith.constant 0 : i32
          %get3A_754 = arith.index_cast %get3A_752 : i32 to index
          %get3A_755 = arith.index_cast %get3A_753 : i32 to index
          %get3A_756 = arith.index_cast %scan3A_584 : i32 to index
          %get3A_757 = arith.constant 64 : index
          %get3A_758 = tpu.vector_load %arg7[%get3A_754, %get3A_755, %get3A_756, %get3A_757] {strides = array<i32>} : memref<2x2x128x128xf32, #tpu.memory_space<vmem>>, vector<16xf32>,
          %mul3A_759 = arith.mulf %get3A_758, %get3A_388 : vector<16xf32>
          %add3A_760 = arith.constant 64 : i32
          %add3A_761 = arith.addi %add3A_760, %scan3A_584 : i32
          %get3A_762 = arith.constant 1 : i32
          %get3A_763 = arith.constant 0 : i32
          %get3A_764 = arith.index_cast %get3A_762 : i32 to index
          %get3A_765 = arith.index_cast %get3A_763 : i32 to index
          %get3A_766 = arith.index_cast %add3A_761 : i32 to index
          %get3A_767 = arith.constant 64 : index
          %get3A_768 = tpu.vector_load %arg7[%get3A_764, %get3A_765, %get3A_766, %get3A_767] {strides = array<i32>} : memref<2x2x128x128xf32, #tpu.memory_space<vmem>>, vector<16xf32>,
          %mul3A_769 = arith.mulf %get3A_768, %get3A_444 : vector<16xf32>
          %add3A_770 = arith.addf %mul3A_759, %mul3A_769 : vector<16xf32>
          %get3A_771 = arith.constant 1 : i32
          %get3A_772 = arith.constant 1 : i32
          %get3A_773 = arith.index_cast %get3A_771 : i32 to index
          %get3A_774 = arith.index_cast %get3A_772 : i32 to index
          %get3A_775 = arith.index_cast %scan3A_584 : i32 to index
          %get3A_776 = arith.constant 64 : index
          %get3A_777 = tpu.vector_load %arg7[%get3A_773, %get3A_774, %get3A_775, %get3A_776] {strides = array<i32>} : memref<2x2x128x128xf32, #tpu.memory_space<vmem>>, vector<16xf32>,
          %mul3A_778 = arith.mulf %get3A_777, %get3A_500 : vector<16xf32>
          %add3A_779 = arith.addf %add3A_770, %mul3A_778 : vector<16xf32>
          %add3A_780 = arith.constant 64 : i32
          %add3A_781 = arith.addi %add3A_780, %scan3A_584 : i32
          %get3A_782 = arith.constant 1 : i32
          %get3A_783 = arith.constant 1 : i32
          %get3A_784 = arith.index_cast %get3A_782 : i32 to index
          %get3A_785 = arith.index_cast %get3A_783 : i32 to index
          %get3A_786 = arith.index_cast %add3A_781 : i32 to index
          %get3A_787 = arith.constant 64 : index
          %get3A_788 = tpu.vector_load %arg7[%get3A_784, %get3A_785, %get3A_786, %get3A_787] {strides = array<i32>} : memref<2x2x128x128xf32, #tpu.memory_space<vmem>>, vector<16xf32>,
          %mul3A_789 = arith.mulf %get3A_788, %get3A_556 : vector<16xf32>
          %add3A_790 = arith.addf %add3A_779, %mul3A_789 : vector<16xf32>
          %swap3A_791 = arith.index_cast %scan3A_584 : i32 to index
          %swap3A_792 = arith.constant 64 : index
          %swap3A_793 = tpu.vector_load %arg9[%swap3A_791, %swap3A_792] {strides = array<i32>} : memref<64x128xf32, #tpu.memory_space<vmem>>, vector<16xf32>,
          tpu.vector_store %arg9[%swap3A_791, %swap3A_792], %add3A_790 {add = true, strides = array<i32>} : memref<64x128xf32, #tpu.memory_space<vmem>>, vector<16xf32>,
          %get3A_794 = arith.constant 1 : i32
          %get3A_795 = arith.constant 0 : i32
          %get3A_796 = arith.index_cast %get3A_794 : i32 to index
          %get3A_797 = arith.index_cast %get3A_795 : i32 to index
          %get3A_798 = arith.index_cast %scan3A_584 : i32 to index
          %get3A_799 = arith.constant 80 : index
          %get3A_800 = tpu.vector_load %arg7[%get3A_796, %get3A_797, %get3A_798, %get3A_799] {strides = array<i32>} : memref<2x2x128x128xf32, #tpu.memory_space<vmem>>, vector<16xf32>,
          %mul3A_801 = arith.mulf %get3A_800, %get3A_395 : vector<16xf32>
          %add3A_802 = arith.constant 64 : i32
          %add3A_803 = arith.addi %add3A_802, %scan3A_584 : i32
          %get3A_804 = arith.constant 1 : i32
          %get3A_805 = arith.constant 0 : i32
          %get3A_806 = arith.index_cast %get3A_804 : i32 to index
          %get3A_807 = arith.index_cast %get3A_805 : i32 to index
          %get3A_808 = arith.index_cast %add3A_803 : i32 to index
          %get3A_809 = arith.constant 80 : index
          %get3A_810 = tpu.vector_load %arg7[%get3A_806, %get3A_807, %get3A_808, %get3A_809] {strides = array<i32>} : memref<2x2x128x128xf32, #tpu.memory_space<vmem>>, vector<16xf32>,
          %mul3A_811 = arith.mulf %get3A_810, %get3A_451 : vector<16xf32>
          %add3A_812 = arith.addf %mul3A_801, %mul3A_811 : vector<16xf32>
          %get3A_813 = arith.constant 1 : i32
          %get3A_814 = arith.constant 1 : i32
          %get3A_815 = arith.index_cast %get3A_813 : i32 to index
          %get3A_816 = arith.index_cast %get3A_814 : i32 to index
          %get3A_817 = arith.index_cast %scan3A_584 : i32 to index
          %get3A_818 = arith.constant 80 : index
          %get3A_819 = tpu.vector_load %arg7[%get3A_815, %get3A_816, %get3A_817, %get3A_818] {strides = array<i32>} : memref<2x2x128x128xf32, #tpu.memory_space<vmem>>, vector<16xf32>,
          %mul3A_820 = arith.mulf %get3A_819, %get3A_507 : vector<16xf32>
          %add3A_821 = arith.addf %add3A_812, %mul3A_820 : vector<16xf32>
          %add3A_822 = arith.constant 64 : i32
          %add3A_823 = arith.addi %add3A_822, %scan3A_584 : i32
          %get3A_824 = arith.constant 1 : i32
          %get3A_825 = arith.constant 1 : i32
          %get3A_826 = arith.index_cast %get3A_824 : i32 to index
          %get3A_827 = arith.index_cast %get3A_825 : i32 to index
          %get3A_828 = arith.index_cast %add3A_823 : i32 to index
          %get3A_829 = arith.constant 80 : index
          %get3A_830 = tpu.vector_load %arg7[%get3A_826, %get3A_827, %get3A_828, %get3A_829] {strides = array<i32>} : memref<2x2x128x128xf32, #tpu.memory_space<vmem>>, vector<16xf32>,
          %mul3A_831 = arith.mulf %get3A_830, %get3A_563 : vector<16xf32>
          %add3A_832 = arith.addf %add3A_821, %mul3A_831 : vector<16xf32>
          %swap3A_833 = arith.index_cast %scan3A_584 : i32 to index
          %swap3A_834 = arith.constant 80 : index
          %swap3A_835 = tpu.vector_load %arg9[%swap3A_833, %swap3A_834] {strides = array<i32>} : memref<64x128xf32, #tpu.memory_space<vmem>>, vector<16xf32>,
          tpu.vector_store %arg9[%swap3A_833, %swap3A_834], %add3A_832 {add = true, strides = array<i32>} : memref<64x128xf32, #tpu.memory_space<vmem>>, vector<16xf32>,
          %get3A_836 = arith.constant 1 : i32
          %get3A_837 = arith.constant 0 : i32
          %get3A_838 = arith.index_cast %get3A_836 : i32 to index
          %get3A_839 = arith.index_cast %get3A_837 : i32 to index
          %get3A_840 = arith.index_cast %scan3A_584 : i32 to index
          %get3A_841 = arith.constant 96 : index
          %get3A_842 = tpu.vector_load %arg7[%get3A_838, %get3A_839, %get3A_840, %get3A_841] {strides = array<i32>} : memref<2x2x128x128xf32, #tpu.memory_space<vmem>>, vector<16xf32>,
          %mul3A_843 = arith.mulf %get3A_842, %get3A_402 : vector<16xf32>
          %add3A_844 = arith.constant 64 : i32
          %add3A_845 = arith.addi %add3A_844, %scan3A_584 : i32
          %get3A_846 = arith.constant 1 : i32
          %get3A_847 = arith.constant 0 : i32
          %get3A_848 = arith.index_cast %get3A_846 : i32 to index
          %get3A_849 = arith.index_cast %get3A_847 : i32 to index
          %get3A_850 = arith.index_cast %add3A_845 : i32 to index
          %get3A_851 = arith.constant 96 : index
          %get3A_852 = tpu.vector_load %arg7[%get3A_848, %get3A_849, %get3A_850, %get3A_851] {strides = array<i32>} : memref<2x2x128x128xf32, #tpu.memory_space<vmem>>, vector<16xf32>,
          %mul3A_853 = arith.mulf %get3A_852, %get3A_458 : vector<16xf32>
          %add3A_854 = arith.addf %mul3A_843, %mul3A_853 : vector<16xf32>
          %get3A_855 = arith.constant 1 : i32
          %get3A_856 = arith.constant 1 : i32
          %get3A_857 = arith.index_cast %get3A_855 : i32 to index
          %get3A_858 = arith.index_cast %get3A_856 : i32 to index
          %get3A_859 = arith.index_cast %scan3A_584 : i32 to index
          %get3A_860 = arith.constant 96 : index
          %get3A_861 = tpu.vector_load %arg7[%get3A_857, %get3A_858, %get3A_859, %get3A_860] {strides = array<i32>} : memref<2x2x128x128xf32, #tpu.memory_space<vmem>>, vector<16xf32>,
          %mul3A_862 = arith.mulf %get3A_861, %get3A_514 : vector<16xf32>
          %add3A_863 = arith.addf %add3A_854, %mul3A_862 : vector<16xf32>
          %add3A_864 = arith.constant 64 : i32
          %add3A_865 = arith.addi %add3A_864, %scan3A_584 : i32
          %get3A_866 = arith.constant 1 : i32
          %get3A_867 = arith.constant 1 : i32
          %get3A_868 = arith.index_cast %get3A_866 : i32 to index
          %get3A_869 = arith.index_cast %get3A_867 : i32 to index
          %get3A_870 = arith.index_cast %add3A_865 : i32 to index
          %get3A_871 = arith.constant 96 : index
          %get3A_872 = tpu.vector_load %arg7[%get3A_868, %get3A_869, %get3A_870, %get3A_871] {strides = array<i32>} : memref<2x2x128x128xf32, #tpu.memory_space<vmem>>, vector<16xf32>,
          %mul3A_873 = arith.mulf %get3A_872, %get3A_570 : vector<16xf32>
          %add3A_874 = arith.addf %add3A_863, %mul3A_873 : vector<16xf32>
          %swap3A_875 = arith.index_cast %scan3A_584 : i32 to index
          %swap3A_876 = arith.constant 96 : index
          %swap3A_877 = tpu.vector_load %arg9[%swap3A_875, %swap3A_876] {strides = array<i32>} : memref<64x128xf32, #tpu.memory_space<vmem>>, vector<16xf32>,
          tpu.vector_store %arg9[%swap3A_875, %swap3A_876], %add3A_874 {add = true, strides = array<i32>} : memref<64x128xf32, #tpu.memory_space<vmem>>, vector<16xf32>,
          %get3A_878 = arith.constant 1 : i32
          %get3A_879 = arith.constant 0 : i32
          %get3A_880 = arith.index_cast %get3A_878 : i32 to index
          %get3A_881 = arith.index_cast %get3A_879 : i32 to index
          %get3A_882 = arith.index_cast %scan3A_584 : i32 to index
          %get3A_883 = arith.constant 112 : index
          %get3A_884 = tpu.vector_load %arg7[%get3A_880, %get3A_881, %get3A_882, %get3A_883] {strides = array<i32>} : memref<2x2x128x128xf32, #tpu.memory_space<vmem>>, vector<16xf32>,
          %mul3A_885 = arith.mulf %get3A_884, %get3A_409 : vector<16xf32>
          %add3A_886 = arith.constant 64 : i32
          %add3A_887 = arith.addi %add3A_886, %scan3A_584 : i32
          %get3A_888 = arith.constant 1 : i32
          %get3A_889 = arith.constant 0 : i32
          %get3A_890 = arith.index_cast %get3A_888 : i32 to index
          %get3A_891 = arith.index_cast %get3A_889 : i32 to index
          %get3A_892 = arith.index_cast %add3A_887 : i32 to index
          %get3A_893 = arith.constant 112 : index
          %get3A_894 = tpu.vector_load %arg7[%get3A_890, %get3A_891, %get3A_892, %get3A_893] {strides = array<i32>} : memref<2x2x128x128xf32, #tpu.memory_space<vmem>>, vector<16xf32>,
          %mul3A_895 = arith.mulf %get3A_894, %get3A_465 : vector<16xf32>
          %add3A_896 = arith.addf %mul3A_885, %mul3A_895 : vector<16xf32>
          %get3A_897 = arith.constant 1 : i32
          %get3A_898 = arith.constant 1 : i32
          %get3A_899 = arith.index_cast %get3A_897 : i32 to index
          %get3A_900 = arith.index_cast %get3A_898 : i32 to index
          %get3A_901 = arith.index_cast %scan3A_584 : i32 to index
          %get3A_902 = arith.constant 112 : index
          %get3A_903 = tpu.vector_load %arg7[%get3A_899, %get3A_900, %get3A_901, %get3A_902] {strides = array<i32>} : memref<2x2x128x128xf32, #tpu.memory_space<vmem>>, vector<16xf32>,
          %mul3A_904 = arith.mulf %get3A_903, %get3A_521 : vector<16xf32>
          %add3A_905 = arith.addf %add3A_896, %mul3A_904 : vector<16xf32>
          %add3A_906 = arith.constant 64 : i32
          %add3A_907 = arith.addi %add3A_906, %scan3A_584 : i32
          %get3A_908 = arith.constant 1 : i32
          %get3A_909 = arith.constant 1 : i32
          %get3A_910 = arith.index_cast %get3A_908 : i32 to index
          %get3A_911 = arith.index_cast %get3A_909 : i32 to index
          %get3A_912 = arith.index_cast %add3A_907 : i32 to index
          %get3A_913 = arith.constant 112 : index
          %get3A_914 = tpu.vector_load %arg7[%get3A_910, %get3A_911, %get3A_912, %get3A_913] {strides = array<i32>} : memref<2x2x128x128xf32, #tpu.memory_space<vmem>>, vector<16xf32>,
          %mul3A_915 = arith.mulf %get3A_914, %get3A_577 : vector<16xf32>
          %add3A_916 = arith.addf %add3A_905, %mul3A_915 : vector<16xf32>
          %swap3A_917 = arith.index_cast %scan3A_584 : i32 to index
          %swap3A_918 = arith.constant 112 : index
          %swap3A_919 = tpu.vector_load %arg9[%swap3A_917, %swap3A_918] {strides = array<i32>} : memref<64x128xf32, #tpu.memory_space<vmem>>, vector<16xf32>,
          tpu.vector_store %arg9[%swap3A_917, %swap3A_918], %add3A_916 {add = true, strides = array<i32>} : memref<64x128xf32, #tpu.memory_space<vmem>>, vector<16xf32>,
          %scan3A_920 = arith.constant 1 : i32
          %scan3A_921 = arith.addi %scan3A_584, %scan3A_920 : i32
          %get3A_922 = arith.constant 1 : i32
          %get3A_923 = arith.constant 0 : i32
          %get3A_924 = arith.index_cast %get3A_922 : i32 to index
          %get3A_925 = arith.index_cast %get3A_923 : i32 to index
          %get3A_926 = arith.index_cast %scan3A_921 : i32 to index
          %get3A_927 = arith.constant 0 : index
          %get3A_928 = tpu.vector_load %arg7[%get3A_924, %get3A_925, %get3A_926, %get3A_927] {strides = array<i32>} : memref<2x2x128x128xf32, #tpu.memory_space<vmem>>, vector<16xf32>,
          %mul3A_929 = arith.mulf %get3A_928, %get3A_360 : vector<16xf32>
          %add3A_930 = arith.constant 64 : i32
          %add3A_931 = arith.addi %add3A_930, %scan3A_921 : i32
          %get3A_932 = arith.constant 1 : i32
          %get3A_933 = arith.constant 0 : i32
          %get3A_934 = arith.index_cast %get3A_932 : i32 to index
          %get3A_935 = arith.index_cast %get3A_933 : i32 to index
          %get3A_936 = arith.index_cast %add3A_931 : i32 to index
          %get3A_937 = arith.constant 0 : index
          %get3A_938 = tpu.vector_load %arg7[%get3A_934, %get3A_935, %get3A_936, %get3A_937] {strides = array<i32>} : memref<2x2x128x128xf32, #tpu.memory_space<vmem>>, vector<16xf32>,
          %mul3A_939 = arith.mulf %get3A_938, %get3A_416 : vector<16xf32>
          %add3A_940 = arith.addf %mul3A_929, %mul3A_939 : vector<16xf32>
          %get3A_941 = arith.constant 1 : i32
          %get3A_942 = arith.constant 1 : i32
          %get3A_943 = arith.index_cast %get3A_941 : i32 to index
          %get3A_944 = arith.index_cast %get3A_942 : i32 to index
          %get3A_945 = arith.index_cast %scan3A_921 : i32 to index
          %get3A_946 = arith.constant 0 : index
          %get3A_947 = tpu.vector_load %arg7[%get3A_943, %get3A_944, %get3A_945, %get3A_946] {strides = array<i32>} : memref<2x2x128x128xf32, #tpu.memory_space<vmem>>, vector<16xf32>,
          %mul3A_948 = arith.mulf %get3A_947, %get3A_472 : vector<16xf32>
          %add3A_949 = arith.addf %add3A_940, %mul3A_948 : vector<16xf32>
          %add3A_950 = arith.constant 64 : i32
          %add3A_951 = arith.addi %add3A_950, %scan3A_921 : i32
          %get3A_952 = arith.constant 1 : i32
          %get3A_953 = arith.constant 1 : i32
          %get3A_954 = arith.index_cast %get3A_952 : i32 to index
          %get3A_955 = arith.index_cast %get3A_953 : i32 to index
          %get3A_956 = arith.index_cast %add3A_951 : i32 to index
          %get3A_957 = arith.constant 0 : index
          %get3A_958 = tpu.vector_load %arg7[%get3A_954, %get3A_955, %get3A_956, %get3A_957] {strides = array<i32>} : memref<2x2x128x128xf32, #tpu.memory_space<vmem>>, vector<16xf32>,
          %mul3A_959 = arith.mulf %get3A_958, %get3A_528 : vector<16xf32>
          %add3A_960 = arith.addf %add3A_949, %mul3A_959 : vector<16xf32>
          %swap3A_961 = arith.index_cast %scan3A_921 : i32 to index
          %swap3A_962 = arith.constant 0 : index
          %swap3A_963 = tpu.vector_load %arg9[%swap3A_961, %swap3A_962] {strides = array<i32>} : memref<64x128xf32, #tpu.memory_space<vmem>>, vector<16xf32>,
          tpu.vector_store %arg9[%swap3A_961, %swap3A_962], %add3A_960 {add = true, strides = array<i32>} : memref<64x128xf32, #tpu.memory_space<vmem>>, vector<16xf32>,
          %get3A_964 = arith.constant 1 : i32
          %get3A_965 = arith.constant 0 : i32
          %get3A_966 = arith.index_cast %get3A_964 : i32 to index
          %get3A_967 = arith.index_cast %get3A_965 : i32 to index
          %get3A_968 = arith.index_cast %scan3A_921 : i32 to index
          %get3A_969 = arith.constant 16 : index
          %get3A_970 = tpu.vector_load %arg7[%get3A_966, %get3A_967, %get3A_968, %get3A_969] {strides = array<i32>} : memref<2x2x128x128xf32, #tpu.memory_space<vmem>>, vector<16xf32>,
          %mul3A_971 = arith.mulf %get3A_970, %get3A_367 : vector<16xf32>
          %add3A_972 = arith.constant 64 : i32
          %add3A_973 = arith.addi %add3A_972, %scan3A_921 : i32
          %get3A_974 = arith.constant 1 : i32
          %get3A_975 = arith.constant 0 : i32
          %get3A_976 = arith.index_cast %get3A_974 : i32 to index
          %get3A_977 = arith.index_cast %get3A_975 : i32 to index
          %get3A_978 = arith.index_cast %add3A_973 : i32 to index
          %get3A_979 = arith.constant 16 : index
          %get3A_980 = tpu.vector_load %arg7[%get3A_976, %get3A_977, %get3A_978, %get3A_979] {strides = array<i32>} : memref<2x2x128x128xf32, #tpu.memory_space<vmem>>, vector<16xf32>,
          %mul3A_981 = arith.mulf %get3A_980, %get3A_423 : vector<16xf32>
          %add3A_982 = arith.addf %mul3A_971, %mul3A_981 : vector<16xf32>
          %get3A_983 = arith.constant 1 : i32
          %get3A_984 = arith.constant 1 : i32
          %get3A_985 = arith.index_cast %get3A_983 : i32 to index
          %get3A_986 = arith.index_cast %get3A_984 : i32 to index
          %get3A_987 = arith.index_cast %scan3A_921 : i32 to index
          %get3A_988 = arith.constant 16 : index
          %get3A_989 = tpu.vector_load %arg7[%get3A_985, %get3A_986, %get3A_987, %get3A_988] {strides = array<i32>} : memref<2x2x128x128xf32, #tpu.memory_space<vmem>>, vector<16xf32>,
          %mul3A_990 = arith.mulf %get3A_989, %get3A_479 : vector<16xf32>
          %add3A_991 = arith.addf %add3A_982, %mul3A_990 : vector<16xf32>
          %add3A_992 = arith.constant 64 : i32
          %add3A_993 = arith.addi %add3A_992, %scan3A_921 : i32
          %get3A_994 = arith.constant 1 : i32
          %get3A_995 = arith.constant 1 : i32
          %get3A_996 = arith.index_cast %get3A_994 : i32 to index
          %get3A_997 = arith.index_cast %get3A_995 : i32 to index
          %get3A_998 = arith.index_cast %add3A_993 : i32 to index
          %get3A_999 = arith.constant 16 : index
          %get3A_1000 = tpu.vector_load %arg7[%get3A_996, %get3A_997, %get3A_998, %get3A_999] {strides = array<i32>} : memref<2x2x128x128xf32, #tpu.memory_space<vmem>>, vector<16xf32>,
          %mul3A_1001 = arith.mulf %get3A_1000, %get3A_535 : vector<16xf32>
          %add3A_1002 = arith.addf %add3A_991, %mul3A_1001 : vector<16xf32>
          %swap3A_1003 = arith.index_cast %scan3A_921 : i32 to index
          %swap3A_1004 = arith.constant 16 : index
          %swap3A_1005 = tpu.vector_load %arg9[%swap3A_1003, %swap3A_1004] {strides = array<i32>} : memref<64x128xf32, #tpu.memory_space<vmem>>, vector<16xf32>,
          tpu.vector_store %arg9[%swap3A_1003, %swap3A_1004], %add3A_1002 {add = true, strides = array<i32>} : memref<64x128xf32, #tpu.memory_space<vmem>>, vector<16xf32>,
          %get3A_1006 = arith.constant 1 : i32
          %get3A_1007 = arith.constant 0 : i32
          %get3A_1008 = arith.index_cast %get3A_1006 : i32 to index
          %get3A_1009 = arith.index_cast %get3A_1007 : i32 to index
          %get3A_1010 = arith.index_cast %scan3A_921 : i32 to index
          %get3A_1011 = arith.constant 32 : index
          %get3A_1012 = tpu.vector_load %arg7[%get3A_1008, %get3A_1009, %get3A_1010, %get3A_1011] {strides = array<i32>} : memref<2x2x128x128xf32, #tpu.memory_space<vmem>>, vector<16xf32>,
          %mul3A_1013 = arith.mulf %get3A_1012, %get3A_374 : vector<16xf32>
          %add3A_1014 = arith.constant 64 : i32
          %add3A_1015 = arith.addi %add3A_1014, %scan3A_921 : i32
          %get3A_1016 = arith.constant 1 : i32
          %get3A_1017 = arith.constant 0 : i32
          %get3A_1018 = arith.index_cast %get3A_1016 : i32 to index
          %get3A_1019 = arith.index_cast %get3A_1017 : i32 to index
          %get3A_1020 = arith.index_cast %add3A_1015 : i32 to index
          %get3A_1021 = arith.constant 32 : index
          %get3A_1022 = tpu.vector_load %arg7[%get3A_1018, %get3A_1019, %get3A_1020, %get3A_1021] {strides = array<i32>} : memref<2x2x128x128xf32, #tpu.memory_space<vmem>>, vector<16xf32>,
          %mul3A_1023 = arith.mulf %get3A_1022, %get3A_430 : vector<16xf32>
          %add3A_1024 = arith.addf %mul3A_1013, %mul3A_1023 : vector<16xf32>
          %get3A_1025 = arith.constant 1 : i32
          %get3A_1026 = arith.constant 1 : i32
          %get3A_1027 = arith.index_cast %get3A_1025 : i32 to index
          %get3A_1028 = arith.index_cast %get3A_1026 : i32 to index
          %get3A_1029 = arith.index_cast %scan3A_921 : i32 to index
          %get3A_1030 = arith.constant 32 : index
          %get3A_1031 = tpu.vector_load %arg7[%get3A_1027, %get3A_1028, %get3A_1029, %get3A_1030] {strides = array<i32>} : memref<2x2x128x128xf32, #tpu.memory_space<vmem>>, vector<16xf32>,
          %mul3A_1032 = arith.mulf %get3A_1031, %get3A_486 : vector<16xf32>
          %add3A_1033 = arith.addf %add3A_1024, %mul3A_1032 : vector<16xf32>
          %add3A_1034 = arith.constant 64 : i32
          %add3A_1035 = arith.addi %add3A_1034, %scan3A_921 : i32
          %get3A_1036 = arith.constant 1 : i32
          %get3A_1037 = arith.constant 1 : i32
          %get3A_1038 = arith.index_cast %get3A_1036 : i32 to index
          %get3A_1039 = arith.index_cast %get3A_1037 : i32 to index
          %get3A_1040 = arith.index_cast %add3A_1035 : i32 to index
          %get3A_1041 = arith.constant 32 : index
          %get3A_1042 = tpu.vector_load %arg7[%get3A_1038, %get3A_1039, %get3A_1040, %get3A_1041] {strides = array<i32>} : memref<2x2x128x128xf32, #tpu.memory_space<vmem>>, vector<16xf32>,
          %mul3A_1043 = arith.mulf %get3A_1042, %get3A_542 : vector<16xf32>
          %add3A_1044 = arith.addf %add3A_1033, %mul3A_1043 : vector<16xf32>
          %swap3A_1045 = arith.index_cast %scan3A_921 : i32 to index
          %swap3A_1046 = arith.constant 32 : index
          %swap3A_1047 = tpu.vector_load %arg9[%swap3A_1045, %swap3A_1046] {strides = array<i32>} : memref<64x128xf32, #tpu.memory_space<vmem>>, vector<16xf32>,
          tpu.vector_store %arg9[%swap3A_1045, %swap3A_1046], %add3A_1044 {add = true, strides = array<i32>} : memref<64x128xf32, #tpu.memory_space<vmem>>, vector<16xf32>,
          %get3A_1048 = arith.constant 1 : i32
          %get3A_1049 = arith.constant 0 : i32
          %get3A_1050 = arith.index_cast %get3A_1048 : i32 to index
          %get3A_1051 = arith.index_cast %get3A_1049 : i32 to index
          %get3A_1052 = arith.index_cast %scan3A_921 : i32 to index
          %get3A_1053 = arith.constant 48 : index
          %get3A_1054 = tpu.vector_load %arg7[%get3A_1050, %get3A_1051, %get3A_1052, %get3A_1053] {strides = array<i32>} : memref<2x2x128x128xf32, #tpu.memory_space<vmem>>, vector<16xf32>,
          %mul3A_1055 = arith.mulf %get3A_1054, %get3A_381 : vector<16xf32>
          %add3A_1056 = arith.constant 64 : i32
          %add3A_1057 = arith.addi %add3A_1056, %scan3A_921 : i32
          %get3A_1058 = arith.constant 1 : i32
          %get3A_1059 = arith.constant 0 : i32
          %get3A_1060 = arith.index_cast %get3A_1058 : i32 to index
          %get3A_1061 = arith.index_cast %get3A_1059 : i32 to index
          %get3A_1062 = arith.index_cast %add3A_1057 : i32 to index
          %get3A_1063 = arith.constant 48 : index
          %get3A_1064 = tpu.vector_load %arg7[%get3A_1060, %get3A_1061, %get3A_1062, %get3A_1063] {strides = array<i32>} : memref<2x2x128x128xf32, #tpu.memory_space<vmem>>, vector<16xf32>,
          %mul3A_1065 = arith.mulf %get3A_1064, %get3A_437 : vector<16xf32>
          %add3A_1066 = arith.addf %mul3A_1055, %mul3A_1065 : vector<16xf32>
          %get3A_1067 = arith.constant 1 : i32
          %get3A_1068 = arith.constant 1 : i32
          %get3A_1069 = arith.index_cast %get3A_1067 : i32 to index
          %get3A_1070 = arith.index_cast %get3A_1068 : i32 to index
          %get3A_1071 = arith.index_cast %scan3A_921 : i32 to index
          %get3A_1072 = arith.constant 48 : index
          %get3A_1073 = tpu.vector_load %arg7[%get3A_1069, %get3A_1070, %get3A_1071, %get3A_1072] {strides = array<i32>} : memref<2x2x128x128xf32, #tpu.memory_space<vmem>>, vector<16xf32>,
          %mul3A_1074 = arith.mulf %get3A_1073, %get3A_493 : vector<16xf32>
          %add3A_1075 = arith.addf %add3A_1066, %mul3A_1074 : vector<16xf32>
          %add3A_1076 = arith.constant 64 : i32
          %add3A_1077 = arith.addi %add3A_1076, %scan3A_921 : i32
          %get3A_1078 = arith.constant 1 : i32
          %get3A_1079 = arith.constant 1 : i32
          %get3A_1080 = arith.index_cast %get3A_1078 : i32 to index
          %get3A_1081 = arith.index_cast %get3A_1079 : i32 to index
          %get3A_1082 = arith.index_cast %add3A_1077 : i32 to index
          %get3A_1083 = arith.constant 48 : index
          %get3A_1084 = tpu.vector_load %arg7[%get3A_1080, %get3A_1081, %get3A_1082, %get3A_1083] {strides = array<i32>} : memref<2x2x128x128xf32, #tpu.memory_space<vmem>>, vector<16xf32>,
          %mul3A_1085 = arith.mulf %get3A_1084, %get3A_549 : vector<16xf32>
          %add3A_1086 = arith.addf %add3A_1075, %mul3A_1085 : vector<16xf32>
          %swap3A_1087 = arith.index_cast %scan3A_921 : i32 to index
          %swap3A_1088 = arith.constant 48 : index
          %swap3A_1089 = tpu.vector_load %arg9[%swap3A_1087, %swap3A_1088] {strides = array<i32>} : memref<64x128xf32, #tpu.memory_space<vmem>>, vector<16xf32>,
          tpu.vector_store %arg9[%swap3A_1087, %swap3A_1088], %add3A_1086 {add = true, strides = array<i32>} : memref<64x128xf32, #tpu.memory_space<vmem>>, vector<16xf32>,
          %get3A_1090 = arith.constant 1 : i32
          %get3A_1091 = arith.constant 0 : i32
          %get3A_1092 = arith.index_cast %get3A_1090 : i32 to index
          %get3A_1093 = arith.index_cast %get3A_1091 : i32 to index
          %get3A_1094 = arith.index_cast %scan3A_921 : i32 to index
          %get3A_1095 = arith.constant 64 : index
          %get3A_1096 = tpu.vector_load %arg7[%get3A_1092, %get3A_1093, %get3A_1094, %get3A_1095] {strides = array<i32>} : memref<2x2x128x128xf32, #tpu.memory_space<vmem>>, vector<16xf32>,
          %mul3A_1097 = arith.mulf %get3A_1096, %get3A_388 : vector<16xf32>
          %add3A_1098 = arith.constant 64 : i32
          %add3A_1099 = arith.addi %add3A_1098, %scan3A_921 : i32
          %get3A_1100 = arith.constant 1 : i32
          %get3A_1101 = arith.constant 0 : i32
          %get3A_1102 = arith.index_cast %get3A_1100 : i32 to index
          %get3A_1103 = arith.index_cast %get3A_1101 : i32 to index
          %get3A_1104 = arith.index_cast %add3A_1099 : i32 to index
          %get3A_1105 = arith.constant 64 : index
          %get3A_1106 = tpu.vector_load %arg7[%get3A_1102, %get3A_1103, %get3A_1104, %get3A_1105] {strides = array<i32>} : memref<2x2x128x128xf32, #tpu.memory_space<vmem>>, vector<16xf32>,
          %mul3A_1107 = arith.mulf %get3A_1106, %get3A_444 : vector<16xf32>
          %add3A_1108 = arith.addf %mul3A_1097, %mul3A_1107 : vector<16xf32>
          %get3A_1109 = arith.constant 1 : i32
          %get3A_1110 = arith.constant 1 : i32
          %get3A_1111 = arith.index_cast %get3A_1109 : i32 to index
          %get3A_1112 = arith.index_cast %get3A_1110 : i32 to index
          %get3A_1113 = arith.index_cast %scan3A_921 : i32 to index
          %get3A_1114 = arith.constant 64 : index
          %get3A_1115 = tpu.vector_load %arg7[%get3A_1111, %get3A_1112, %get3A_1113, %get3A_1114] {strides = array<i32>} : memref<2x2x128x128xf32, #tpu.memory_space<vmem>>, vector<16xf32>,
          %mul3A_1116 = arith.mulf %get3A_1115, %get3A_500 : vector<16xf32>
          %add3A_1117 = arith.addf %add3A_1108, %mul3A_1116 : vector<16xf32>
          %add3A_1118 = arith.constant 64 : i32
          %add3A_1119 = arith.addi %add3A_1118, %scan3A_921 : i32
          %get3A_1120 = arith.constant 1 : i32
          %get3A_1121 = arith.constant 1 : i32
          %get3A_1122 = arith.index_cast %get3A_1120 : i32 to index
          %get3A_1123 = arith.index_cast %get3A_1121 : i32 to index
          %get3A_1124 = arith.index_cast %add3A_1119 : i32 to index
          %get3A_1125 = arith.constant 64 : index
          %get3A_1126 = tpu.vector_load %arg7[%get3A_1122, %get3A_1123, %get3A_1124, %get3A_1125] {strides = array<i32>} : memref<2x2x128x128xf32, #tpu.memory_space<vmem>>, vector<16xf32>,
          %mul3A_1127 = arith.mulf %get3A_1126, %get3A_556 : vector<16xf32>
          %add3A_1128 = arith.addf %add3A_1117, %mul3A_1127 : vector<16xf32>
          %swap3A_1129 = arith.index_cast %scan3A_921 : i32 to index
          %swap3A_1130 = arith.constant 64 : index
          %swap3A_1131 = tpu.vector_load %arg9[%swap3A_1129, %swap3A_1130] {strides = array<i32>} : memref<64x128xf32, #tpu.memory_space<vmem>>, vector<16xf32>,
          tpu.vector_store %arg9[%swap3A_1129, %swap3A_1130], %add3A_1128 {add = true, strides = array<i32>} : memref<64x128xf32, #tpu.memory_space<vmem>>, vector<16xf32>,
          %get3A_1132 = arith.constant 1 : i32
          %get3A_1133 = arith.constant 0 : i32
          %get3A_1134 = arith.index_cast %get3A_1132 : i32 to index
          %get3A_1135 = arith.index_cast %get3A_1133 : i32 to index
          %get3A_1136 = arith.index_cast %scan3A_921 : i32 to index
          %get3A_1137 = arith.constant 80 : index
          %get3A_1138 = tpu.vector_load %arg7[%get3A_1134, %get3A_1135, %get3A_1136, %get3A_1137] {strides = array<i32>} : memref<2x2x128x128xf32, #tpu.memory_space<vmem>>, vector<16xf32>,
          %mul3A_1139 = arith.mulf %get3A_1138, %get3A_395 : vector<16xf32>
          %add3A_1140 = arith.constant 64 : i32
          %add3A_1141 = arith.addi %add3A_1140, %scan3A_921 : i32
          %get3A_1142 = arith.constant 1 : i32
          %get3A_1143 = arith.constant 0 : i32
          %get3A_1144 = arith.index_cast %get3A_1142 : i32 to index
          %get3A_1145 = arith.index_cast %get3A_1143 : i32 to index
          %get3A_1146 = arith.index_cast %add3A_1141 : i32 to index
          %get3A_1147 = arith.constant 80 : index
          %get3A_1148 = tpu.vector_load %arg7[%get3A_1144, %get3A_1145, %get3A_1146, %get3A_1147] {strides = array<i32>} : memref<2x2x128x128xf32, #tpu.memory_space<vmem>>, vector<16xf32>,
          %mul3A_1149 = arith.mulf %get3A_1148, %get3A_451 : vector<16xf32>
          %add3A_1150 = arith.addf %mul3A_1139, %mul3A_1149 : vector<16xf32>
          %get3A_1151 = arith.constant 1 : i32
          %get3A_1152 = arith.constant 1 : i32
          %get3A_1153 = arith.index_cast %get3A_1151 : i32 to index
          %get3A_1154 = arith.index_cast %get3A_1152 : i32 to index
          %get3A_1155 = arith.index_cast %scan3A_921 : i32 to index
          %get3A_1156 = arith.constant 80 : index
          %get3A_1157 = tpu.vector_load %arg7[%get3A_1153, %get3A_1154, %get3A_1155, %get3A_1156] {strides = array<i32>} : memref<2x2x128x128xf32, #tpu.memory_space<vmem>>, vector<16xf32>,
          %mul3A_1158 = arith.mulf %get3A_1157, %get3A_507 : vector<16xf32>
          %add3A_1159 = arith.addf %add3A_1150, %mul3A_1158 : vector<16xf32>
          %add3A_1160 = arith.constant 64 : i32
          %add3A_1161 = arith.addi %add3A_1160, %scan3A_921 : i32
          %get3A_1162 = arith.constant 1 : i32
          %get3A_1163 = arith.constant 1 : i32
          %get3A_1164 = arith.index_cast %get3A_1162 : i32 to index
          %get3A_1165 = arith.index_cast %get3A_1163 : i32 to index
          %get3A_1166 = arith.index_cast %add3A_1161 : i32 to index
          %get3A_1167 = arith.constant 80 : index
          %get3A_1168 = tpu.vector_load %arg7[%get3A_1164, %get3A_1165, %get3A_1166, %get3A_1167] {strides = array<i32>} : memref<2x2x128x128xf32, #tpu.memory_space<vmem>>, vector<16xf32>,
          %mul3A_1169 = arith.mulf %get3A_1168, %get3A_563 : vector<16xf32>
          %add3A_1170 = arith.addf %add3A_1159, %mul3A_1169 : vector<16xf32>
          %swap3A_1171 = arith.index_cast %scan3A_921 : i32 to index
          %swap3A_1172 = arith.constant 80 : index
          %swap3A_1173 = tpu.vector_load %arg9[%swap3A_1171, %swap3A_1172] {strides = array<i32>} : memref<64x128xf32, #tpu.memory_space<vmem>>, vector<16xf32>,
          tpu.vector_store %arg9[%swap3A_1171, %swap3A_1172], %add3A_1170 {add = true, strides = array<i32>} : memref<64x128xf32, #tpu.memory_space<vmem>>, vector<16xf32>,
          %get3A_1174 = arith.constant 1 : i32
          %get3A_1175 = arith.constant 0 : i32
          %get3A_1176 = arith.index_cast %get3A_1174 : i32 to index
          %get3A_1177 = arith.index_cast %get3A_1175 : i32 to index
          %get3A_1178 = arith.index_cast %scan3A_921 : i32 to index
          %get3A_1179 = arith.constant 96 : index
          %get3A_1180 = tpu.vector_load %arg7[%get3A_1176, %get3A_1177, %get3A_1178, %get3A_1179] {strides = array<i32>} : memref<2x2x128x128xf32, #tpu.memory_space<vmem>>, vector<16xf32>,
          %mul3A_1181 = arith.mulf %get3A_1180, %get3A_402 : vector<16xf32>
          %add3A_1182 = arith.constant 64 : i32
          %add3A_1183 = arith.addi %add3A_1182, %scan3A_921 : i32
          %get3A_1184 = arith.constant 1 : i32
          %get3A_1185 = arith.constant 0 : i32
          %get3A_1186 = arith.index_cast %get3A_1184 : i32 to index
          %get3A_1187 = arith.index_cast %get3A_1185 : i32 to index
          %get3A_1188 = arith.index_cast %add3A_1183 : i32 to index
          %get3A_1189 = arith.constant 96 : index
          %get3A_1190 = tpu.vector_load %arg7[%get3A_1186, %get3A_1187, %get3A_1188, %get3A_1189] {strides = array<i32>} : memref<2x2x128x128xf32, #tpu.memory_space<vmem>>, vector<16xf32>,
          %mul3A_1191 = arith.mulf %get3A_1190, %get3A_458 : vector<16xf32>
          %add3A_1192 = arith.addf %mul3A_1181, %mul3A_1191 : vector<16xf32>
          %get3A_1193 = arith.constant 1 : i32
          %get3A_1194 = arith.constant 1 : i32
          %get3A_1195 = arith.index_cast %get3A_1193 : i32 to index
          %get3A_1196 = arith.index_cast %get3A_1194 : i32 to index
          %get3A_1197 = arith.index_cast %scan3A_921 : i32 to index
          %get3A_1198 = arith.constant 96 : index
          %get3A_1199 = tpu.vector_load %arg7[%get3A_1195, %get3A_1196, %get3A_1197, %get3A_1198] {strides = array<i32>} : memref<2x2x128x128xf32, #tpu.memory_space<vmem>>, vector<16xf32>,
          %mul3A_1200 = arith.mulf %get3A_1199, %get3A_514 : vector<16xf32>
          %add3A_1201 = arith.addf %add3A_1192, %mul3A_1200 : vector<16xf32>
          %add3A_1202 = arith.constant 64 : i32
          %add3A_1203 = arith.addi %add3A_1202, %scan3A_921 : i32
          %get3A_1204 = arith.constant 1 : i32
          %get3A_1205 = arith.constant 1 : i32
          %get3A_1206 = arith.index_cast %get3A_1204 : i32 to index
          %get3A_1207 = arith.index_cast %get3A_1205 : i32 to index
          %get3A_1208 = arith.index_cast %add3A_1203 : i32 to index
          %get3A_1209 = arith.constant 96 : index
          %get3A_1210 = tpu.vector_load %arg7[%get3A_1206, %get3A_1207, %get3A_1208, %get3A_1209] {strides = array<i32>} : memref<2x2x128x128xf32, #tpu.memory_space<vmem>>, vector<16xf32>,
          %mul3A_1211 = arith.mulf %get3A_1210, %get3A_570 : vector<16xf32>
          %add3A_1212 = arith.addf %add3A_1201, %mul3A_1211 : vector<16xf32>
          %swap3A_1213 = arith.index_cast %scan3A_921 : i32 to index
          %swap3A_1214 = arith.constant 96 : index
          %swap3A_1215 = tpu.vector_load %arg9[%swap3A_1213, %swap3A_1214] {strides = array<i32>} : memref<64x128xf32, #tpu.memory_space<vmem>>, vector<16xf32>,
          tpu.vector_store %arg9[%swap3A_1213, %swap3A_1214], %add3A_1212 {add = true, strides = array<i32>} : memref<64x128xf32, #tpu.memory_space<vmem>>, vector<16xf32>,
          %get3A_1216 = arith.constant 1 : i32
          %get3A_1217 = arith.constant 0 : i32
          %get3A_1218 = arith.index_cast %get3A_1216 : i32 to index
          %get3A_1219 = arith.index_cast %get3A_1217 : i32 to index
          %get3A_1220 = arith.index_cast %scan3A_921 : i32 to index
          %get3A_1221 = arith.constant 112 : index
          %get3A_1222 = tpu.vector_load %arg7[%get3A_1218, %get3A_1219, %get3A_1220, %get3A_1221] {strides = array<i32>} : memref<2x2x128x128xf32, #tpu.memory_space<vmem>>, vector<16xf32>,
          %mul3A_1223 = arith.mulf %get3A_1222, %get3A_409 : vector<16xf32>
          %add3A_1224 = arith.constant 64 : i32
          %add3A_1225 = arith.addi %add3A_1224, %scan3A_921 : i32
          %get3A_1226 = arith.constant 1 : i32
          %get3A_1227 = arith.constant 0 : i32
          %get3A_1228 = arith.index_cast %get3A_1226 : i32 to index
          %get3A_1229 = arith.index_cast %get3A_1227 : i32 to index
          %get3A_1230 = arith.index_cast %add3A_1225 : i32 to index
          %get3A_1231 = arith.constant 112 : index
          %get3A_1232 = tpu.vector_load %arg7[%get3A_1228, %get3A_1229, %get3A_1230, %get3A_1231] {strides = array<i32>} : memref<2x2x128x128xf32, #tpu.memory_space<vmem>>, vector<16xf32>,
          %mul3A_1233 = arith.mulf %get3A_1232, %get3A_465 : vector<16xf32>
          %add3A_1234 = arith.addf %mul3A_1223, %mul3A_1233 : vector<16xf32>
          %get3A_1235 = arith.constant 1 : i32
          %get3A_1236 = arith.constant 1 : i32
          %get3A_1237 = arith.index_cast %get3A_1235 : i32 to index
          %get3A_1238 = arith.index_cast %get3A_1236 : i32 to index
          %get3A_1239 = arith.index_cast %scan3A_921 : i32 to index
          %get3A_1240 = arith.constant 112 : index
          %get3A_1241 = tpu.vector_load %arg7[%get3A_1237, %get3A_1238, %get3A_1239, %get3A_1240] {strides = array<i32>} : memref<2x2x128x128xf32, #tpu.memory_space<vmem>>, vector<16xf32>,
          %mul3A_1242 = arith.mulf %get3A_1241, %get3A_521 : vector<16xf32>
          %add3A_1243 = arith.addf %add3A_1234, %mul3A_1242 : vector<16xf32>
          %add3A_1244 = arith.constant 64 : i32
          %add3A_1245 = arith.addi %add3A_1244, %scan3A_921 : i32
          %get3A_1246 = arith.constant 1 : i32
          %get3A_1247 = arith.constant 1 : i32
          %get3A_1248 = arith.index_cast %get3A_1246 : i32 to index
          %get3A_1249 = arith.index_cast %get3A_1247 : i32 to index
          %get3A_1250 = arith.index_cast %add3A_1245 : i32 to index
          %get3A_1251 = arith.constant 112 : index
          %get3A_1252 = tpu.vector_load %arg7[%get3A_1248, %get3A_1249, %get3A_1250, %get3A_1251] {strides = array<i32>} : memref<2x2x128x128xf32, #tpu.memory_space<vmem>>, vector<16xf32>,
          %mul3A_1253 = arith.mulf %get3A_1252, %get3A_577 : vector<16xf32>
          %add3A_1254 = arith.addf %add3A_1243, %mul3A_1253 : vector<16xf32>
          %swap3A_1255 = arith.index_cast %scan3A_921 : i32 to index
          %swap3A_1256 = arith.constant 112 : index
          %swap3A_1257 = tpu.vector_load %arg9[%swap3A_1255, %swap3A_1256] {strides = array<i32>} : memref<64x128xf32, #tpu.memory_space<vmem>>, vector<16xf32>,
          tpu.vector_store %arg9[%swap3A_1255, %swap3A_1256], %add3A_1254 {add = true, strides = array<i32>} : memref<64x128xf32, #tpu.memory_space<vmem>>, vector<16xf32>,
        }
        %scan3A_583 = arith.constant 64 : i32
      }
      %scan3A_42 = arith.constant 16 : i32
      "tpu.region"() ({
        %run_scoped3A = tpu.sem_alloc : memref<!tpu.dma_semaphore, #tpu.memory_space<semaphore_mem>>
        %dma_start3A_46 = arith.constant 0 : i32
        %dma_start3A_47 = arith.constant 0 : i32
        %dma_start3A_48 = tpu.memref_slice %arg5[%arg0, %arg1, %scan3A_8, %dma_start3A_46, %dma_start3A_47] : memref<2x16x2x64x128xf32, #tpu.memory_space<hbm>> -> memref<1x1x1x64x128xf32, #tpu.memory_space<hbm>>
        %dma_start3A_49 = tpu.memref_squeeze %dma_start3A_48 : memref<1x1x1x64x128xf32, #tpu.memory_space<hbm>> -> memref<64x128xf32, #tpu.memory_space<hbm>>
        %dma_start3A_50 = arith.constant 0 : i32
        %dma_start3A_51 = arith.constant 0 : i32
        %dma_start3A_52 = tpu.memref_slice %arg5[%arg0, %arg1, %scan3A_8, %dma_start3A_50, %dma_start3A_51] : memref<2x16x2x64x128xf32, #tpu.memory_space<hbm>> -> memref<1x1x1x64x128xf32, #tpu.memory_space<hbm>>
        %dma_start3A_53 = tpu.memref_squeeze %dma_start3A_52 : memref<1x1x1x64x128xf32, #tpu.memory_space<hbm>> -> memref<64x128xf32, #tpu.memory_space<hbm>>
        tpu.enqueue_dma source(%arg9 : memref<64x128xf32, #tpu.memory_space<vmem>>) target(%dma_start3A_53 : memref<64x128xf32, #tpu.memory_space<hbm>>) target_semaphore(%run_scoped3A : memref<!tpu.dma_semaphore, #tpu.memory_space<semaphore_mem>>)
        %dma_wait3A = arith.constant 0 : i32
        %dma_wait3A_54 = arith.constant 0 : i32
        %dma_wait3A_55 = tpu.memref_slice %arg5[%arg0, %arg1, %scan3A_8, %dma_wait3A, %dma_wait3A_54] : memref<2x16x2x64x128xf32, #tpu.memory_space<hbm>> -> memref<1x1x1x64x128xf32, #tpu.memory_space<hbm>>
        %dma_wait3A_56 = tpu.memref_squeeze %dma_wait3A_55 : memref<1x1x1x64x128xf32, #tpu.memory_space<hbm>> -> memref<64x128xf32, #tpu.memory_space<hbm>>
        %dma_wait3A_57 = arith.constant 0 : i32
        %dma_wait3A_58 = arith.constant 0 : i32
        %dma_wait3A_59 = tpu.memref_slice %arg5[%arg0, %arg1, %scan3A_8, %dma_wait3A_57, %dma_wait3A_58] : memref<2x16x2x64x128xf32, #tpu.memory_space<hbm>> -> memref<1x1x1x64x128xf32, #tpu.memory_space<hbm>>
        %dma_wait3A_60 = tpu.memref_squeeze %dma_wait3A_59 : memref<1x1x1x64x128xf32, #tpu.memory_space<hbm>> -> memref<64x128xf32, #tpu.memory_space<hbm>>
        tpu.wait_dma2 semaphore(%run_scoped3A : memref<!tpu.dma_semaphore, #tpu.memory_space<semaphore_mem>>) src(%arg9 : memref<64x128xf32, #tpu.memory_space<vmem>>) dst(%dma_wait3A_60 : memref<64x128xf32, #tpu.memory_space<hbm>>)
        tpu.yield
      }) : () -> ()
      %parallel_loop3A_43 = arith.constant 0 : i32
      %parallel_loop3A_44 = arith.constant 64 : i32
      %parallel_loop3A_45 = arith.constant 1 : i32
      scf.for %parallel_loop3A_46 = %parallel_loop3A_43 to %parallel_loop3A_44 step %parallel_loop3A_45  : i32 {
        %parallel_loop3A_47 = arith.index_cast %parallel_loop3A_46 : i32 to index
        %parallel_loop3A_48 = arith.constant 0 : index
        %parallel_loop3A_49 = tpu.vector_load %arg9[%parallel_loop3A_47, %parallel_loop3A_48] {strides = array<i32>} : memref<64x128xf32, #tpu.memory_space<vmem>>, vector<16xf32>,
        tpu.vector_store %arg9[%parallel_loop3A_47, %parallel_loop3A_48], %broadcast_in_dim3A_0 {strides = array<i32>} : memref<64x128xf32, #tpu.memory_space<vmem>>, vector<16xf32>,
        %parallel_loop3A_50 = arith.index_cast %parallel_loop3A_46 : i32 to index
        %parallel_loop3A_51 = arith.constant 16 : index
        %parallel_loop3A_52 = tpu.vector_load %arg9[%parallel_loop3A_50, %parallel_loop3A_51] {strides = array<i32>} : memref<64x128xf32, #tpu.memory_space<vmem>>, vector<16xf32>,
        tpu.vector_store %arg9[%parallel_loop3A_50, %parallel_loop3A_51], %broadcast_in_dim3A_0 {strides = array<i32>} : memref<64x128xf32, #tpu.memory_space<vmem>>, vector<16xf32>,
        %parallel_loop3A_53 = arith.index_cast %parallel_loop3A_46 : i32 to index
        %parallel_loop3A_54 = arith.constant 32 : index
        %parallel_loop3A_55 = tpu.vector_load %arg9[%parallel_loop3A_53, %parallel_loop3A_54] {strides = array<i32>} : memref<64x128xf32, #tpu.memory_space<vmem>>, vector<16xf32>,
        tpu.vector_store %arg9[%parallel_loop3A_53, %parallel_loop3A_54], %broadcast_in_dim3A_0 {strides = array<i32>} : memref<64x128xf32, #tpu.memory_space<vmem>>, vector<16xf32>,
        %parallel_loop3A_56 = arith.index_cast %parallel_loop3A_46 : i32 to index
        %parallel_loop3A_57 = arith.constant 48 : index
        %parallel_loop3A_58 = tpu.vector_load %arg9[%parallel_loop3A_56, %parallel_loop3A_57] {strides = array<i32>} : memref<64x128xf32, #tpu.memory_space<vmem>>, vector<16xf32>,
        tpu.vector_store %arg9[%parallel_loop3A_56, %parallel_loop3A_57], %broadcast_in_dim3A_0 {strides = array<i32>} : memref<64x128xf32, #tpu.memory_space<vmem>>, vector<16xf32>,
        %parallel_loop3A_59 = arith.index_cast %parallel_loop3A_46 : i32 to index
        %parallel_loop3A_60 = arith.constant 64 : index
        %parallel_loop3A_61 = tpu.vector_load %arg9[%parallel_loop3A_59, %parallel_loop3A_60] {strides = array<i32>} : memref<64x128xf32, #tpu.memory_space<vmem>>, vector<16xf32>,
        tpu.vector_store %arg9[%parallel_loop3A_59, %parallel_loop3A_60], %broadcast_in_dim3A_0 {strides = array<i32>} : memref<64x128xf32, #tpu.memory_space<vmem>>, vector<16xf32>,
        %parallel_loop3A_62 = arith.index_cast %parallel_loop3A_46 : i32 to index
        %parallel_loop3A_63 = arith.constant 80 : index
        %parallel_loop3A_64 = tpu.vector_load %arg9[%parallel_loop3A_62, %parallel_loop3A_63] {strides = array<i32>} : memref<64x128xf32, #tpu.memory_space<vmem>>, vector<16xf32>,
        tpu.vector_store %arg9[%parallel_loop3A_62, %parallel_loop3A_63], %broadcast_in_dim3A_0 {strides = array<i32>} : memref<64x128xf32, #tpu.memory_space<vmem>>, vector<16xf32>,
        %parallel_loop3A_65 = arith.index_cast %parallel_loop3A_46 : i32 to index
        %parallel_loop3A_66 = arith.constant 96 : index
        %parallel_loop3A_67 = tpu.vector_load %arg9[%parallel_loop3A_65, %parallel_loop3A_66] {strides = array<i32>} : memref<64x128xf32, #tpu.memory_space<vmem>>, vector<16xf32>,
        tpu.vector_store %arg9[%parallel_loop3A_65, %parallel_loop3A_66], %broadcast_in_dim3A_0 {strides = array<i32>} : memref<64x128xf32, #tpu.memory_space<vmem>>, vector<16xf32>,
        %parallel_loop3A_68 = arith.index_cast %parallel_loop3A_46 : i32 to index
        %parallel_loop3A_69 = arith.constant 112 : index
        %parallel_loop3A_70 = tpu.vector_load %arg9[%parallel_loop3A_68, %parallel_loop3A_69] {strides = array<i32>} : memref<64x128xf32, #tpu.memory_space<vmem>>, vector<16xf32>,
        tpu.vector_store %arg9[%parallel_loop3A_68, %parallel_loop3A_69], %broadcast_in_dim3A_0 {strides = array<i32>} : memref<64x128xf32, #tpu.memory_space<vmem>>, vector<16xf32>,
      } {sc.loop_unroll_factor = 8 : i64, sc.parallel_access}
    }
    %scan3A_7 = arith.constant 2 : i32
    return
  }
}

module attributes {stable_mosaic.version = 14 : i64} {
  func.func @_score_body(%arg0: i32, %arg1: memref<10000x128xf32, #tpu.memory_space<vmem>>, %arg2: memref<128x128xf32, #tpu.memory_space<vmem>>, %arg3: memref<128xf32, #tpu.memory_space<vmem>>, %arg4: memref<128x8xf32, #tpu.memory_space<vmem>>, %arg5: memref<1x10000x8xf32, #tpu.memory_space<vmem>>) attributes {dimension_semantics = [#tpu.dimension_semantics<arbitrary>], iteration_bounds = array<i64: 10>, scalar_prefetch = 0 : i64, scratch_operands = 0 : i64, tpu.core_type = #tpu.core_type<tc>, window_params = [{transform_indices = @transform_0, window_bounds = array<i64: 10000, 128>}, {pipeline_mode = #tpu.pipeline_mode<synchronous>, transform_indices = @transform_1, window_bounds = array<i64: 128, 128>}, {pipeline_mode = #tpu.pipeline_mode<synchronous>, transform_indices = @transform_2, window_bounds = array<i64: 128>}, {pipeline_mode = #tpu.pipeline_mode<synchronous>, transform_indices = @transform_3, window_bounds = array<i64: 128, 8>}, {transform_indices = @transform_4, window_bounds = array<i64: 1, 10000, 8>}]} {
    %get3A = arith.constant 0 : index
    %get3A_0 = arith.constant 0 : index
    %get3A_1 = vector.load %arg1[%get3A, %get3A_0] : memref<10000x128xf32, #tpu.memory_space<vmem>>, vector<10000x128xf32>
    %get3A_2 = arith.constant 0 : index
    %get3A_3 = arith.constant 0 : index
    %get3A_4 = vector.load %arg2[%get3A_2, %get3A_3] : memref<128x128xf32, #tpu.memory_space<vmem>>, vector<128x128xf32>
    %dot_general3A = arith.constant dense<0.000000e+00> : vector<10000x128xf32>
    %dot_general3A_5 = tpu.matmul %get3A_1, %get3A_4, %dot_general3A {dimension_numbers = #tpu.dot_dimension_numbers<[1], [0], [0], [1], [0, 0, 1, 1], [], []>, transpose_lhs_hint = false} : vector<10000x128xf32>, vector<128x128xf32>, vector<10000x128xf32> -> vector<10000x128xf32>
    %get3A_6 = arith.constant 0 : index
    %get3A_7 = vector.load %arg3[%get3A_6] : memref<128xf32, #tpu.memory_space<vmem>>, vector<128xf32>
    %broadcast_in_dim3A = vector.shape_cast %get3A_7 : vector<128xf32> to vector<1x128xf32>
    %add3A = vector.broadcast %broadcast_in_dim3A : vector<1x128xf32> to vector<10000x128xf32>
    %add3A_8 = arith.addf %dot_general3A_5, %add3A : vector<10000x128xf32>
    %tanh3A = math.tanh %add3A_8 : vector<10000x128xf32>
    %get3A_9 = arith.constant 0 : index
    %get3A_10 = arith.constant 0 : index
    %get3A_11 = vector.load %arg4[%get3A_9, %get3A_10] : memref<128x8xf32, #tpu.memory_space<vmem>>, vector<128x8xf32>
    %dot_general3A_12 = arith.constant dense<0.000000e+00> : vector<10000x8xf32>
    %dot_general3A_13 = tpu.matmul %tanh3A, %get3A_11, %dot_general3A_12 {dimension_numbers = #tpu.dot_dimension_numbers<[1], [0], [0], [1], [0, 0, 1, 1], [], []>, transpose_lhs_hint = false} : vector<10000x128xf32>, vector<128x8xf32>, vector<10000x8xf32> -> vector<10000x8xf32>
    %broadcast_in_dim3A_14 = vector.shape_cast %dot_general3A_13 : vector<10000x8xf32> to vector<1x10000x8xf32>
    %swap3A = arith.constant 0 : index
    %swap3A_15 = arith.constant 0 : index
    %swap3A_16 = arith.constant 0 : index
    %swap3A_17 = vector.load %arg5[%swap3A, %swap3A_15, %swap3A_16] : memref<1x10000x8xf32, #tpu.memory_space<vmem>>, vector<1x10000x8xf32>
    tpu.vector_store %arg5[%swap3A, %swap3A_15, %swap3A_16], %broadcast_in_dim3A_14 {strides = array<i32>} : memref<1x10000x8xf32, #tpu.memory_space<vmem>>, vector<1x10000x8xf32>,
    return
  }
  func.func @transform_0(%arg0: i32) -> (i32, i32) {
    %c0_i32 = arith.constant 0 : i32
    %c0_i32_0 = arith.constant 0 : i32
    return %arg0, %c0_i32 : i32, i32
  }
  func.func @transform_1(%arg0: i32) -> (i32, i32) {
    %c0_i32 = arith.constant 0 : i32
    %c0_i32_0 = arith.constant 0 : i32
    %c0_i32_1 = arith.constant 0 : i32
    return %c0_i32, %c0_i32_0 : i32, i32
  }
  func.func @transform_2(%arg0: i32) -> i32 {
    %c0_i32 = arith.constant 0 : i32
    %c0_i32_0 = arith.constant 0 : i32
    return %c0_i32 : i32
  }
  func.func @transform_3(%arg0: i32) -> (i32, i32) {
    %c0_i32 = arith.constant 0 : i32
    %c0_i32_0 = arith.constant 0 : i32
    %c0_i32_1 = arith.constant 0 : i32
    return %c0_i32, %c0_i32_0 : i32, i32
  }
  func.func @transform_4(%arg0: i32) -> (i32, i32, i32) {
    %c0_i32 = arith.constant 0 : i32
    %c0_i32_0 = arith.constant 0 : i32
    %c0_i32_1 = arith.constant 0 : i32
    return %arg0, %c0_i32, %c0_i32_0 : i32, i32, i32
  }
}

module attributes {stable_mosaic.version = 14 : i64} {
  func.func @_softmax_body(%arg0: i32, %arg1: memref<1x2048x128xf32, #tpu.memory_space<vmem>>, %arg2: memref<1x2048x128xf32, #tpu.memory_space<vmem>>) attributes {dimension_semantics = [#tpu.dimension_semantics<arbitrary>], iteration_bounds = array<i64: 4>, scalar_prefetch = 0 : i64, scratch_operands = 0 : i64, tpu.core_type = #tpu.core_type<tc>, window_params = [{transform_indices = @transform_0, window_bounds = array<i64: 1, 2048, 128>}, {transform_indices = @transform_1, window_bounds = array<i64: 1, 2048, 128>}]} {
    %get3A = arith.constant 0 : index
    %get3A_0 = arith.constant 0 : index
    %get3A_1 = arith.constant 0 : index
    %get3A_2 = vector.load %arg1[%get3A, %get3A_0, %get3A_1] : memref<1x2048x128xf32, #tpu.memory_space<vmem>>, vector<1x2048x128xf32>
    %reduce_max3A = arith.constant dense<0xFF800000> : vector<1x128xf32>
    %reduce_max3A_3 = vector.multi_reduction <maximumf>, %get3A_2, %reduce_max3A [1] : vector<1x2048x128xf32> to vector<1x128xf32>
    %broadcast_in_dim3A = vector.shape_cast %reduce_max3A_3 : vector<1x128xf32> to vector<1x1x128xf32>
    %sub3A = vector.broadcast %broadcast_in_dim3A : vector<1x1x128xf32> to vector<1x2048x128xf32>
    %sub3A_4 = arith.subf %get3A_2, %sub3A : vector<1x2048x128xf32>
    %exp3A = math.exp %sub3A_4 : vector<1x2048x128xf32>
    %reduce_sum3A = arith.constant dense<0.000000e+00> : vector<1x128xf32>
    %reduce_sum3A_5 = vector.multi_reduction <add>, %exp3A, %reduce_sum3A [1] : vector<1x2048x128xf32> to vector<1x128xf32>
    %broadcast_in_dim3A_6 = vector.shape_cast %reduce_sum3A_5 : vector<1x128xf32> to vector<1x1x128xf32>
    %div3A = vector.broadcast %broadcast_in_dim3A_6 : vector<1x1x128xf32> to vector<1x2048x128xf32>
    %div3A_7 = arith.divf %exp3A, %div3A : vector<1x2048x128xf32>
    %swap3A = arith.constant 0 : index
    %swap3A_8 = arith.constant 0 : index
    %swap3A_9 = arith.constant 0 : index
    %swap3A_10 = vector.load %arg2[%swap3A, %swap3A_8, %swap3A_9] : memref<1x2048x128xf32, #tpu.memory_space<vmem>>, vector<1x2048x128xf32>
    tpu.vector_store %arg2[%swap3A, %swap3A_8, %swap3A_9], %div3A_7 {strides = array<i32>} : memref<1x2048x128xf32, #tpu.memory_space<vmem>>, vector<1x2048x128xf32>,
    return
  }
  func.func @transform_0(%arg0: i32) -> (i32, i32, i32) {
    %c0_i32 = arith.constant 0 : i32
    %c0_i32_0 = arith.constant 0 : i32
    %c0_i32_1 = arith.constant 0 : i32
    return %arg0, %c0_i32, %c0_i32_0 : i32, i32, i32
  }
  func.func @transform_1(%arg0: i32) -> (i32, i32, i32) {
    %c0_i32 = arith.constant 0 : i32
    %c0_i32_0 = arith.constant 0 : i32
    %c0_i32_1 = arith.constant 0 : i32
    return %arg0, %c0_i32, %c0_i32_0 : i32, i32, i32
  }
}

module attributes {stable_mosaic.version = 14 : i64} {
  func.func @_reduce_body(%arg0: memref<2x16x2x64x128xf32, #tpu.memory_space<vmem>>, %arg1: memref<2x2x64x128xf32, #tpu.memory_space<vmem>>) attributes {dimension_semantics = [], scalar_prefetch = 0 : i64, scratch_operands = 0 : i64, tpu.core_type = #tpu.core_type<tc>} {
    %get3A = arith.constant 0 : index
    %get3A_0 = arith.constant 0 : index
    %get3A_1 = arith.constant 0 : index
    %get3A_2 = arith.constant 0 : index
    %get3A_3 = arith.constant 0 : index
    %get3A_4 = vector.load %arg0[%get3A, %get3A_0, %get3A_1, %get3A_2, %get3A_3] : memref<2x16x2x64x128xf32, #tpu.memory_space<vmem>>, vector<2x16x2x64x128xf32>
    %reduce_sum3A = arith.constant dense<0.000000e+00> : vector<2x2x64x128xf32>
    %reduce_sum3A_5 = vector.multi_reduction <add>, %get3A_4, %reduce_sum3A [1] : vector<2x16x2x64x128xf32> to vector<2x2x64x128xf32>
    %swap3A = arith.constant 0 : index
    %swap3A_6 = arith.constant 0 : index
    %swap3A_7 = arith.constant 0 : index
    %swap3A_8 = arith.constant 0 : index
    %swap3A_9 = vector.load %arg1[%swap3A, %swap3A_6, %swap3A_7, %swap3A_8] : memref<2x2x64x128xf32, #tpu.memory_space<vmem>>, vector<2x2x64x128xf32>
    tpu.vector_store %arg1[%swap3A, %swap3A_6, %swap3A_7, %swap3A_8], %reduce_sum3A_5 {strides = array<i32>} : memref<2x2x64x128xf32, #tpu.memory_space<vmem>>, vector<2x2x64x128xf32>,
    return
  }
}

</mosaic_0001>

<sc_bundles>
// kernel: kernel.10.cloned.1.call-start
scs
__scs_entry_jumppad:
0x0: {  	(pc) =	sbr.rel $0x88, $3  }
0x1: {  	(tag) =	ssettag $0x0;
	lr =	simm.s32 $0x1  }
0x2: {  	[smem:$0x3F9B] =	sst lr;
	_ =	strace $0xD0000000  }
0x3: {  	_ = 	snop  }
0x4: {  	_ = 	snop  }
0x5: {  	_ = 	snop  }
0x6: {  	_ = 	snop  }
0x7: {  	_ = 	snop  }
__scs_overlays_trampoline_lowered:
0x8: {  	[smem:$0x3FAA] =	sst s0  }
0x9: {  	[smem:$0x3FAB] =	sst s1  }
0xa: {  	[smem:$0x3FAC] =	sst s2  }
0xb: {  	[smem:$0x3FAD] =	sst s3  }
0xc: {  	[smem:$0x3FAE] =	sst s4  }
0xd: {  	[smem:$0x3FAF] =	sst s5  }
0xe: {  	[smem:$0x3FB0] =	sst s6  }
0xf: {  	[smem:$0x3FB1] =	sst s7  }
0x10: {  	[smem:$0x3FB2] =	sst s8  }
0x11: {  	[smem:$0x3FB3] =	sst s9;
	s0 =	simm.s32 @!p0 $0x0  }
0x12: {  	s1 =	sld [smem:$0x3F99];
	s0 =	simm.s32 @p0 $0x1  }
0x13: {  	[smem:$0x3FB4] =	sst s0;
	s0 =	simm.s32 @!p1 $0x0  }
0x14: {  	s2 =	sld [smem:$0x3F98];
	s0 =	simm.s32 @p1 $0x1  }
0x15: {  	[smem:$0x3FB5] =	sst s0;
	s0 =	simm.s32 @!p2 $0x0  }
0x16: {  	s3 =	sld [smem:$0x3FDB];
	s0 =	simm.s32 @p2 $0x1  }
0x17: {  	s4 =	simm.s32 $0x1BF5;
	[smem:$0x3FB7] =	sst s0  }
0x18: {  	s0 =	sld [smem:$0x3F9A];
	_ =	swait.ge [sflag:s4], $0x0  }
0x19: {  	s7 =	sld [smem:$0x3F9B]  }
0x1a: {  	s8 =	sadd.s32 $0xFFFFE003, lr  }
0x1b: {  	s9 =	sadd.s32 $0xFFFFFEF7, lr;
	s5 =	simm.s32 $0xFFFFFFFF;
	p2 =	slt.u32 s8, $0xFFFFF086  }
0x1c: {  	p1 =	slt.u32 s9, $0xF7A;
	s5 =	simm.s32 @!p2 $0x0  }
0x1d: {  	s5 =	simm.s32 @p1 $0x1;
	p0 =	seq.s32 s7, s2  }
0x1e: {  	s7 =	smul.u32 @!p0 $0xF7A, s2;
	p2 =	seq.s32 @!p0 s5, $0x0  }
0x1f: {  	s9 =	smul.u32 $0xF7A, s1;
	s8 =	simm.s32 @!p0 $0x1BF5;
	p2 =	por !p2, p0  }
0x20: {  	[sflag:s8] =	ssyncset.s32 @!p0 $0xFFFFF086;
	s6 =	sadd.s32 @!p0 s3, s7;
	s7 =	simm.s32 @!p0 $0x108  }
0x21: {  	s3 =	sadd.s32 s3, s9;
	s6 =	sadd.s32 @!p0 $0x88, s6;
	s7 =	simm.s32 @p2 $0x1082  }
0x22: {  	[simem:s7], [sflag:s8] =	dma.local @!p0 [hbm:s6], $0xF7A  }
0x23: {  	s9 =	sor.u32 $0xD0000000, s2;
	s6 =	simm.s32 $0x108;
	_ =	swait.ge @!p0 [sflag:s8], $0x0  }
0x24: {  	s3 =	sadd.s32 $0x88, s3;
	s6 =	simm.s32 @!p1 $0x1082;
	[sflag:s4] =	ssyncset.s32 $0xFFFFF086  }
0x25: {  	[simem:s6], [sflag:s4] =	dma.local [hbm:s3], $0xF7A  }
0x26: {  	[smem:$0x3F9B] =	sst s1;
	(tag) =	ssettag s2;
	_ =	strace s9  }
0x27: {  	s1 =	sld [smem:$0x3FAB]  }
0x28: {  	s2 =	sld [smem:$0x3FAC]  }
0x29: {  	s4 =	sld [smem:$0x3FAE]  }
0x2a: {  	p0 =	seq.s32 s5, $0x0;
	s5 =	sld [smem:$0x3FAF]  }
0x2b: {  	s6 =	sld [smem:$0x3FB0]  }
0x2c: {  	s7 =	sld [smem:$0x3FB1]  }
0x2d: {  	s3 =	simm.s32 $0x108;
	s8 =	sld [smem:$0x3FB2]  }
0x2e: {  	s3 =	simm.s32 @!p0 $0x1082;
	s9 =	sld [smem:$0x3FB3]  }
0x2f: {  	lr =	sadd.s32 s0, s3;
	s0 =	sld [smem:$0x3FAA]  }
0x30: {  	s3 =	sld [smem:$0x3FAD]  }
0x31: {  	[smem:$0x3FB6] =	sst s10  }
0x32: {  	s10 =	sld [smem:$0x3FB4];
	_ =	sdelay $0x3  }
0x33: {  	p0 =	seq.s32 s10, $0x1;
	s10 =	sld [smem:$0x3FB6];
	_ =	sdelay $0x3  }
0x34: {  	[smem:$0x3FB6] =	sst s10  }
0x35: {  	s10 =	sld [smem:$0x3FB5];
	_ =	sdelay $0x3  }
0x36: {  	p1 =	seq.s32 s10, $0x1;
	s10 =	sld [smem:$0x3FB6];
	_ =	sdelay $0x3  }
0x37: {  	[smem:$0x3FB6] =	sst s10  }
0x38: {  	s10 =	sld [smem:$0x3FB7]  }
0x39: {  	_ = 	snop;
	(pc) =	sbr.ind lr, $3  }
0x3a: {  	_ = 	snop  }
0x3b: {  	_ = 	snop  }
0x3c: {  	p2 =	seq.s32 s10, $0x1;
	s10 =	sld [smem:$0x3FB6]  }
0x3d: {  	_ =	shalt  }
0x3e: {  	_ =	shalt  }
0x3f: {  	_ =	shalt  }
0x40: {  	_ =	shalt  }
0x41: {  	_ =	shalt  }
0x42: {  	_ =	shalt  }
0x43: {  	_ =	shalt  }
0x44: {  	_ =	shalt  }
0x45: {  	_ =	shalt  }
0x46: {  	_ =	shalt  }
0x47: {  	_ =	shalt  }
0x48: {  	_ =	shalt  }
0x49: {  	_ =	shalt  }
0x4a: {  	_ =	shalt  }
0x4b: {  	_ =	shalt  }
0x4c: {  	_ =	shalt  }
0x4d: {  	_ =	shalt  }
0x4e: {  	_ =	shalt  }
0x4f: {  	_ =	shalt  }
0x50: {  	_ =	shalt  }
0x51: {  	_ =	shalt  }
0x52: {  	_ =	shalt  }
0x53: {  	_ =	shalt  }
0x54: {  	_ =	shalt  }
0x55: {  	_ =	shalt  }
0x56: {  	_ =	shalt  }
0x57: {  	_ =	shalt  }
0x58: {  	_ =	shalt  }
0x59: {  	_ =	shalt  }
0x5a: {  	_ =	shalt  }
0x5b: {  	_ =	shalt  }
0x5c: {  	_ =	shalt  }
0x5d: {  	_ =	shalt  }
0x5e: {  	_ =	shalt  }
0x5f: {  	_ =	shalt  }
0x60: {  	_ =	shalt  }
0x61: {  	_ =	shalt  }
0x62: {  	_ =	shalt  }
0x63: {  	_ =	shalt  }
0x64: {  	_ =	shalt  }
0x65: {  	_ =	shalt  }
0x66: {  	_ =	shalt  }
0x67: {  	_ =	shalt  }
0x68: {  	_ =	shalt  }
0x69: {  	_ =	shalt  }
0x6a: {  	_ =	shalt  }
0x6b: {  	_ =	shalt  }
0x6c: {  	_ =	shalt  }
0x6d: {  	_ =	shalt  }
0x6e: {  	_ =	shalt  }
0x6f: {  	_ =	shalt  }
0x70: {  	_ =	shalt  }
0x71: {  	_ =	shalt  }
0x72: {  	_ =	shalt  }
0x73: {  	_ =	shalt  }
0x74: {  	_ =	shalt  }
0x75: {  	_ =	shalt  }
0x76: {  	_ =	shalt  }
0x77: {  	_ =	shalt  }
0x78: {  	_ =	shalt  }
0x79: {  	_ =	shalt  }
0x7a: {  	_ =	shalt  }
0x7b: {  	_ =	shalt  }
0x7c: {  	_ =	shalt  }
0x7d: {  	_ =	shalt  }
0x7e: {  	_ =	shalt  }
0x7f: {  	_ =	shalt  }
0x80: {  	_ =	shalt  }
0x81: {  	_ =	shalt  }
0x82: {  	_ =	shalt  }
0x83: {  	_ =	shalt  }
0x84: {  	_ =	shalt  }
0x85: {  	_ =	shalt  }
0x86: {  	_ =	shalt  }
0x87: {  	_ =	shalt  }
.Lfunc_end0:
.L_simem_size_0:
called_computation.1_lowered:
.L_overlay_start_0:
0x88: {  	s2 =	sld [smem:$0x3FD9]  }
0x89: {  	s3 =	sld [smem:$0x3FFE];
	_ =	sdelay $0x1  }
0x8a: {  	s1 =	srdreg.scid  }
0x8b: {  	s0 =	sand.u32 $0x1, s1  }
0x8c: {  	s17 =	sshll.u32 s0, $0xA;
	s2 =	sadd.s32 s3, s2  }
0x8d: {  	s2 =	sadd.s32 s2, s17  }
0x8e: {  	[smem:$0x3FC2] =	sst s2  }
0x8f: {  	_ = 	snop  }
0x90: {  	s2 =	sld [smem:$0x3FC9];
	(tm) =	ssettm $0x1  }
0x91: {  	s18 =	sld [smem:$0x3FFB];
	_ =	sdelay $0x3  }
0x92: {  	_ =	strace s18  }
0x93: {  	s3 =	sld [smem:$0x3FFC];
	_ =	sdelay $0x3  }
0x94: {  	_ =	strace s3  }
0x95: {  	s3 =	sld [smem:$0x3FFD];
	_ =	sdelay $0x3  }
0x96: {  	_ =	strace s3  }
0x97: {  	_ =	strace $0x8FFFFFFF  }
0x98: {  	s19 =	sld [smem:$0x3FDB];
	_ =	sdelay $0x1  }
0x99: {  	s4 =	simm.s32 $_scs_section_size  }
0x9a: {  	s5 =	simm.s32 $_size__tile_overlayer_lowered;
	s6 =	simm.s32 $_tile_overlayer_lowered  }
0x9b: {  	s22 =	simm.s32 $0x1BFF;
	s21 =	sshll.u32 s6, $0x1;
	s3 =	sadd.s32 s4, s19  }
0x9c: {  	s7 =	simm.s32 $0x0;
	s20 =	sshll.u32 s5, $0x1;
	s5 =	sadd.s32 s21, s3  }
0x9d: {  	[timem:s7], [sflag:s22] =	dma.local [hbm:s5], s20  }
0x9e: {  	_ =	swait.ge [sflag:s22], s20  }
0x9f: {  	s4 =	ssub.s32 $0x0, s20;
	[sflag:s22] =	ssyncset.done $0x0  }
0xa0: {  	[sflag:s22] =	ssyncadd.s32 s4;
	_ =	sdelay $0x1  }
0xa1: {  	s23 =	simm.s32 $0x1B8B  }
0xa2: {  	_ =	swait.ge [sflag:s23], $0x1  }
0xa3: {  	[sflag:s23] =	ssyncset.done $0x0  }
0xa4: {  	s25 =	simm.s32 $0x1B8E;
	s24 =	sld [smem:$0x3FFE];
	[sflag:s23] =	ssyncadd.s32 $0xFFFFFFFF  }
0xa5: {  	s26 =	simm.s32 $execute0_lowered;
	[smem:$0x3FD2] =	sst s25  }
0xa6: {  	s5 =	sshll.u32 s26, $0x1;
	_ =	strace $0x80000049;
	[dreg:$0x1] =	wrdreg $0xFFFFFFFF  }
0xa7: {  	s28 =	simm.s32 $_size_execute0_lowered;
	s3 =	sadd.s32 s3, s5;
	[dreg:$0x0] =	wrdreg $0x0  }
0xa8: {  	s5 =	sshll.u32 s28, $0x1;
	[dreg:$0x2] =	wrdreg s3  }
0xa9: {  	[dreg:$0x3] =	wrdreg s5  }
0xaa: {  	[dreg:$0x4] =	wrdreg $0xC0  }
0xab: {  	_ =	task [dreg:s7], $0x5FFFF  }
0xac: {  	[dreg:$0x1] =	wrdreg $0xFFFFFFFF  }
0xad: {  	[dreg:$0x0] =	wrdreg $0x60  }
0xae: {  	[dreg:$0x2] =	wrdreg s2  }
0xaf: {  	[dreg:$0x3] =	wrdreg s24  }
0xb0: {  	[dreg:$0x4] =	wrdreg $0x9  }
0xb1: {  	_ =	task.clear_ibuf [dreg:s7], $0x5FFFF;
	_ =	strace $0x90000049  }
0xb2: {  	s29 =	simm.s32 $0x9;
	_ =	strace $0x8000004B  }
0xb3: {  	_ =	swait.ge [sflag:s29], $0x1  }
0xb4: {  	[sflag:s29] =	ssyncadd.s32 $0xFFFFFFFF  }
0xb5: {  	_ =	strace $0x9000004B  }
0xb6: {  	_ =	sfence  }
0xb7: {  	s30 =	sld [smem:$0x0];
	_ =	sdelay $0x2  }
0xb8: {  	s31 =	sshll.u32 s1, $0xD;
	s1 =	sshrl.u32 s1, $0x2  }
0xb9: {  	s3 =	sand.u32 $0x4000, s31;
	s1 =	sadd.s32 s1, s30  }
0xba: {  	s0 =	sor.u32 s3, s0;
	s1 =	sshll.u32 s1, $0x11  }
0xbb: {  	s0 =	sor.u32 s1, s0  }
0xbc: {  	s0 =	sadd.s32 $0x8F2B, s0  }
0xbd: {  	[sflag:s0] =	ssyncadd.remote.s32 $0x1  }
0xbe: {  	_ =	sfence.sel $0xFFFF  }
0xbf: {  	[dreg:$0x0] =	wrdreg $0xFFFFFFFF;
	(pc) =	sbr.abs _section_cstart, $3  }
0xc0: {  	[dreg:$0x1] =	wrdreg $0xFFFFFFFF  }
0xc1: {  	_ =	task.clear_ibuf [dreg:s7], $0x2FFFF;
	_ =	strace $0x9FFFFFFF  }
0xc2: {  	(tm) =	ssettm $0x7FFFFFFF  }
0xc3: {  	_ =	shalt  }
tec
execute0_lowered:
.L_overlay_start_1:
0x0: {  	(tag) =	ssettag $0x1  }
0x1: {  	s1 =	rddreg [dreg:$0x0]  }
0x2: {  	s4 =	rddreg [dreg:$0x1]  }
0x3: {  	s0 =	rddreg [dreg:$0x2];
	s3 =	simm.s32 $0x0  }
0x4: {  	s2 =	stileid.u32;
	s5 =	srdreg.scid;
	s10 =	simm.s32 $0x3  }
0x5: {  	s11 =	simm.s32 $0x80;
	s12 =	simm.s32 $0x2000;
	s13 =	simm.s32 $0x6000  }
0x6: {  	s14 =	simm.s32 $0xA000;
	s15 =	simm.s32 $0xE000;
	s16 =	simm.s32 $0x1  }
0x7: {  	s17 =	simm.s32 $0x2;
	s18 =	simm.s32 $0x16000;
	s19 =	simm.s32 $0x0  }
0x8: {  	[smem:$0x7FF] =	sst s3;
	s6 =	sshll.u32 s2, $0xA;
	s5 =	sand.u32 $0x1, s5  }
0x9: {  	s7 =	sshll.u32 s2, $0xB;
	_ =	strace $0x8000004A;
	s6 =	sadd.s32 s6, s4  }
0xa: {  	s8 =	ssub.s32 $0x2, s5;
	s7 =	sadd.s32 s7, s4;
	s9 =	sshll.u32 s5, $0xF  }
0xb: {  	s4 =	sshll.u32 s5, $0x1;
	s31 =	sshrl.u32 s8, $0x1;
	s9 =	sadd.s32 s9, s7  }
0xc: {  	s5 =	sadd.s32 $0x1400, s7;
	s6 =	sadd.s32 $0x44600, s6;
	s8 =	ssub.s32 s8, s31  }
0xd: {  	v0 =	vimm.f32 $0.0e+00;
	s7 =	sadd.s32 $0x21400, s9;
	s9 =	simm.s32 $0x12000;
	s8 =	smax.u32 s8, $0x1  }
.LBB2_1:
0xe: {  	s20 =	simm.s32 $0x16200  }
0xf: {  	[tilespmem:s20+$0xFFFFFE00] =	vst v0  }
0x10: {  	[tilespmem:s20+$0x1F0] =	vst v0  }
0x11: {  	[tilespmem:s20+$0x1E0] =	vst v0  }
0x12: {  	[tilespmem:s20+$0x1D0] =	vst v0  }
0x13: {  	[tilespmem:s20+$0x1C0] =	vst v0  }
0x14: {  	[tilespmem:s20+$0x1B0] =	vst v0  }
0x15: {  	[tilespmem:s20+$0x1A0] =	vst v0  }
0x16: {  	[tilespmem:s20+$0x190] =	vst v0  }
0x17: {  	[tilespmem:s20+$0x180] =	vst v0  }
0x18: {  	[tilespmem:s20+$0x170] =	vst v0  }
0x19: {  	[tilespmem:s20+$0x160] =	vst v0  }
0x1a: {  	[tilespmem:s20+$0x150] =	vst v0  }
0x1b: {  	[tilespmem:s20+$0x140] =	vst v0  }
0x1c: {  	[tilespmem:s20+$0x130] =	vst v0  }
0x1d: {  	[tilespmem:s20+$0x120] =	vst v0  }
0x1e: {  	[tilespmem:s20+$0x110] =	vst v0  }
0x1f: {  	[tilespmem:s20+$0x100] =	vst v0  }
0x20: {  	[tilespmem:s20+$0xF0] =	vst v0  }
0x21: {  	[tilespmem:s20+$0xE0] =	vst v0  }
0x22: {  	[tilespmem:s20+$0xD0] =	vst v0  }
0x23: {  	[tilespmem:s20+$0xC0] =	vst v0  }
0x24: {  	[tilespmem:s20+$0xB0] =	vst v0  }
0x25: {  	[tilespmem:s20+$0xA0] =	vst v0  }
0x26: {  	[tilespmem:s20+$0x90] =	vst v0  }
0x27: {  	[tilespmem:s20+$0x80] =	vst v0  }
0x28: {  	[tilespmem:s20+$0x70] =	vst v0  }
0x29: {  	[tilespmem:s20+$0x60] =	vst v0  }
0x2a: {  	[tilespmem:s20+$0x50] =	vst v0  }
0x2b: {  	[tilespmem:s20+$0x40] =	vst v0  }
0x2c: {  	[tilespmem:s20+$0x30] =	vst v0  }
0x2d: {  	[tilespmem:s20+$0x20] =	vst v0  }
0x2e: {  	[tilespmem:s20+$0x10] =	vst v0  }
0x2f: {  	[tilespmem:s20+$0x0] =	vst v0  }
0x30: {  	[tilespmem:s20+$0xFFFFFFF0] =	vst v0  }
0x31: {  	[tilespmem:s20+$0xFFFFFFE0] =	vst v0  }
0x32: {  	[tilespmem:s20+$0xFFFFFFD0] =	vst v0  }
0x33: {  	[tilespmem:s20+$0xFFFFFFC0] =	vst v0  }
0x34: {  	[tilespmem:s20+$0xFFFFFFB0] =	vst v0  }
0x35: {  	[tilespmem:s20+$0xFFFFFFA0] =	vst v0  }
0x36: {  	[tilespmem:s20+$0xFFFFFF90] =	vst v0  }
0x37: {  	[tilespmem:s20+$0xFFFFFF80] =	vst v0  }
0x38: {  	[tilespmem:s20+$0xFFFFFF70] =	vst v0  }
0x39: {  	[tilespmem:s20+$0xFFFFFF60] =	vst v0  }
0x3a: {  	[tilespmem:s20+$0xFFFFFF50] =	vst v0  }
0x3b: {  	[tilespmem:s20+$0xFFFFFF40] =	vst v0  }
0x3c: {  	[tilespmem:s20+$0xFFFFFF30] =	vst v0  }
0x3d: {  	[tilespmem:s20+$0xFFFFFF20] =	vst v0  }
0x3e: {  	[tilespmem:s20+$0xFFFFFF10] =	vst v0  }
0x3f: {  	[tilespmem:s20+$0xFFFFFF00] =	vst v0  }
0x40: {  	[tilespmem:s20+$0xFFFFFEF0] =	vst v0  }
0x41: {  	[tilespmem:s20+$0xFFFFFEE0] =	vst v0  }
0x42: {  	[tilespmem:s20+$0xFFFFFED0] =	vst v0  }
0x43: {  	[tilespmem:s20+$0xFFFFFEC0] =	vst v0  }
0x44: {  	[tilespmem:s20+$0xFFFFFEB0] =	vst v0  }
0x45: {  	[tilespmem:s20+$0xFFFFFEA0] =	vst v0  }
0x46: {  	[tilespmem:s20+$0xFFFFFE90] =	vst v0  }
0x47: {  	[tilespmem:s20+$0xFFFFFE80] =	vst v0  }
0x48: {  	[tilespmem:s20+$0xFFFFFE70] =	vst v0  }
0x49: {  	[tilespmem:s20+$0xFFFFFE60] =	vst v0  }
0x4a: {  	[tilespmem:s20+$0xFFFFFE50] =	vst v0  }
0x4b: {  	[tilespmem:s20+$0xFFFFFE40] =	vst v0  }
0x4c: {  	[tilespmem:s20+$0xFFFFFE30] =	vst v0  }
0x4d: {  	s21 =	simm.s32 $0x0;
	p1 =	por $0x1, $0x1;
	[tilespmem:s20+$0xFFFFFE20] =	vst v0  }
.LBB2_2:
0x4e: {  	s21 =	sadd.s32 $0x8, s21;
	[tilespmem:s20+$0xFFFFFE10] =	vst v0;
	s20 =	sadd.s32 $0x400, s20  }
0x4f: {  	[tilespmem:s20+$0xFFFFFE00] =	vst v0;
	p0 =	slt.u32 s21, $0x38  }
0x50: {  	[tilespmem:s20+$0x1F0] =	vst v0  }
0x51: {  	[tilespmem:s20+$0x1E0] =	vst v0  }
0x52: {  	[tilespmem:s20+$0x1D0] =	vst v0  }
0x53: {  	[tilespmem:s20+$0x1C0] =	vst v0  }
0x54: {  	[tilespmem:s20+$0x1B0] =	vst v0  }
0x55: {  	[tilespmem:s20+$0x1A0] =	vst v0  }
0x56: {  	[tilespmem:s20+$0x190] =	vst v0  }
0x57: {  	[tilespmem:s20+$0x180] =	vst v0  }
0x58: {  	[tilespmem:s20+$0x170] =	vst v0  }
0x59: {  	[tilespmem:s20+$0x160] =	vst v0  }
0x5a: {  	[tilespmem:s20+$0x150] =	vst v0  }
0x5b: {  	[tilespmem:s20+$0x140] =	vst v0  }
0x5c: {  	[tilespmem:s20+$0x130] =	vst v0  }
0x5d: {  	[tilespmem:s20+$0x120] =	vst v0  }
0x5e: {  	[tilespmem:s20+$0x110] =	vst v0  }
0x5f: {  	[tilespmem:s20+$0x100] =	vst v0  }
0x60: {  	[tilespmem:s20+$0xF0] =	vst v0  }
0x61: {  	[tilespmem:s20+$0xE0] =	vst v0  }
0x62: {  	[tilespmem:s20+$0xD0] =	vst v0  }
0x63: {  	[tilespmem:s20+$0xC0] =	vst v0  }
0x64: {  	[tilespmem:s20+$0xB0] =	vst v0  }
0x65: {  	[tilespmem:s20+$0xA0] =	vst v0  }
0x66: {  	[tilespmem:s20+$0x90] =	vst v0  }
0x67: {  	[tilespmem:s20+$0x80] =	vst v0  }
0x68: {  	[tilespmem:s20+$0x70] =	vst v0  }
0x69: {  	[tilespmem:s20+$0x60] =	vst v0  }
0x6a: {  	[tilespmem:s20+$0x50] =	vst v0  }
0x6b: {  	[tilespmem:s20+$0x40] =	vst v0  }
0x6c: {  	[tilespmem:s20+$0x30] =	vst v0  }
0x6d: {  	[tilespmem:s20+$0x20] =	vst v0  }
0x6e: {  	[tilespmem:s20+$0x10] =	vst v0  }
0x6f: {  	[tilespmem:s20+$0x0] =	vst v0  }
0x70: {  	[tilespmem:s20+$0xFFFFFFF0] =	vst v0  }
0x71: {  	[tilespmem:s20+$0xFFFFFFE0] =	vst v0  }
0x72: {  	[tilespmem:s20+$0xFFFFFFD0] =	vst v0  }
0x73: {  	[tilespmem:s20+$0xFFFFFFC0] =	vst v0  }
0x74: {  	[tilespmem:s20+$0xFFFFFFB0] =	vst v0  }
0x75: {  	[tilespmem:s20+$0xFFFFFFA0] =	vst v0  }
0x76: {  	[tilespmem:s20+$0xFFFFFF90] =	vst v0  }
0x77: {  	[tilespmem:s20+$0xFFFFFF80] =	vst v0  }
0x78: {  	[tilespmem:s20+$0xFFFFFF70] =	vst v0  }
0x79: {  	[tilespmem:s20+$0xFFFFFF60] =	vst v0  }
0x7a: {  	[tilespmem:s20+$0xFFFFFF50] =	vst v0  }
0x7b: {  	[tilespmem:s20+$0xFFFFFF40] =	vst v0  }
0x7c: {  	[tilespmem:s20+$0xFFFFFF30] =	vst v0  }
0x7d: {  	[tilespmem:s20+$0xFFFFFF20] =	vst v0  }
0x7e: {  	[tilespmem:s20+$0xFFFFFF10] =	vst v0  }
0x7f: {  	[tilespmem:s20+$0xFFFFFF00] =	vst v0  }
0x80: {  	[tilespmem:s20+$0xFFFFFEF0] =	vst v0  }
0x81: {  	[tilespmem:s20+$0xFFFFFEE0] =	vst v0  }
0x82: {  	[tilespmem:s20+$0xFFFFFED0] =	vst v0  }
0x83: {  	[tilespmem:s20+$0xFFFFFEC0] =	vst v0  }
0x84: {  	[tilespmem:s20+$0xFFFFFEB0] =	vst v0  }
0x85: {  	[tilespmem:s20+$0xFFFFFEA0] =	vst v0  }
0x86: {  	[tilespmem:s20+$0xFFFFFE90] =	vst v0  }
0x87: {  	[tilespmem:s20+$0xFFFFFE80] =	vst v0  }
0x88: {  	[tilespmem:s20+$0xFFFFFE70] =	vst v0  }
.Ltmp0:
0x89: {  	[tilespmem:s20+$0xFFFFFE60] =	vst v0;
	(pc) =	sbr.rel @p0 .LBB2_2-.Ltmp0, $4  }
0x8a: {  	[tilespmem:s20+$0xFFFFFE50] =	vst v0  }
0x8b: {  	[tilespmem:s20+$0xFFFFFE40] =	vst v0  }
0x8c: {  	[tilespmem:s20+$0xFFFFFE30] =	vst v0  }
0x8d: {  	[tilespmem:s20+$0xFFFFFE20] =	vst v0  }
0x8e: {  	[tilespmem:s20+$0xFFFFFE10] =	vst v0;
	s20 =	simm.s32 $0x0;
	s21 =	simm.s32 $0x0  }
.LBB2_4:
0x8f: {  	s22 =	sor.u32 s4, s21  }
0x90: {  	s23 =	sshll.u32 s22, $0xF  }
0x91: {  	s23 =	sadd.s32 s23, s5  }
0x92: {  	[tilespmem:s9], [sflag:$0x3] =	stream.linear.gather [hbm4b:s23+s20], $0x4000, $0x38;
	[tilespmem:$0x18000] =	vst v63  }
0x93: {  	_ =	swait.ge [sflag:s10], $0x4000  }
0x94: {  	s22 =	sshll.u32 s22, $0xE;
	[sflag:s10] =	ssyncset.done $0x0  }
0x95: {  	s22 =	sadd.s32 s22, s6;
	[sflag:s10] =	ssyncadd.s32 $0xFFFFC000  }
0x96: {  	[tilespmem:s20], [sflag:$0x3] =	stream.linear.gather [hbm4b:s22+s20], $0x2000, $0x38;
	[tilespmem:$0x18000] =	vst v63  }
0x97: {  	_ =	swait.ge [sflag:s10], $0x2000  }
0x98: {  	[sflag:s10] =	ssyncset.done $0x0  }
0x99: {  	[sflag:s10] =	ssyncadd.s32 $0xFFFFE000  }
0x9a: {  	[tilespmem:s12], [sflag:$0x1] =	stream.indirect.gather [hbm4b:s1+s11], $0x80, s20, s11, $0xb8;
	[tilespmem:$0x18000] =	vst v63  }
0x9b: {  	p0 =	por p1, p1;
	s22 =	simm.s32 $0x0  }
0x9c: {  	[tilespmem:s13], [sflag:$0x1] =	stream.indirect.gather [hbm4b:s1+s11], $0x80, s11, s11, $0xb8;
	[tilespmem:$0x18000] =	vst v63  }
.LBB2_5:
0x9d: {  	s23 =	sshllo.u32 s22, $0x1  }
0x9e: {  	s24 =	sshll.u32 s23, $0x8  }
0x9f: {  	s24 =	sand.u32 $0x3FFFFF00, s24  }
0xa0: {  	[tilespmem:s14], [sflag:$0x2] =	stream.indirect.gather [hbm4b:s1+s11], $0x80, s24, s11, $0xb8;
	[tilespmem:$0x18000] =	vst v63  }
0xa1: {  	s24 =	sor.u32 $0x80, s24  }
0xa2: {  	[tilespmem:s15], [sflag:$0x2] =	stream.indirect.gather [hbm4b:s1+s11], $0x80, s24, s11, $0xb8;
	[tilespmem:$0x18000] =	vst v63  }
0xa3: {  	_ =	swait.ge [sflag:s16], $0x4000  }
0xa4: {  	[sflag:s16] =	ssyncset.done $0x0  }
0xa5: {  	[sflag:s16] =	ssyncadd.s32 $0xFFFFC000  }
0xa6: {  	_ =	swait.ge [sflag:s16], $0x4000  }
0xa7: {  	s31 =	sshll.u32 s22, $0xA;
	[sflag:s16] =	ssyncset.done $0x0  }
0xa8: {  	s24 =	sand.u32 $0x3FFFFC00, s31;
	[sflag:s16] =	ssyncadd.s32 $0xFFFFC000  }
0xa9: {  	v1 =	vld [tilespmem:s24+$0x12000]  }
0xaa: {  	v2 =	vld [tilespmem:s24+$0x12010]  }
0xab: {  	v3 =	vld [tilespmem:s24+$0x12020]  }
0xac: {  	v4 =	vld [tilespmem:s24+$0x12030]  }
0xad: {  	v5 =	vld [tilespmem:s24+$0x12040]  }
0xae: {  	v6 =	vld [tilespmem:s24+$0x12050]  }
0xaf: {  	v7 =	vld [tilespmem:s24+$0x12060]  }
0xb0: {  	v8 =	vld [tilespmem:s24+$0x12070]  }
0xb1: {  	v9 =	vld [tilespmem:s24+$0x12080]  }
0xb2: {  	v10 =	vld [tilespmem:s24+$0x12090]  }
0xb3: {  	v11 =	vld [tilespmem:s24+$0x120A0]  }
0xb4: {  	v12 =	vld [tilespmem:s24+$0x120B0]  }
0xb5: {  	v13 =	vld [tilespmem:s24+$0x120C0]  }
0xb6: {  	v14 =	vld [tilespmem:s24+$0x120D0]  }
0xb7: {  	v15 =	vld [tilespmem:s24+$0x120E0]  }
0xb8: {  	v16 =	vld [tilespmem:s24+$0x120F0]  }
0xb9: {  	v17 =	vld [tilespmem:s24+$0x12100]  }
0xba: {  	v18 =	vld [tilespmem:s24+$0x12110]  }
0xbb: {  	v19 =	vld [tilespmem:s24+$0x12120]  }
0xbc: {  	v20 =	vld [tilespmem:s24+$0x12130]  }
0xbd: {  	v21 =	vld [tilespmem:s24+$0x12140]  }
0xbe: {  	v22 =	vld [tilespmem:s24+$0x12150]  }
0xbf: {  	v23 =	vld [tilespmem:s24+$0x12160]  }
0xc0: {  	v24 =	vld [tilespmem:s24+$0x12170]  }
0xc1: {  	v25 =	vld [tilespmem:s24+$0x12180]  }
0xc2: {  	v26 =	vld [tilespmem:s24+$0x12190]  }
0xc3: {  	v27 =	vld [tilespmem:s24+$0x121A0]  }
0xc4: {  	v28 =	vld [tilespmem:s24+$0x121B0]  }
0xc5: {  	v29 =	vld [tilespmem:s24+$0x121C0]  }
0xc6: {  	v30 =	vld [tilespmem:s24+$0x121D0]  }
0xc7: {  	v31 =	vld [tilespmem:s24+$0x121E0]  }
0xc8: {  	v32 =	vld [tilespmem:s24+$0x121F0];
	s24 =	simm.s32 $0x0  }
0xc9: {  	v63 =	vld [tilespmem:s24+$0x6000];
	_ =	sdelay $0x4  }
0xca: {  	[tilespmem:$0x1FF00] =	vst v63;
	v63 =	vld [tilespmem:s24+$0x6010]  }
0xcb: {  	v33 =	vld [tilespmem:s24+$0x20F0]  }
0xcc: {  	v34 =	vld [tilespmem:s24+$0x40F0]  }
0xcd: {  	v35 =	vld [tilespmem:s24+$0x2000]  }
0xce: {  	v36 =	vld [tilespmem:s24+$0x60F0]  }
0xcf: {  	[tilespmem:$0x1FF10] =	vst v63;
	v63 =	vld [tilespmem:s24+$0x6020]  }
0xd0: {  	v37 =	vld [tilespmem:s24+$0x4000]  }
0xd1: {  	v38 =	vld [tilespmem:s24+$0x80F0]  }
0xd2: {  	v39 =	vld [tilespmem:s24+$0x2010]  }
0xd3: {  	v40 =	vld [tilespmem:s24+$0x4010]  }
0xd4: {  	[tilespmem:$0x1FF20] =	vst v63;
	v63 =	vld [tilespmem:s24+$0x6030]  }
0xd5: {  	v41 =	vld [tilespmem:s24+$0x2020]  }
0xd6: {  	v42 =	vld [tilespmem:s24+$0x2030]  }
0xd7: {  	v43 =	vld [tilespmem:s24+$0x2040]  }
0xd8: {  	v44 =	vld [tilespmem:s24+$0x4050]  }
0xd9: {  	[tilespmem:$0x1FF30] =	vst v63;
	v63 =	vld [tilespmem:s24+$0x6040]  }
0xda: {  	v45 =	vld [tilespmem:s24+$0x2060]  }
0xdb: {  	v46 =	vld [tilespmem:s24+$0x4060]  }
0xdc: {  	v47 =	vld [tilespmem:s24+$0x2070]  }
0xdd: {  	v48 =	vld [tilespmem:s24+$0x4070]  }
0xde: {  	[tilespmem:$0x1FF60] =	vst v63;
	v63 =	vld [tilespmem:s24+$0x6050]  }
0xdf: {  	v49 =	vld [tilespmem:s24+$0x2080]  }
0xe0: {  	v50 =	vld [tilespmem:s24+$0x4080]  }
0xe1: {  	v51 =	vld [tilespmem:s24+$0x2090]  }
0xe2: {  	v52 =	vld [tilespmem:s24+$0x4090]  }
0xe3: {  	[tilespmem:$0x1FF70] =	vst v63;
	v63 =	vld [tilespmem:s24+$0x6060]  }
0xe4: {  	v53 =	vld [tilespmem:s24+$0x20A0]  }
0xe5: {  	v54 =	vld [tilespmem:s24+$0x40A0]  }
0xe6: {  	v55 =	vld [tilespmem:s24+$0x20B0]  }
0xe7: {  	v56 =	vld [tilespmem:s24+$0x40B0]  }
0xe8: {  	[tilespmem:$0x1FF80] =	vst v63;
	v63 =	vld [tilespmem:s24+$0x6070]  }
0xe9: {  	v57 =	vld [tilespmem:s24+$0x20C0];
	v33 =	vmul.f32 v33, v8;
	v34 =	vmul.f32 v34, v16  }
0xea: {  	v58 =	vld [tilespmem:s24+$0x40C0]  }
0xeb: {  	v59 =	vld [tilespmem:s24+$0x20D0];
	v61 =	vmul.f32 v36, v24;
	v33 =	vadd.f32 v34, v33  }
0xec: {  	v36 =	vld [tilespmem:s24+$0x4020];
	v62 =	vmul.f32 v38, v32  }
0xed: {  	v35 =	vmul.f32 v35, v1;
	v37 =	vmul.f32 v37, v9;
	v33 =	vadd.f32 v61, v33;
	[tilespmem:$0x1FF90] =	vst v63;
	v63 =	vld [tilespmem:s24+$0x6080]  }
0xee: {  	v38 =	vld [tilespmem:s24+$0x4030];
	v39 =	vmul.f32 v39, v2;
	v40 =	vmul.f32 v40, v10  }
0xef: {  	v34 =	vld [tilespmem:s24+$0x4040];
	v35 =	vadd.f32 v37, v35;
	v33 =	vadd.f32 v62, v33  }
0xf0: {  	v37 =	vmul.f32 v41, v3;
	v41 =	vadd.f32 v40, v39;
	v40 =	vmul.f32 v42, v4;
	v42 =	vld [tilespmem:s24+$0x6090]  }
0xf1: {  	[tilespmem:s24+$0x160F0] =	vst.add.f32.msk $0xffff, v33  }
0xf2: {  	[tilespmem:$0x1FFA0] =	vst v63;
	v63 =	vmul.f32 v43, v5;
	v43 =	vld [tilespmem:s24+$0x60A0]  }
0xf3: {  	v33 =	vld [tilespmem:s24+$0x2050]  }
0xf4: {  	v60 =	vld [tilespmem:s24+$0x40D0];
	v38 =	vmul.f32 v38, v12  }
0xf5: {  	v61 =	vld [tilespmem:s24+$0x20E0]  }
0xf6: {  	[tilespmem:$0x1FFB0] =	vst v42;
	v34 =	vmul.f32 v34, v13;
	v42 =	vadd.f32 v38, v40;
	v40 =	vmul.f32 v44, v14;
	v44 =	vld [tilespmem:s24+$0x60B0]  }
0xf7: {  	v36 =	vmul.f32 v36, v11;
	[tilespmem:$0x1FFC0] =	vst v43;
	v43 =	vmul.f32 v48, v16;
	v48 =	vld [tilespmem:s24+$0x60D0]  }
0xf8: {  	[tilespmem:$0x1FF40] =	vst v35;
	v35 =	vmul.f32 v52, v10;
	v33 =	vmul.f32 v33, v6;
	v39 =	vadd.f32 v34, v63;
	v63 =	vld [tilespmem:s24+$0x60C0]  }
0xf9: {  	[tilespmem:$0x1FF50] =	vst v41;
	v41 =	vmul.f32 v56, v12;
	v62 =	vld [tilespmem:s24+$0x40E0];
	v36 =	vadd.f32 v36, v37;
	v38 =	vmul.f32 v47, v8  }
0xfa: {  	v52 =	vld [tilespmem:s24+$0x8000];
	v37 =	vmul.f32 v45, v7;
	v45 =	vmul.f32 v46, v15;
	v46 =	vadd.f32 v40, v33  }
0xfb: {  	v56 =	vld [tilespmem:s24+$0x8020];
	[tilespmem:$0x1FFD0] =	vst v44;
	v33 =	vmul.f32 v50, v9;
	v40 =	vmul.f32 v55, v4;
	v44 =	vadd.f32 v43, v38  }
0xfc: {  	v50 =	vld [tilespmem:s24+$0x60E0];
	v38 =	vmul.f32 v54, v11;
	[tilespmem:$0x1FFF0] =	vst v48;
	v48 =	vadd.f32 v45, v37;
	v37 =	vmul.f32 v53, v3  }
0xfd: {  	v34 =	vmul.f32 v51, v2;
	v51 =	vadd.f32 v41, v40;
	v41 =	vld [tilespmem:$0x1FF00];
	[tilespmem:$0x1FFE0] =	vst v63;
	v63 =	vmul.f32 v49, v1  }
0xfe: {  	v40 =	vld [tilespmem:$0x1FF50];
	v49 =	vadd.f32 v38, v37;
	v37 =	vmul.f32 v61, v7;
	v38 =	vmul.f32 v62, v15  }
0xff: {  	v47 =	vadd.f32 v35, v34;
	v35 =	vmul.f32 v60, v14;
	v60 =	vld [tilespmem:s24+$0x8040]  }
0x100: {  	v43 =	vmul.f32 v57, v5;
	v57 =	vadd.f32 v38, v37;
	v38 =	vld [tilespmem:$0x1FF40]  }
0x101: {  	v34 =	vmul.f32 v59, v6;
	v54 =	vld [tilespmem:s24+$0x8010]  }
0x102: {  	v59 =	vmul.f32 v41, v17;
	v41 =	vld [tilespmem:s24+$0x8060];
	v45 =	vadd.f32 v33, v63;
	v33 =	vmul.f32 v58, v13  }
0x103: {  	v37 =	vld [tilespmem:$0x1FF30]  }
0x104: {  	v53 =	vadd.f32 v33, v43;
	v43 =	vld [tilespmem:$0x1FF10]  }
0x105: {  	v59 =	vadd.f32 v59, v38;
	v38 =	vld [tilespmem:$0x1FF70]  }
0x106: {  	v61 =	vld [tilespmem:$0x1FF20]  }
0x107: {  	v58 =	vld [tilespmem:s24+$0x8030]  }
0x108: {  	v55 =	vadd.f32 v35, v34;
	v62 =	vld [tilespmem:s24+$0x8050];
	v34 =	vmul.f32 v37, v20  }
0x109: {  	v63 =	vmul.f32 v43, v18;
	v37 =	vld [tilespmem:$0x1FF60]  }
0x10a: {  	v43 =	vld [tilespmem:s24+$0x8070];
	v34 =	vadd.f32 v34, v42;
	v42 =	vmul.f32 v38, v22  }
0x10b: {  	v61 =	vmul.f32 v61, v19;
	v63 =	vadd.f32 v63, v40;
	v40 =	vld [tilespmem:$0x1FF90]  }
0x10c: {  	v58 =	vmul.f32 v58, v28;
	v42 =	vadd.f32 v42, v46;
	v46 =	vld [tilespmem:$0x1FFA0]  }
0x10d: {  	v61 =	vadd.f32 v61, v36;
	v36 =	vld [tilespmem:s24+$0x8090]  }
0x10e: {  	v34 =	vadd.f32 v58, v34;
	v33 =	vmul.f32 v37, v21;
	v37 =	vld [tilespmem:s24+$0x8080]  }
0x10f: {  	v38 =	vld [tilespmem:s24+$0x80A0]  }
0x110: {  	[tilespmem:s24+$0x16030] =	vst.add.f32.msk $0xffff, v34;
	v35 =	vadd.f32 v33, v39;
	v33 =	vmul.f32 v40, v24  }
0x111: {  	v52 =	vmul.f32 v52, v25;
	v39 =	vld [tilespmem:$0x1FF80];
	v46 =	vmul.f32 v46, v17  }
0x112: {  	v60 =	vmul.f32 v60, v29;
	v40 =	vld [tilespmem:s24+$0x80B0];
	v33 =	vadd.f32 v33, v44;
	v44 =	vmul.f32 v54, v26  }
0x113: {  	v54 =	vld [tilespmem:s24+$0x80D0];
	v45 =	vadd.f32 v46, v45;
	v46 =	vadd.f32 v52, v59;
	v52 =	vmul.f32 v56, v27  }
0x114: {  	v35 =	vadd.f32 v60, v35;
	v44 =	vadd.f32 v44, v63;
	v63 =	vld [tilespmem:$0x1FFB0]  }
0x115: {  	v52 =	vadd.f32 v52, v61;
	v61 =	vld [tilespmem:$0x1FFC0]  }
0x116: {  	[tilespmem:s24+$0x16040] =	vst.add.f32.msk $0xffff, v35  }
0x117: {  	[tilespmem:s24+$0x16010] =	vst.add.f32.msk $0xffff, v44  }
0x118: {  	v44 =	vld [tilespmem:$0x1FFD0]  }
0x119: {  	v43 =	vmul.f32 v43, v32;
	[tilespmem:s24+$0x16000] =	vst.add.f32.msk $0xffff, v46  }
0x11a: {  	v39 =	vmul.f32 v39, v23;
	[tilespmem:s24+$0x16020] =	vst.add.f32.msk $0xffff, v52;
	v46 =	vmul.f32 v61, v19  }
0x11b: {  	v41 =	vmul.f32 v41, v31;
	v58 =	vmul.f32 v50, v23;
	v33 =	vadd.f32 v43, v33;
	v52 =	vld [tilespmem:$0x1FFF0]  }
0x11c: {  	v37 =	vmul.f32 v37, v25;
	v39 =	vadd.f32 v39, v48;
	v46 =	vadd.f32 v46, v49;
	v49 =	vld [tilespmem:$0x1FFE0]  }
0x11d: {  	[tilespmem:s24+$0x16070] =	vst.add.f32.msk $0xffff, v33;
	v56 =	vmul.f32 v63, v18;
	v34 =	vmul.f32 v44, v20  }
0x11e: {  	v48 =	vld [tilespmem:s24+$0x80C0];
	v63 =	vmul.f32 v62, v30;
	v39 =	vadd.f32 v41, v39;
	v37 =	vadd.f32 v37, v45  }
0x11f: {  	v59 =	vld [tilespmem:s24+$0x80E0];
	v47 =	vadd.f32 v56, v47;
	v34 =	vadd.f32 v34, v51;
	v51 =	vmul.f32 v36, v26  }
0x120: {  	v40 =	vmul.f32 v40, v28;
	v42 =	vadd.f32 v63, v42;
	[tilespmem:s24+$0x16060] =	vst.add.f32.msk $0xffff, v39;
	v36 =	vmul.f32 v52, v22  }
0x121: {  	v38 =	vmul.f32 v38, v27;
	[tilespmem:s24+$0x16080] =	vst.add.f32.msk $0xffff, v37;
	v35 =	vadd.f32 v51, v47;
	v41 =	vmul.f32 v49, v21  }
0x122: {  	[tilespmem:s24+$0x16050] =	vst.add.f32.msk $0xffff, v42;
	v61 =	vmul.f32 v54, v30;
	v34 =	vadd.f32 v40, v34;
	v36 =	vadd.f32 v36, v55  }
0x123: {  	v60 =	vmul.f32 v48, v29;
	[tilespmem:s24+$0x16090] =	vst.add.f32.msk $0xffff, v35;
	v38 =	vadd.f32 v38, v46;
	v56 =	vadd.f32 v41, v53  }
0x124: {  	v33 =	vadd.f32 v58, v57;
	v63 =	vmul.f32 v59, v31;
	[tilespmem:s24+$0x160B0] =	vst.add.f32.msk $0xffff, v34;
	v36 =	vadd.f32 v61, v36  }
0x125: {  	[tilespmem:s24+$0x160A0] =	vst.add.f32.msk $0xffff, v38;
	v62 =	vadd.f32 v60, v56  }
0x126: {  	v33 =	vadd.f32 v63, v33;
	[tilespmem:s24+$0x160D0] =	vst.add.f32.msk $0xffff, v36  }
0x127: {  	s25 =	simm.s32 $0x0;
	s26 =	simm.s32 $0x400;
	[tilespmem:s24+$0x160C0] =	vst.add.f32.msk $0xffff, v62  }
.LBB2_6:
0x128: {  	[tilespmem:s24+$0x160E0] =	vst.add.f32.msk $0xffff, v33;
	s24 =	sshra.s32 s26, $0x2  }
0x129: {  	s25 =	sadd.s32 $0x2, s25;
	v33 =	vld [tilespmem:s24+$0x20F0]  }
0x12a: {  	p1 =	slt.u32 s25, $0x3E;
	v34 =	vld [tilespmem:s24+$0x40F0]  }
0x12b: {  	v35 =	vld [tilespmem:s24+$0x2000]  }
0x12c: {  	v36 =	vld [tilespmem:s24+$0x60F0]  }
0x12d: {  	v37 =	vld [tilespmem:s24+$0x4000]  }
0x12e: {  	v38 =	vld [tilespmem:s24+$0x80F0]  }
0x12f: {  	v33 =	vmul.f32 v33, v8;
	v39 =	vld [tilespmem:s24+$0x2010];
	v34 =	vmul.f32 v34, v16  }
0x130: {  	v35 =	vmul.f32 v35, v1;
	v40 =	vld [tilespmem:s24+$0x4010]  }
0x131: {  	v41 =	vld [tilespmem:s24+$0x2020];
	v33 =	vadd.f32 v34, v33;
	v34 =	vmul.f32 v36, v24  }
0x132: {  	v36 =	vmul.f32 v37, v9;
	v37 =	vld [tilespmem:s24+$0x4020]  }
0x133: {  	v42 =	vld [tilespmem:s24+$0x2030];
	v33 =	vadd.f32 v34, v33;
	v34 =	vmul.f32 v38, v32  }
0x134: {  	v35 =	vadd.f32 v36, v35;
	v36 =	vmul.f32 v39, v2;
	v38 =	vld [tilespmem:s24+$0x4030]  }
0x135: {  	v39 =	vmul.f32 v40, v10;
	v40 =	vld [tilespmem:s24+$0x2040];
	v33 =	vadd.f32 v34, v33  }
0x136: {  	v34 =	vmul.f32 v41, v3;
	v41 =	vld [tilespmem:s24+$0x4040]  }
0x137: {  	v36 =	vadd.f32 v39, v36;
	v37 =	vmul.f32 v37, v11;
	[tilespmem:s24+$0x160F0] =	vst.add.f32.msk $0xffff, v33  }
0x138: {  	v33 =	vmul.f32 v42, v4;
	v39 =	vld [tilespmem:s24+$0x2050]  }
0x139: {  	v34 =	vadd.f32 v37, v34;
	v37 =	vmul.f32 v38, v12;
	v38 =	vld [tilespmem:s24+$0x4050]  }
0x13a: {  	v40 =	vmul.f32 v40, v5;
	v42 =	vld [tilespmem:s24+$0x2060]  }
0x13b: {  	v33 =	vadd.f32 v37, v33;
	v37 =	vmul.f32 v41, v13;
	v41 =	vld [tilespmem:s24+$0x4060]  }
0x13c: {  	v43 =	vld [tilespmem:s24+$0x2070]  }
0x13d: {  	v37 =	vadd.f32 v37, v40;
	v39 =	vmul.f32 v39, v6;
	v40 =	vld [tilespmem:s24+$0x4070]  }
0x13e: {  	v38 =	vmul.f32 v38, v14;
	v44 =	vld [tilespmem:s24+$0x2080]  }
0x13f: {  	v42 =	vmul.f32 v42, v7;
	v45 =	vld [tilespmem:s24+$0x4080]  }
0x140: {  	v38 =	vadd.f32 v38, v39;
	v39 =	vmul.f32 v41, v15;
	v41 =	vld [tilespmem:s24+$0x2090]  }
0x141: {  	v43 =	vmul.f32 v43, v8;
	v46 =	vld [tilespmem:s24+$0x4090]  }
0x142: {  	v39 =	vadd.f32 v39, v42;
	v40 =	vmul.f32 v40, v16;
	v42 =	vld [tilespmem:s24+$0x20A0]  }
0x143: {  	v44 =	vmul.f32 v44, v1;
	v47 =	vld [tilespmem:s24+$0x40A0]  }
0x144: {  	v40 =	vadd.f32 v40, v43;
	v43 =	vmul.f32 v45, v9;
	v45 =	vld [tilespmem:s24+$0x20B0]  }
0x145: {  	v41 =	vmul.f32 v41, v2;
	v48 =	vld [tilespmem:s24+$0x40B0]  }
0x146: {  	v43 =	vadd.f32 v43, v44;
	v44 =	vmul.f32 v46, v10;
	v46 =	vld [tilespmem:s24+$0x20C0]  }
0x147: {  	v42 =	vmul.f32 v42, v3;
	v49 =	vld [tilespmem:s24+$0x40C0]  }
0x148: {  	v41 =	vadd.f32 v44, v41;
	v44 =	vmul.f32 v47, v11;
	v47 =	vld [tilespmem:s24+$0x20D0]  }
0x149: {  	v45 =	vmul.f32 v45, v4;
	v50 =	vld [tilespmem:s24+$0x40D0]  }
0x14a: {  	v42 =	vadd.f32 v44, v42;
	v44 =	vmul.f32 v48, v12;
	v48 =	vld [tilespmem:s24+$0x20E0]  }
0x14b: {  	v46 =	vmul.f32 v46, v5;
	v51 =	vld [tilespmem:s24+$0x40E0]  }
0x14c: {  	v52 =	vld [tilespmem:s24+$0x6000];
	v44 =	vadd.f32 v44, v45;
	v45 =	vmul.f32 v49, v13  }
0x14d: {  	v49 =	vld [tilespmem:s24+$0x6010];
	v47 =	vmul.f32 v47, v6  }
0x14e: {  	v53 =	vld [tilespmem:s24+$0x6020];
	v45 =	vadd.f32 v45, v46;
	v46 =	vmul.f32 v50, v14  }
0x14f: {  	v50 =	vld [tilespmem:s24+$0x6030];
	v48 =	vmul.f32 v48, v7  }
0x150: {  	v54 =	vld [tilespmem:s24+$0x6040];
	v46 =	vadd.f32 v46, v47;
	v47 =	vmul.f32 v51, v15  }
0x151: {  	v51 =	vmul.f32 v52, v17;
	v52 =	vld [tilespmem:s24+$0x6050]  }
0x152: {  	v49 =	vmul.f32 v49, v18;
	v55 =	vld [tilespmem:s24+$0x6060];
	v47 =	vadd.f32 v47, v48  }
0x153: {  	v35 =	vadd.f32 v51, v35;
	v48 =	vmul.f32 v53, v19;
	v51 =	vld [tilespmem:s24+$0x6070]  }
0x154: {  	v36 =	vadd.f32 v49, v36;
	v49 =	vmul.f32 v50, v20;
	v50 =	vld [tilespmem:s24+$0x6080]  }
0x155: {  	v34 =	vadd.f32 v48, v34;
	v48 =	vmul.f32 v54, v21;
	v53 =	vld [tilespmem:s24+$0x6090]  }
0x156: {  	v33 =	vadd.f32 v49, v33;
	v49 =	vmul.f32 v52, v22;
	v52 =	vld [tilespmem:s24+$0x60A0]  }
0x157: {  	v37 =	vadd.f32 v48, v37;
	v48 =	vmul.f32 v55, v23;
	v54 =	vld [tilespmem:s24+$0x60B0]  }
0x158: {  	v38 =	vadd.f32 v49, v38;
	v49 =	vmul.f32 v51, v24;
	v51 =	vld [tilespmem:s24+$0x60C0]  }
0x159: {  	v39 =	vadd.f32 v48, v39;
	v48 =	vmul.f32 v50, v17;
	v50 =	vld [tilespmem:s24+$0x60D0]  }
0x15a: {  	v40 =	vadd.f32 v49, v40;
	v49 =	vmul.f32 v53, v18;
	v53 =	vld [tilespmem:s24+$0x60E0]  }
0x15b: {  	v55 =	vld [tilespmem:s24+$0x8000];
	v43 =	vadd.f32 v48, v43;
	v48 =	vmul.f32 v52, v19  }
0x15c: {  	v52 =	vld [tilespmem:s24+$0x8010];
	v41 =	vadd.f32 v49, v41;
	v49 =	vmul.f32 v54, v20  }
0x15d: {  	v54 =	vld [tilespmem:s24+$0x8020];
	v42 =	vadd.f32 v48, v42;
	v48 =	vmul.f32 v51, v21  }
0x15e: {  	v51 =	vld [tilespmem:s24+$0x8030];
	v44 =	vadd.f32 v49, v44;
	v49 =	vmul.f32 v50, v22  }
0x15f: {  	v50 =	vld [tilespmem:s24+$0x8040];
	v45 =	vadd.f32 v48, v45;
	v48 =	vmul.f32 v53, v23  }
0x160: {  	v53 =	vmul.f32 v55, v25;
	v55 =	vld [tilespmem:s24+$0x8050];
	v46 =	vadd.f32 v49, v46  }
0x161: {  	v49 =	vmul.f32 v52, v26;
	v52 =	vld [tilespmem:s24+$0x8060];
	v47 =	vadd.f32 v48, v47  }
0x162: {  	v35 =	vadd.f32 v53, v35;
	v48 =	vmul.f32 v54, v27;
	v53 =	vld [tilespmem:s24+$0x8070]  }
0x163: {  	v36 =	vadd.f32 v49, v36;
	v49 =	vmul.f32 v51, v28;
	v51 =	vld [tilespmem:s24+$0x8080]  }
0x164: {  	v34 =	vadd.f32 v48, v34;
	v48 =	vmul.f32 v50, v29;
	v50 =	vld [tilespmem:s24+$0x8090]  }
0x165: {  	v33 =	vadd.f32 v49, v33;
	v49 =	vmul.f32 v55, v30;
	v54 =	vld [tilespmem:s24+$0x80A0]  }
0x166: {  	v37 =	vadd.f32 v48, v37;
	v48 =	vmul.f32 v52, v31;
	v52 =	vld [tilespmem:s24+$0x80B0]  }
0x167: {  	v38 =	vadd.f32 v49, v38;
	v49 =	vmul.f32 v53, v32;
	v53 =	vld [tilespmem:s24+$0x80C0]  }
0x168: {  	v39 =	vadd.f32 v48, v39;
	v48 =	vmul.f32 v51, v25;
	v51 =	vld [tilespmem:s24+$0x80D0]  }
0x169: {  	v40 =	vadd.f32 v49, v40;
	v49 =	vmul.f32 v50, v26;
	v50 =	vld [tilespmem:s24+$0x80E0]  }
0x16a: {  	[tilespmem:s24+$0x16000] =	vst.add.f32.msk $0xffff, v35;
	v35 =	vadd.f32 v48, v43;
	v43 =	vmul.f32 v54, v27  }
0x16b: {  	[tilespmem:s24+$0x16010] =	vst.add.f32.msk $0xffff, v36;
	v36 =	vadd.f32 v49, v41;
	v41 =	vmul.f32 v52, v28  }
0x16c: {  	[tilespmem:s24+$0x16020] =	vst.add.f32.msk $0xffff, v34;
	v34 =	vadd.f32 v43, v42;
	v42 =	vmul.f32 v53, v29  }
0x16d: {  	[tilespmem:s24+$0x16030] =	vst.add.f32.msk $0xffff, v33;
	v41 =	vadd.f32 v41, v44;
	v33 =	vmul.f32 v51, v30  }
0x16e: {  	[tilespmem:s24+$0x16040] =	vst.add.f32.msk $0xffff, v37;
	v37 =	vadd.f32 v42, v45;
	v42 =	vmul.f32 v50, v31  }
0x16f: {  	[tilespmem:s24+$0x16050] =	vst.add.f32.msk $0xffff, v38;
	v38 =	vadd.f32 v33, v46  }
0x170: {  	[tilespmem:s24+$0x16060] =	vst.add.f32.msk $0xffff, v39;
	v33 =	vadd.f32 v42, v47  }
0x171: {  	[tilespmem:s24+$0x16070] =	vst.add.f32.msk $0xffff, v40  }
0x172: {  	[tilespmem:s24+$0x16080] =	vst.add.f32.msk $0xffff, v35  }
.Ltmp1:
0x173: {  	[tilespmem:s24+$0x16090] =	vst.add.f32.msk $0xffff, v36;
	(pc) =	sbr.rel @p1 .LBB2_6-.Ltmp1, $4  }
0x174: {  	[tilespmem:s24+$0x160A0] =	vst.add.f32.msk $0xffff, v34  }
0x175: {  	[tilespmem:s24+$0x160B0] =	vst.add.f32.msk $0xffff, v41  }
0x176: {  	[tilespmem:s24+$0x160C0] =	vst.add.f32.msk $0xffff, v37  }
0x177: {  	s26 =	sadd.s32 $0x400, s26;
	[tilespmem:s24+$0x160D0] =	vst.add.f32.msk $0xffff, v38  }
0x178: {  	p1 =	seq.s32 s22, $0xF  }
0x179: {  	s25 =	sshll.u32 @!p1 s22, $0x9  }
0x17a: {  	s25 =	sand.u32 @!p1 $0x3FFFFE00, s25  }
0x17b: {  	[tilespmem:s24+$0x160E0] =	vst.add.f32.msk $0xffff, v33;
	s26 =	simm.s32 @!p1 $0x80;
	s28 =	simm.s32 @!p1 $0x2000;
	s24 =	sadd.s32 @!p1 $0x200, s25  }
0x17c: {  	[tilespmem:s28], [sflag:$0x1] =	stream.indirect.gather @!p1 [hbm4b:s1+s26], $0x80, s24, s26, $0xb8;
	[tilespmem:$0x18000] =	vst v63  }
0x17d: {  	s24 =	sadd.s32 @!p1 $0x280, s25;
	s25 =	simm.s32 @!p1 $0x6000  }
0x17e: {  	[tilespmem:s25], [sflag:$0x1] =	stream.indirect.gather @!p1 [hbm4b:s1+s26], $0x80, s24, s26, $0xb8;
	[tilespmem:$0x18000] =	vst v63  }
0x17f: {  	_ =	swait.ge [sflag:s17], $0x4000  }
0x180: {  	[sflag:s17] =	ssyncset.done $0x0  }
0x181: {  	[sflag:s17] =	ssyncadd.s32 $0xFFFFC000  }
0x182: {  	_ =	swait.ge [sflag:s17], $0x4000  }
0x183: {  	s23 =	sshll.u32 s23, $0x9;
	[sflag:s17] =	ssyncset.done $0x0  }
0x184: {  	s23 =	sand.u32 $0x3FFFFE00, s23;
	[sflag:s17] =	ssyncadd.s32 $0xFFFFC000  }
0x185: {  	v1 =	vld [tilespmem:s23+$0x12000]  }
0x186: {  	v2 =	vld [tilespmem:s23+$0x12010]  }
0x187: {  	v3 =	vld [tilespmem:s23+$0x12020]  }
0x188: {  	v4 =	vld [tilespmem:s23+$0x12030]  }
0x189: {  	v5 =	vld [tilespmem:s23+$0x12040]  }
0x18a: {  	v6 =	vld [tilespmem:s23+$0x12050]  }
0x18b: {  	v7 =	vld [tilespmem:s23+$0x12060]  }
0x18c: {  	v8 =	vld [tilespmem:s23+$0x12070]  }
0x18d: {  	v9 =	vld [tilespmem:s23+$0x12080]  }
0x18e: {  	v10 =	vld [tilespmem:s23+$0x12090]  }
0x18f: {  	v11 =	vld [tilespmem:s23+$0x120A0]  }
0x190: {  	v12 =	vld [tilespmem:s23+$0x120B0]  }
0x191: {  	v13 =	vld [tilespmem:s23+$0x120C0]  }
0x192: {  	v14 =	vld [tilespmem:s23+$0x120D0]  }
0x193: {  	v15 =	vld [tilespmem:s23+$0x120E0]  }
0x194: {  	v16 =	vld [tilespmem:s23+$0x120F0]  }
0x195: {  	v17 =	vld [tilespmem:s23+$0x12100]  }
0x196: {  	v18 =	vld [tilespmem:s23+$0x12110]  }
0x197: {  	v19 =	vld [tilespmem:s23+$0x12120]  }
0x198: {  	v20 =	vld [tilespmem:s23+$0x12130]  }
0x199: {  	v21 =	vld [tilespmem:s23+$0x12140]  }
0x19a: {  	v22 =	vld [tilespmem:s23+$0x12150]  }
0x19b: {  	v23 =	vld [tilespmem:s23+$0x12160]  }
0x19c: {  	v24 =	vld [tilespmem:s23+$0x12170]  }
0x19d: {  	v25 =	vld [tilespmem:s23+$0x12180]  }
0x19e: {  	v26 =	vld [tilespmem:s23+$0x12190]  }
0x19f: {  	v27 =	vld [tilespmem:s23+$0x121A0]  }
0x1a0: {  	v28 =	vld [tilespmem:s23+$0x121B0]  }
0x1a1: {  	v29 =	vld [tilespmem:s23+$0x121C0]  }
0x1a2: {  	v30 =	vld [tilespmem:s23+$0x121D0]  }
0x1a3: {  	v31 =	vld [tilespmem:s23+$0x121E0]  }
0x1a4: {  	v32 =	vld [tilespmem:s23+$0x121F0];
	s23 =	simm.s32 $0x0  }
0x1a5: {  	v63 =	vld [tilespmem:s23+$0xE000];
	_ =	sdelay $0x4  }
0x1a6: {  	[tilespmem:$0x1FE00] =	vst v63;
	v63 =	vld [tilespmem:s23+$0xE010]  }
0x1a7: {  	v60 =	vld [tilespmem:s23+$0xA0F0]  }
0x1a8: {  	v34 =	vld [tilespmem:s23+$0xC0F0]  }
0x1a9: {  	v35 =	vld [tilespmem:s23+$0xA000]  }
0x1aa: {  	v36 =	vld [tilespmem:s23+$0xE0F0]  }
0x1ab: {  	[tilespmem:$0x1FE10] =	vst v63;
	v63 =	vld [tilespmem:s23+$0xE020]  }
0x1ac: {  	v37 =	vld [tilespmem:s23+$0xC000]  }
0x1ad: {  	v38 =	vld [tilespmem:s23+$0x100F0]  }
0x1ae: {  	v39 =	vld [tilespmem:s23+$0xA010]  }
0x1af: {  	v40 =	vld [tilespmem:s23+$0xC010]  }
0x1b0: {  	[tilespmem:$0x1FE20] =	vst v63;
	v63 =	vld [tilespmem:s23+$0xE030]  }
0x1b1: {  	v41 =	vld [tilespmem:s23+$0xA020]  }
0x1b2: {  	v42 =	vld [tilespmem:s23+$0xA030]  }
0x1b3: {  	v43 =	vld [tilespmem:s23+$0xA040]  }
0x1b4: {  	v44 =	vld [tilespmem:s23+$0xC050]  }
0x1b5: {  	[tilespmem:$0x1FE30] =	vst v63;
	v63 =	vld [tilespmem:s23+$0xE040]  }
0x1b6: {  	v45 =	vld [tilespmem:s23+$0xA060]  }
0x1b7: {  	v46 =	vld [tilespmem:s23+$0xC060]  }
0x1b8: {  	v47 =	vld [tilespmem:s23+$0xA070]  }
0x1b9: {  	v48 =	vld [tilespmem:s23+$0xC070]  }
0x1ba: {  	[tilespmem:$0x1FE60] =	vst v63;
	v63 =	vld [tilespmem:s23+$0xE050]  }
0x1bb: {  	v49 =	vld [tilespmem:s23+$0xA080]  }
0x1bc: {  	v50 =	vld [tilespmem:s23+$0xC080]  }
0x1bd: {  	v51 =	vld [tilespmem:s23+$0xA090]  }
0x1be: {  	v52 =	vld [tilespmem:s23+$0xC090]  }
0x1bf: {  	[tilespmem:$0x1FE70] =	vst v63;
	v63 =	vld [tilespmem:s23+$0xE060]  }
0x1c0: {  	v53 =	vld [tilespmem:s23+$0xA0A0]  }
0x1c1: {  	v54 =	vld [tilespmem:s23+$0xC0A0]  }
0x1c2: {  	v55 =	vld [tilespmem:s23+$0xA0B0]  }
0x1c3: {  	v56 =	vld [tilespmem:s23+$0xC0B0]  }
0x1c4: {  	[tilespmem:$0x1FE80] =	vst v63;
	v63 =	vld [tilespmem:s23+$0xE070]  }
0x1c5: {  	v57 =	vld [tilespmem:s23+$0xA0C0];
	v33 =	vmul.f32 v60, v8;
	v34 =	vmul.f32 v34, v16  }
0x1c6: {  	v58 =	vld [tilespmem:s23+$0xC0C0]  }
0x1c7: {  	v59 =	vld [tilespmem:s23+$0xA0D0];
	v61 =	vmul.f32 v36, v24;
	v33 =	vadd.f32 v34, v33  }
0x1c8: {  	v36 =	vld [tilespmem:s23+$0xC020];
	v62 =	vmul.f32 v38, v32  }
0x1c9: {  	v35 =	vmul.f32 v35, v1;
	v37 =	vmul.f32 v37, v9;
	v33 =	vadd.f32 v61, v33;
	[tilespmem:$0x1FE90] =	vst v63;
	v63 =	vld [tilespmem:s23+$0xE080]  }
0x1ca: {  	v38 =	vld [tilespmem:s23+$0xC030];
	v39 =	vmul.f32 v39, v2;
	v40 =	vmul.f32 v40, v10  }
0x1cb: {  	v34 =	vld [tilespmem:s23+$0xC040];
	v35 =	vadd.f32 v37, v35;
	v33 =	vadd.f32 v62, v33  }
0x1cc: {  	v37 =	vmul.f32 v41, v3;
	v41 =	vadd.f32 v40, v39;
	v40 =	vmul.f32 v42, v4;
	v42 =	vld [tilespmem:s23+$0xE090]  }
0x1cd: {  	[tilespmem:s23+$0x160F0] =	vst.add.f32.msk $0xffff, v33  }
0x1ce: {  	[tilespmem:$0x1FEA0] =	vst v63;
	v63 =	vmul.f32 v43, v5;
	v43 =	vld [tilespmem:s23+$0xE0A0]  }
0x1cf: {  	v33 =	vld [tilespmem:s23+$0xA050]  }
0x1d0: {  	v60 =	vld [tilespmem:s23+$0xC0D0];
	v38 =	vmul.f32 v38, v12  }
0x1d1: {  	v61 =	vld [tilespmem:s23+$0xA0E0]  }
0x1d2: {  	[tilespmem:$0x1FEB0] =	vst v42;
	v34 =	vmul.f32 v34, v13;
	v42 =	vadd.f32 v38, v40;
	v40 =	vmul.f32 v44, v14;
	v44 =	vld [tilespmem:s23+$0xE0B0]  }
0x1d3: {  	v36 =	vmul.f32 v36, v11;
	[tilespmem:$0x1FEC0] =	vst v43;
	v43 =	vmul.f32 v48, v16;
	v48 =	vld [tilespmem:s23+$0xE0D0]  }
0x1d4: {  	[tilespmem:$0x1FE40] =	vst v35;
	v35 =	vmul.f32 v52, v10;
	v33 =	vmul.f32 v33, v6;
	v39 =	vadd.f32 v34, v63;
	v63 =	vld [tilespmem:s23+$0xE0C0]  }
0x1d5: {  	[tilespmem:$0x1FE50] =	vst v41;
	v41 =	vmul.f32 v56, v12;
	v62 =	vld [tilespmem:s23+$0xC0E0];
	v36 =	vadd.f32 v36, v37;
	v38 =	vmul.f32 v47, v8  }
0x1d6: {  	v52 =	vld [tilespmem:s23+$0x10000];
	v37 =	vmul.f32 v45, v7;
	v45 =	vmul.f32 v46, v15;
	v46 =	vadd.f32 v40, v33  }
0x1d7: {  	v56 =	vld [tilespmem:s23+$0x10020];
	[tilespmem:$0x1FED0] =	vst v44;
	v33 =	vmul.f32 v50, v9;
	v40 =	vmul.f32 v55, v4;
	v44 =	vadd.f32 v43, v38  }
0x1d8: {  	v50 =	vld [tilespmem:s23+$0xE0E0];
	v38 =	vmul.f32 v54, v11;
	[tilespmem:$0x1FEF0] =	vst v48;
	v48 =	vadd.f32 v45, v37;
	v37 =	vmul.f32 v53, v3  }
0x1d9: {  	v34 =	vmul.f32 v51, v2;
	v51 =	vadd.f32 v41, v40;
	v41 =	vld [tilespmem:$0x1FE00];
	[tilespmem:$0x1FEE0] =	vst v63;
	v63 =	vmul.f32 v49, v1  }
0x1da: {  	v40 =	vld [tilespmem:$0x1FE50];
	v49 =	vadd.f32 v38, v37;
	v37 =	vmul.f32 v61, v7;
	v38 =	vmul.f32 v62, v15  }
0x1db: {  	v47 =	vadd.f32 v35, v34;
	v35 =	vmul.f32 v60, v14;
	v60 =	vld [tilespmem:s23+$0x10040]  }
0x1dc: {  	v43 =	vmul.f32 v57, v5;
	v57 =	vadd.f32 v38, v37;
	v38 =	vld [tilespmem:$0x1FE40]  }
0x1dd: {  	v34 =	vmul.f32 v59, v6;
	v54 =	vld [tilespmem:s23+$0x10010]  }
0x1de: {  	v59 =	vmul.f32 v41, v17;
	v41 =	vld [tilespmem:s23+$0x10060];
	v45 =	vadd.f32 v33, v63;
	v33 =	vmul.f32 v58, v13  }
0x1df: {  	v37 =	vld [tilespmem:$0x1FE30]  }
0x1e0: {  	v53 =	vadd.f32 v33, v43;
	v43 =	vld [tilespmem:$0x1FE10]  }
0x1e1: {  	v59 =	vadd.f32 v59, v38;
	v38 =	vld [tilespmem:$0x1FE70]  }
0x1e2: {  	v61 =	vld [tilespmem:$0x1FE20]  }
0x1e3: {  	v58 =	vld [tilespmem:s23+$0x10030]  }
0x1e4: {  	v55 =	vadd.f32 v35, v34;
	v62 =	vld [tilespmem:s23+$0x10050];
	v34 =	vmul.f32 v37, v20  }
0x1e5: {  	v63 =	vmul.f32 v43, v18;
	v37 =	vld [tilespmem:$0x1FE60]  }
0x1e6: {  	v43 =	vld [tilespmem:s23+$0x10070];
	v34 =	vadd.f32 v34, v42;
	v42 =	vmul.f32 v38, v22  }
0x1e7: {  	v61 =	vmul.f32 v61, v19;
	v63 =	vadd.f32 v63, v40;
	v40 =	vld [tilespmem:$0x1FE90]  }
0x1e8: {  	v58 =	vmul.f32 v58, v28;
	v42 =	vadd.f32 v42, v46;
	v46 =	vld [tilespmem:$0x1FEA0]  }
0x1e9: {  	v61 =	vadd.f32 v61, v36;
	v36 =	vld [tilespmem:s23+$0x10090]  }
0x1ea: {  	v34 =	vadd.f32 v58, v34;
	v33 =	vmul.f32 v37, v21;
	v37 =	vld [tilespmem:s23+$0x10080]  }
0x1eb: {  	v38 =	vld [tilespmem:s23+$0x100A0]  }
0x1ec: {  	[tilespmem:s23+$0x16030] =	vst.add.f32.msk $0xffff, v34;
	v35 =	vadd.f32 v33, v39;
	v33 =	vmul.f32 v40, v24  }
0x1ed: {  	v52 =	vmul.f32 v52, v25;
	v39 =	vld [tilespmem:$0x1FE80];
	v46 =	vmul.f32 v46, v17  }
0x1ee: {  	v60 =	vmul.f32 v60, v29;
	v40 =	vld [tilespmem:s23+$0x100B0];
	v33 =	vadd.f32 v33, v44;
	v44 =	vmul.f32 v54, v26  }
0x1ef: {  	v54 =	vld [tilespmem:s23+$0x100D0];
	v45 =	vadd.f32 v46, v45;
	v46 =	vadd.f32 v52, v59;
	v52 =	vmul.f32 v56, v27  }
0x1f0: {  	v35 =	vadd.f32 v60, v35;
	v44 =	vadd.f32 v44, v63;
	v63 =	vld [tilespmem:$0x1FEB0]  }
0x1f1: {  	v52 =	vadd.f32 v52, v61;
	v61 =	vld [tilespmem:$0x1FEC0]  }
0x1f2: {  	[tilespmem:s23+$0x16040] =	vst.add.f32.msk $0xffff, v35  }
0x1f3: {  	[tilespmem:s23+$0x16010] =	vst.add.f32.msk $0xffff, v44  }
0x1f4: {  	v44 =	vld [tilespmem:$0x1FED0]  }
0x1f5: {  	v43 =	vmul.f32 v43, v32;
	[tilespmem:s23+$0x16000] =	vst.add.f32.msk $0xffff, v46  }
0x1f6: {  	v39 =	vmul.f32 v39, v23;
	[tilespmem:s23+$0x16020] =	vst.add.f32.msk $0xffff, v52;
	v46 =	vmul.f32 v61, v19  }
0x1f7: {  	v41 =	vmul.f32 v41, v31;
	v58 =	vmul.f32 v50, v23;
	v33 =	vadd.f32 v43, v33;
	v52 =	vld [tilespmem:$0x1FEF0]  }
0x1f8: {  	v37 =	vmul.f32 v37, v25;
	v39 =	vadd.f32 v39, v48;
	v46 =	vadd.f32 v46, v49;
	v49 =	vld [tilespmem:$0x1FEE0]  }
0x1f9: {  	[tilespmem:s23+$0x16070] =	vst.add.f32.msk $0xffff, v33;
	v56 =	vmul.f32 v63, v18;
	v34 =	vmul.f32 v44, v20  }
0x1fa: {  	v48 =	vld [tilespmem:s23+$0x100C0];
	v63 =	vmul.f32 v62, v30;
	v39 =	vadd.f32 v41, v39;
	v37 =	vadd.f32 v37, v45  }
0x1fb: {  	v59 =	vld [tilespmem:s23+$0x100E0];
	v47 =	vadd.f32 v56, v47;
	v34 =	vadd.f32 v34, v51;
	v51 =	vmul.f32 v36, v26  }
0x1fc: {  	v40 =	vmul.f32 v40, v28;
	v42 =	vadd.f32 v63, v42;
	[tilespmem:s23+$0x16060] =	vst.add.f32.msk $0xffff, v39;
	v36 =	vmul.f32 v52, v22  }
0x1fd: {  	v38 =	vmul.f32 v38, v27;
	[tilespmem:s23+$0x16080] =	vst.add.f32.msk $0xffff, v37;
	v35 =	vadd.f32 v51, v47;
	v41 =	vmul.f32 v49, v21  }
0x1fe: {  	[tilespmem:s23+$0x16050] =	vst.add.f32.msk $0xffff, v42;
	v61 =	vmul.f32 v54, v30;
	v34 =	vadd.f32 v40, v34;
	v36 =	vadd.f32 v36, v55  }
0x1ff: {  	v60 =	vmul.f32 v48, v29;
	[tilespmem:s23+$0x16090] =	vst.add.f32.msk $0xffff, v35;
	v38 =	vadd.f32 v38, v46;
	v56 =	vadd.f32 v41, v53  }
0x200: {  	v33 =	vadd.f32 v58, v57;
	v63 =	vmul.f32 v59, v31;
	[tilespmem:s23+$0x160B0] =	vst.add.f32.msk $0xffff, v34;
	v36 =	vadd.f32 v61, v36  }
0x201: {  	[tilespmem:s23+$0x160A0] =	vst.add.f32.msk $0xffff, v38;
	v62 =	vadd.f32 v60, v56  }
0x202: {  	v33 =	vadd.f32 v63, v33;
	[tilespmem:s23+$0x160D0] =	vst.add.f32.msk $0xffff, v36  }
0x203: {  	s24 =	simm.s32 $0x0;
	s25 =	simm.s32 $0x400;
	[tilespmem:s23+$0x160C0] =	vst.add.f32.msk $0xffff, v62  }
.LBB2_8:
0x204: {  	[tilespmem:s23+$0x160E0] =	vst.add.f32.msk $0xffff, v33;
	s23 =	sshra.s32 s25, $0x2  }
0x205: {  	s24 =	sadd.s32 $0x2, s24;
	v33 =	vld [tilespmem:s23+$0xA0F0]  }
0x206: {  	p1 =	slt.u32 s24, $0x3E;
	v34 =	vld [tilespmem:s23+$0xC0F0]  }
0x207: {  	v35 =	vld [tilespmem:s23+$0xA000]  }
0x208: {  	v36 =	vld [tilespmem:s23+$0xE0F0]  }
0x209: {  	v37 =	vld [tilespmem:s23+$0xC000]  }
0x20a: {  	v38 =	vld [tilespmem:s23+$0x100F0]  }
0x20b: {  	v33 =	vmul.f32 v33, v8;
	v39 =	vld [tilespmem:s23+$0xA010];
	v34 =	vmul.f32 v34, v16  }
0x20c: {  	v35 =	vmul.f32 v35, v1;
	v40 =	vld [tilespmem:s23+$0xC010]  }
0x20d: {  	v41 =	vld [tilespmem:s23+$0xA020];
	v33 =	vadd.f32 v34, v33;
	v34 =	vmul.f32 v36, v24  }
0x20e: {  	v36 =	vmul.f32 v37, v9;
	v37 =	vld [tilespmem:s23+$0xC020]  }
0x20f: {  	v42 =	vld [tilespmem:s23+$0xA030];
	v33 =	vadd.f32 v34, v33;
	v34 =	vmul.f32 v38, v32  }
0x210: {  	v35 =	vadd.f32 v36, v35;
	v36 =	vmul.f32 v39, v2;
	v38 =	vld [tilespmem:s23+$0xC030]  }
0x211: {  	v39 =	vmul.f32 v40, v10;
	v40 =	vld [tilespmem:s23+$0xA040];
	v33 =	vadd.f32 v34, v33  }
0x212: {  	v34 =	vmul.f32 v41, v3;
	v41 =	vld [tilespmem:s23+$0xC040]  }
0x213: {  	v36 =	vadd.f32 v39, v36;
	v37 =	vmul.f32 v37, v11;
	[tilespmem:s23+$0x160F0] =	vst.add.f32.msk $0xffff, v33  }
0x214: {  	v33 =	vmul.f32 v42, v4;
	v39 =	vld [tilespmem:s23+$0xA050]  }
0x215: {  	v34 =	vadd.f32 v37, v34;
	v37 =	vmul.f32 v38, v12;
	v38 =	vld [tilespmem:s23+$0xC050]  }
0x216: {  	v40 =	vmul.f32 v40, v5;
	v42 =	vld [tilespmem:s23+$0xA060]  }
0x217: {  	v33 =	vadd.f32 v37, v33;
	v37 =	vmul.f32 v41, v13;
	v41 =	vld [tilespmem:s23+$0xC060]  }
0x218: {  	v43 =	vld [tilespmem:s23+$0xA070]  }
0x219: {  	v37 =	vadd.f32 v37, v40;
	v39 =	vmul.f32 v39, v6;
	v40 =	vld [tilespmem:s23+$0xC070]  }
0x21a: {  	v38 =	vmul.f32 v38, v14;
	v44 =	vld [tilespmem:s23+$0xA080]  }
0x21b: {  	v42 =	vmul.f32 v42, v7;
	v45 =	vld [tilespmem:s23+$0xC080]  }
0x21c: {  	v38 =	vadd.f32 v38, v39;
	v39 =	vmul.f32 v41, v15;
	v41 =	vld [tilespmem:s23+$0xA090]  }
0x21d: {  	v43 =	vmul.f32 v43, v8;
	v46 =	vld [tilespmem:s23+$0xC090]  }
0x21e: {  	v39 =	vadd.f32 v39, v42;
	v40 =	vmul.f32 v40, v16;
	v42 =	vld [tilespmem:s23+$0xA0A0]  }
0x21f: {  	v44 =	vmul.f32 v44, v1;
	v47 =	vld [tilespmem:s23+$0xC0A0]  }
0x220: {  	v40 =	vadd.f32 v40, v43;
	v43 =	vmul.f32 v45, v9;
	v45 =	vld [tilespmem:s23+$0xA0B0]  }
0x221: {  	v41 =	vmul.f32 v41, v2;
	v48 =	vld [tilespmem:s23+$0xC0B0]  }
0x222: {  	v43 =	vadd.f32 v43, v44;
	v44 =	vmul.f32 v46, v10;
	v46 =	vld [tilespmem:s23+$0xA0C0]  }
0x223: {  	v42 =	vmul.f32 v42, v3;
	v49 =	vld [tilespmem:s23+$0xC0C0]  }
0x224: {  	v41 =	vadd.f32 v44, v41;
	v44 =	vmul.f32 v47, v11;
	v47 =	vld [tilespmem:s23+$0xA0D0]  }
0x225: {  	v45 =	vmul.f32 v45, v4;
	v50 =	vld [tilespmem:s23+$0xC0D0]  }
0x226: {  	v42 =	vadd.f32 v44, v42;
	v44 =	vmul.f32 v48, v12;
	v48 =	vld [tilespmem:s23+$0xA0E0]  }
0x227: {  	v46 =	vmul.f32 v46, v5;
	v51 =	vld [tilespmem:s23+$0xC0E0]  }
0x228: {  	v52 =	vld [tilespmem:s23+$0xE000];
	v44 =	vadd.f32 v44, v45;
	v45 =	vmul.f32 v49, v13  }
0x229: {  	v49 =	vld [tilespmem:s23+$0xE010];
	v47 =	vmul.f32 v47, v6  }
0x22a: {  	v53 =	vld [tilespmem:s23+$0xE020];
	v45 =	vadd.f32 v45, v46;
	v46 =	vmul.f32 v50, v14  }
0x22b: {  	v50 =	vld [tilespmem:s23+$0xE030];
	v48 =	vmul.f32 v48, v7  }
0x22c: {  	v54 =	vld [tilespmem:s23+$0xE040];
	v46 =	vadd.f32 v46, v47;
	v47 =	vmul.f32 v51, v15  }
0x22d: {  	v51 =	vmul.f32 v52, v17;
	v52 =	vld [tilespmem:s23+$0xE050]  }
0x22e: {  	v49 =	vmul.f32 v49, v18;
	v55 =	vld [tilespmem:s23+$0xE060];
	v47 =	vadd.f32 v47, v48  }
0x22f: {  	v35 =	vadd.f32 v51, v35;
	v48 =	vmul.f32 v53, v19;
	v51 =	vld [tilespmem:s23+$0xE070]  }
0x230: {  	v36 =	vadd.f32 v49, v36;
	v49 =	vmul.f32 v50, v20;
	v50 =	vld [tilespmem:s23+$0xE080]  }
0x231: {  	v34 =	vadd.f32 v48, v34;
	v48 =	vmul.f32 v54, v21;
	v53 =	vld [tilespmem:s23+$0xE090]  }
0x232: {  	v33 =	vadd.f32 v49, v33;
	v49 =	vmul.f32 v52, v22;
	v52 =	vld [tilespmem:s23+$0xE0A0]  }
0x233: {  	v37 =	vadd.f32 v48, v37;
	v48 =	vmul.f32 v55, v23;
	v54 =	vld [tilespmem:s23+$0xE0B0]  }
0x234: {  	v38 =	vadd.f32 v49, v38;
	v49 =	vmul.f32 v51, v24;
	v51 =	vld [tilespmem:s23+$0xE0C0]  }
0x235: {  	v39 =	vadd.f32 v48, v39;
	v48 =	vmul.f32 v50, v17;
	v50 =	vld [tilespmem:s23+$0xE0D0]  }
0x236: {  	v40 =	vadd.f32 v49, v40;
	v49 =	vmul.f32 v53, v18;
	v53 =	vld [tilespmem:s23+$0xE0E0]  }
0x237: {  	v55 =	vld [tilespmem:s23+$0x10000];
	v43 =	vadd.f32 v48, v43;
	v48 =	vmul.f32 v52, v19  }
0x238: {  	v52 =	vld [tilespmem:s23+$0x10010];
	v41 =	vadd.f32 v49, v41;
	v49 =	vmul.f32 v54, v20  }
0x239: {  	v54 =	vld [tilespmem:s23+$0x10020];
	v42 =	vadd.f32 v48, v42;
	v48 =	vmul.f32 v51, v21  }
0x23a: {  	v51 =	vld [tilespmem:s23+$0x10030];
	v44 =	vadd.f32 v49, v44;
	v49 =	vmul.f32 v50, v22  }
0x23b: {  	v50 =	vld [tilespmem:s23+$0x10040];
	v45 =	vadd.f32 v48, v45;
	v48 =	vmul.f32 v53, v23  }
0x23c: {  	v53 =	vmul.f32 v55, v25;
	v55 =	vld [tilespmem:s23+$0x10050];
	v46 =	vadd.f32 v49, v46  }
0x23d: {  	v49 =	vmul.f32 v52, v26;
	v52 =	vld [tilespmem:s23+$0x10060];
	v47 =	vadd.f32 v48, v47  }
0x23e: {  	v35 =	vadd.f32 v53, v35;
	v48 =	vmul.f32 v54, v27;
	v53 =	vld [tilespmem:s23+$0x10070]  }
0x23f: {  	v36 =	vadd.f32 v49, v36;
	v49 =	vmul.f32 v51, v28;
	v51 =	vld [tilespmem:s23+$0x10080]  }
0x240: {  	v34 =	vadd.f32 v48, v34;
	v48 =	vmul.f32 v50, v29;
	v50 =	vld [tilespmem:s23+$0x10090]  }
0x241: {  	v33 =	vadd.f32 v49, v33;
	v49 =	vmul.f32 v55, v30;
	v54 =	vld [tilespmem:s23+$0x100A0]  }
0x242: {  	v37 =	vadd.f32 v48, v37;
	v48 =	vmul.f32 v52, v31;
	v52 =	vld [tilespmem:s23+$0x100B0]  }
0x243: {  	v38 =	vadd.f32 v49, v38;
	v49 =	vmul.f32 v53, v32;
	v53 =	vld [tilespmem:s23+$0x100C0]  }
0x244: {  	v39 =	vadd.f32 v48, v39;
	v48 =	vmul.f32 v51, v25;
	v51 =	vld [tilespmem:s23+$0x100D0]  }
0x245: {  	v40 =	vadd.f32 v49, v40;
	v49 =	vmul.f32 v50, v26;
	v50 =	vld [tilespmem:s23+$0x100E0]  }
0x246: {  	[tilespmem:s23+$0x16000] =	vst.add.f32.msk $0xffff, v35;
	v35 =	vadd.f32 v48, v43;
	v43 =	vmul.f32 v54, v27  }
0x247: {  	[tilespmem:s23+$0x16010] =	vst.add.f32.msk $0xffff, v36;
	v36 =	vadd.f32 v49, v41;
	v41 =	vmul.f32 v52, v28  }
0x248: {  	[tilespmem:s23+$0x16020] =	vst.add.f32.msk $0xffff, v34;
	v34 =	vadd.f32 v43, v42;
	v42 =	vmul.f32 v53, v29  }
0x249: {  	[tilespmem:s23+$0x16030] =	vst.add.f32.msk $0xffff, v33;
	v41 =	vadd.f32 v41, v44;
	v33 =	vmul.f32 v51, v30  }
0x24a: {  	[tilespmem:s23+$0x16040] =	vst.add.f32.msk $0xffff, v37;
	v37 =	vadd.f32 v42, v45;
	v42 =	vmul.f32 v50, v31  }
0x24b: {  	[tilespmem:s23+$0x16050] =	vst.add.f32.msk $0xffff, v38;
	v38 =	vadd.f32 v33, v46  }
0x24c: {  	[tilespmem:s23+$0x16060] =	vst.add.f32.msk $0xffff, v39;
	v33 =	vadd.f32 v42, v47  }
0x24d: {  	[tilespmem:s23+$0x16070] =	vst.add.f32.msk $0xffff, v40  }
0x24e: {  	[tilespmem:s23+$0x16080] =	vst.add.f32.msk $0xffff, v35  }
.Ltmp2:
0x24f: {  	[tilespmem:s23+$0x16090] =	vst.add.f32.msk $0xffff, v36;
	(pc) =	sbr.rel @p1 .LBB2_8-.Ltmp2, $4  }
0x250: {  	[tilespmem:s23+$0x160A0] =	vst.add.f32.msk $0xffff, v34  }
0x251: {  	[tilespmem:s23+$0x160B0] =	vst.add.f32.msk $0xffff, v41  }
0x252: {  	[tilespmem:s23+$0x160C0] =	vst.add.f32.msk $0xffff, v37  }
0x253: {  	s25 =	sadd.s32 $0x400, s25;
	[tilespmem:s23+$0x160D0] =	vst.add.f32.msk $0xffff, v38  }
0x254: {  	s22 =	sadd.s32 $0x1, s22  }
0x255: {  	p1 =	sne.s32 s22, $0x10  }
.Ltmp3:
0x256: {  	_ = 	snop;
	(pc) =	sbr.rel @p1 .LBB2_5-.Ltmp3, $2  }
0x257: {  	_ =	sdelay $0x2  }
0x258: {  	[tilespmem:s23+$0x160E0] =	vst.add.f32.msk $0xffff, v33  }
0x259: {  	s21 =	sshll.u32 s21, $0xA  }
0x25a: {  	s21 =	sadd.s32 s21, s7  }
0x25b: {  	[hbm4b:s21+s3] =	stream.linear.scatter [tilespmem:s18], [sflag:$0x3], $0x2000, $0x38;
	[tilespmem:$0x18000] =	vst v63  }
0x25c: {  	_ =	swait.ge [sflag:s10], $0x2000  }
0x25d: {  	[sflag:s10] =	ssyncset.done $0x0  }
0x25e: {  	s21 =	simm.s32 $0x16200;
	[sflag:s10] =	ssyncadd.s32 $0xFFFFE000  }
0x25f: {  	[tilespmem:s21+$0xFFFFFE00] =	vst v0  }
0x260: {  	[tilespmem:s21+$0x1F0] =	vst v0  }
0x261: {  	[tilespmem:s21+$0x1E0] =	vst v0  }
0x262: {  	[tilespmem:s21+$0x1D0] =	vst v0  }
0x263: {  	[tilespmem:s21+$0x1C0] =	vst v0  }
0x264: {  	[tilespmem:s21+$0x1B0] =	vst v0  }
0x265: {  	[tilespmem:s21+$0x1A0] =	vst v0  }
0x266: {  	[tilespmem:s21+$0x190] =	vst v0  }
0x267: {  	[tilespmem:s21+$0x180] =	vst v0  }
0x268: {  	[tilespmem:s21+$0x170] =	vst v0  }
0x269: {  	[tilespmem:s21+$0x160] =	vst v0  }
0x26a: {  	[tilespmem:s21+$0x150] =	vst v0  }
0x26b: {  	[tilespmem:s21+$0x140] =	vst v0  }
0x26c: {  	[tilespmem:s21+$0x130] =	vst v0  }
0x26d: {  	[tilespmem:s21+$0x120] =	vst v0  }
0x26e: {  	[tilespmem:s21+$0x110] =	vst v0  }
0x26f: {  	[tilespmem:s21+$0x100] =	vst v0  }
0x270: {  	[tilespmem:s21+$0xF0] =	vst v0  }
0x271: {  	[tilespmem:s21+$0xE0] =	vst v0  }
0x272: {  	[tilespmem:s21+$0xD0] =	vst v0  }
0x273: {  	[tilespmem:s21+$0xC0] =	vst v0  }
0x274: {  	[tilespmem:s21+$0xB0] =	vst v0  }
0x275: {  	[tilespmem:s21+$0xA0] =	vst v0  }
0x276: {  	[tilespmem:s21+$0x90] =	vst v0  }
0x277: {  	[tilespmem:s21+$0x80] =	vst v0  }
0x278: {  	[tilespmem:s21+$0x70] =	vst v0  }
0x279: {  	[tilespmem:s21+$0x60] =	vst v0  }
0x27a: {  	[tilespmem:s21+$0x50] =	vst v0  }
0x27b: {  	[tilespmem:s21+$0x40] =	vst v0  }
0x27c: {  	[tilespmem:s21+$0x30] =	vst v0  }
0x27d: {  	[tilespmem:s21+$0x20] =	vst v0  }
0x27e: {  	[tilespmem:s21+$0x10] =	vst v0  }
0x27f: {  	[tilespmem:s21+$0x0] =	vst v0  }
0x280: {  	[tilespmem:s21+$0xFFFFFFF0] =	vst v0  }
0x281: {  	[tilespmem:s21+$0xFFFFFFE0] =	vst v0  }
0x282: {  	[tilespmem:s21+$0xFFFFFFD0] =	vst v0  }
0x283: {  	[tilespmem:s21+$0xFFFFFFC0] =	vst v0  }
0x284: {  	[tilespmem:s21+$0xFFFFFFB0] =	vst v0  }
0x285: {  	[tilespmem:s21+$0xFFFFFFA0] =	vst v0  }
0x286: {  	[tilespmem:s21+$0xFFFFFF90] =	vst v0  }
0x287: {  	[tilespmem:s21+$0xFFFFFF80] =	vst v0  }
0x288: {  	[tilespmem:s21+$0xFFFFFF70] =	vst v0  }
0x289: {  	[tilespmem:s21+$0xFFFFFF60] =	vst v0  }
0x28a: {  	[tilespmem:s21+$0xFFFFFF50] =	vst v0  }
0x28b: {  	[tilespmem:s21+$0xFFFFFF40] =	vst v0  }
0x28c: {  	[tilespmem:s21+$0xFFFFFF30] =	vst v0  }
0x28d: {  	[tilespmem:s21+$0xFFFFFF20] =	vst v0  }
0x28e: {  	[tilespmem:s21+$0xFFFFFF10] =	vst v0  }
0x28f: {  	[tilespmem:s21+$0xFFFFFF00] =	vst v0  }
0x290: {  	[tilespmem:s21+$0xFFFFFEF0] =	vst v0  }
0x291: {  	[tilespmem:s21+$0xFFFFFEE0] =	vst v0  }
0x292: {  	[tilespmem:s21+$0xFFFFFED0] =	vst v0  }
0x293: {  	[tilespmem:s21+$0xFFFFFEC0] =	vst v0  }
0x294: {  	[tilespmem:s21+$0xFFFFFEB0] =	vst v0  }
0x295: {  	[tilespmem:s21+$0xFFFFFEA0] =	vst v0  }
0x296: {  	[tilespmem:s21+$0xFFFFFE90] =	vst v0  }
0x297: {  	[tilespmem:s21+$0xFFFFFE80] =	vst v0  }
0x298: {  	[tilespmem:s21+$0xFFFFFE70] =	vst v0  }
0x299: {  	[tilespmem:s21+$0xFFFFFE60] =	vst v0  }
0x29a: {  	[tilespmem:s21+$0xFFFFFE50] =	vst v0  }
0x29b: {  	[tilespmem:s21+$0xFFFFFE40] =	vst v0  }
0x29c: {  	[tilespmem:s21+$0xFFFFFE30] =	vst v0  }
0x29d: {  	s22 =	simm.s32 $0x0;
	[tilespmem:s21+$0xFFFFFE20] =	vst v0  }
.LBB2_11:
0x29e: {  	s22 =	sadd.s32 $0x8, s22;
	[tilespmem:s21+$0xFFFFFE10] =	vst v0;
	s21 =	sadd.s32 $0x400, s21  }
0x29f: {  	[tilespmem:s21+$0xFFFFFE00] =	vst v0;
	p1 =	slt.u32 s22, $0x38  }
0x2a0: {  	[tilespmem:s21+$0x1F0] =	vst v0  }
0x2a1: {  	[tilespmem:s21+$0x1E0] =	vst v0  }
0x2a2: {  	[tilespmem:s21+$0x1D0] =	vst v0  }
0x2a3: {  	[tilespmem:s21+$0x1C0] =	vst v0  }
0x2a4: {  	[tilespmem:s21+$0x1B0] =	vst v0  }
0x2a5: {  	[tilespmem:s21+$0x1A0] =	vst v0  }
0x2a6: {  	[tilespmem:s21+$0x190] =	vst v0  }
0x2a7: {  	[tilespmem:s21+$0x180] =	vst v0  }
0x2a8: {  	[tilespmem:s21+$0x170] =	vst v0  }
0x2a9: {  	[tilespmem:s21+$0x160] =	vst v0  }
0x2aa: {  	[tilespmem:s21+$0x150] =	vst v0  }
0x2ab: {  	[tilespmem:s21+$0x140] =	vst v0  }
0x2ac: {  	[tilespmem:s21+$0x130] =	vst v0  }
0x2ad: {  	[tilespmem:s21+$0x120] =	vst v0  }
0x2ae: {  	[tilespmem:s21+$0x110] =	vst v0  }
0x2af: {  	[tilespmem:s21+$0x100] =	vst v0  }
0x2b0: {  	[tilespmem:s21+$0xF0] =	vst v0  }
0x2b1: {  	[tilespmem:s21+$0xE0] =	vst v0  }
0x2b2: {  	[tilespmem:s21+$0xD0] =	vst v0  }
0x2b3: {  	[tilespmem:s21+$0xC0] =	vst v0  }
0x2b4: {  	[tilespmem:s21+$0xB0] =	vst v0  }
0x2b5: {  	[tilespmem:s21+$0xA0] =	vst v0  }
0x2b6: {  	[tilespmem:s21+$0x90] =	vst v0  }
0x2b7: {  	[tilespmem:s21+$0x80] =	vst v0  }
0x2b8: {  	[tilespmem:s21+$0x70] =	vst v0  }
0x2b9: {  	[tilespmem:s21+$0x60] =	vst v0  }
0x2ba: {  	[tilespmem:s21+$0x50] =	vst v0  }
0x2bb: {  	[tilespmem:s21+$0x40] =	vst v0  }
0x2bc: {  	[tilespmem:s21+$0x30] =	vst v0  }
0x2bd: {  	[tilespmem:s21+$0x20] =	vst v0  }
0x2be: {  	[tilespmem:s21+$0x10] =	vst v0  }
0x2bf: {  	[tilespmem:s21+$0x0] =	vst v0  }
0x2c0: {  	[tilespmem:s21+$0xFFFFFFF0] =	vst v0  }
0x2c1: {  	[tilespmem:s21+$0xFFFFFFE0] =	vst v0  }
0x2c2: {  	[tilespmem:s21+$0xFFFFFFD0] =	vst v0  }
0x2c3: {  	[tilespmem:s21+$0xFFFFFFC0] =	vst v0  }
0x2c4: {  	[tilespmem:s21+$0xFFFFFFB0] =	vst v0  }
0x2c5: {  	[tilespmem:s21+$0xFFFFFFA0] =	vst v0  }
0x2c6: {  	[tilespmem:s21+$0xFFFFFF90] =	vst v0  }
0x2c7: {  	[tilespmem:s21+$0xFFFFFF80] =	vst v0  }
0x2c8: {  	[tilespmem:s21+$0xFFFFFF70] =	vst v0  }
0x2c9: {  	[tilespmem:s21+$0xFFFFFF60] =	vst v0  }
0x2ca: {  	[tilespmem:s21+$0xFFFFFF50] =	vst v0  }
0x2cb: {  	[tilespmem:s21+$0xFFFFFF40] =	vst v0  }
0x2cc: {  	[tilespmem:s21+$0xFFFFFF30] =	vst v0  }
0x2cd: {  	[tilespmem:s21+$0xFFFFFF20] =	vst v0  }
0x2ce: {  	[tilespmem:s21+$0xFFFFFF10] =	vst v0  }
0x2cf: {  	[tilespmem:s21+$0xFFFFFF00] =	vst v0  }
0x2d0: {  	[tilespmem:s21+$0xFFFFFEF0] =	vst v0  }
0x2d1: {  	[tilespmem:s21+$0xFFFFFEE0] =	vst v0  }
0x2d2: {  	[tilespmem:s21+$0xFFFFFED0] =	vst v0  }
0x2d3: {  	[tilespmem:s21+$0xFFFFFEC0] =	vst v0  }
0x2d4: {  	[tilespmem:s21+$0xFFFFFEB0] =	vst v0  }
0x2d5: {  	[tilespmem:s21+$0xFFFFFEA0] =	vst v0  }
0x2d6: {  	[tilespmem:s21+$0xFFFFFE90] =	vst v0  }
0x2d7: {  	[tilespmem:s21+$0xFFFFFE80] =	vst v0  }
0x2d8: {  	[tilespmem:s21+$0xFFFFFE70] =	vst v0  }
.Ltmp4:
0x2d9: {  	[tilespmem:s21+$0xFFFFFE60] =	vst v0;
	(pc) =	sbr.rel @p1 .LBB2_11-.Ltmp4, $4  }
0x2da: {  	[tilespmem:s21+$0xFFFFFE50] =	vst v0  }
0x2db: {  	[tilespmem:s21+$0xFFFFFE40] =	vst v0  }
0x2dc: {  	[tilespmem:s21+$0xFFFFFE30] =	vst v0  }
0x2dd: {  	[tilespmem:s21+$0xFFFFFE20] =	vst v0  }
.Ltmp5:
0x2de: {  	(pc) =	sbr.rel @p0 .LBB2_4-.Ltmp5, $2  }
0x2df: {  	_ =	sdelay $0x2  }
0x2e0: {  	[tilespmem:s21+$0xFFFFFE10] =	vst v0;
	s21 =	simm.s32 $0x1;
	p1 =	por $0x0, $0x0  }
0x2e1: {  	s19 =	sadd.s32 $0x1, s19  }
0x2e2: {  	p0 =	sne.s32 s19, s8  }
.Ltmp6:
0x2e3: {  	_ = 	snop;
	(pc) =	sbr.rel @p0 .LBB2_1-.Ltmp6, $1  }
0x2e4: {  	_ =	sdelay $0x3  }
0x2e5: {  	_ =	sfence.sel $0x180000  }
0x2e6: {  	[bflag:$0x0] =	sbarrier.arrive $0xFFFF  }
0x2e7: {  	p0 =	sne.s32 s2, $0x0;
	_ =	strace $0x9000004A  }
0x2e8: {  	s0 =	sadd.s32 @!p0 $0x100000, s0;
	[bflag:$0x2] =	sbarrier.arrive $0xFFFF  }
0x2e9: {  	[sflag:s0] =	ssyncadd.tile.s32 @!p0 $0x1;
	_ =	shalt  }
.Lfunc_end2:
_tile_overlayer_lowered:
.L_overlay_start_2:
0x2ea: {  	(tag) =	ssettag $0x2  }
0x2eb: {  	s0 =	rddreg [dreg:$0x0];
	s2 =	stileid.u32  }
0x2ec: {  	s1 =	rddreg [dreg:$0x1];
	p0 =	sne.s32 s2, $0x0  }
0x2ed: {  	s3 =	rddreg [dreg:$0x2];
	[bflag:$0x3] =	sbarrier.arrive $0xFFFF;
	s2 =	simm.s32 @!p0 $0x1C03  }
0x2ee: {  	[timem:s3], [sflag:s2] =	dma.local @!p0 [hbm:s0], s1  }
0x2ef: {  	s0 =	simm.s32 @!p0 $0x3  }
0x2f0: {  	_ =	swait.ge @!p0 [sflag:s0], s1  }
0x2f1: {  	s1 =	ssub.s32 @!p0 $0x0, s1;
	[sflag:s0] =	ssyncset.done @!p0 $0x0  }
0x2f2: {  	[sflag:s0] =	ssyncadd.s32 @!p0 s1  }
0x2f3: {  	[bflag:$0x3] =	sbarrier.arrive $0xFFFF  }
0x2f4: {  	_ =	shalt  }

// kernel: kernel.7.cloned.1.call-start
scs
__scs_entry_jumppad:
0x0: {  	(pc) =	sbr.rel $0x88, $3  }
0x1: {  	(tag) =	ssettag $0x0;
	lr =	simm.s32 $0x1  }
0x2: {  	[smem:$0x3F9B] =	sst lr;
	_ =	strace $0xD0000000  }
0x3: {  	_ = 	snop  }
0x4: {  	_ = 	snop  }
0x5: {  	_ = 	snop  }
0x6: {  	_ = 	snop  }
0x7: {  	_ = 	snop  }
__scs_overlays_trampoline_lowered:
0x8: {  	[smem:$0x3FAA] =	sst s0  }
0x9: {  	[smem:$0x3FAB] =	sst s1  }
0xa: {  	[smem:$0x3FAC] =	sst s2  }
0xb: {  	[smem:$0x3FAD] =	sst s3  }
0xc: {  	[smem:$0x3FAE] =	sst s4  }
0xd: {  	[smem:$0x3FAF] =	sst s5  }
0xe: {  	[smem:$0x3FB0] =	sst s6  }
0xf: {  	[smem:$0x3FB1] =	sst s7  }
0x10: {  	[smem:$0x3FB2] =	sst s8  }
0x11: {  	[smem:$0x3FB3] =	sst s9;
	s0 =	simm.s32 @!p0 $0x0  }
0x12: {  	s1 =	sld [smem:$0x3F99];
	s0 =	simm.s32 @p0 $0x1  }
0x13: {  	[smem:$0x3FB4] =	sst s0;
	s0 =	simm.s32 @!p1 $0x0  }
0x14: {  	s2 =	sld [smem:$0x3F98];
	s0 =	simm.s32 @p1 $0x1  }
0x15: {  	[smem:$0x3FB5] =	sst s0;
	s0 =	simm.s32 @!p2 $0x0  }
0x16: {  	s3 =	sld [smem:$0x3FDB];
	s0 =	simm.s32 @p2 $0x1  }
0x17: {  	s4 =	simm.s32 $0x1BF5;
	[smem:$0x3FB7] =	sst s0  }
0x18: {  	s0 =	sld [smem:$0x3F9A];
	_ =	swait.ge [sflag:s4], $0x0  }
0x19: {  	s7 =	sld [smem:$0x3F9B]  }
0x1a: {  	s8 =	sadd.s32 $0xFFFFE003, lr  }
0x1b: {  	s9 =	sadd.s32 $0xFFFFFEF7, lr;
	s5 =	simm.s32 $0xFFFFFFFF;
	p2 =	slt.u32 s8, $0xFFFFF086  }
0x1c: {  	p1 =	slt.u32 s9, $0xF7A;
	s5 =	simm.s32 @!p2 $0x0  }
0x1d: {  	s5 =	simm.s32 @p1 $0x1;
	p0 =	seq.s32 s7, s2  }
0x1e: {  	s7 =	smul.u32 @!p0 $0xF7A, s2;
	p2 =	seq.s32 @!p0 s5, $0x0  }
0x1f: {  	s9 =	smul.u32 $0xF7A, s1;
	s8 =	simm.s32 @!p0 $0x1BF5;
	p2 =	por !p2, p0  }
0x20: {  	[sflag:s8] =	ssyncset.s32 @!p0 $0xFFFFF086;
	s6 =	sadd.s32 @!p0 s3, s7;
	s7 =	simm.s32 @!p0 $0x108  }
0x21: {  	s3 =	sadd.s32 s3, s9;
	s6 =	sadd.s32 @!p0 $0x88, s6;
	s7 =	simm.s32 @p2 $0x1082  }
0x22: {  	[simem:s7], [sflag:s8] =	dma.local @!p0 [hbm:s6], $0xF7A  }
0x23: {  	s9 =	sor.u32 $0xD0000000, s2;
	s6 =	simm.s32 $0x108;
	_ =	swait.ge @!p0 [sflag:s8], $0x0  }
0x24: {  	s3 =	sadd.s32 $0x88, s3;
	s6 =	simm.s32 @!p1 $0x1082;
	[sflag:s4] =	ssyncset.s32 $0xFFFFF086  }
0x25: {  	[simem:s6], [sflag:s4] =	dma.local [hbm:s3], $0xF7A  }
0x26: {  	[smem:$0x3F9B] =	sst s1;
	(tag) =	ssettag s2;
	_ =	strace s9  }
0x27: {  	s1 =	sld [smem:$0x3FAB]  }
0x28: {  	s2 =	sld [smem:$0x3FAC]  }
0x29: {  	s4 =	sld [smem:$0x3FAE]  }
0x2a: {  	p0 =	seq.s32 s5, $0x0;
	s5 =	sld [smem:$0x3FAF]  }
0x2b: {  	s6 =	sld [smem:$0x3FB0]  }
0x2c: {  	s7 =	sld [smem:$0x3FB1]  }
0x2d: {  	s3 =	simm.s32 $0x108;
	s8 =	sld [smem:$0x3FB2]  }
0x2e: {  	s3 =	simm.s32 @!p0 $0x1082;
	s9 =	sld [smem:$0x3FB3]  }
0x2f: {  	lr =	sadd.s32 s0, s3;
	s0 =	sld [smem:$0x3FAA]  }
0x30: {  	s3 =	sld [smem:$0x3FAD]  }
0x31: {  	[smem:$0x3FB6] =	sst s10  }
0x32: {  	s10 =	sld [smem:$0x3FB4];
	_ =	sdelay $0x3  }
0x33: {  	p0 =	seq.s32 s10, $0x1;
	s10 =	sld [smem:$0x3FB6];
	_ =	sdelay $0x3  }
0x34: {  	[smem:$0x3FB6] =	sst s10  }
0x35: {  	s10 =	sld [smem:$0x3FB5];
	_ =	sdelay $0x3  }
0x36: {  	p1 =	seq.s32 s10, $0x1;
	s10 =	sld [smem:$0x3FB6];
	_ =	sdelay $0x3  }
0x37: {  	[smem:$0x3FB6] =	sst s10  }
0x38: {  	s10 =	sld [smem:$0x3FB7]  }
0x39: {  	_ = 	snop;
	(pc) =	sbr.ind lr, $3  }
0x3a: {  	_ = 	snop  }
0x3b: {  	_ = 	snop  }
0x3c: {  	p2 =	seq.s32 s10, $0x1;
	s10 =	sld [smem:$0x3FB6]  }
0x3d: {  	_ =	shalt  }
0x3e: {  	_ =	shalt  }
0x3f: {  	_ =	shalt  }
0x40: {  	_ =	shalt  }
0x41: {  	_ =	shalt  }
0x42: {  	_ =	shalt  }
0x43: {  	_ =	shalt  }
0x44: {  	_ =	shalt  }
0x45: {  	_ =	shalt  }
0x46: {  	_ =	shalt  }
0x47: {  	_ =	shalt  }
0x48: {  	_ =	shalt  }
0x49: {  	_ =	shalt  }
0x4a: {  	_ =	shalt  }
0x4b: {  	_ =	shalt  }
0x4c: {  	_ =	shalt  }
0x4d: {  	_ =	shalt  }
0x4e: {  	_ =	shalt  }
0x4f: {  	_ =	shalt  }
0x50: {  	_ =	shalt  }
0x51: {  	_ =	shalt  }
0x52: {  	_ =	shalt  }
0x53: {  	_ =	shalt  }
0x54: {  	_ =	shalt  }
0x55: {  	_ =	shalt  }
0x56: {  	_ =	shalt  }
0x57: {  	_ =	shalt  }
0x58: {  	_ =	shalt  }
0x59: {  	_ =	shalt  }
0x5a: {  	_ =	shalt  }
0x5b: {  	_ =	shalt  }
0x5c: {  	_ =	shalt  }
0x5d: {  	_ =	shalt  }
0x5e: {  	_ =	shalt  }
0x5f: {  	_ =	shalt  }
0x60: {  	_ =	shalt  }
0x61: {  	_ =	shalt  }
0x62: {  	_ =	shalt  }
0x63: {  	_ =	shalt  }
0x64: {  	_ =	shalt  }
0x65: {  	_ =	shalt  }
0x66: {  	_ =	shalt  }
0x67: {  	_ =	shalt  }
0x68: {  	_ =	shalt  }
0x69: {  	_ =	shalt  }
0x6a: {  	_ =	shalt  }
0x6b: {  	_ =	shalt  }
0x6c: {  	_ =	shalt  }
0x6d: {  	_ =	shalt  }
0x6e: {  	_ =	shalt  }
0x6f: {  	_ =	shalt  }
0x70: {  	_ =	shalt  }
0x71: {  	_ =	shalt  }
0x72: {  	_ =	shalt  }
0x73: {  	_ =	shalt  }
0x74: {  	_ =	shalt  }
0x75: {  	_ =	shalt  }
0x76: {  	_ =	shalt  }
0x77: {  	_ =	shalt  }
0x78: {  	_ =	shalt  }
0x79: {  	_ =	shalt  }
0x7a: {  	_ =	shalt  }
0x7b: {  	_ =	shalt  }
0x7c: {  	_ =	shalt  }
0x7d: {  	_ =	shalt  }
0x7e: {  	_ =	shalt  }
0x7f: {  	_ =	shalt  }
0x80: {  	_ =	shalt  }
0x81: {  	_ =	shalt  }
0x82: {  	_ =	shalt  }
0x83: {  	_ =	shalt  }
0x84: {  	_ =	shalt  }
0x85: {  	_ =	shalt  }
0x86: {  	_ =	shalt  }
0x87: {  	_ =	shalt  }
.Lfunc_end0:
.L_simem_size_0:
called_computation_lowered:
.L_overlay_start_0:
0x88: {  	s2 =	sld [smem:$0x3FD9]  }
0x89: {  	s3 =	sld [smem:$0x3FFE];
	_ =	sdelay $0x1  }
0x8a: {  	s1 =	srdreg.scid  }
0x8b: {  	s0 =	sand.u32 $0x1, s1  }
0x8c: {  	s16 =	sshll.u32 s0, $0xA;
	s2 =	sadd.s32 s3, s2  }
0x8d: {  	s2 =	sadd.s32 s2, s16  }
0x8e: {  	[smem:$0x3FC2] =	sst s2  }
0x8f: {  	_ = 	snop  }
0x90: {  	(tm) =	ssettm $0x1  }
0x91: {  	s17 =	sld [smem:$0x3FFB];
	_ =	sdelay $0x3  }
0x92: {  	_ =	strace s17  }
0x93: {  	s2 =	sld [smem:$0x3FFC];
	_ =	sdelay $0x3  }
0x94: {  	_ =	strace s2  }
0x95: {  	s2 =	sld [smem:$0x3FFD];
	_ =	sdelay $0x3  }
0x96: {  	_ =	strace s2  }
0x97: {  	_ =	strace $0x8FFFFFFF  }
0x98: {  	s18 =	sld [smem:$0x3FDB];
	_ =	sdelay $0x1  }
0x99: {  	s19 =	simm.s32 $_scs_section_size  }
0x9a: {  	s4 =	simm.s32 $_size__tile_overlayer_lowered;
	s5 =	simm.s32 $_tile_overlayer_lowered  }
0x9b: {  	s22 =	simm.s32 $0x1BFF;
	s21 =	sshll.u32 s5, $0x1;
	s2 =	sadd.s32 s19, s18  }
0x9c: {  	s6 =	simm.s32 $0x0;
	s20 =	sshll.u32 s4, $0x1;
	s4 =	sadd.s32 s21, s2  }
0x9d: {  	[timem:s6], [sflag:s22] =	dma.local [hbm:s4], s20  }
0x9e: {  	_ =	swait.ge [sflag:s22], s20  }
0x9f: {  	s3 =	ssub.s32 $0x0, s20;
	[sflag:s22] =	ssyncset.done $0x0  }
0xa0: {  	[sflag:s22] =	ssyncadd.s32 s3;
	_ =	sdelay $0x1  }
0xa1: {  	s23 =	simm.s32 $0x1B8B  }
0xa2: {  	_ =	swait.ge [sflag:s23], $0x1  }
0xa3: {  	[sflag:s23] =	ssyncset.done $0x0  }
0xa4: {  	s25 =	simm.s32 $0x1B8E;
	s24 =	sld [smem:$0x3FFE];
	[sflag:s23] =	ssyncadd.s32 $0xFFFFFFFF  }
0xa5: {  	s26 =	simm.s32 $execute0_lowered;
	[smem:$0x3FD2] =	sst s25  }
0xa6: {  	s4 =	sshll.u32 s26, $0x1;
	_ =	strace $0x80000046;
	[dreg:$0x1] =	wrdreg $0xFFFFFFFF  }
0xa7: {  	s28 =	simm.s32 $_size_execute0_lowered;
	s2 =	sadd.s32 s2, s4;
	[dreg:$0x0] =	wrdreg $0x0  }
0xa8: {  	s4 =	sshll.u32 s28, $0x1;
	[dreg:$0x2] =	wrdreg s2  }
0xa9: {  	[dreg:$0x3] =	wrdreg s4  }
0xaa: {  	[dreg:$0x4] =	wrdreg $0xC0  }
0xab: {  	_ =	task [dreg:s6], $0x5FFFF  }
0xac: {  	[dreg:$0x1] =	wrdreg $0xFFFFFFFF  }
0xad: {  	[dreg:$0x0] =	wrdreg $0x60  }
0xae: {  	[dreg:$0x2] =	wrdreg s24  }
0xaf: {  	[dreg:$0x3] =	wrdreg $0x9  }
0xb0: {  	_ =	task.clear_ibuf [dreg:s6], $0x4FFFF;
	_ =	strace $0x90000046  }
0xb1: {  	s29 =	simm.s32 $0x9;
	_ =	strace $0x80000048  }
0xb2: {  	_ =	swait.ge [sflag:s29], $0x1  }
0xb3: {  	[sflag:s29] =	ssyncadd.s32 $0xFFFFFFFF  }
0xb4: {  	_ =	strace $0x90000048  }
0xb5: {  	_ =	sfence  }
0xb6: {  	s30 =	sld [smem:$0x0];
	_ =	sdelay $0x2  }
0xb7: {  	s31 =	sshll.u32 s1, $0xD;
	s1 =	sshrl.u32 s1, $0x2  }
0xb8: {  	s3 =	sand.u32 $0x4000, s31;
	s1 =	sadd.s32 s1, s30  }
0xb9: {  	s0 =	sor.u32 s3, s0;
	s1 =	sshll.u32 s1, $0x11  }
0xba: {  	s0 =	sor.u32 s1, s0  }
0xbb: {  	s0 =	sadd.s32 $0x8F2B, s0  }
0xbc: {  	[sflag:s0] =	ssyncadd.remote.s32 $0x1  }
0xbd: {  	_ =	sfence.sel $0xFFFF  }
0xbe: {  	[dreg:$0x0] =	wrdreg $0xFFFFFFFF;
	(pc) =	sbr.abs _section_cstart, $3  }
0xbf: {  	[dreg:$0x1] =	wrdreg $0xFFFFFFFF  }
0xc0: {  	_ =	task.clear_ibuf [dreg:s6], $0x2FFFF;
	_ =	strace $0x9FFFFFFF  }
0xc1: {  	(tm) =	ssettm $0x7FFFFFFF  }
tec
execute0_lowered:
.L_overlay_start_1:
0x0: {  	(tag) =	ssettag $0x1  }
0x1: {  	s4 =	rddreg [dreg:$0x0]  }
0x2: {  	s0 =	rddreg [dreg:$0x1];
	s1 =	simm.s32 $0x0  }
0x3: {  	s3 =	srdreg.scid;
	s2 =	stileid.u32;
	s23 =	simm.s32 $0x3  }
0x4: {  	s24 =	simm.s32 $0x0;
	[smem:$0x7FF] =	sst s1;
	s17 =	sadd.s32 $0x4600, s4  }
0x5: {  	s3 =	sand.u32 $0x1, s3;
	s6 =	sshll.u32 s2, $0xD;
	s19 =	sadd.s32 $0x24600, s4  }
0x6: {  	_ =	strace $0x80000047;
	s5 =	ssub.s32 $0x2, s3;
	s7 =	sshll.u32 s3, $0xC  }
0x7: {  	s3 =	sadd.s32 $0x1400, s4;
	s8 =	sshrl.u32 s5, $0x1;
	s16 =	sor.u32 s7, s6  }
0x8: {  	s20 =	ssub.s32 s5, s8;
	s31 =	sor.u32 $0x200, s16;
	s4 =	sadd.s32 s17, s16  }
0x9: {  	s10 =	sor.u32 $0x400, s16;
	s6 =	sadd.s32 s19, s16;
	s12 =	sor.u32 $0x600, s16  }
0xa: {  	s14 =	sor.u32 $0x800, s16;
	s18 =	sor.u32 $0xA00, s16;
	s21 =	sor.u32 $0xC00, s16  }
0xb: {  	s22 =	sor.u32 $0xE00, s16;
	s5 =	sadd.s32 s17, s31;
	s7 =	sadd.s32 s17, s10  }
0xc: {  	s8 =	sadd.s32 s19, s31;
	s9 =	sadd.s32 s17, s12;
	s10 =	sadd.s32 s19, s10  }
0xd: {  	s11 =	sadd.s32 s17, s14;
	s12 =	sadd.s32 s19, s12;
	s13 =	sadd.s32 s17, s18  }
0xe: {  	s14 =	sadd.s32 s19, s14;
	s15 =	sadd.s32 s17, s21;
	s16 =	sadd.s32 s19, s18  }
0xf: {  	s17 =	sadd.s32 s17, s22;
	s18 =	sadd.s32 s19, s21;
	s19 =	sadd.s32 s19, s22  }
0x10: {  	s20 =	smax.u32 s20, $0x1;
	s21 =	simm.s32 $0x1;
	s22 =	simm.s32 $0x2  }
.LBB2_1:
0x11: {  	[tilespmem:s1], [sflag:$0x1] =	stream.linear.gather [hbm4b:s3+s1], $0x18700, $0x38;
	[tilespmem:$0x1C700] =	vst v63  }
0x12: {  	s25 =	simm.s32 $0x18700  }
0x13: {  	s26 =	simm.s32 $0x10;
	s29 =	sadd.s32 $0x0, s4;
	s28 =	simm.s32 $0x18800  }
.LBB2_2:
0x14: {  	[tilespmem:s25], [sflag:$0x2] =	stream.linear.gather [hbm4b:s29+s1], $0x80, $0x38;
	[tilespmem:$0x1C700] =	vst v63  }
0x15: {  	s29 =	smov.u32 s26;
	s25 =	smov.u32 s28;
	p0 =	sne.s32 s26, $0x1F0  }
.Ltmp0:
0x16: {  	s26 =	sadd.s32 $0x10, s26;
	(pc) =	sbr.rel @p0 .LBB2_2-.Ltmp0, $2  }
0x17: {  	_ =	sdelay $0x2  }
0x18: {  	s28 =	sadd.s32 $0x100, s28;
	s29 =	sadd.s32 s29, s4  }
0x19: {  	[tilespmem:s25], [sflag:$0x2] =	stream.linear.gather [hbm4b:s29+s1], $0x80, $0x38;
	[tilespmem:$0x1C700] =	vst v63  }
0x1a: {  	_ =	swait.ge [sflag:s21], $0x18700  }
0x1b: {  	s25 =	simm.s32 $0x18780;
	s26 =	simm.s32 $0x10;
	[sflag:s21] =	ssyncset.done $0x0  }
0x1c: {  	s29 =	sadd.s32 $0x0, s5;
	s28 =	simm.s32 $0x18880;
	[sflag:s21] =	ssyncadd.s32 $0xFFFE7900  }
.LBB2_4:
0x1d: {  	[tilespmem:s25], [sflag:$0x2] =	stream.linear.gather [hbm4b:s29+s1], $0x80, $0x38;
	[tilespmem:$0x1C700] =	vst v63  }
0x1e: {  	s29 =	smov.u32 s26;
	s25 =	smov.u32 s28;
	p0 =	sne.s32 s26, $0x1F0  }
.Ltmp1:
0x1f: {  	s26 =	sadd.s32 $0x10, s26;
	(pc) =	sbr.rel @p0 .LBB2_4-.Ltmp1, $2  }
0x20: {  	_ =	sdelay $0x2  }
0x21: {  	s28 =	sadd.s32 $0x100, s28;
	s29 =	sadd.s32 s29, s5  }
0x22: {  	[tilespmem:s25], [sflag:$0x2] =	stream.linear.gather [hbm4b:s29+s1], $0x80, $0x38;
	[tilespmem:$0x1C700] =	vst v63  }
0x23: {  	_ =	swait.ge [sflag:s22], $0x1000  }
0x24: {  	s25 =	simm.s32 $0xFFFFFFFC;
	[sflag:s22] =	ssyncset.done $0x0  }
0x25: {  	s26 =	simm.s32 $0x1A800;
	s28 =	simm.s32 $0x18800;
	[sflag:s22] =	ssyncadd.s32 $0xFFFFF000  }
.LBB2_6:
0x26: {  	v0 =	vld [tilespmem:s28+$0xFFFFFF00];
	_ =	sdelay $0x7  }
0x27: {  	v0 =	vld.idx.msk [tilespmem:v0+s1+$0x0], $0xffff;
	_ =	sdelay $0x4  }
0x28: {  	[tilespmem:s26+$0xFFFFFF00] =	vst v0  }
0x29: {  	v0 =	vld [tilespmem:s28+$0xFFFFFF10];
	_ =	sdelay $0x7  }
0x2a: {  	v0 =	vld.idx.msk [tilespmem:v0+s1+$0x0], $0xffff;
	_ =	sdelay $0x4  }
0x2b: {  	[tilespmem:s26+$0xFFFFFF10] =	vst v0  }
0x2c: {  	v0 =	vld [tilespmem:s28+$0xFFFFFF20];
	_ =	sdelay $0x7  }
0x2d: {  	v0 =	vld.idx.msk [tilespmem:v0+s1+$0x0], $0xffff;
	_ =	sdelay $0x4  }
0x2e: {  	[tilespmem:s26+$0xFFFFFF20] =	vst v0  }
0x2f: {  	v0 =	vld [tilespmem:s28+$0xFFFFFF30];
	_ =	sdelay $0x7  }
0x30: {  	v0 =	vld.idx.msk [tilespmem:v0+s1+$0x0], $0xffff;
	_ =	sdelay $0x4  }
0x31: {  	[tilespmem:s26+$0xFFFFFF30] =	vst v0  }
0x32: {  	v0 =	vld [tilespmem:s28+$0xFFFFFF40];
	_ =	sdelay $0x7  }
0x33: {  	v0 =	vld.idx.msk [tilespmem:v0+s1+$0x0], $0xffff;
	_ =	sdelay $0x4  }
0x34: {  	[tilespmem:s26+$0xFFFFFF40] =	vst v0  }
0x35: {  	v0 =	vld [tilespmem:s28+$0xFFFFFF50];
	_ =	sdelay $0x7  }
0x36: {  	v0 =	vld.idx.msk [tilespmem:v0+s1+$0x0], $0xffff;
	_ =	sdelay $0x4  }
0x37: {  	[tilespmem:s26+$0xFFFFFF50] =	vst v0  }
0x38: {  	v0 =	vld [tilespmem:s28+$0xFFFFFF60];
	_ =	sdelay $0x7  }
0x39: {  	v0 =	vld.idx.msk [tilespmem:v0+s1+$0x0], $0xffff;
	_ =	sdelay $0x4  }
0x3a: {  	[tilespmem:s26+$0xFFFFFF60] =	vst v0  }
0x3b: {  	v0 =	vld [tilespmem:s28+$0xFFFFFF70];
	_ =	sdelay $0x7  }
0x3c: {  	v0 =	vld.idx.msk [tilespmem:v0+s1+$0x0], $0xffff;
	_ =	sdelay $0x4  }
0x3d: {  	[tilespmem:s26+$0xFFFFFF70] =	vst v0  }
0x3e: {  	v0 =	vld [tilespmem:s28+$0x0];
	_ =	sdelay $0x7  }
0x3f: {  	v0 =	vld.idx.msk [tilespmem:v0+s1+$0x0], $0xffff;
	_ =	sdelay $0x4  }
0x40: {  	[tilespmem:s26+$0x0] =	vst v0  }
0x41: {  	v0 =	vld [tilespmem:s28+$0x10];
	_ =	sdelay $0x7  }
0x42: {  	v0 =	vld.idx.msk [tilespmem:v0+s1+$0x0], $0xffff;
	_ =	sdelay $0x4  }
0x43: {  	[tilespmem:s26+$0x10] =	vst v0  }
0x44: {  	v0 =	vld [tilespmem:s28+$0x20];
	_ =	sdelay $0x7  }
0x45: {  	v0 =	vld.idx.msk [tilespmem:v0+s1+$0x0], $0xffff;
	_ =	sdelay $0x4  }
0x46: {  	[tilespmem:s26+$0x20] =	vst v0  }
0x47: {  	v0 =	vld [tilespmem:s28+$0x30];
	_ =	sdelay $0x7  }
0x48: {  	v0 =	vld.idx.msk [tilespmem:v0+s1+$0x0], $0xffff;
	_ =	sdelay $0x4  }
0x49: {  	[tilespmem:s26+$0x30] =	vst v0  }
0x4a: {  	v0 =	vld [tilespmem:s28+$0x40];
	_ =	sdelay $0x7  }
0x4b: {  	v0 =	vld.idx.msk [tilespmem:v0+s1+$0x0], $0xffff;
	_ =	sdelay $0x4  }
0x4c: {  	[tilespmem:s26+$0x40] =	vst v0  }
0x4d: {  	v0 =	vld [tilespmem:s28+$0x50];
	_ =	sdelay $0x7  }
0x4e: {  	v0 =	vld.idx.msk [tilespmem:v0+s1+$0x0], $0xffff;
	_ =	sdelay $0x4  }
0x4f: {  	[tilespmem:s26+$0x50] =	vst v0  }
0x50: {  	v0 =	vld [tilespmem:s28+$0x60];
	_ =	sdelay $0x7  }
0x51: {  	v0 =	vld.idx.msk [tilespmem:v0+s1+$0x0], $0xffff;
	_ =	sdelay $0x4  }
0x52: {  	[tilespmem:s26+$0x60] =	vst v0  }
0x53: {  	v0 =	vld [tilespmem:s28+$0x70];
	_ =	sdelay $0x6  }
0x54: {  	s25 =	sadd.s32 $0x4, s25  }
0x55: {  	p0 =	slt.u32 s25, $0x3C;
	v0 =	vld.idx.msk [tilespmem:v0+s1+$0x0], $0xffff  }
.Ltmp2:
0x56: {  	_ = 	snop;
	(pc) =	sbr.rel @p0 .LBB2_6-.Ltmp2, $2  }
0x57: {  	_ =	sdelay $0x2  }
0x58: {  	s28 =	sadd.s32 $0x200, s28;
	[tilespmem:s26+$0x70] =	vst v0;
	s26 =	sadd.s32 $0x200, s26  }
0x59: {  	s25 =	simm.s32 $0x1A700  }
0x5a: {  	s26 =	simm.s32 $0x10;
	s29 =	sadd.s32 $0x0, s6;
	s28 =	simm.s32 $0x1A800  }
.LBB2_8:
0x5b: {  	[hbm4b:s29+s1] =	stream.linear.scatter [tilespmem:s25], [sflag:$0x3], $0x80, $0x38;
	[tilespmem:$0x1C700] =	vst v63  }
0x5c: {  	s29 =	smov.u32 s26;
	s25 =	smov.u32 s28;
	p0 =	sne.s32 s26, $0x1F0  }
.Ltmp3:
0x5d: {  	s26 =	sadd.s32 $0x10, s26;
	(pc) =	sbr.rel @p0 .LBB2_8-.Ltmp3, $2  }
0x5e: {  	_ =	sdelay $0x2  }
0x5f: {  	s28 =	sadd.s32 $0x100, s28;
	s29 =	sadd.s32 s29, s6  }
0x60: {  	[hbm4b:s29+s1] =	stream.linear.scatter [tilespmem:s25], [sflag:$0x3], $0x80, $0x38;
	[tilespmem:$0x1C700] =	vst v63  }
0x61: {  	s25 =	simm.s32 $0x18700  }
0x62: {  	s26 =	simm.s32 $0x10;
	s29 =	sadd.s32 $0x0, s7;
	s28 =	simm.s32 $0x18800  }
.LBB2_10:
0x63: {  	[tilespmem:s25], [sflag:$0x2] =	stream.linear.gather [hbm4b:s29+s1], $0x80, $0x38;
	[tilespmem:$0x1C700] =	vst v63  }
0x64: {  	s29 =	smov.u32 s26;
	s25 =	smov.u32 s28;
	p0 =	sne.s32 s26, $0x1F0  }
.Ltmp4:
0x65: {  	s26 =	sadd.s32 $0x10, s26;
	(pc) =	sbr.rel @p0 .LBB2_10-.Ltmp4, $2  }
0x66: {  	_ =	sdelay $0x2  }
0x67: {  	s28 =	sadd.s32 $0x100, s28;
	s29 =	sadd.s32 s29, s7  }
0x68: {  	[tilespmem:s25], [sflag:$0x2] =	stream.linear.gather [hbm4b:s29+s1], $0x80, $0x38;
	[tilespmem:$0x1C700] =	vst v63  }
0x69: {  	_ =	swait.ge [sflag:s22], $0x1000  }
0x6a: {  	s25 =	simm.s32 $0xFFFFFFFC;
	[sflag:s22] =	ssyncset.done $0x0  }
0x6b: {  	s26 =	simm.s32 $0x1A880;
	s28 =	simm.s32 $0x18880;
	[sflag:s22] =	ssyncadd.s32 $0xFFFFF000  }
.LBB2_12:
0x6c: {  	v0 =	vld [tilespmem:s28+$0xFFFFFF00];
	_ =	sdelay $0x7  }
0x6d: {  	v0 =	vld.idx.msk [tilespmem:v0+s1+$0x0], $0xffff;
	_ =	sdelay $0x4  }
0x6e: {  	[tilespmem:s26+$0xFFFFFF00] =	vst v0  }
0x6f: {  	v0 =	vld [tilespmem:s28+$0xFFFFFF10];
	_ =	sdelay $0x7  }
0x70: {  	v0 =	vld.idx.msk [tilespmem:v0+s1+$0x0], $0xffff;
	_ =	sdelay $0x4  }
0x71: {  	[tilespmem:s26+$0xFFFFFF10] =	vst v0  }
0x72: {  	v0 =	vld [tilespmem:s28+$0xFFFFFF20];
	_ =	sdelay $0x7  }
0x73: {  	v0 =	vld.idx.msk [tilespmem:v0+s1+$0x0], $0xffff;
	_ =	sdelay $0x4  }
0x74: {  	[tilespmem:s26+$0xFFFFFF20] =	vst v0  }
0x75: {  	v0 =	vld [tilespmem:s28+$0xFFFFFF30];
	_ =	sdelay $0x7  }
0x76: {  	v0 =	vld.idx.msk [tilespmem:v0+s1+$0x0], $0xffff;
	_ =	sdelay $0x4  }
0x77: {  	[tilespmem:s26+$0xFFFFFF30] =	vst v0  }
0x78: {  	v0 =	vld [tilespmem:s28+$0xFFFFFF40];
	_ =	sdelay $0x7  }
0x79: {  	v0 =	vld.idx.msk [tilespmem:v0+s1+$0x0], $0xffff;
	_ =	sdelay $0x4  }
0x7a: {  	[tilespmem:s26+$0xFFFFFF40] =	vst v0  }
0x7b: {  	v0 =	vld [tilespmem:s28+$0xFFFFFF50];
	_ =	sdelay $0x7  }
0x7c: {  	v0 =	vld.idx.msk [tilespmem:v0+s1+$0x0], $0xffff;
	_ =	sdelay $0x4  }
0x7d: {  	[tilespmem:s26+$0xFFFFFF50] =	vst v0  }
0x7e: {  	v0 =	vld [tilespmem:s28+$0xFFFFFF60];
	_ =	sdelay $0x7  }
0x7f: {  	v0 =	vld.idx.msk [tilespmem:v0+s1+$0x0], $0xffff;
	_ =	sdelay $0x4  }
0x80: {  	[tilespmem:s26+$0xFFFFFF60] =	vst v0  }
0x81: {  	v0 =	vld [tilespmem:s28+$0xFFFFFF70];
	_ =	sdelay $0x7  }
0x82: {  	v0 =	vld.idx.msk [tilespmem:v0+s1+$0x0], $0xffff;
	_ =	sdelay $0x4  }
0x83: {  	[tilespmem:s26+$0xFFFFFF70] =	vst v0  }
0x84: {  	v0 =	vld [tilespmem:s28+$0x0];
	_ =	sdelay $0x7  }
0x85: {  	v0 =	vld.idx.msk [tilespmem:v0+s1+$0x0], $0xffff;
	_ =	sdelay $0x4  }
0x86: {  	[tilespmem:s26+$0x0] =	vst v0  }
0x87: {  	v0 =	vld [tilespmem:s28+$0x10];
	_ =	sdelay $0x7  }
0x88: {  	v0 =	vld.idx.msk [tilespmem:v0+s1+$0x0], $0xffff;
	_ =	sdelay $0x4  }
0x89: {  	[tilespmem:s26+$0x10] =	vst v0  }
0x8a: {  	v0 =	vld [tilespmem:s28+$0x20];
	_ =	sdelay $0x7  }
0x8b: {  	v0 =	vld.idx.msk [tilespmem:v0+s1+$0x0], $0xffff;
	_ =	sdelay $0x4  }
0x8c: {  	[tilespmem:s26+$0x20] =	vst v0  }
0x8d: {  	v0 =	vld [tilespmem:s28+$0x30];
	_ =	sdelay $0x7  }
0x8e: {  	v0 =	vld.idx.msk [tilespmem:v0+s1+$0x0], $0xffff;
	_ =	sdelay $0x4  }
0x8f: {  	[tilespmem:s26+$0x30] =	vst v0  }
0x90: {  	v0 =	vld [tilespmem:s28+$0x40];
	_ =	sdelay $0x7  }
0x91: {  	v0 =	vld.idx.msk [tilespmem:v0+s1+$0x0], $0xffff;
	_ =	sdelay $0x4  }
0x92: {  	[tilespmem:s26+$0x40] =	vst v0  }
0x93: {  	v0 =	vld [tilespmem:s28+$0x50];
	_ =	sdelay $0x7  }
0x94: {  	v0 =	vld.idx.msk [tilespmem:v0+s1+$0x0], $0xffff;
	_ =	sdelay $0x4  }
0x95: {  	[tilespmem:s26+$0x50] =	vst v0  }
0x96: {  	v0 =	vld [tilespmem:s28+$0x60];
	_ =	sdelay $0x7  }
0x97: {  	v0 =	vld.idx.msk [tilespmem:v0+s1+$0x0], $0xffff;
	_ =	sdelay $0x4  }
0x98: {  	[tilespmem:s26+$0x60] =	vst v0  }
0x99: {  	v0 =	vld [tilespmem:s28+$0x70];
	_ =	sdelay $0x6  }
0x9a: {  	s25 =	sadd.s32 $0x4, s25  }
0x9b: {  	p0 =	slt.u32 s25, $0x3C;
	v0 =	vld.idx.msk [tilespmem:v0+s1+$0x0], $0xffff  }
.Ltmp5:
0x9c: {  	_ = 	snop;
	(pc) =	sbr.rel @p0 .LBB2_12-.Ltmp5, $2  }
0x9d: {  	_ =	sdelay $0x2  }
0x9e: {  	s28 =	sadd.s32 $0x200, s28;
	[tilespmem:s26+$0x70] =	vst v0;
	s26 =	sadd.s32 $0x200, s26  }
0x9f: {  	s25 =	simm.s32 $0x1A780  }
0xa0: {  	s26 =	simm.s32 $0x10;
	s29 =	sadd.s32 $0x0, s8;
	s28 =	simm.s32 $0x1A880  }
.LBB2_14:
0xa1: {  	[hbm4b:s29+s1] =	stream.linear.scatter [tilespmem:s25], [sflag:$0x3], $0x80, $0x38;
	[tilespmem:$0x1C700] =	vst v63  }
0xa2: {  	s29 =	smov.u32 s26;
	s25 =	smov.u32 s28;
	p0 =	sne.s32 s26, $0x1F0  }
.Ltmp6:
0xa3: {  	s26 =	sadd.s32 $0x10, s26;
	(pc) =	sbr.rel @p0 .LBB2_14-.Ltmp6, $2  }
0xa4: {  	_ =	sdelay $0x2  }
0xa5: {  	s28 =	sadd.s32 $0x100, s28;
	s29 =	sadd.s32 s29, s8  }
0xa6: {  	[hbm4b:s29+s1] =	stream.linear.scatter [tilespmem:s25], [sflag:$0x3], $0x80, $0x38;
	[tilespmem:$0x1C700] =	vst v63  }
0xa7: {  	s25 =	simm.s32 $0x18780  }
0xa8: {  	s26 =	simm.s32 $0x10;
	s29 =	sadd.s32 $0x0, s9;
	s28 =	simm.s32 $0x18880  }
.LBB2_16:
0xa9: {  	[tilespmem:s25], [sflag:$0x2] =	stream.linear.gather [hbm4b:s29+s1], $0x80, $0x38;
	[tilespmem:$0x1C700] =	vst v63  }
0xaa: {  	s29 =	smov.u32 s26;
	s25 =	smov.u32 s28;
	p0 =	sne.s32 s26, $0x1F0  }
.Ltmp7:
0xab: {  	s26 =	sadd.s32 $0x10, s26;
	(pc) =	sbr.rel @p0 .LBB2_16-.Ltmp7, $2  }
0xac: {  	_ =	sdelay $0x2  }
0xad: {  	s28 =	sadd.s32 $0x100, s28;
	s29 =	sadd.s32 s29, s9  }
0xae: {  	[tilespmem:s25], [sflag:$0x2] =	stream.linear.gather [hbm4b:s29+s1], $0x80, $0x38;
	[tilespmem:$0x1C700] =	vst v63  }
0xaf: {  	_ =	swait.ge [sflag:s22], $0x1000  }
0xb0: {  	[sflag:s22] =	ssyncset.done $0x0  }
0xb1: {  	[sflag:s22] =	ssyncadd.s32 $0xFFFFF000  }
0xb2: {  	_ =	swait.ge [sflag:s23], $0x1000  }
0xb3: {  	s25 =	simm.s32 $0xFFFFFFFC;
	[sflag:s23] =	ssyncset.done $0x0  }
0xb4: {  	s26 =	simm.s32 $0x1A800;
	s28 =	simm.s32 $0x18800;
	[sflag:s23] =	ssyncadd.s32 $0xFFFFF000  }
.LBB2_18:
0xb5: {  	v0 =	vld [tilespmem:s28+$0xFFFFFF00];
	_ =	sdelay $0x7  }
0xb6: {  	v0 =	vld.idx.msk [tilespmem:v0+s1+$0x0], $0xffff;
	_ =	sdelay $0x4  }
0xb7: {  	[tilespmem:s26+$0xFFFFFF00] =	vst v0  }
0xb8: {  	v0 =	vld [tilespmem:s28+$0xFFFFFF10];
	_ =	sdelay $0x7  }
0xb9: {  	v0 =	vld.idx.msk [tilespmem:v0+s1+$0x0], $0xffff;
	_ =	sdelay $0x4  }
0xba: {  	[tilespmem:s26+$0xFFFFFF10] =	vst v0  }
0xbb: {  	v0 =	vld [tilespmem:s28+$0xFFFFFF20];
	_ =	sdelay $0x7  }
0xbc: {  	v0 =	vld.idx.msk [tilespmem:v0+s1+$0x0], $0xffff;
	_ =	sdelay $0x4  }
0xbd: {  	[tilespmem:s26+$0xFFFFFF20] =	vst v0  }
0xbe: {  	v0 =	vld [tilespmem:s28+$0xFFFFFF30];
	_ =	sdelay $0x7  }
0xbf: {  	v0 =	vld.idx.msk [tilespmem:v0+s1+$0x0], $0xffff;
	_ =	sdelay $0x4  }
0xc0: {  	[tilespmem:s26+$0xFFFFFF30] =	vst v0  }
0xc1: {  	v0 =	vld [tilespmem:s28+$0xFFFFFF40];
	_ =	sdelay $0x7  }
0xc2: {  	v0 =	vld.idx.msk [tilespmem:v0+s1+$0x0], $0xffff;
	_ =	sdelay $0x4  }
0xc3: {  	[tilespmem:s26+$0xFFFFFF40] =	vst v0  }
0xc4: {  	v0 =	vld [tilespmem:s28+$0xFFFFFF50];
	_ =	sdelay $0x7  }
0xc5: {  	v0 =	vld.idx.msk [tilespmem:v0+s1+$0x0], $0xffff;
	_ =	sdelay $0x4  }
0xc6: {  	[tilespmem:s26+$0xFFFFFF50] =	vst v0  }
0xc7: {  	v0 =	vld [tilespmem:s28+$0xFFFFFF60];
	_ =	sdelay $0x7  }
0xc8: {  	v0 =	vld.idx.msk [tilespmem:v0+s1+$0x0], $0xffff;
	_ =	sdelay $0x4  }
0xc9: {  	[tilespmem:s26+$0xFFFFFF60] =	vst v0  }
0xca: {  	v0 =	vld [tilespmem:s28+$0xFFFFFF70];
	_ =	sdelay $0x7  }
0xcb: {  	v0 =	vld.idx.msk [tilespmem:v0+s1+$0x0], $0xffff;
	_ =	sdelay $0x4  }
0xcc: {  	[tilespmem:s26+$0xFFFFFF70] =	vst v0  }
0xcd: {  	v0 =	vld [tilespmem:s28+$0x0];
	_ =	sdelay $0x7  }
0xce: {  	v0 =	vld.idx.msk [tilespmem:v0+s1+$0x0], $0xffff;
	_ =	sdelay $0x4  }
0xcf: {  	[tilespmem:s26+$0x0] =	vst v0  }
0xd0: {  	v0 =	vld [tilespmem:s28+$0x10];
	_ =	sdelay $0x7  }
0xd1: {  	v0 =	vld.idx.msk [tilespmem:v0+s1+$0x0], $0xffff;
	_ =	sdelay $0x4  }
0xd2: {  	[tilespmem:s26+$0x10] =	vst v0  }
0xd3: {  	v0 =	vld [tilespmem:s28+$0x20];
	_ =	sdelay $0x7  }
0xd4: {  	v0 =	vld.idx.msk [tilespmem:v0+s1+$0x0], $0xffff;
	_ =	sdelay $0x4  }
0xd5: {  	[tilespmem:s26+$0x20] =	vst v0  }
0xd6: {  	v0 =	vld [tilespmem:s28+$0x30];
	_ =	sdelay $0x7  }
0xd7: {  	v0 =	vld.idx.msk [tilespmem:v0+s1+$0x0], $0xffff;
	_ =	sdelay $0x4  }
0xd8: {  	[tilespmem:s26+$0x30] =	vst v0  }
0xd9: {  	v0 =	vld [tilespmem:s28+$0x40];
	_ =	sdelay $0x7  }
0xda: {  	v0 =	vld.idx.msk [tilespmem:v0+s1+$0x0], $0xffff;
	_ =	sdelay $0x4  }
0xdb: {  	[tilespmem:s26+$0x40] =	vst v0  }
0xdc: {  	v0 =	vld [tilespmem:s28+$0x50];
	_ =	sdelay $0x7  }
0xdd: {  	v0 =	vld.idx.msk [tilespmem:v0+s1+$0x0], $0xffff;
	_ =	sdelay $0x4  }
0xde: {  	[tilespmem:s26+$0x50] =	vst v0  }
0xdf: {  	v0 =	vld [tilespmem:s28+$0x60];
	_ =	sdelay $0x7  }
0xe0: {  	v0 =	vld.idx.msk [tilespmem:v0+s1+$0x0], $0xffff;
	_ =	sdelay $0x4  }
0xe1: {  	[tilespmem:s26+$0x60] =	vst v0  }
0xe2: {  	v0 =	vld [tilespmem:s28+$0x70];
	_ =	sdelay $0x6  }
0xe3: {  	s25 =	sadd.s32 $0x4, s25  }
0xe4: {  	p0 =	slt.u32 s25, $0x3C;
	v0 =	vld.idx.msk [tilespmem:v0+s1+$0x0], $0xffff  }
.Ltmp8:
0xe5: {  	_ = 	snop;
	(pc) =	sbr.rel @p0 .LBB2_18-.Ltmp8, $2  }
0xe6: {  	_ =	sdelay $0x2  }
0xe7: {  	s28 =	sadd.s32 $0x200, s28;
	[tilespmem:s26+$0x70] =	vst v0;
	s26 =	sadd.s32 $0x200, s26  }
0xe8: {  	s25 =	simm.s32 $0x1A700  }
0xe9: {  	s26 =	simm.s32 $0x10;
	s29 =	sadd.s32 $0x0, s10;
	s28 =	simm.s32 $0x1A800  }
.LBB2_20:
0xea: {  	[hbm4b:s29+s1] =	stream.linear.scatter [tilespmem:s25], [sflag:$0x3], $0x80, $0x38;
	[tilespmem:$0x1C700] =	vst v63  }
0xeb: {  	s29 =	smov.u32 s26;
	s25 =	smov.u32 s28;
	p0 =	sne.s32 s26, $0x1F0  }
.Ltmp9:
0xec: {  	s26 =	sadd.s32 $0x10, s26;
	(pc) =	sbr.rel @p0 .LBB2_20-.Ltmp9, $2  }
0xed: {  	_ =	sdelay $0x2  }
0xee: {  	s28 =	sadd.s32 $0x100, s28;
	s29 =	sadd.s32 s29, s10  }
0xef: {  	[hbm4b:s29+s1] =	stream.linear.scatter [tilespmem:s25], [sflag:$0x3], $0x80, $0x38;
	[tilespmem:$0x1C700] =	vst v63  }
0xf0: {  	s25 =	simm.s32 $0x18700  }
0xf1: {  	s26 =	simm.s32 $0x10;
	s29 =	sadd.s32 $0x0, s11;
	s28 =	simm.s32 $0x18800  }
.LBB2_22:
0xf2: {  	[tilespmem:s25], [sflag:$0x2] =	stream.linear.gather [hbm4b:s29+s1], $0x80, $0x38;
	[tilespmem:$0x1C700] =	vst v63  }
0xf3: {  	s29 =	smov.u32 s26;
	s25 =	smov.u32 s28;
	p0 =	sne.s32 s26, $0x1F0  }
.Ltmp10:
0xf4: {  	s26 =	sadd.s32 $0x10, s26;
	(pc) =	sbr.rel @p0 .LBB2_22-.Ltmp10, $2  }
0xf5: {  	_ =	sdelay $0x2  }
0xf6: {  	s28 =	sadd.s32 $0x100, s28;
	s29 =	sadd.s32 s29, s11  }
0xf7: {  	[tilespmem:s25], [sflag:$0x2] =	stream.linear.gather [hbm4b:s29+s1], $0x80, $0x38;
	[tilespmem:$0x1C700] =	vst v63  }
0xf8: {  	_ =	swait.ge [sflag:s22], $0x1000  }
0xf9: {  	[sflag:s22] =	ssyncset.done $0x0  }
0xfa: {  	[sflag:s22] =	ssyncadd.s32 $0xFFFFF000  }
0xfb: {  	_ =	swait.ge [sflag:s23], $0x1000  }
0xfc: {  	s25 =	simm.s32 $0xFFFFFFFC;
	[sflag:s23] =	ssyncset.done $0x0  }
0xfd: {  	s26 =	simm.s32 $0x1A880;
	s28 =	simm.s32 $0x18880;
	[sflag:s23] =	ssyncadd.s32 $0xFFFFF000  }
.LBB2_24:
0xfe: {  	v0 =	vld [tilespmem:s28+$0xFFFFFF00];
	_ =	sdelay $0x7  }
0xff: {  	v0 =	vld.idx.msk [tilespmem:v0+s1+$0x0], $0xffff;
	_ =	sdelay $0x4  }
0x100: {  	[tilespmem:s26+$0xFFFFFF00] =	vst v0  }
0x101: {  	v0 =	vld [tilespmem:s28+$0xFFFFFF10];
	_ =	sdelay $0x7  }
0x102: {  	v0 =	vld.idx.msk [tilespmem:v0+s1+$0x0], $0xffff;
	_ =	sdelay $0x4  }
0x103: {  	[tilespmem:s26+$0xFFFFFF10] =	vst v0  }
0x104: {  	v0 =	vld [tilespmem:s28+$0xFFFFFF20];
	_ =	sdelay $0x7  }
0x105: {  	v0 =	vld.idx.msk [tilespmem:v0+s1+$0x0], $0xffff;
	_ =	sdelay $0x4  }
0x106: {  	[tilespmem:s26+$0xFFFFFF20] =	vst v0  }
0x107: {  	v0 =	vld [tilespmem:s28+$0xFFFFFF30];
	_ =	sdelay $0x7  }
0x108: {  	v0 =	vld.idx.msk [tilespmem:v0+s1+$0x0], $0xffff;
	_ =	sdelay $0x4  }
0x109: {  	[tilespmem:s26+$0xFFFFFF30] =	vst v0  }
0x10a: {  	v0 =	vld [tilespmem:s28+$0xFFFFFF40];
	_ =	sdelay $0x7  }
0x10b: {  	v0 =	vld.idx.msk [tilespmem:v0+s1+$0x0], $0xffff;
	_ =	sdelay $0x4  }
0x10c: {  	[tilespmem:s26+$0xFFFFFF40] =	vst v0  }
0x10d: {  	v0 =	vld [tilespmem:s28+$0xFFFFFF50];
	_ =	sdelay $0x7  }
0x10e: {  	v0 =	vld.idx.msk [tilespmem:v0+s1+$0x0], $0xffff;
	_ =	sdelay $0x4  }
0x10f: {  	[tilespmem:s26+$0xFFFFFF50] =	vst v0  }
0x110: {  	v0 =	vld [tilespmem:s28+$0xFFFFFF60];
	_ =	sdelay $0x7  }
0x111: {  	v0 =	vld.idx.msk [tilespmem:v0+s1+$0x0], $0xffff;
	_ =	sdelay $0x4  }
0x112: {  	[tilespmem:s26+$0xFFFFFF60] =	vst v0  }
0x113: {  	v0 =	vld [tilespmem:s28+$0xFFFFFF70];
	_ =	sdelay $0x7  }
0x114: {  	v0 =	vld.idx.msk [tilespmem:v0+s1+$0x0], $0xffff;
	_ =	sdelay $0x4  }
0x115: {  	[tilespmem:s26+$0xFFFFFF70] =	vst v0  }
0x116: {  	v0 =	vld [tilespmem:s28+$0x0];
	_ =	sdelay $0x7  }
0x117: {  	v0 =	vld.idx.msk [tilespmem:v0+s1+$0x0], $0xffff;
	_ =	sdelay $0x4  }
0x118: {  	[tilespmem:s26+$0x0] =	vst v0  }
0x119: {  	v0 =	vld [tilespmem:s28+$0x10];
	_ =	sdelay $0x7  }
0x11a: {  	v0 =	vld.idx.msk [tilespmem:v0+s1+$0x0], $0xffff;
	_ =	sdelay $0x4  }
0x11b: {  	[tilespmem:s26+$0x10] =	vst v0  }
0x11c: {  	v0 =	vld [tilespmem:s28+$0x20];
	_ =	sdelay $0x7  }
0x11d: {  	v0 =	vld.idx.msk [tilespmem:v0+s1+$0x0], $0xffff;
	_ =	sdelay $0x4  }
0x11e: {  	[tilespmem:s26+$0x20] =	vst v0  }
0x11f: {  	v0 =	vld [tilespmem:s28+$0x30];
	_ =	sdelay $0x7  }
0x120: {  	v0 =	vld.idx.msk [tilespmem:v0+s1+$0x0], $0xffff;
	_ =	sdelay $0x4  }
0x121: {  	[tilespmem:s26+$0x30] =	vst v0  }
0x122: {  	v0 =	vld [tilespmem:s28+$0x40];
	_ =	sdelay $0x7  }
0x123: {  	v0 =	vld.idx.msk [tilespmem:v0+s1+$0x0], $0xffff;
	_ =	sdelay $0x4  }
0x124: {  	[tilespmem:s26+$0x40] =	vst v0  }
0x125: {  	v0 =	vld [tilespmem:s28+$0x50];
	_ =	sdelay $0x7  }
0x126: {  	v0 =	vld.idx.msk [tilespmem:v0+s1+$0x0], $0xffff;
	_ =	sdelay $0x4  }
0x127: {  	[tilespmem:s26+$0x50] =	vst v0  }
0x128: {  	v0 =	vld [tilespmem:s28+$0x60];
	_ =	sdelay $0x7  }
0x129: {  	v0 =	vld.idx.msk [tilespmem:v0+s1+$0x0], $0xffff;
	_ =	sdelay $0x4  }
0x12a: {  	[tilespmem:s26+$0x60] =	vst v0  }
0x12b: {  	v0 =	vld [tilespmem:s28+$0x70];
	_ =	sdelay $0x6  }
0x12c: {  	s25 =	sadd.s32 $0x4, s25  }
0x12d: {  	p0 =	slt.u32 s25, $0x3C;
	v0 =	vld.idx.msk [tilespmem:v0+s1+$0x0], $0xffff  }
.Ltmp11:
0x12e: {  	_ = 	snop;
	(pc) =	sbr.rel @p0 .LBB2_24-.Ltmp11, $2  }
0x12f: {  	_ =	sdelay $0x2  }
0x130: {  	s28 =	sadd.s32 $0x200, s28;
	[tilespmem:s26+$0x70] =	vst v0;
	s26 =	sadd.s32 $0x200, s26  }
0x131: {  	s25 =	simm.s32 $0x1A780  }
0x132: {  	s26 =	simm.s32 $0x10;
	s29 =	sadd.s32 $0x0, s12;
	s28 =	simm.s32 $0x1A880  }
.LBB2_26:
0x133: {  	[hbm4b:s29+s1] =	stream.linear.scatter [tilespmem:s25], [sflag:$0x3], $0x80, $0x38;
	[tilespmem:$0x1C700] =	vst v63  }
0x134: {  	s29 =	smov.u32 s26;
	s25 =	smov.u32 s28;
	p0 =	sne.s32 s26, $0x1F0  }
.Ltmp12:
0x135: {  	s26 =	sadd.s32 $0x10, s26;
	(pc) =	sbr.rel @p0 .LBB2_26-.Ltmp12, $2  }
0x136: {  	_ =	sdelay $0x2  }
0x137: {  	s28 =	sadd.s32 $0x100, s28;
	s29 =	sadd.s32 s29, s12  }
0x138: {  	[hbm4b:s29+s1] =	stream.linear.scatter [tilespmem:s25], [sflag:$0x3], $0x80, $0x38;
	[tilespmem:$0x1C700] =	vst v63  }
0x139: {  	s25 =	simm.s32 $0x18780  }
0x13a: {  	s26 =	simm.s32 $0x10;
	s29 =	sadd.s32 $0x0, s13;
	s28 =	simm.s32 $0x18880  }
.LBB2_28:
0x13b: {  	[tilespmem:s25], [sflag:$0x2] =	stream.linear.gather [hbm4b:s29+s1], $0x80, $0x38;
	[tilespmem:$0x1C700] =	vst v63  }
0x13c: {  	s29 =	smov.u32 s26;
	s25 =	smov.u32 s28;
	p0 =	sne.s32 s26, $0x1F0  }
.Ltmp13:
0x13d: {  	s26 =	sadd.s32 $0x10, s26;
	(pc) =	sbr.rel @p0 .LBB2_28-.Ltmp13, $2  }
0x13e: {  	_ =	sdelay $0x2  }
0x13f: {  	s28 =	sadd.s32 $0x100, s28;
	s29 =	sadd.s32 s29, s13  }
0x140: {  	[tilespmem:s25], [sflag:$0x2] =	stream.linear.gather [hbm4b:s29+s1], $0x80, $0x38;
	[tilespmem:$0x1C700] =	vst v63  }
0x141: {  	_ =	swait.ge [sflag:s22], $0x1000  }
0x142: {  	[sflag:s22] =	ssyncset.done $0x0  }
0x143: {  	[sflag:s22] =	ssyncadd.s32 $0xFFFFF000  }
0x144: {  	_ =	swait.ge [sflag:s23], $0x1000  }
0x145: {  	s25 =	simm.s32 $0xFFFFFFFC;
	[sflag:s23] =	ssyncset.done $0x0  }
0x146: {  	s26 =	simm.s32 $0x1A800;
	s28 =	simm.s32 $0x18800;
	[sflag:s23] =	ssyncadd.s32 $0xFFFFF000  }
.LBB2_30:
0x147: {  	v0 =	vld [tilespmem:s28+$0xFFFFFF00];
	_ =	sdelay $0x7  }
0x148: {  	v0 =	vld.idx.msk [tilespmem:v0+s1+$0x0], $0xffff;
	_ =	sdelay $0x4  }
0x149: {  	[tilespmem:s26+$0xFFFFFF00] =	vst v0  }
0x14a: {  	v0 =	vld [tilespmem:s28+$0xFFFFFF10];
	_ =	sdelay $0x7  }
0x14b: {  	v0 =	vld.idx.msk [tilespmem:v0+s1+$0x0], $0xffff;
	_ =	sdelay $0x4  }
0x14c: {  	[tilespmem:s26+$0xFFFFFF10] =	vst v0  }
0x14d: {  	v0 =	vld [tilespmem:s28+$0xFFFFFF20];
	_ =	sdelay $0x7  }
0x14e: {  	v0 =	vld.idx.msk [tilespmem:v0+s1+$0x0], $0xffff;
	_ =	sdelay $0x4  }
0x14f: {  	[tilespmem:s26+$0xFFFFFF20] =	vst v0  }
0x150: {  	v0 =	vld [tilespmem:s28+$0xFFFFFF30];
	_ =	sdelay $0x7  }
0x151: {  	v0 =	vld.idx.msk [tilespmem:v0+s1+$0x0], $0xffff;
	_ =	sdelay $0x4  }
0x152: {  	[tilespmem:s26+$0xFFFFFF30] =	vst v0  }
0x153: {  	v0 =	vld [tilespmem:s28+$0xFFFFFF40];
	_ =	sdelay $0x7  }
0x154: {  	v0 =	vld.idx.msk [tilespmem:v0+s1+$0x0], $0xffff;
	_ =	sdelay $0x4  }
0x155: {  	[tilespmem:s26+$0xFFFFFF40] =	vst v0  }
0x156: {  	v0 =	vld [tilespmem:s28+$0xFFFFFF50];
	_ =	sdelay $0x7  }
0x157: {  	v0 =	vld.idx.msk [tilespmem:v0+s1+$0x0], $0xffff;
	_ =	sdelay $0x4  }
0x158: {  	[tilespmem:s26+$0xFFFFFF50] =	vst v0  }
0x159: {  	v0 =	vld [tilespmem:s28+$0xFFFFFF60];
	_ =	sdelay $0x7  }
0x15a: {  	v0 =	vld.idx.msk [tilespmem:v0+s1+$0x0], $0xffff;
	_ =	sdelay $0x4  }
0x15b: {  	[tilespmem:s26+$0xFFFFFF60] =	vst v0  }
0x15c: {  	v0 =	vld [tilespmem:s28+$0xFFFFFF70];
	_ =	sdelay $0x7  }
0x15d: {  	v0 =	vld.idx.msk [tilespmem:v0+s1+$0x0], $0xffff;
	_ =	sdelay $0x4  }
0x15e: {  	[tilespmem:s26+$0xFFFFFF70] =	vst v0  }
0x15f: {  	v0 =	vld [tilespmem:s28+$0x0];
	_ =	sdelay $0x7  }
0x160: {  	v0 =	vld.idx.msk [tilespmem:v0+s1+$0x0], $0xffff;
	_ =	sdelay $0x4  }
0x161: {  	[tilespmem:s26+$0x0] =	vst v0  }
0x162: {  	v0 =	vld [tilespmem:s28+$0x10];
	_ =	sdelay $0x7  }
0x163: {  	v0 =	vld.idx.msk [tilespmem:v0+s1+$0x0], $0xffff;
	_ =	sdelay $0x4  }
0x164: {  	[tilespmem:s26+$0x10] =	vst v0  }
0x165: {  	v0 =	vld [tilespmem:s28+$0x20];
	_ =	sdelay $0x7  }
0x166: {  	v0 =	vld.idx.msk [tilespmem:v0+s1+$0x0], $0xffff;
	_ =	sdelay $0x4  }
0x167: {  	[tilespmem:s26+$0x20] =	vst v0  }
0x168: {  	v0 =	vld [tilespmem:s28+$0x30];
	_ =	sdelay $0x7  }
0x169: {  	v0 =	vld.idx.msk [tilespmem:v0+s1+$0x0], $0xffff;
	_ =	sdelay $0x4  }
0x16a: {  	[tilespmem:s26+$0x30] =	vst v0  }
0x16b: {  	v0 =	vld [tilespmem:s28+$0x40];
	_ =	sdelay $0x7  }
0x16c: {  	v0 =	vld.idx.msk [tilespmem:v0+s1+$0x0], $0xffff;
	_ =	sdelay $0x4  }
0x16d: {  	[tilespmem:s26+$0x40] =	vst v0  }
0x16e: {  	v0 =	vld [tilespmem:s28+$0x50];
	_ =	sdelay $0x7  }
0x16f: {  	v0 =	vld.idx.msk [tilespmem:v0+s1+$0x0], $0xffff;
	_ =	sdelay $0x4  }
0x170: {  	[tilespmem:s26+$0x50] =	vst v0  }
0x171: {  	v0 =	vld [tilespmem:s28+$0x60];
	_ =	sdelay $0x7  }
0x172: {  	v0 =	vld.idx.msk [tilespmem:v0+s1+$0x0], $0xffff;
	_ =	sdelay $0x4  }
0x173: {  	[tilespmem:s26+$0x60] =	vst v0  }
0x174: {  	v0 =	vld [tilespmem:s28+$0x70];
	_ =	sdelay $0x6  }
0x175: {  	s25 =	sadd.s32 $0x4, s25  }
0x176: {  	p0 =	slt.u32 s25, $0x3C;
	v0 =	vld.idx.msk [tilespmem:v0+s1+$0x0], $0xffff  }
.Ltmp14:
0x177: {  	_ = 	snop;
	(pc) =	sbr.rel @p0 .LBB2_30-.Ltmp14, $2  }
0x178: {  	_ =	sdelay $0x2  }
0x179: {  	s28 =	sadd.s32 $0x200, s28;
	[tilespmem:s26+$0x70] =	vst v0;
	s26 =	sadd.s32 $0x200, s26  }
0x17a: {  	s25 =	simm.s32 $0x1A700  }
0x17b: {  	s26 =	simm.s32 $0x10;
	s29 =	sadd.s32 $0x0, s14;
	s28 =	simm.s32 $0x1A800  }
.LBB2_32:
0x17c: {  	[hbm4b:s29+s1] =	stream.linear.scatter [tilespmem:s25], [sflag:$0x3], $0x80, $0x38;
	[tilespmem:$0x1C700] =	vst v63  }
0x17d: {  	s29 =	smov.u32 s26;
	s25 =	smov.u32 s28;
	p0 =	sne.s32 s26, $0x1F0  }
.Ltmp15:
0x17e: {  	s26 =	sadd.s32 $0x10, s26;
	(pc) =	sbr.rel @p0 .LBB2_32-.Ltmp15, $2  }
0x17f: {  	_ =	sdelay $0x2  }
0x180: {  	s28 =	sadd.s32 $0x100, s28;
	s29 =	sadd.s32 s29, s14  }
0x181: {  	[hbm4b:s29+s1] =	stream.linear.scatter [tilespmem:s25], [sflag:$0x3], $0x80, $0x38;
	[tilespmem:$0x1C700] =	vst v63  }
0x182: {  	s25 =	simm.s32 $0x18700  }
0x183: {  	s26 =	simm.s32 $0x10;
	s29 =	sadd.s32 $0x0, s15;
	s28 =	simm.s32 $0x18800  }
.LBB2_34:
0x184: {  	[tilespmem:s25], [sflag:$0x2] =	stream.linear.gather [hbm4b:s29+s1], $0x80, $0x38;
	[tilespmem:$0x1C700] =	vst v63  }
0x185: {  	s29 =	smov.u32 s26;
	s25 =	smov.u32 s28;
	p0 =	sne.s32 s26, $0x1F0  }
.Ltmp16:
0x186: {  	s26 =	sadd.s32 $0x10, s26;
	(pc) =	sbr.rel @p0 .LBB2_34-.Ltmp16, $2  }
0x187: {  	_ =	sdelay $0x2  }
0x188: {  	s28 =	sadd.s32 $0x100, s28;
	s29 =	sadd.s32 s29, s15  }
0x189: {  	[tilespmem:s25], [sflag:$0x2] =	stream.linear.gather [hbm4b:s29+s1], $0x80, $0x38;
	[tilespmem:$0x1C700] =	vst v63  }
0x18a: {  	_ =	swait.ge [sflag:s22], $0x1000  }
0x18b: {  	[sflag:s22] =	ssyncset.done $0x0  }
0x18c: {  	[sflag:s22] =	ssyncadd.s32 $0xFFFFF000  }
0x18d: {  	_ =	swait.ge [sflag:s23], $0x1000  }
0x18e: {  	s25 =	simm.s32 $0xFFFFFFFC;
	[sflag:s23] =	ssyncset.done $0x0  }
0x18f: {  	s26 =	simm.s32 $0x1A880;
	s28 =	simm.s32 $0x18880;
	[sflag:s23] =	ssyncadd.s32 $0xFFFFF000  }
.LBB2_36:
0x190: {  	v0 =	vld [tilespmem:s28+$0xFFFFFF00];
	_ =	sdelay $0x7  }
0x191: {  	v0 =	vld.idx.msk [tilespmem:v0+s1+$0x0], $0xffff;
	_ =	sdelay $0x4  }
0x192: {  	[tilespmem:s26+$0xFFFFFF00] =	vst v0  }
0x193: {  	v0 =	vld [tilespmem:s28+$0xFFFFFF10];
	_ =	sdelay $0x7  }
0x194: {  	v0 =	vld.idx.msk [tilespmem:v0+s1+$0x0], $0xffff;
	_ =	sdelay $0x4  }
0x195: {  	[tilespmem:s26+$0xFFFFFF10] =	vst v0  }
0x196: {  	v0 =	vld [tilespmem:s28+$0xFFFFFF20];
	_ =	sdelay $0x7  }
0x197: {  	v0 =	vld.idx.msk [tilespmem:v0+s1+$0x0], $0xffff;
	_ =	sdelay $0x4  }
0x198: {  	[tilespmem:s26+$0xFFFFFF20] =	vst v0  }
0x199: {  	v0 =	vld [tilespmem:s28+$0xFFFFFF30];
	_ =	sdelay $0x7  }
0x19a: {  	v0 =	vld.idx.msk [tilespmem:v0+s1+$0x0], $0xffff;
	_ =	sdelay $0x4  }
0x19b: {  	[tilespmem:s26+$0xFFFFFF30] =	vst v0  }
0x19c: {  	v0 =	vld [tilespmem:s28+$0xFFFFFF40];
	_ =	sdelay $0x7  }
0x19d: {  	v0 =	vld.idx.msk [tilespmem:v0+s1+$0x0], $0xffff;
	_ =	sdelay $0x4  }
0x19e: {  	[tilespmem:s26+$0xFFFFFF40] =	vst v0  }
0x19f: {  	v0 =	vld [tilespmem:s28+$0xFFFFFF50];
	_ =	sdelay $0x7  }
0x1a0: {  	v0 =	vld.idx.msk [tilespmem:v0+s1+$0x0], $0xffff;
	_ =	sdelay $0x4  }
0x1a1: {  	[tilespmem:s26+$0xFFFFFF50] =	vst v0  }
0x1a2: {  	v0 =	vld [tilespmem:s28+$0xFFFFFF60];
	_ =	sdelay $0x7  }
0x1a3: {  	v0 =	vld.idx.msk [tilespmem:v0+s1+$0x0], $0xffff;
	_ =	sdelay $0x4  }
0x1a4: {  	[tilespmem:s26+$0xFFFFFF60] =	vst v0  }
0x1a5: {  	v0 =	vld [tilespmem:s28+$0xFFFFFF70];
	_ =	sdelay $0x7  }
0x1a6: {  	v0 =	vld.idx.msk [tilespmem:v0+s1+$0x0], $0xffff;
	_ =	sdelay $0x4  }
0x1a7: {  	[tilespmem:s26+$0xFFFFFF70] =	vst v0  }
0x1a8: {  	v0 =	vld [tilespmem:s28+$0x0];
	_ =	sdelay $0x7  }
0x1a9: {  	v0 =	vld.idx.msk [tilespmem:v0+s1+$0x0], $0xffff;
	_ =	sdelay $0x4  }
0x1aa: {  	[tilespmem:s26+$0x0] =	vst v0  }
0x1ab: {  	v0 =	vld [tilespmem:s28+$0x10];
	_ =	sdelay $0x7  }
0x1ac: {  	v0 =	vld.idx.msk [tilespmem:v0+s1+$0x0], $0xffff;
	_ =	sdelay $0x4  }
0x1ad: {  	[tilespmem:s26+$0x10] =	vst v0  }
0x1ae: {  	v0 =	vld [tilespmem:s28+$0x20];
	_ =	sdelay $0x7  }
0x1af: {  	v0 =	vld.idx.msk [tilespmem:v0+s1+$0x0], $0xffff;
	_ =	sdelay $0x4  }
0x1b0: {  	[tilespmem:s26+$0x20] =	vst v0  }
0x1b1: {  	v0 =	vld [tilespmem:s28+$0x30];
	_ =	sdelay $0x7  }
0x1b2: {  	v0 =	vld.idx.msk [tilespmem:v0+s1+$0x0], $0xffff;
	_ =	sdelay $0x4  }
0x1b3: {  	[tilespmem:s26+$0x30] =	vst v0  }
0x1b4: {  	v0 =	vld [tilespmem:s28+$0x40];
	_ =	sdelay $0x7  }
0x1b5: {  	v0 =	vld.idx.msk [tilespmem:v0+s1+$0x0], $0xffff;
	_ =	sdelay $0x4  }
0x1b6: {  	[tilespmem:s26+$0x40] =	vst v0  }
0x1b7: {  	v0 =	vld [tilespmem:s28+$0x50];
	_ =	sdelay $0x7  }
0x1b8: {  	v0 =	vld.idx.msk [tilespmem:v0+s1+$0x0], $0xffff;
	_ =	sdelay $0x4  }
0x1b9: {  	[tilespmem:s26+$0x50] =	vst v0  }
0x1ba: {  	v0 =	vld [tilespmem:s28+$0x60];
	_ =	sdelay $0x7  }
0x1bb: {  	v0 =	vld.idx.msk [tilespmem:v0+s1+$0x0], $0xffff;
	_ =	sdelay $0x4  }
0x1bc: {  	[tilespmem:s26+$0x60] =	vst v0  }
0x1bd: {  	v0 =	vld [tilespmem:s28+$0x70];
	_ =	sdelay $0x6  }
0x1be: {  	s25 =	sadd.s32 $0x4, s25  }
0x1bf: {  	p0 =	slt.u32 s25, $0x3C;
	v0 =	vld.idx.msk [tilespmem:v0+s1+$0x0], $0xffff  }
.Ltmp17:
0x1c0: {  	_ = 	snop;
	(pc) =	sbr.rel @p0 .LBB2_36-.Ltmp17, $2  }
0x1c1: {  	_ =	sdelay $0x2  }
0x1c2: {  	s28 =	sadd.s32 $0x200, s28;
	[tilespmem:s26+$0x70] =	vst v0;
	s26 =	sadd.s32 $0x200, s26  }
0x1c3: {  	s25 =	simm.s32 $0x1A780  }
0x1c4: {  	s26 =	simm.s32 $0x10;
	s29 =	sadd.s32 $0x0, s16;
	s28 =	simm.s32 $0x1A880  }
.LBB2_38:
0x1c5: {  	[hbm4b:s29+s1] =	stream.linear.scatter [tilespmem:s25], [sflag:$0x3], $0x80, $0x38;
	[tilespmem:$0x1C700] =	vst v63  }
0x1c6: {  	s29 =	smov.u32 s26;
	s25 =	smov.u32 s28;
	p0 =	sne.s32 s26, $0x1F0  }
.Ltmp18:
0x1c7: {  	s26 =	sadd.s32 $0x10, s26;
	(pc) =	sbr.rel @p0 .LBB2_38-.Ltmp18, $2  }
0x1c8: {  	_ =	sdelay $0x2  }
0x1c9: {  	s28 =	sadd.s32 $0x100, s28;
	s29 =	sadd.s32 s29, s16  }
0x1ca: {  	[hbm4b:s29+s1] =	stream.linear.scatter [tilespmem:s25], [sflag:$0x3], $0x80, $0x38;
	[tilespmem:$0x1C700] =	vst v63  }
0x1cb: {  	s25 =	simm.s32 $0x18780  }
0x1cc: {  	s26 =	simm.s32 $0x10;
	s29 =	sadd.s32 $0x0, s17;
	s28 =	simm.s32 $0x18880  }
.LBB2_40:
0x1cd: {  	[tilespmem:s25], [sflag:$0x2] =	stream.linear.gather [hbm4b:s29+s1], $0x80, $0x38;
	[tilespmem:$0x1C700] =	vst v63  }
0x1ce: {  	s29 =	smov.u32 s26;
	s25 =	smov.u32 s28;
	p0 =	sne.s32 s26, $0x1F0  }
.Ltmp19:
0x1cf: {  	s26 =	sadd.s32 $0x10, s26;
	(pc) =	sbr.rel @p0 .LBB2_40-.Ltmp19, $2  }
0x1d0: {  	_ =	sdelay $0x2  }
0x1d1: {  	s28 =	sadd.s32 $0x100, s28;
	s29 =	sadd.s32 s29, s17  }
0x1d2: {  	[tilespmem:s25], [sflag:$0x2] =	stream.linear.gather [hbm4b:s29+s1], $0x80, $0x38;
	[tilespmem:$0x1C700] =	vst v63  }
0x1d3: {  	_ =	swait.ge [sflag:s22], $0x1000  }
0x1d4: {  	[sflag:s22] =	ssyncset.done $0x0  }
0x1d5: {  	[sflag:s22] =	ssyncadd.s32 $0xFFFFF000  }
0x1d6: {  	_ =	swait.ge [sflag:s23], $0x1000  }
0x1d7: {  	s25 =	simm.s32 $0xFFFFFFFC;
	[sflag:s23] =	ssyncset.done $0x0  }
0x1d8: {  	s26 =	simm.s32 $0x1A800;
	s28 =	simm.s32 $0x18800;
	[sflag:s23] =	ssyncadd.s32 $0xFFFFF000  }
.LBB2_42:
0x1d9: {  	v0 =	vld [tilespmem:s28+$0xFFFFFF00];
	_ =	sdelay $0x7  }
0x1da: {  	v0 =	vld.idx.msk [tilespmem:v0+s1+$0x0], $0xffff;
	_ =	sdelay $0x4  }
0x1db: {  	[tilespmem:s26+$0xFFFFFF00] =	vst v0  }
0x1dc: {  	v0 =	vld [tilespmem:s28+$0xFFFFFF10];
	_ =	sdelay $0x7  }
0x1dd: {  	v0 =	vld.idx.msk [tilespmem:v0+s1+$0x0], $0xffff;
	_ =	sdelay $0x4  }
0x1de: {  	[tilespmem:s26+$0xFFFFFF10] =	vst v0  }
0x1df: {  	v0 =	vld [tilespmem:s28+$0xFFFFFF20];
	_ =	sdelay $0x7  }
0x1e0: {  	v0 =	vld.idx.msk [tilespmem:v0+s1+$0x0], $0xffff;
	_ =	sdelay $0x4  }
0x1e1: {  	[tilespmem:s26+$0xFFFFFF20] =	vst v0  }
0x1e2: {  	v0 =	vld [tilespmem:s28+$0xFFFFFF30];
	_ =	sdelay $0x7  }
0x1e3: {  	v0 =	vld.idx.msk [tilespmem:v0+s1+$0x0], $0xffff;
	_ =	sdelay $0x4  }
0x1e4: {  	[tilespmem:s26+$0xFFFFFF30] =	vst v0  }
0x1e5: {  	v0 =	vld [tilespmem:s28+$0xFFFFFF40];
	_ =	sdelay $0x7  }
0x1e6: {  	v0 =	vld.idx.msk [tilespmem:v0+s1+$0x0], $0xffff;
	_ =	sdelay $0x4  }
0x1e7: {  	[tilespmem:s26+$0xFFFFFF40] =	vst v0  }
0x1e8: {  	v0 =	vld [tilespmem:s28+$0xFFFFFF50];
	_ =	sdelay $0x7  }
0x1e9: {  	v0 =	vld.idx.msk [tilespmem:v0+s1+$0x0], $0xffff;
	_ =	sdelay $0x4  }
0x1ea: {  	[tilespmem:s26+$0xFFFFFF50] =	vst v0  }
0x1eb: {  	v0 =	vld [tilespmem:s28+$0xFFFFFF60];
	_ =	sdelay $0x7  }
0x1ec: {  	v0 =	vld.idx.msk [tilespmem:v0+s1+$0x0], $0xffff;
	_ =	sdelay $0x4  }
0x1ed: {  	[tilespmem:s26+$0xFFFFFF60] =	vst v0  }
0x1ee: {  	v0 =	vld [tilespmem:s28+$0xFFFFFF70];
	_ =	sdelay $0x7  }
0x1ef: {  	v0 =	vld.idx.msk [tilespmem:v0+s1+$0x0], $0xffff;
	_ =	sdelay $0x4  }
0x1f0: {  	[tilespmem:s26+$0xFFFFFF70] =	vst v0  }
0x1f1: {  	v0 =	vld [tilespmem:s28+$0x0];
	_ =	sdelay $0x7  }
0x1f2: {  	v0 =	vld.idx.msk [tilespmem:v0+s1+$0x0], $0xffff;
	_ =	sdelay $0x4  }
0x1f3: {  	[tilespmem:s26+$0x0] =	vst v0  }
0x1f4: {  	v0 =	vld [tilespmem:s28+$0x10];
	_ =	sdelay $0x7  }
0x1f5: {  	v0 =	vld.idx.msk [tilespmem:v0+s1+$0x0], $0xffff;
	_ =	sdelay $0x4  }
0x1f6: {  	[tilespmem:s26+$0x10] =	vst v0  }
0x1f7: {  	v0 =	vld [tilespmem:s28+$0x20];
	_ =	sdelay $0x7  }
0x1f8: {  	v0 =	vld.idx.msk [tilespmem:v0+s1+$0x0], $0xffff;
	_ =	sdelay $0x4  }
0x1f9: {  	[tilespmem:s26+$0x20] =	vst v0  }
0x1fa: {  	v0 =	vld [tilespmem:s28+$0x30];
	_ =	sdelay $0x7  }
0x1fb: {  	v0 =	vld.idx.msk [tilespmem:v0+s1+$0x0], $0xffff;
	_ =	sdelay $0x4  }
0x1fc: {  	[tilespmem:s26+$0x30] =	vst v0  }
0x1fd: {  	v0 =	vld [tilespmem:s28+$0x40];
	_ =	sdelay $0x7  }
0x1fe: {  	v0 =	vld.idx.msk [tilespmem:v0+s1+$0x0], $0xffff;
	_ =	sdelay $0x4  }
0x1ff: {  	[tilespmem:s26+$0x40] =	vst v0  }
0x200: {  	v0 =	vld [tilespmem:s28+$0x50];
	_ =	sdelay $0x7  }
0x201: {  	v0 =	vld.idx.msk [tilespmem:v0+s1+$0x0], $0xffff;
	_ =	sdelay $0x4  }
0x202: {  	[tilespmem:s26+$0x50] =	vst v0  }
0x203: {  	v0 =	vld [tilespmem:s28+$0x60];
	_ =	sdelay $0x7  }
0x204: {  	v0 =	vld.idx.msk [tilespmem:v0+s1+$0x0], $0xffff;
	_ =	sdelay $0x4  }
0x205: {  	[tilespmem:s26+$0x60] =	vst v0  }
0x206: {  	v0 =	vld [tilespmem:s28+$0x70];
	_ =	sdelay $0x6  }
0x207: {  	s25 =	sadd.s32 $0x4, s25  }
0x208: {  	p0 =	slt.u32 s25, $0x3C;
	v0 =	vld.idx.msk [tilespmem:v0+s1+$0x0], $0xffff  }
.Ltmp20:
0x209: {  	_ = 	snop;
	(pc) =	sbr.rel @p0 .LBB2_42-.Ltmp20, $2  }
0x20a: {  	_ =	sdelay $0x2  }
0x20b: {  	s28 =	sadd.s32 $0x200, s28;
	[tilespmem:s26+$0x70] =	vst v0;
	s26 =	sadd.s32 $0x200, s26  }
0x20c: {  	s25 =	simm.s32 $0x1A700  }
0x20d: {  	s26 =	simm.s32 $0x10;
	s29 =	sadd.s32 $0x0, s18;
	s28 =	simm.s32 $0x1A800  }
.LBB2_44:
0x20e: {  	[hbm4b:s29+s1] =	stream.linear.scatter [tilespmem:s25], [sflag:$0x3], $0x80, $0x38;
	[tilespmem:$0x1C700] =	vst v63  }
0x20f: {  	s29 =	smov.u32 s26;
	s25 =	smov.u32 s28;
	p0 =	sne.s32 s26, $0x1F0  }
.Ltmp21:
0x210: {  	s26 =	sadd.s32 $0x10, s26;
	(pc) =	sbr.rel @p0 .LBB2_44-.Ltmp21, $2  }
0x211: {  	_ =	sdelay $0x2  }
0x212: {  	s28 =	sadd.s32 $0x100, s28;
	s29 =	sadd.s32 s29, s18  }
0x213: {  	[hbm4b:s29+s1] =	stream.linear.scatter [tilespmem:s25], [sflag:$0x3], $0x80, $0x38;
	[tilespmem:$0x1C700] =	vst v63  }
0x214: {  	_ =	swait.ge [sflag:s22], $0x1000  }
0x215: {  	[sflag:s22] =	ssyncset.done $0x0  }
0x216: {  	[sflag:s22] =	ssyncadd.s32 $0xFFFFF000  }
0x217: {  	_ =	swait.ge [sflag:s23], $0x1000  }
0x218: {  	s25 =	simm.s32 $0xFFFFFFFC;
	[sflag:s23] =	ssyncset.done $0x0  }
0x219: {  	s26 =	simm.s32 $0x1A880;
	s28 =	simm.s32 $0x18880;
	[sflag:s23] =	ssyncadd.s32 $0xFFFFF000  }
.LBB2_46:
0x21a: {  	v0 =	vld [tilespmem:s28+$0xFFFFFF00];
	_ =	sdelay $0x7  }
0x21b: {  	v0 =	vld.idx.msk [tilespmem:v0+s1+$0x0], $0xffff;
	_ =	sdelay $0x4  }
0x21c: {  	[tilespmem:s26+$0xFFFFFF00] =	vst v0  }
0x21d: {  	v0 =	vld [tilespmem:s28+$0xFFFFFF10];
	_ =	sdelay $0x7  }
0x21e: {  	v0 =	vld.idx.msk [tilespmem:v0+s1+$0x0], $0xffff;
	_ =	sdelay $0x4  }
0x21f: {  	[tilespmem:s26+$0xFFFFFF10] =	vst v0  }
0x220: {  	v0 =	vld [tilespmem:s28+$0xFFFFFF20];
	_ =	sdelay $0x7  }
0x221: {  	v0 =	vld.idx.msk [tilespmem:v0+s1+$0x0], $0xffff;
	_ =	sdelay $0x4  }
0x222: {  	[tilespmem:s26+$0xFFFFFF20] =	vst v0  }
0x223: {  	v0 =	vld [tilespmem:s28+$0xFFFFFF30];
	_ =	sdelay $0x7  }
0x224: {  	v0 =	vld.idx.msk [tilespmem:v0+s1+$0x0], $0xffff;
	_ =	sdelay $0x4  }
0x225: {  	[tilespmem:s26+$0xFFFFFF30] =	vst v0  }
0x226: {  	v0 =	vld [tilespmem:s28+$0xFFFFFF40];
	_ =	sdelay $0x7  }
0x227: {  	v0 =	vld.idx.msk [tilespmem:v0+s1+$0x0], $0xffff;
	_ =	sdelay $0x4  }
0x228: {  	[tilespmem:s26+$0xFFFFFF40] =	vst v0  }
0x229: {  	v0 =	vld [tilespmem:s28+$0xFFFFFF50];
	_ =	sdelay $0x7  }
0x22a: {  	v0 =	vld.idx.msk [tilespmem:v0+s1+$0x0], $0xffff;
	_ =	sdelay $0x4  }
0x22b: {  	[tilespmem:s26+$0xFFFFFF50] =	vst v0  }
0x22c: {  	v0 =	vld [tilespmem:s28+$0xFFFFFF60];
	_ =	sdelay $0x7  }
0x22d: {  	v0 =	vld.idx.msk [tilespmem:v0+s1+$0x0], $0xffff;
	_ =	sdelay $0x4  }
0x22e: {  	[tilespmem:s26+$0xFFFFFF60] =	vst v0  }
0x22f: {  	v0 =	vld [tilespmem:s28+$0xFFFFFF70];
	_ =	sdelay $0x7  }
0x230: {  	v0 =	vld.idx.msk [tilespmem:v0+s1+$0x0], $0xffff;
	_ =	sdelay $0x4  }
0x231: {  	[tilespmem:s26+$0xFFFFFF70] =	vst v0  }
0x232: {  	v0 =	vld [tilespmem:s28+$0x0];
	_ =	sdelay $0x7  }
0x233: {  	v0 =	vld.idx.msk [tilespmem:v0+s1+$0x0], $0xffff;
	_ =	sdelay $0x4  }
0x234: {  	[tilespmem:s26+$0x0] =	vst v0  }
0x235: {  	v0 =	vld [tilespmem:s28+$0x10];
	_ =	sdelay $0x7  }
0x236: {  	v0 =	vld.idx.msk [tilespmem:v0+s1+$0x0], $0xffff;
	_ =	sdelay $0x4  }
0x237: {  	[tilespmem:s26+$0x10] =	vst v0  }
0x238: {  	v0 =	vld [tilespmem:s28+$0x20];
	_ =	sdelay $0x7  }
0x239: {  	v0 =	vld.idx.msk [tilespmem:v0+s1+$0x0], $0xffff;
	_ =	sdelay $0x4  }
0x23a: {  	[tilespmem:s26+$0x20] =	vst v0  }
0x23b: {  	v0 =	vld [tilespmem:s28+$0x30];
	_ =	sdelay $0x7  }
0x23c: {  	v0 =	vld.idx.msk [tilespmem:v0+s1+$0x0], $0xffff;
	_ =	sdelay $0x4  }
0x23d: {  	[tilespmem:s26+$0x30] =	vst v0  }
0x23e: {  	v0 =	vld [tilespmem:s28+$0x40];
	_ =	sdelay $0x7  }
0x23f: {  	v0 =	vld.idx.msk [tilespmem:v0+s1+$0x0], $0xffff;
	_ =	sdelay $0x4  }
0x240: {  	[tilespmem:s26+$0x40] =	vst v0  }
0x241: {  	v0 =	vld [tilespmem:s28+$0x50];
	_ =	sdelay $0x7  }
0x242: {  	v0 =	vld.idx.msk [tilespmem:v0+s1+$0x0], $0xffff;
	_ =	sdelay $0x4  }
0x243: {  	[tilespmem:s26+$0x50] =	vst v0  }
0x244: {  	v0 =	vld [tilespmem:s28+$0x60];
	_ =	sdelay $0x7  }
0x245: {  	v0 =	vld.idx.msk [tilespmem:v0+s1+$0x0], $0xffff;
	_ =	sdelay $0x4  }
0x246: {  	[tilespmem:s26+$0x60] =	vst v0  }
0x247: {  	v0 =	vld [tilespmem:s28+$0x70];
	_ =	sdelay $0x6  }
0x248: {  	s25 =	sadd.s32 $0x4, s25  }
0x249: {  	p0 =	slt.u32 s25, $0x3C;
	v0 =	vld.idx.msk [tilespmem:v0+s1+$0x0], $0xffff  }
.Ltmp22:
0x24a: {  	_ = 	snop;
	(pc) =	sbr.rel @p0 .LBB2_46-.Ltmp22, $2  }
0x24b: {  	_ =	sdelay $0x2  }
0x24c: {  	s28 =	sadd.s32 $0x200, s28;
	[tilespmem:s26+$0x70] =	vst v0;
	s26 =	sadd.s32 $0x200, s26  }
0x24d: {  	s25 =	simm.s32 $0x1A780  }
0x24e: {  	s26 =	simm.s32 $0x10;
	s29 =	sadd.s32 $0x0, s19;
	s28 =	simm.s32 $0x1A880  }
.LBB2_48:
0x24f: {  	[hbm4b:s29+s1] =	stream.linear.scatter [tilespmem:s25], [sflag:$0x3], $0x80, $0x38;
	[tilespmem:$0x1C700] =	vst v63  }
0x250: {  	s29 =	smov.u32 s26;
	s25 =	smov.u32 s28;
	p0 =	sne.s32 s26, $0x1F0  }
.Ltmp23:
0x251: {  	s26 =	sadd.s32 $0x10, s26;
	(pc) =	sbr.rel @p0 .LBB2_48-.Ltmp23, $2  }
0x252: {  	_ =	sdelay $0x2  }
0x253: {  	s28 =	sadd.s32 $0x100, s28;
	s29 =	sadd.s32 s29, s19  }
0x254: {  	[hbm4b:s29+s1] =	stream.linear.scatter [tilespmem:s25], [sflag:$0x3], $0x80, $0x38;
	[tilespmem:$0x1C700] =	vst v63  }
0x255: {  	s24 =	sadd.s32 $0x1, s24  }
0x256: {  	_ =	swait.ge [sflag:s23], $0x1000;
	p0 =	sne.s32 s24, s20  }
.Ltmp24:
0x257: {  	[sflag:s23] =	ssyncset.done $0x0;
	(pc) =	sbr.rel @p0 .LBB2_1-.Ltmp24, $4  }
0x258: {  	[sflag:s23] =	ssyncadd.s32 $0xFFFFF000  }
0x259: {  	_ =	swait.ge [sflag:s23], $0x1000  }
0x25a: {  	[sflag:s23] =	ssyncset.done $0x0  }
0x25b: {  	[sflag:s23] =	ssyncadd.s32 $0xFFFFF000  }
0x25c: {  	_ =	sfence.sel $0x180000  }
0x25d: {  	[bflag:$0x0] =	sbarrier.arrive $0xFFFF  }
0x25e: {  	p0 =	sne.s32 s2, $0x0;
	_ =	strace $0x90000047  }
0x25f: {  	s0 =	sadd.s32 @!p0 $0x100000, s0;
	[bflag:$0x2] =	sbarrier.arrive $0xFFFF  }
0x260: {  	[sflag:s0] =	ssyncadd.tile.s32 @!p0 $0x1;
	_ =	shalt  }
.Lfunc_end2:
_tile_overlayer_lowered:
.L_overlay_start_2:
0x261: {  	(tag) =	ssettag $0x2  }
0x262: {  	s0 =	rddreg [dreg:$0x0];
	s2 =	stileid.u32  }
0x263: {  	s1 =	rddreg [dreg:$0x1];
	p0 =	sne.s32 s2, $0x0  }
0x264: {  	s3 =	rddreg [dreg:$0x2];
	[bflag:$0x3] =	sbarrier.arrive $0xFFFF;
	s2 =	simm.s32 @!p0 $0x1C04  }
0x265: {  	[timem:s3], [sflag:s2] =	dma.local @!p0 [hbm:s0], s1  }
0x266: {  	s0 =	simm.s32 @!p0 $0x4  }
0x267: {  	_ =	swait.ge @!p0 [sflag:s0], s1  }
0x268: {  	s1 =	ssub.s32 @!p0 $0x0, s1;
	[sflag:s0] =	ssyncset.done @!p0 $0x0  }
0x269: {  	[sflag:s0] =	ssyncadd.s32 @!p0 s1  }
0x26a: {  	[bflag:$0x3] =	sbarrier.arrive $0xFFFF  }
0x26b: {  	_ =	shalt  }

</sc_bundles>
